<compile_context>
chip_gen: v7x
topology: tpu7x:2x2x1
jax: 0.10.2.dev20260603
libtpu: 0.0.44.dev20260713+nightly
codegen_flags: <defaults>
</compile_context>

<pallas_src>
import functools

import jax
import jax.numpy as jnp
from jax import lax
from jax.experimental import pallas as pl
from jax.experimental.pallas import tpu as pltpu
from jax.experimental.pallas import tpu_sc as plsc

N = 100000
D = 128
E = 128
S = 5

NC = 2
NS = 16
NW = NC * NS

CHUNK = 40
PER_W = 40
IDXC = S * CHUNK
IDX_PER_W = PER_W * IDXC
LANES = 16
DEPTH = 4

BN = 2048
SPLIT_BLOCKS = 25
N1 = SPLIT_BLOCKS * BN
N2 = N - N1
PAD_CHUNKS = NW * PER_W


def _sc_body(n_real_chunks, neigh_p, features, out,
             idx_all, rows0, rows1, rows2, rows3, acc_a, acc_b,
             gs0, gs1, gs2, gs3, ws_a, ws_b):
    wid = lax.axis_index("s") * NC + lax.axis_index("c")

    pltpu.sync_copy(neigh_p.at[pl.ds(wid * IDX_PER_W, IDX_PER_W)], idx_all)

    rows = [rows0, rows1, rows2, rows3]
    gsems = [gs0, gs1, gs2, gs3]
    accs = [acc_a, acc_b]
    wsems = [ws_a, ws_b]

    def fire(k, x):
        return [pltpu.async_copy(
                    features.at[idx_all.at[pl.ds(k * IDXC + j * CHUNK, CHUNK)]],
                    rows[x].at[j], gsems[x])
                for j in range(S)]

    def consume(k, x, copies):
        for c in copies:
            c.wait()
        rowsb = rows[x]
        accb = accs[x % 2]

        def sum_row(n, _):
            for l in range(D // LANES):
                sl = pl.ds(l * LANES, LANES)
                v = rowsb[0, n, sl]
                for j in range(1, S):
                    v = v + rowsb[j, n, sl]
                accb[n, sl] = v
            return 0
        lax.fori_loop(0, CHUNK, sum_row, 0)
        chunk = wid * PER_W + k
        c_real = jnp.minimum(chunk, n_real_chunks - 1)
        return pltpu.async_copy(accb, out.at[pl.ds(c_real * CHUNK, CHUNK)],
                                wsems[x % 2])

    def quad(q, _):
        k0 = DEPTH * q
        cps = [fire(k0 + x, x) for x in range(DEPTH)]
        wb0 = consume(k0 + 0, 0, cps[0])
        wb1 = consume(k0 + 1, 1, cps[1])
        wb0.wait()
        wb2 = consume(k0 + 2, 2, cps[2])
        wb1.wait()
        wb3 = consume(k0 + 3, 3, cps[3])
        wb2.wait()
        wb3.wait()
        return 0

    lax.fori_loop(0, PER_W // DEPTH, quad, 0)


def _make_sc_call(n_nodes):
    n_real_chunks = n_nodes // CHUNK
    mesh = plsc.VectorSubcoreMesh(core_axis_name="c", subcore_axis_name="s")
    return pl.kernel(
        functools.partial(_sc_body, n_real_chunks),
        out_type=jax.ShapeDtypeStruct((n_nodes, D), jnp.float32),
        mesh=mesh,
        scratch_types=[
            pltpu.VMEM((IDX_PER_W,), jnp.int32),
            pltpu.VMEM((S, CHUNK, D), jnp.float32),
            pltpu.VMEM((S, CHUNK, D), jnp.float32),
            pltpu.VMEM((S, CHUNK, D), jnp.float32),
            pltpu.VMEM((S, CHUNK, D), jnp.float32),
            pltpu.VMEM((CHUNK, D), jnp.float32),
            pltpu.VMEM((CHUNK, D), jnp.float32),
            pltpu.SemaphoreType.DMA,
            pltpu.SemaphoreType.DMA,
            pltpu.SemaphoreType.DMA,
            pltpu.SemaphoreType.DMA,
            pltpu.SemaphoreType.DMA,
            pltpu.SemaphoreType.DMA,
        ],
    )


def _mm_body(f_ref, g_ref, w1_ref, w2_ref, o_ref):
    acc = lax.dot_general(
        w1_ref[...], f_ref[...], (((1,), (1,)), ((), ())),
        preferred_element_type=jnp.float32)
    acc = acc + lax.dot_general(
        w2_ref[...], g_ref[...], (((1,), (1,)), ((), ())),
        preferred_element_type=jnp.float32)
    o_ref[...] = jnp.maximum(acc, 0.0)


def _mm_body2(o_in_ref, f_ref, g_ref, w1_ref, w2_ref, o_ref):
    del o_in_ref
    _mm_body(f_ref, g_ref, w1_ref, w2_ref, o_ref)


def _tc_matmul_1(features, nsum1, w1, w2s):
    return pl.pallas_call(
        _mm_body,
        grid=(SPLIT_BLOCKS,),
        in_specs=[
            pl.BlockSpec((BN, D), lambda i: (i, 0)),
            pl.BlockSpec((BN, D), lambda i: (i, 0)),
            pl.BlockSpec((E, D), lambda i: (0, 0)),
            pl.BlockSpec((E, D), lambda i: (0, 0)),
        ],
        out_specs=pl.BlockSpec((E, BN), lambda i: (0, i)),
        out_shape=jax.ShapeDtypeStruct((E, N), jnp.float32),
    )(features, nsum1, w1, w2s)


def _tc_matmul_2(out1, features, nsum2, w1, w2s):
    grid = pl.cdiv(N2, BN)
    return pl.pallas_call(
        _mm_body2,
        grid=(grid,),
        in_specs=[
            pl.BlockSpec(memory_space=pl.ANY),
            pl.BlockSpec((BN, D), lambda i: (i + SPLIT_BLOCKS, 0)),
            pl.BlockSpec((BN, D), lambda i: (i, 0)),
            pl.BlockSpec((E, D), lambda i: (0, 0)),
            pl.BlockSpec((E, D), lambda i: (0, 0)),
        ],
        out_specs=pl.BlockSpec((E, BN), lambda i: (0, i + SPLIT_BLOCKS)),
        out_shape=jax.ShapeDtypeStruct((E, N), jnp.float32),
        input_output_aliases={0: 0},
    )(out1, features, nsum2, w1, w2s)


def kernel(nodes, features, neigh_indices, W):
    del nodes
    num_chunks = N // CHUNK
    neigh_cm = jnp.transpose(
        neigh_indices.reshape(num_chunks, CHUNK, S), (0, 2, 1)).reshape(-1)
    n1c = N1 // CHUNK
    neigh_p1 = neigh_cm[:n1c * IDXC]
    rest = neigh_cm[n1c * IDXC:]
    n2c = N2 // CHUNK
    pad = jnp.tile(neigh_cm[-IDXC:], PAD_CHUNKS - n2c)
    neigh_p2 = jnp.concatenate([rest, pad])

    w1 = W[:, :D]
    w2s = W[:, D:] * (1.0 / S)

    sc1 = _make_sc_call(N1)
    sc2 = _make_sc_call(N2)
    nsum1 = sc1(neigh_p1, features)
    nsum2 = sc2(neigh_p2, features)
    out1 = _tc_matmul_1(features, nsum1, w1, w2s)
    return _tc_matmul_2(out1, features, nsum2, w1, w2s)

# --- scband reference (transcript-rebuilt; emitter-appended) ---
"""Pipeline reference for scband-encoder-3075196584051 (READ-ONLY COPY).

The authoritative reference and input builder live on the scoring server;
editing this copy changes nothing except your own understanding.
"""

import jax, jax.numpy as jnp
import numpy as np

N = 100000
D_FEAT = 128
EMBED = 128
NUM_SAMPLE = 5


def setup_inputs(seed: int = 0) -> dict:
    key = jax.random.key(seed)
    k1, k2, k3, k4 = jax.random.split(key, 4)
    features = jax.random.normal(k1, (N, D_FEAT), dtype=jnp.float32)
    nodes = jax.random.randint(k2, (N,), 0, N, dtype=jnp.int32)
    neigh_indices = jax.random.randint(k3, (N, NUM_SAMPLE), 0, N, dtype=jnp.int32)
    # xavier_uniform for weight [embed_dim, 2*feat_dim] (gcn=False -> concat)
    fan_in = 2 * D_FEAT
    fan_out = EMBED
    bound = float(np.sqrt(6.0 / (fan_in + fan_out)))
    W = jax.random.uniform(k4, (EMBED, 2 * D_FEAT), dtype=jnp.float32, minval=-bound, maxval=bound)
    return {"nodes": nodes, "features": features, "neigh_indices": neigh_indices, "W": W}


def reference(nodes, features, neigh_indices, W):
    # MeanAggregator over num_sample pre-sampled neighbors per node
    # (gather on SparseCore-friendly jnp.take)
    neigh_feats = jnp.mean(jnp.take(features, neigh_indices, axis=0), axis=1)  # [N, D_FEAT]
    # gcn=False branch: concat self features with aggregated neighbor features
    combined = jnp.concatenate([features, neigh_feats], axis=1)  # [N, 2*D_FEAT]
    out = jax.nn.relu(jnp.matmul(W, combined.T))  # [EMBED, N]
    return out

if __name__ == "__main__":
    import jax
    _d = setup_inputs()
    print(jax.jit(kernel)(*tuple(_d.values())))

</pallas_src>

<mosaic_0001>
#map = affine_map<(d0, d1) -> (0)>
#map1 = affine_map<(d0, d1) -> (0, 0)>
module attributes {stable_mosaic.version = 14 : i64} {
  func.func @_sc_body(%arg0: i32, %arg1: i32, %arg2: memref<256000xi32, #tpu.memory_space<hbm>>, %arg3: memref<100000x128xf32, #tpu.memory_space<hbm>>, %arg4: memref<48800x128xf32, #tpu.memory_space<hbm>>, %arg5: memref<8000xi32, #tpu.memory_space<vmem>>, %arg6: memref<5x40x128xf32, #tpu.memory_space<vmem>>, %arg7: memref<5x40x128xf32, #tpu.memory_space<vmem>>, %arg8: memref<5x40x128xf32, #tpu.memory_space<vmem>>, %arg9: memref<5x40x128xf32, #tpu.memory_space<vmem>>, %arg10: memref<40x128xf32, #tpu.memory_space<vmem>>, %arg11: memref<40x128xf32, #tpu.memory_space<vmem>>, %arg12: memref<!tpu.dma_semaphore, #tpu.memory_space<semaphore_mem>>, %arg13: memref<!tpu.dma_semaphore, #tpu.memory_space<semaphore_mem>>, %arg14: memref<!tpu.dma_semaphore, #tpu.memory_space<semaphore_mem>>, %arg15: memref<!tpu.dma_semaphore, #tpu.memory_space<semaphore_mem>>, %arg16: memref<!tpu.dma_semaphore, #tpu.memory_space<semaphore_mem>>, %arg17: memref<!tpu.dma_semaphore, #tpu.memory_space<semaphore_mem>>) attributes {dimension_semantics = [#tpu.dimension_semantics<core_parallel>, #tpu.dimension_semantics<subcore_parallel>], iteration_bounds = array<i64: 2, 16>, scalar_prefetch = 0 : i64, scratch_operands = 13 : i64, tpu.core_type = #tpu.core_type<sc_vector_subcore>, window_params = [{transform_indices = #map}, {transform_indices = #map1}, {transform_indices = #map1}]} {
    %mul3A = arith.constant 2 : i32
    %mul3A_0 = arith.muli %arg1, %mul3A : i32
    %add3A = arith.addi %mul3A_0, %arg0 : i32
    %mul3A_1 = arith.constant 8000 : i32
    %mul3A_2 = arith.muli %add3A, %mul3A_1 : i32
    "tpu.region"() ({
      %run_scoped3A = tpu.sem_alloc : memref<!tpu.dma_semaphore, #tpu.memory_space<semaphore_mem>>
      %dma_start3A = tpu.memref_slice %arg2[%mul3A_2] : memref<256000xi32, #tpu.memory_space<hbm>> -> memref<8000xi32, #tpu.memory_space<hbm>>
      %dma_start3A_9 = tpu.memref_slice %arg2[%mul3A_2] : memref<256000xi32, #tpu.memory_space<hbm>> -> memref<8000xi32, #tpu.memory_space<hbm>>
      tpu.enqueue_dma source(%dma_start3A_9 : memref<8000xi32, #tpu.memory_space<hbm>>) target(%arg5 : memref<8000xi32, #tpu.memory_space<vmem>>) target_semaphore(%run_scoped3A : memref<!tpu.dma_semaphore, #tpu.memory_space<semaphore_mem>>)
      %dma_wait3A = tpu.memref_slice %arg2[%mul3A_2] : memref<256000xi32, #tpu.memory_space<hbm>> -> memref<8000xi32, #tpu.memory_space<hbm>>
      %dma_wait3A_10 = tpu.memref_slice %arg2[%mul3A_2] : memref<256000xi32, #tpu.memory_space<hbm>> -> memref<8000xi32, #tpu.memory_space<hbm>>
      tpu.wait_dma2 semaphore(%run_scoped3A : memref<!tpu.dma_semaphore, #tpu.memory_space<semaphore_mem>>) src(%dma_wait3A_10 : memref<8000xi32, #tpu.memory_space<hbm>>) dst(%arg5 : memref<8000xi32, #tpu.memory_space<vmem>>)
      tpu.yield
    }) : () -> ()
    %scan3A = arith.constant 0 : i32
    %scan3A_3 = arith.constant 0 : i32
    %scan3A_4 = arith.constant 10 : i32
    %scan3A_5 = arith.addi %scan3A_3, %scan3A_4 : i32
    %scan3A_6 = arith.constant 1 : i32
    %scan3A_7 = scf.for %scan3A_9 = %scan3A_3 to %scan3A_5 step %scan3A_6 iter_args(%scan3A_10 = %scan3A) -> (i32)  : i32 {
      %mul3A_11 = arith.constant 4 : i32
      %mul3A_12 = arith.muli %mul3A_11, %scan3A_9 : i32
      %add3A_13 = arith.constant 0 : i32
      %add3A_14 = arith.addi %mul3A_12, %add3A_13 : i32
      %mul3A_15 = arith.constant 200 : i32
      %mul3A_16 = arith.muli %add3A_14, %mul3A_15 : i32
      %add3A_17 = arith.constant 0 : i32
      %add3A_18 = arith.addi %mul3A_16, %add3A_17 : i32
      %dma_start3A = arith.constant 0 : i32
      %dma_start3A_19 = arith.constant 0 : i32
      %dma_start3A_20 = arith.constant 0 : i32
      %dma_start3A_21 = tpu.memref_slice %arg6[%dma_start3A, %dma_start3A_19, %dma_start3A_20] : memref<5x40x128xf32, #tpu.memory_space<vmem>> -> memref<1x40x128xf32, #tpu.memory_space<vmem>>
      %dma_start3A_22 = tpu.memref_squeeze %dma_start3A_21 : memref<1x40x128xf32, #tpu.memory_space<vmem>> -> memref<40x128xf32, #tpu.memory_space<vmem>>
      %dma_start3A_23 = tpu.memref_slice %arg5[%add3A_18] : memref<8000xi32, #tpu.memory_space<vmem>> -> memref<40xi32, #tpu.memory_space<vmem>>
      %dma_start3A_24 = arith.constant 0 : i32
      %dma_start3A_25 = arith.constant 0 : i32
      %dma_start3A_26 = tpu.memref_slice %arg3[%dma_start3A_24, %dma_start3A_25] : memref<100000x128xf32, #tpu.memory_space<hbm>> -> memref<100000x128xf32, #tpu.memory_space<hbm>>
      tpu.enqueue_indirect_dma source(%dma_start3A_26 : memref<100000x128xf32, #tpu.memory_space<hbm>>) target(%dma_start3A_22 : memref<40x128xf32, #tpu.memory_space<vmem>>) offsets(%dma_start3A_23 : memref<40xi32, #tpu.memory_space<vmem>>) semaphore(%arg12 : memref<!tpu.dma_semaphore, #tpu.memory_space<semaphore_mem>>)
      %mul3A_27 = arith.constant 200 : i32
      %mul3A_28 = arith.muli %add3A_14, %mul3A_27 : i32
      %add3A_29 = arith.constant 40 : i32
      %add3A_30 = arith.addi %mul3A_28, %add3A_29 : i32
      %dma_start3A_31 = arith.constant 1 : i32
      %dma_start3A_32 = arith.constant 0 : i32
      %dma_start3A_33 = arith.constant 0 : i32
      %dma_start3A_34 = tpu.memref_slice %arg6[%dma_start3A_31, %dma_start3A_32, %dma_start3A_33] : memref<5x40x128xf32, #tpu.memory_space<vmem>> -> memref<1x40x128xf32, #tpu.memory_space<vmem>>
      %dma_start3A_35 = tpu.memref_squeeze %dma_start3A_34 : memref<1x40x128xf32, #tpu.memory_space<vmem>> -> memref<40x128xf32, #tpu.memory_space<vmem>>
      %dma_start3A_36 = tpu.memref_slice %arg5[%add3A_30] : memref<8000xi32, #tpu.memory_space<vmem>> -> memref<40xi32, #tpu.memory_space<vmem>>
      %dma_start3A_37 = arith.constant 0 : i32
      %dma_start3A_38 = arith.constant 0 : i32
      %dma_start3A_39 = tpu.memref_slice %arg3[%dma_start3A_37, %dma_start3A_38] : memref<100000x128xf32, #tpu.memory_space<hbm>> -> memref<100000x128xf32, #tpu.memory_space<hbm>>
      tpu.enqueue_indirect_dma source(%dma_start3A_39 : memref<100000x128xf32, #tpu.memory_space<hbm>>) target(%dma_start3A_35 : memref<40x128xf32, #tpu.memory_space<vmem>>) offsets(%dma_start3A_36 : memref<40xi32, #tpu.memory_space<vmem>>) semaphore(%arg12 : memref<!tpu.dma_semaphore, #tpu.memory_space<semaphore_mem>>)
      %mul3A_40 = arith.constant 200 : i32
      %mul3A_41 = arith.muli %add3A_14, %mul3A_40 : i32
      %add3A_42 = arith.constant 80 : i32
      %add3A_43 = arith.addi %mul3A_41, %add3A_42 : i32
      %dma_start3A_44 = arith.constant 2 : i32
      %dma_start3A_45 = arith.constant 0 : i32
      %dma_start3A_46 = arith.constant 0 : i32
      %dma_start3A_47 = tpu.memref_slice %arg6[%dma_start3A_44, %dma_start3A_45, %dma_start3A_46] : memref<5x40x128xf32, #tpu.memory_space<vmem>> -> memref<1x40x128xf32, #tpu.memory_space<vmem>>
      %dma_start3A_48 = tpu.memref_squeeze %dma_start3A_47 : memref<1x40x128xf32, #tpu.memory_space<vmem>> -> memref<40x128xf32, #tpu.memory_space<vmem>>
      %dma_start3A_49 = tpu.memref_slice %arg5[%add3A_43] : memref<8000xi32, #tpu.memory_space<vmem>> -> memref<40xi32, #tpu.memory_space<vmem>>
      %dma_start3A_50 = arith.constant 0 : i32
      %dma_start3A_51 = arith.constant 0 : i32
      %dma_start3A_52 = tpu.memref_slice %arg3[%dma_start3A_50, %dma_start3A_51] : memref<100000x128xf32, #tpu.memory_space<hbm>> -> memref<100000x128xf32, #tpu.memory_space<hbm>>
      tpu.enqueue_indirect_dma source(%dma_start3A_52 : memref<100000x128xf32, #tpu.memory_space<hbm>>) target(%dma_start3A_48 : memref<40x128xf32, #tpu.memory_space<vmem>>) offsets(%dma_start3A_49 : memref<40xi32, #tpu.memory_space<vmem>>) semaphore(%arg12 : memref<!tpu.dma_semaphore, #tpu.memory_space<semaphore_mem>>)
      %mul3A_53 = arith.constant 200 : i32
      %mul3A_54 = arith.muli %add3A_14, %mul3A_53 : i32
      %add3A_55 = arith.constant 120 : i32
      %add3A_56 = arith.addi %mul3A_54, %add3A_55 : i32
      %dma_start3A_57 = arith.constant 3 : i32
      %dma_start3A_58 = arith.constant 0 : i32
      %dma_start3A_59 = arith.constant 0 : i32
      %dma_start3A_60 = tpu.memref_slice %arg6[%dma_start3A_57, %dma_start3A_58, %dma_start3A_59] : memref<5x40x128xf32, #tpu.memory_space<vmem>> -> memref<1x40x128xf32, #tpu.memory_space<vmem>>
      %dma_start3A_61 = tpu.memref_squeeze %dma_start3A_60 : memref<1x40x128xf32, #tpu.memory_space<vmem>> -> memref<40x128xf32, #tpu.memory_space<vmem>>
      %dma_start3A_62 = tpu.memref_slice %arg5[%add3A_56] : memref<8000xi32, #tpu.memory_space<vmem>> -> memref<40xi32, #tpu.memory_space<vmem>>
      %dma_start3A_63 = arith.constant 0 : i32
      %dma_start3A_64 = arith.constant 0 : i32
      %dma_start3A_65 = tpu.memref_slice %arg3[%dma_start3A_63, %dma_start3A_64] : memref<100000x128xf32, #tpu.memory_space<hbm>> -> memref<100000x128xf32, #tpu.memory_space<hbm>>
      tpu.enqueue_indirect_dma source(%dma_start3A_65 : memref<100000x128xf32, #tpu.memory_space<hbm>>) target(%dma_start3A_61 : memref<40x128xf32, #tpu.memory_space<vmem>>) offsets(%dma_start3A_62 : memref<40xi32, #tpu.memory_space<vmem>>) semaphore(%arg12 : memref<!tpu.dma_semaphore, #tpu.memory_space<semaphore_mem>>)
      %mul3A_66 = arith.constant 200 : i32
      %mul3A_67 = arith.muli %add3A_14, %mul3A_66 : i32
      %add3A_68 = arith.constant 160 : i32
      %add3A_69 = arith.addi %mul3A_67, %add3A_68 : i32
      %dma_start3A_70 = arith.constant 4 : i32
      %dma_start3A_71 = arith.constant 0 : i32
      %dma_start3A_72 = arith.constant 0 : i32
      %dma_start3A_73 = tpu.memref_slice %arg6[%dma_start3A_70, %dma_start3A_71, %dma_start3A_72] : memref<5x40x128xf32, #tpu.memory_space<vmem>> -> memref<1x40x128xf32, #tpu.memory_space<vmem>>
      %dma_start3A_74 = tpu.memref_squeeze %dma_start3A_73 : memref<1x40x128xf32, #tpu.memory_space<vmem>> -> memref<40x128xf32, #tpu.memory_space<vmem>>
      %dma_start3A_75 = tpu.memref_slice %arg5[%add3A_69] : memref<8000xi32, #tpu.memory_space<vmem>> -> memref<40xi32, #tpu.memory_space<vmem>>
      %dma_start3A_76 = arith.constant 0 : i32
      %dma_start3A_77 = arith.constant 0 : i32
      %dma_start3A_78 = tpu.memref_slice %arg3[%dma_start3A_76, %dma_start3A_77] : memref<100000x128xf32, #tpu.memory_space<hbm>> -> memref<100000x128xf32, #tpu.memory_space<hbm>>
      tpu.enqueue_indirect_dma source(%dma_start3A_78 : memref<100000x128xf32, #tpu.memory_space<hbm>>) target(%dma_start3A_74 : memref<40x128xf32, #tpu.memory_space<vmem>>) offsets(%dma_start3A_75 : memref<40xi32, #tpu.memory_space<vmem>>) semaphore(%arg12 : memref<!tpu.dma_semaphore, #tpu.memory_space<semaphore_mem>>)
      %add3A_79 = arith.constant 1 : i32
      %add3A_80 = arith.addi %mul3A_12, %add3A_79 : i32
      %mul3A_81 = arith.constant 200 : i32
      %mul3A_82 = arith.muli %add3A_80, %mul3A_81 : i32
      %add3A_83 = arith.constant 0 : i32
      %add3A_84 = arith.addi %mul3A_82, %add3A_83 : i32
      %dma_start3A_85 = arith.constant 0 : i32
      %dma_start3A_86 = arith.constant 0 : i32
      %dma_start3A_87 = arith.constant 0 : i32
      %dma_start3A_88 = tpu.memref_slice %arg7[%dma_start3A_85, %dma_start3A_86, %dma_start3A_87] : memref<5x40x128xf32, #tpu.memory_space<vmem>> -> memref<1x40x128xf32, #tpu.memory_space<vmem>>
      %dma_start3A_89 = tpu.memref_squeeze %dma_start3A_88 : memref<1x40x128xf32, #tpu.memory_space<vmem>> -> memref<40x128xf32, #tpu.memory_space<vmem>>
      %dma_start3A_90 = tpu.memref_slice %arg5[%add3A_84] : memref<8000xi32, #tpu.memory_space<vmem>> -> memref<40xi32, #tpu.memory_space<vmem>>
      %dma_start3A_91 = arith.constant 0 : i32
      %dma_start3A_92 = arith.constant 0 : i32
      %dma_start3A_93 = tpu.memref_slice %arg3[%dma_start3A_91, %dma_start3A_92] : memref<100000x128xf32, #tpu.memory_space<hbm>> -> memref<100000x128xf32, #tpu.memory_space<hbm>>
      tpu.enqueue_indirect_dma source(%dma_start3A_93 : memref<100000x128xf32, #tpu.memory_space<hbm>>) target(%dma_start3A_89 : memref<40x128xf32, #tpu.memory_space<vmem>>) offsets(%dma_start3A_90 : memref<40xi32, #tpu.memory_space<vmem>>) semaphore(%arg13 : memref<!tpu.dma_semaphore, #tpu.memory_space<semaphore_mem>>)
      %mul3A_94 = arith.constant 200 : i32
      %mul3A_95 = arith.muli %add3A_80, %mul3A_94 : i32
      %add3A_96 = arith.constant 40 : i32
      %add3A_97 = arith.addi %mul3A_95, %add3A_96 : i32
      %dma_start3A_98 = arith.constant 1 : i32
      %dma_start3A_99 = arith.constant 0 : i32
      %dma_start3A_100 = arith.constant 0 : i32
      %dma_start3A_101 = tpu.memref_slice %arg7[%dma_start3A_98, %dma_start3A_99, %dma_start3A_100] : memref<5x40x128xf32, #tpu.memory_space<vmem>> -> memref<1x40x128xf32, #tpu.memory_space<vmem>>
      %dma_start3A_102 = tpu.memref_squeeze %dma_start3A_101 : memref<1x40x128xf32, #tpu.memory_space<vmem>> -> memref<40x128xf32, #tpu.memory_space<vmem>>
      %dma_start3A_103 = tpu.memref_slice %arg5[%add3A_97] : memref<8000xi32, #tpu.memory_space<vmem>> -> memref<40xi32, #tpu.memory_space<vmem>>
      %dma_start3A_104 = arith.constant 0 : i32
      %dma_start3A_105 = arith.constant 0 : i32
      %dma_start3A_106 = tpu.memref_slice %arg3[%dma_start3A_104, %dma_start3A_105] : memref<100000x128xf32, #tpu.memory_space<hbm>> -> memref<100000x128xf32, #tpu.memory_space<hbm>>
      tpu.enqueue_indirect_dma source(%dma_start3A_106 : memref<100000x128xf32, #tpu.memory_space<hbm>>) target(%dma_start3A_102 : memref<40x128xf32, #tpu.memory_space<vmem>>) offsets(%dma_start3A_103 : memref<40xi32, #tpu.memory_space<vmem>>) semaphore(%arg13 : memref<!tpu.dma_semaphore, #tpu.memory_space<semaphore_mem>>)
      %mul3A_107 = arith.constant 200 : i32
      %mul3A_108 = arith.muli %add3A_80, %mul3A_107 : i32
      %add3A_109 = arith.constant 80 : i32
      %add3A_110 = arith.addi %mul3A_108, %add3A_109 : i32
      %dma_start3A_111 = arith.constant 2 : i32
      %dma_start3A_112 = arith.constant 0 : i32
      %dma_start3A_113 = arith.constant 0 : i32
      %dma_start3A_114 = tpu.memref_slice %arg7[%dma_start3A_111, %dma_start3A_112, %dma_start3A_113] : memref<5x40x128xf32, #tpu.memory_space<vmem>> -> memref<1x40x128xf32, #tpu.memory_space<vmem>>
      %dma_start3A_115 = tpu.memref_squeeze %dma_start3A_114 : memref<1x40x128xf32, #tpu.memory_space<vmem>> -> memref<40x128xf32, #tpu.memory_space<vmem>>
      %dma_start3A_116 = tpu.memref_slice %arg5[%add3A_110] : memref<8000xi32, #tpu.memory_space<vmem>> -> memref<40xi32, #tpu.memory_space<vmem>>
      %dma_start3A_117 = arith.constant 0 : i32
      %dma_start3A_118 = arith.constant 0 : i32
      %dma_start3A_119 = tpu.memref_slice %arg3[%dma_start3A_117, %dma_start3A_118] : memref<100000x128xf32, #tpu.memory_space<hbm>> -> memref<100000x128xf32, #tpu.memory_space<hbm>>
      tpu.enqueue_indirect_dma source(%dma_start3A_119 : memref<100000x128xf32, #tpu.memory_space<hbm>>) target(%dma_start3A_115 : memref<40x128xf32, #tpu.memory_space<vmem>>) offsets(%dma_start3A_116 : memref<40xi32, #tpu.memory_space<vmem>>) semaphore(%arg13 : memref<!tpu.dma_semaphore, #tpu.memory_space<semaphore_mem>>)
      %mul3A_120 = arith.constant 200 : i32
      %mul3A_121 = arith.muli %add3A_80, %mul3A_120 : i32
      %add3A_122 = arith.constant 120 : i32
      %add3A_123 = arith.addi %mul3A_121, %add3A_122 : i32
      %dma_start3A_124 = arith.constant 3 : i32
      %dma_start3A_125 = arith.constant 0 : i32
      %dma_start3A_126 = arith.constant 0 : i32
      %dma_start3A_127 = tpu.memref_slice %arg7[%dma_start3A_124, %dma_start3A_125, %dma_start3A_126] : memref<5x40x128xf32, #tpu.memory_space<vmem>> -> memref<1x40x128xf32, #tpu.memory_space<vmem>>
      %dma_start3A_128 = tpu.memref_squeeze %dma_start3A_127 : memref<1x40x128xf32, #tpu.memory_space<vmem>> -> memref<40x128xf32, #tpu.memory_space<vmem>>
      %dma_start3A_129 = tpu.memref_slice %arg5[%add3A_123] : memref<8000xi32, #tpu.memory_space<vmem>> -> memref<40xi32, #tpu.memory_space<vmem>>
      %dma_start3A_130 = arith.constant 0 : i32
      %dma_start3A_131 = arith.constant 0 : i32
      %dma_start3A_132 = tpu.memref_slice %arg3[%dma_start3A_130, %dma_start3A_131] : memref<100000x128xf32, #tpu.memory_space<hbm>> -> memref<100000x128xf32, #tpu.memory_space<hbm>>
      tpu.enqueue_indirect_dma source(%dma_start3A_132 : memref<100000x128xf32, #tpu.memory_space<hbm>>) target(%dma_start3A_128 : memref<40x128xf32, #tpu.memory_space<vmem>>) offsets(%dma_start3A_129 : memref<40xi32, #tpu.memory_space<vmem>>) semaphore(%arg13 : memref<!tpu.dma_semaphore, #tpu.memory_space<semaphore_mem>>)
      %mul3A_133 = arith.constant 200 : i32
      %mul3A_134 = arith.muli %add3A_80, %mul3A_133 : i32
      %add3A_135 = arith.constant 160 : i32
      %add3A_136 = arith.addi %mul3A_134, %add3A_135 : i32
      %dma_start3A_137 = arith.constant 4 : i32
      %dma_start3A_138 = arith.constant 0 : i32
      %dma_start3A_139 = arith.constant 0 : i32
      %dma_start3A_140 = tpu.memref_slice %arg7[%dma_start3A_137, %dma_start3A_138, %dma_start3A_139] : memref<5x40x128xf32, #tpu.memory_space<vmem>> -> memref<1x40x128xf32, #tpu.memory_space<vmem>>
      %dma_start3A_141 = tpu.memref_squeeze %dma_start3A_140 : memref<1x40x128xf32, #tpu.memory_space<vmem>> -> memref<40x128xf32, #tpu.memory_space<vmem>>
      %dma_start3A_142 = tpu.memref_slice %arg5[%add3A_136] : memref<8000xi32, #tpu.memory_space<vmem>> -> memref<40xi32, #tpu.memory_space<vmem>>
      %dma_start3A_143 = arith.constant 0 : i32
      %dma_start3A_144 = arith.constant 0 : i32
      %dma_start3A_145 = tpu.memref_slice %arg3[%dma_start3A_143, %dma_start3A_144] : memref<100000x128xf32, #tpu.memory_space<hbm>> -> memref<100000x128xf32, #tpu.memory_space<hbm>>
      tpu.enqueue_indirect_dma source(%dma_start3A_145 : memref<100000x128xf32, #tpu.memory_space<hbm>>) target(%dma_start3A_141 : memref<40x128xf32, #tpu.memory_space<vmem>>) offsets(%dma_start3A_142 : memref<40xi32, #tpu.memory_space<vmem>>) semaphore(%arg13 : memref<!tpu.dma_semaphore, #tpu.memory_space<semaphore_mem>>)
      %add3A_146 = arith.constant 2 : i32
      %add3A_147 = arith.addi %mul3A_12, %add3A_146 : i32
      %mul3A_148 = arith.constant 200 : i32
      %mul3A_149 = arith.muli %add3A_147, %mul3A_148 : i32
      %add3A_150 = arith.constant 0 : i32
      %add3A_151 = arith.addi %mul3A_149, %add3A_150 : i32
      %dma_start3A_152 = arith.constant 0 : i32
      %dma_start3A_153 = arith.constant 0 : i32
      %dma_start3A_154 = arith.constant 0 : i32
      %dma_start3A_155 = tpu.memref_slice %arg8[%dma_start3A_152, %dma_start3A_153, %dma_start3A_154] : memref<5x40x128xf32, #tpu.memory_space<vmem>> -> memref<1x40x128xf32, #tpu.memory_space<vmem>>
      %dma_start3A_156 = tpu.memref_squeeze %dma_start3A_155 : memref<1x40x128xf32, #tpu.memory_space<vmem>> -> memref<40x128xf32, #tpu.memory_space<vmem>>
      %dma_start3A_157 = tpu.memref_slice %arg5[%add3A_151] : memref<8000xi32, #tpu.memory_space<vmem>> -> memref<40xi32, #tpu.memory_space<vmem>>
      %dma_start3A_158 = arith.constant 0 : i32
      %dma_start3A_159 = arith.constant 0 : i32
      %dma_start3A_160 = tpu.memref_slice %arg3[%dma_start3A_158, %dma_start3A_159] : memref<100000x128xf32, #tpu.memory_space<hbm>> -> memref<100000x128xf32, #tpu.memory_space<hbm>>
      tpu.enqueue_indirect_dma source(%dma_start3A_160 : memref<100000x128xf32, #tpu.memory_space<hbm>>) target(%dma_start3A_156 : memref<40x128xf32, #tpu.memory_space<vmem>>) offsets(%dma_start3A_157 : memref<40xi32, #tpu.memory_space<vmem>>) semaphore(%arg14 : memref<!tpu.dma_semaphore, #tpu.memory_space<semaphore_mem>>)
      %mul3A_161 = arith.constant 200 : i32
      %mul3A_162 = arith.muli %add3A_147, %mul3A_161 : i32
      %add3A_163 = arith.constant 40 : i32
      %add3A_164 = arith.addi %mul3A_162, %add3A_163 : i32
      %dma_start3A_165 = arith.constant 1 : i32
      %dma_start3A_166 = arith.constant 0 : i32
      %dma_start3A_167 = arith.constant 0 : i32
      %dma_start3A_168 = tpu.memref_slice %arg8[%dma_start3A_165, %dma_start3A_166, %dma_start3A_167] : memref<5x40x128xf32, #tpu.memory_space<vmem>> -> memref<1x40x128xf32, #tpu.memory_space<vmem>>
      %dma_start3A_169 = tpu.memref_squeeze %dma_start3A_168 : memref<1x40x128xf32, #tpu.memory_space<vmem>> -> memref<40x128xf32, #tpu.memory_space<vmem>>
      %dma_start3A_170 = tpu.memref_slice %arg5[%add3A_164] : memref<8000xi32, #tpu.memory_space<vmem>> -> memref<40xi32, #tpu.memory_space<vmem>>
      %dma_start3A_171 = arith.constant 0 : i32
      %dma_start3A_172 = arith.constant 0 : i32
      %dma_start3A_173 = tpu.memref_slice %arg3[%dma_start3A_171, %dma_start3A_172] : memref<100000x128xf32, #tpu.memory_space<hbm>> -> memref<100000x128xf32, #tpu.memory_space<hbm>>
      tpu.enqueue_indirect_dma source(%dma_start3A_173 : memref<100000x128xf32, #tpu.memory_space<hbm>>) target(%dma_start3A_169 : memref<40x128xf32, #tpu.memory_space<vmem>>) offsets(%dma_start3A_170 : memref<40xi32, #tpu.memory_space<vmem>>) semaphore(%arg14 : memref<!tpu.dma_semaphore, #tpu.memory_space<semaphore_mem>>)
      %mul3A_174 = arith.constant 200 : i32
      %mul3A_175 = arith.muli %add3A_147, %mul3A_174 : i32
      %add3A_176 = arith.constant 80 : i32
      %add3A_177 = arith.addi %mul3A_175, %add3A_176 : i32
      %dma_start3A_178 = arith.constant 2 : i32
      %dma_start3A_179 = arith.constant 0 : i32
      %dma_start3A_180 = arith.constant 0 : i32
      %dma_start3A_181 = tpu.memref_slice %arg8[%dma_start3A_178, %dma_start3A_179, %dma_start3A_180] : memref<5x40x128xf32, #tpu.memory_space<vmem>> -> memref<1x40x128xf32, #tpu.memory_space<vmem>>
      %dma_start3A_182 = tpu.memref_squeeze %dma_start3A_181 : memref<1x40x128xf32, #tpu.memory_space<vmem>> -> memref<40x128xf32, #tpu.memory_space<vmem>>
      %dma_start3A_183 = tpu.memref_slice %arg5[%add3A_177] : memref<8000xi32, #tpu.memory_space<vmem>> -> memref<40xi32, #tpu.memory_space<vmem>>
      %dma_start3A_184 = arith.constant 0 : i32
      %dma_start3A_185 = arith.constant 0 : i32
      %dma_start3A_186 = tpu.memref_slice %arg3[%dma_start3A_184, %dma_start3A_185] : memref<100000x128xf32, #tpu.memory_space<hbm>> -> memref<100000x128xf32, #tpu.memory_space<hbm>>
      tpu.enqueue_indirect_dma source(%dma_start3A_186 : memref<100000x128xf32, #tpu.memory_space<hbm>>) target(%dma_start3A_182 : memref<40x128xf32, #tpu.memory_space<vmem>>) offsets(%dma_start3A_183 : memref<40xi32, #tpu.memory_space<vmem>>) semaphore(%arg14 : memref<!tpu.dma_semaphore, #tpu.memory_space<semaphore_mem>>)
      %mul3A_187 = arith.constant 200 : i32
      %mul3A_188 = arith.muli %add3A_147, %mul3A_187 : i32
      %add3A_189 = arith.constant 120 : i32
      %add3A_190 = arith.addi %mul3A_188, %add3A_189 : i32
      %dma_start3A_191 = arith.constant 3 : i32
      %dma_start3A_192 = arith.constant 0 : i32
      %dma_start3A_193 = arith.constant 0 : i32
      %dma_start3A_194 = tpu.memref_slice %arg8[%dma_start3A_191, %dma_start3A_192, %dma_start3A_193] : memref<5x40x128xf32, #tpu.memory_space<vmem>> -> memref<1x40x128xf32, #tpu.memory_space<vmem>>
      %dma_start3A_195 = tpu.memref_squeeze %dma_start3A_194 : memref<1x40x128xf32, #tpu.memory_space<vmem>> -> memref<40x128xf32, #tpu.memory_space<vmem>>
      %dma_start3A_196 = tpu.memref_slice %arg5[%add3A_190] : memref<8000xi32, #tpu.memory_space<vmem>> -> memref<40xi32, #tpu.memory_space<vmem>>
      %dma_start3A_197 = arith.constant 0 : i32
      %dma_start3A_198 = arith.constant 0 : i32
      %dma_start3A_199 = tpu.memref_slice %arg3[%dma_start3A_197, %dma_start3A_198] : memref<100000x128xf32, #tpu.memory_space<hbm>> -> memref<100000x128xf32, #tpu.memory_space<hbm>>
      tpu.enqueue_indirect_dma source(%dma_start3A_199 : memref<100000x128xf32, #tpu.memory_space<hbm>>) target(%dma_start3A_195 : memref<40x128xf32, #tpu.memory_space<vmem>>) offsets(%dma_start3A_196 : memref<40xi32, #tpu.memory_space<vmem>>) semaphore(%arg14 : memref<!tpu.dma_semaphore, #tpu.memory_space<semaphore_mem>>)
      %mul3A_200 = arith.constant 200 : i32
      %mul3A_201 = arith.muli %add3A_147, %mul3A_200 : i32
      %add3A_202 = arith.constant 160 : i32
      %add3A_203 = arith.addi %mul3A_201, %add3A_202 : i32
      %dma_start3A_204 = arith.constant 4 : i32
      %dma_start3A_205 = arith.constant 0 : i32
      %dma_start3A_206 = arith.constant 0 : i32
      %dma_start3A_207 = tpu.memref_slice %arg8[%dma_start3A_204, %dma_start3A_205, %dma_start3A_206] : memref<5x40x128xf32, #tpu.memory_space<vmem>> -> memref<1x40x128xf32, #tpu.memory_space<vmem>>
      %dma_start3A_208 = tpu.memref_squeeze %dma_start3A_207 : memref<1x40x128xf32, #tpu.memory_space<vmem>> -> memref<40x128xf32, #tpu.memory_space<vmem>>
      %dma_start3A_209 = tpu.memref_slice %arg5[%add3A_203] : memref<8000xi32, #tpu.memory_space<vmem>> -> memref<40xi32, #tpu.memory_space<vmem>>
      %dma_start3A_210 = arith.constant 0 : i32
      %dma_start3A_211 = arith.constant 0 : i32
      %dma_start3A_212 = tpu.memref_slice %arg3[%dma_start3A_210, %dma_start3A_211] : memref<100000x128xf32, #tpu.memory_space<hbm>> -> memref<100000x128xf32, #tpu.memory_space<hbm>>
      tpu.enqueue_indirect_dma source(%dma_start3A_212 : memref<100000x128xf32, #tpu.memory_space<hbm>>) target(%dma_start3A_208 : memref<40x128xf32, #tpu.memory_space<vmem>>) offsets(%dma_start3A_209 : memref<40xi32, #tpu.memory_space<vmem>>) semaphore(%arg14 : memref<!tpu.dma_semaphore, #tpu.memory_space<semaphore_mem>>)
      %add3A_213 = arith.constant 3 : i32
      %add3A_214 = arith.addi %mul3A_12, %add3A_213 : i32
      %mul3A_215 = arith.constant 200 : i32
      %mul3A_216 = arith.muli %add3A_214, %mul3A_215 : i32
      %add3A_217 = arith.constant 0 : i32
      %add3A_218 = arith.addi %mul3A_216, %add3A_217 : i32
      %dma_start3A_219 = arith.constant 0 : i32
      %dma_start3A_220 = arith.constant 0 : i32
      %dma_start3A_221 = arith.constant 0 : i32
      %dma_start3A_222 = tpu.memref_slice %arg9[%dma_start3A_219, %dma_start3A_220, %dma_start3A_221] : memref<5x40x128xf32, #tpu.memory_space<vmem>> -> memref<1x40x128xf32, #tpu.memory_space<vmem>>
      %dma_start3A_223 = tpu.memref_squeeze %dma_start3A_222 : memref<1x40x128xf32, #tpu.memory_space<vmem>> -> memref<40x128xf32, #tpu.memory_space<vmem>>
      %dma_start3A_224 = tpu.memref_slice %arg5[%add3A_218] : memref<8000xi32, #tpu.memory_space<vmem>> -> memref<40xi32, #tpu.memory_space<vmem>>
      %dma_start3A_225 = arith.constant 0 : i32
      %dma_start3A_226 = arith.constant 0 : i32
      %dma_start3A_227 = tpu.memref_slice %arg3[%dma_start3A_225, %dma_start3A_226] : memref<100000x128xf32, #tpu.memory_space<hbm>> -> memref<100000x128xf32, #tpu.memory_space<hbm>>
      tpu.enqueue_indirect_dma source(%dma_start3A_227 : memref<100000x128xf32, #tpu.memory_space<hbm>>) target(%dma_start3A_223 : memref<40x128xf32, #tpu.memory_space<vmem>>) offsets(%dma_start3A_224 : memref<40xi32, #tpu.memory_space<vmem>>) semaphore(%arg15 : memref<!tpu.dma_semaphore, #tpu.memory_space<semaphore_mem>>)
      %mul3A_228 = arith.constant 200 : i32
      %mul3A_229 = arith.muli %add3A_214, %mul3A_228 : i32
      %add3A_230 = arith.constant 40 : i32
      %add3A_231 = arith.addi %mul3A_229, %add3A_230 : i32
      %dma_start3A_232 = arith.constant 1 : i32
      %dma_start3A_233 = arith.constant 0 : i32
      %dma_start3A_234 = arith.constant 0 : i32
      %dma_start3A_235 = tpu.memref_slice %arg9[%dma_start3A_232, %dma_start3A_233, %dma_start3A_234] : memref<5x40x128xf32, #tpu.memory_space<vmem>> -> memref<1x40x128xf32, #tpu.memory_space<vmem>>
      %dma_start3A_236 = tpu.memref_squeeze %dma_start3A_235 : memref<1x40x128xf32, #tpu.memory_space<vmem>> -> memref<40x128xf32, #tpu.memory_space<vmem>>
      %dma_start3A_237 = tpu.memref_slice %arg5[%add3A_231] : memref<8000xi32, #tpu.memory_space<vmem>> -> memref<40xi32, #tpu.memory_space<vmem>>
      %dma_start3A_238 = arith.constant 0 : i32
      %dma_start3A_239 = arith.constant 0 : i32
      %dma_start3A_240 = tpu.memref_slice %arg3[%dma_start3A_238, %dma_start3A_239] : memref<100000x128xf32, #tpu.memory_space<hbm>> -> memref<100000x128xf32, #tpu.memory_space<hbm>>
      tpu.enqueue_indirect_dma source(%dma_start3A_240 : memref<100000x128xf32, #tpu.memory_space<hbm>>) target(%dma_start3A_236 : memref<40x128xf32, #tpu.memory_space<vmem>>) offsets(%dma_start3A_237 : memref<40xi32, #tpu.memory_space<vmem>>) semaphore(%arg15 : memref<!tpu.dma_semaphore, #tpu.memory_space<semaphore_mem>>)
      %mul3A_241 = arith.constant 200 : i32
      %mul3A_242 = arith.muli %add3A_214, %mul3A_241 : i32
      %add3A_243 = arith.constant 80 : i32
      %add3A_244 = arith.addi %mul3A_242, %add3A_243 : i32
      %dma_start3A_245 = arith.constant 2 : i32
      %dma_start3A_246 = arith.constant 0 : i32
      %dma_start3A_247 = arith.constant 0 : i32
      %dma_start3A_248 = tpu.memref_slice %arg9[%dma_start3A_245, %dma_start3A_246, %dma_start3A_247] : memref<5x40x128xf32, #tpu.memory_space<vmem>> -> memref<1x40x128xf32, #tpu.memory_space<vmem>>
      %dma_start3A_249 = tpu.memref_squeeze %dma_start3A_248 : memref<1x40x128xf32, #tpu.memory_space<vmem>> -> memref<40x128xf32, #tpu.memory_space<vmem>>
      %dma_start3A_250 = tpu.memref_slice %arg5[%add3A_244] : memref<8000xi32, #tpu.memory_space<vmem>> -> memref<40xi32, #tpu.memory_space<vmem>>
      %dma_start3A_251 = arith.constant 0 : i32
      %dma_start3A_252 = arith.constant 0 : i32
      %dma_start3A_253 = tpu.memref_slice %arg3[%dma_start3A_251, %dma_start3A_252] : memref<100000x128xf32, #tpu.memory_space<hbm>> -> memref<100000x128xf32, #tpu.memory_space<hbm>>
      tpu.enqueue_indirect_dma source(%dma_start3A_253 : memref<100000x128xf32, #tpu.memory_space<hbm>>) target(%dma_start3A_249 : memref<40x128xf32, #tpu.memory_space<vmem>>) offsets(%dma_start3A_250 : memref<40xi32, #tpu.memory_space<vmem>>) semaphore(%arg15 : memref<!tpu.dma_semaphore, #tpu.memory_space<semaphore_mem>>)
      %mul3A_254 = arith.constant 200 : i32
      %mul3A_255 = arith.muli %add3A_214, %mul3A_254 : i32
      %add3A_256 = arith.constant 120 : i32
      %add3A_257 = arith.addi %mul3A_255, %add3A_256 : i32
      %dma_start3A_258 = arith.constant 3 : i32
      %dma_start3A_259 = arith.constant 0 : i32
      %dma_start3A_260 = arith.constant 0 : i32
      %dma_start3A_261 = tpu.memref_slice %arg9[%dma_start3A_258, %dma_start3A_259, %dma_start3A_260] : memref<5x40x128xf32, #tpu.memory_space<vmem>> -> memref<1x40x128xf32, #tpu.memory_space<vmem>>
      %dma_start3A_262 = tpu.memref_squeeze %dma_start3A_261 : memref<1x40x128xf32, #tpu.memory_space<vmem>> -> memref<40x128xf32, #tpu.memory_space<vmem>>
      %dma_start3A_263 = tpu.memref_slice %arg5[%add3A_257] : memref<8000xi32, #tpu.memory_space<vmem>> -> memref<40xi32, #tpu.memory_space<vmem>>
      %dma_start3A_264 = arith.constant 0 : i32
      %dma_start3A_265 = arith.constant 0 : i32
      %dma_start3A_266 = tpu.memref_slice %arg3[%dma_start3A_264, %dma_start3A_265] : memref<100000x128xf32, #tpu.memory_space<hbm>> -> memref<100000x128xf32, #tpu.memory_space<hbm>>
      tpu.enqueue_indirect_dma source(%dma_start3A_266 : memref<100000x128xf32, #tpu.memory_space<hbm>>) target(%dma_start3A_262 : memref<40x128xf32, #tpu.memory_space<vmem>>) offsets(%dma_start3A_263 : memref<40xi32, #tpu.memory_space<vmem>>) semaphore(%arg15 : memref<!tpu.dma_semaphore, #tpu.memory_space<semaphore_mem>>)
      %mul3A_267 = arith.constant 200 : i32
      %mul3A_268 = arith.muli %add3A_214, %mul3A_267 : i32
      %add3A_269 = arith.constant 160 : i32
      %add3A_270 = arith.addi %mul3A_268, %add3A_269 : i32
      %dma_start3A_271 = arith.constant 4 : i32
      %dma_start3A_272 = arith.constant 0 : i32
      %dma_start3A_273 = arith.constant 0 : i32
      %dma_start3A_274 = tpu.memref_slice %arg9[%dma_start3A_271, %dma_start3A_272, %dma_start3A_273] : memref<5x40x128xf32, #tpu.memory_space<vmem>> -> memref<1x40x128xf32, #tpu.memory_space<vmem>>
      %dma_start3A_275 = tpu.memref_squeeze %dma_start3A_274 : memref<1x40x128xf32, #tpu.memory_space<vmem>> -> memref<40x128xf32, #tpu.memory_space<vmem>>
      %dma_start3A_276 = tpu.memref_slice %arg5[%add3A_270] : memref<8000xi32, #tpu.memory_space<vmem>> -> memref<40xi32, #tpu.memory_space<vmem>>
      %dma_start3A_277 = arith.constant 0 : i32
      %dma_start3A_278 = arith.constant 0 : i32
      %dma_start3A_279 = tpu.memref_slice %arg3[%dma_start3A_277, %dma_start3A_278] : memref<100000x128xf32, #tpu.memory_space<hbm>> -> memref<100000x128xf32, #tpu.memory_space<hbm>>
      tpu.enqueue_indirect_dma source(%dma_start3A_279 : memref<100000x128xf32, #tpu.memory_space<hbm>>) target(%dma_start3A_275 : memref<40x128xf32, #tpu.memory_space<vmem>>) offsets(%dma_start3A_276 : memref<40xi32, #tpu.memory_space<vmem>>) semaphore(%arg15 : memref<!tpu.dma_semaphore, #tpu.memory_space<semaphore_mem>>)
      %add3A_280 = arith.constant 0 : i32
      %add3A_281 = arith.addi %mul3A_12, %add3A_280 : i32
      %dma_wait3A = arith.constant 0 : i32
      %dma_wait3A_282 = arith.constant 0 : i32
      %dma_wait3A_283 = arith.constant 0 : i32
      %dma_wait3A_284 = tpu.memref_slice %arg6[%dma_wait3A, %dma_wait3A_282, %dma_wait3A_283] : memref<5x40x128xf32, #tpu.memory_space<vmem>> -> memref<1x40x128xf32, #tpu.memory_space<vmem>>
      %dma_wait3A_285 = tpu.memref_squeeze %dma_wait3A_284 : memref<1x40x128xf32, #tpu.memory_space<vmem>> -> memref<40x128xf32, #tpu.memory_space<vmem>>
      %dma_wait3A_286 = tpu.memref_slice %arg5[%add3A_18] : memref<8000xi32, #tpu.memory_space<vmem>> -> memref<40xi32, #tpu.memory_space<vmem>>
      %dma_wait3A_287 = arith.constant 0 : i32
      %dma_wait3A_288 = arith.constant 0 : i32
      %dma_wait3A_289 = tpu.memref_slice %arg3[%dma_wait3A_287, %dma_wait3A_288] : memref<100000x128xf32, #tpu.memory_space<hbm>> -> memref<100000x128xf32, #tpu.memory_space<hbm>>
      tpu.wait_indirect_dma semaphore(%arg12 : memref<!tpu.dma_semaphore, #tpu.memory_space<semaphore_mem>>) src(%dma_wait3A_289 : memref<100000x128xf32, #tpu.memory_space<hbm>>) dst(%dma_wait3A_285 : memref<40x128xf32, #tpu.memory_space<vmem>>)
      %dma_wait3A_290 = arith.constant 1 : i32
      %dma_wait3A_291 = arith.constant 0 : i32
      %dma_wait3A_292 = arith.constant 0 : i32
      %dma_wait3A_293 = tpu.memref_slice %arg6[%dma_wait3A_290, %dma_wait3A_291, %dma_wait3A_292] : memref<5x40x128xf32, #tpu.memory_space<vmem>> -> memref<1x40x128xf32, #tpu.memory_space<vmem>>
      %dma_wait3A_294 = tpu.memref_squeeze %dma_wait3A_293 : memref<1x40x128xf32, #tpu.memory_space<vmem>> -> memref<40x128xf32, #tpu.memory_space<vmem>>
      %dma_wait3A_295 = tpu.memref_slice %arg5[%add3A_30] : memref<8000xi32, #tpu.memory_space<vmem>> -> memref<40xi32, #tpu.memory_space<vmem>>
      %dma_wait3A_296 = arith.constant 0 : i32
      %dma_wait3A_297 = arith.constant 0 : i32
      %dma_wait3A_298 = tpu.memref_slice %arg3[%dma_wait3A_296, %dma_wait3A_297] : memref<100000x128xf32, #tpu.memory_space<hbm>> -> memref<100000x128xf32, #tpu.memory_space<hbm>>
      tpu.wait_indirect_dma semaphore(%arg12 : memref<!tpu.dma_semaphore, #tpu.memory_space<semaphore_mem>>) src(%dma_wait3A_298 : memref<100000x128xf32, #tpu.memory_space<hbm>>) dst(%dma_wait3A_294 : memref<40x128xf32, #tpu.memory_space<vmem>>)
      %dma_wait3A_299 = arith.constant 2 : i32
      %dma_wait3A_300 = arith.constant 0 : i32
      %dma_wait3A_301 = arith.constant 0 : i32
      %dma_wait3A_302 = tpu.memref_slice %arg6[%dma_wait3A_299, %dma_wait3A_300, %dma_wait3A_301] : memref<5x40x128xf32, #tpu.memory_space<vmem>> -> memref<1x40x128xf32, #tpu.memory_space<vmem>>
      %dma_wait3A_303 = tpu.memref_squeeze %dma_wait3A_302 : memref<1x40x128xf32, #tpu.memory_space<vmem>> -> memref<40x128xf32, #tpu.memory_space<vmem>>
      %dma_wait3A_304 = tpu.memref_slice %arg5[%add3A_43] : memref<8000xi32, #tpu.memory_space<vmem>> -> memref<40xi32, #tpu.memory_space<vmem>>
      %dma_wait3A_305 = arith.constant 0 : i32
      %dma_wait3A_306 = arith.constant 0 : i32
      %dma_wait3A_307 = tpu.memref_slice %arg3[%dma_wait3A_305, %dma_wait3A_306] : memref<100000x128xf32, #tpu.memory_space<hbm>> -> memref<100000x128xf32, #tpu.memory_space<hbm>>
      tpu.wait_indirect_dma semaphore(%arg12 : memref<!tpu.dma_semaphore, #tpu.memory_space<semaphore_mem>>) src(%dma_wait3A_307 : memref<100000x128xf32, #tpu.memory_space<hbm>>) dst(%dma_wait3A_303 : memref<40x128xf32, #tpu.memory_space<vmem>>)
      %dma_wait3A_308 = arith.constant 3 : i32
      %dma_wait3A_309 = arith.constant 0 : i32
      %dma_wait3A_310 = arith.constant 0 : i32
      %dma_wait3A_311 = tpu.memref_slice %arg6[%dma_wait3A_308, %dma_wait3A_309, %dma_wait3A_310] : memref<5x40x128xf32, #tpu.memory_space<vmem>> -> memref<1x40x128xf32, #tpu.memory_space<vmem>>
      %dma_wait3A_312 = tpu.memref_squeeze %dma_wait3A_311 : memref<1x40x128xf32, #tpu.memory_space<vmem>> -> memref<40x128xf32, #tpu.memory_space<vmem>>
      %dma_wait3A_313 = tpu.memref_slice %arg5[%add3A_56] : memref<8000xi32, #tpu.memory_space<vmem>> -> memref<40xi32, #tpu.memory_space<vmem>>
      %dma_wait3A_314 = arith.constant 0 : i32
      %dma_wait3A_315 = arith.constant 0 : i32
      %dma_wait3A_316 = tpu.memref_slice %arg3[%dma_wait3A_314, %dma_wait3A_315] : memref<100000x128xf32, #tpu.memory_space<hbm>> -> memref<100000x128xf32, #tpu.memory_space<hbm>>
      tpu.wait_indirect_dma semaphore(%arg12 : memref<!tpu.dma_semaphore, #tpu.memory_space<semaphore_mem>>) src(%dma_wait3A_316 : memref<100000x128xf32, #tpu.memory_space<hbm>>) dst(%dma_wait3A_312 : memref<40x128xf32, #tpu.memory_space<vmem>>)
      %dma_wait3A_317 = arith.constant 4 : i32
      %dma_wait3A_318 = arith.constant 0 : i32
      %dma_wait3A_319 = arith.constant 0 : i32
      %dma_wait3A_320 = tpu.memref_slice %arg6[%dma_wait3A_317, %dma_wait3A_318, %dma_wait3A_319] : memref<5x40x128xf32, #tpu.memory_space<vmem>> -> memref<1x40x128xf32, #tpu.memory_space<vmem>>
      %dma_wait3A_321 = tpu.memref_squeeze %dma_wait3A_320 : memref<1x40x128xf32, #tpu.memory_space<vmem>> -> memref<40x128xf32, #tpu.memory_space<vmem>>
      %dma_wait3A_322 = tpu.memref_slice %arg5[%add3A_69] : memref<8000xi32, #tpu.memory_space<vmem>> -> memref<40xi32, #tpu.memory_space<vmem>>
      %dma_wait3A_323 = arith.constant 0 : i32
      %dma_wait3A_324 = arith.constant 0 : i32
      %dma_wait3A_325 = tpu.memref_slice %arg3[%dma_wait3A_323, %dma_wait3A_324] : memref<100000x128xf32, #tpu.memory_space<hbm>> -> memref<100000x128xf32, #tpu.memory_space<hbm>>
      tpu.wait_indirect_dma semaphore(%arg12 : memref<!tpu.dma_semaphore, #tpu.memory_space<semaphore_mem>>) src(%dma_wait3A_325 : memref<100000x128xf32, #tpu.memory_space<hbm>>) dst(%dma_wait3A_321 : memref<40x128xf32, #tpu.memory_space<vmem>>)
      %scan3A_326 = arith.constant 0 : i32
      %scan3A_327 = arith.constant 0 : i32
      %scan3A_328 = arith.constant 40 : i32
      %scan3A_329 = arith.addi %scan3A_327, %scan3A_328 : i32
      %scan3A_330 = arith.constant 1 : i32
      %scan3A_331 = scf.for %scan3A_555 = %scan3A_327 to %scan3A_329 step %scan3A_330 iter_args(%scan3A_556 = %scan3A_326) -> (i32)  : i32 {
        %get3A = arith.constant 0 : i32
        %get3A_557 = arith.index_cast %get3A : i32 to index
        %get3A_558 = arith.index_cast %scan3A_555 : i32 to index
        %get3A_559 = arith.constant 0 : index
        %get3A_560 = tpu.vector_load %arg6[%get3A_557, %get3A_558, %get3A_559] {strides = array<i32>} : memref<5x40x128xf32, #tpu.memory_space<vmem>>, vector<1x1x16xf32>,
        %get3A_561 = vector.shape_cast %get3A_560 : vector<1x1x16xf32> to vector<16xf32>
        %get3A_562 = arith.constant 1 : i32
        %get3A_563 = arith.index_cast %get3A_562 : i32 to index
        %get3A_564 = arith.index_cast %scan3A_555 : i32 to index
        %get3A_565 = arith.constant 0 : index
        %get3A_566 = tpu.vector_load %arg6[%get3A_563, %get3A_564, %get3A_565] {strides = array<i32>} : memref<5x40x128xf32, #tpu.memory_space<vmem>>, vector<1x1x16xf32>,
        %get3A_567 = vector.shape_cast %get3A_566 : vector<1x1x16xf32> to vector<16xf32>
        %add3A_568 = arith.addf %get3A_561, %get3A_567 : vector<16xf32>
        %get3A_569 = arith.constant 2 : i32
        %get3A_570 = arith.index_cast %get3A_569 : i32 to index
        %get3A_571 = arith.index_cast %scan3A_555 : i32 to index
        %get3A_572 = arith.constant 0 : index
        %get3A_573 = tpu.vector_load %arg6[%get3A_570, %get3A_571, %get3A_572] {strides = array<i32>} : memref<5x40x128xf32, #tpu.memory_space<vmem>>, vector<1x1x16xf32>,
        %get3A_574 = vector.shape_cast %get3A_573 : vector<1x1x16xf32> to vector<16xf32>
        %add3A_575 = arith.addf %add3A_568, %get3A_574 : vector<16xf32>
        %get3A_576 = arith.constant 3 : i32
        %get3A_577 = arith.index_cast %get3A_576 : i32 to index
        %get3A_578 = arith.index_cast %scan3A_555 : i32 to index
        %get3A_579 = arith.constant 0 : index
        %get3A_580 = tpu.vector_load %arg6[%get3A_577, %get3A_578, %get3A_579] {strides = array<i32>} : memref<5x40x128xf32, #tpu.memory_space<vmem>>, vector<1x1x16xf32>,
        %get3A_581 = vector.shape_cast %get3A_580 : vector<1x1x16xf32> to vector<16xf32>
        %add3A_582 = arith.addf %add3A_575, %get3A_581 : vector<16xf32>
        %get3A_583 = arith.constant 4 : i32
        %get3A_584 = arith.index_cast %get3A_583 : i32 to index
        %get3A_585 = arith.index_cast %scan3A_555 : i32 to index
        %get3A_586 = arith.constant 0 : index
        %get3A_587 = tpu.vector_load %arg6[%get3A_584, %get3A_585, %get3A_586] {strides = array<i32>} : memref<5x40x128xf32, #tpu.memory_space<vmem>>, vector<1x1x16xf32>,
        %get3A_588 = vector.shape_cast %get3A_587 : vector<1x1x16xf32> to vector<16xf32>
        %add3A_589 = arith.addf %add3A_582, %get3A_588 : vector<16xf32>
        %swap3A = arith.index_cast %scan3A_555 : i32 to index
        %swap3A_590 = arith.constant 0 : index
        %swap3A_591 = tpu.vector_load %arg10[%swap3A, %swap3A_590] {strides = array<i32>} : memref<40x128xf32, #tpu.memory_space<vmem>>, vector<1x16xf32>,
        %swap3A_592 = vector.shape_cast %swap3A_591 : vector<1x16xf32> to vector<16xf32>
        %swap3A_593 = vector.shape_cast %add3A_589 : vector<16xf32> to vector<1x16xf32>
        tpu.vector_store %arg10[%swap3A, %swap3A_590], %swap3A_593 {strides = array<i32>} : memref<40x128xf32, #tpu.memory_space<vmem>>, vector<1x16xf32>,
        %get3A_594 = arith.constant 0 : i32
        %get3A_595 = arith.index_cast %get3A_594 : i32 to index
        %get3A_596 = arith.index_cast %scan3A_555 : i32 to index
        %get3A_597 = arith.constant 16 : index
        %get3A_598 = tpu.vector_load %arg6[%get3A_595, %get3A_596, %get3A_597] {strides = array<i32>} : memref<5x40x128xf32, #tpu.memory_space<vmem>>, vector<1x1x16xf32>,
        %get3A_599 = vector.shape_cast %get3A_598 : vector<1x1x16xf32> to vector<16xf32>
        %get3A_600 = arith.constant 1 : i32
        %get3A_601 = arith.index_cast %get3A_600 : i32 to index
        %get3A_602 = arith.index_cast %scan3A_555 : i32 to index
        %get3A_603 = arith.constant 16 : index
        %get3A_604 = tpu.vector_load %arg6[%get3A_601, %get3A_602, %get3A_603] {strides = array<i32>} : memref<5x40x128xf32, #tpu.memory_space<vmem>>, vector<1x1x16xf32>,
        %get3A_605 = vector.shape_cast %get3A_604 : vector<1x1x16xf32> to vector<16xf32>
        %add3A_606 = arith.addf %get3A_599, %get3A_605 : vector<16xf32>
        %get3A_607 = arith.constant 2 : i32
        %get3A_608 = arith.index_cast %get3A_607 : i32 to index
        %get3A_609 = arith.index_cast %scan3A_555 : i32 to index
        %get3A_610 = arith.constant 16 : index
        %get3A_611 = tpu.vector_load %arg6[%get3A_608, %get3A_609, %get3A_610] {strides = array<i32>} : memref<5x40x128xf32, #tpu.memory_space<vmem>>, vector<1x1x16xf32>,
        %get3A_612 = vector.shape_cast %get3A_611 : vector<1x1x16xf32> to vector<16xf32>
        %add3A_613 = arith.addf %add3A_606, %get3A_612 : vector<16xf32>
        %get3A_614 = arith.constant 3 : i32
        %get3A_615 = arith.index_cast %get3A_614 : i32 to index
        %get3A_616 = arith.index_cast %scan3A_555 : i32 to index
        %get3A_617 = arith.constant 16 : index
        %get3A_618 = tpu.vector_load %arg6[%get3A_615, %get3A_616, %get3A_617] {strides = array<i32>} : memref<5x40x128xf32, #tpu.memory_space<vmem>>, vector<1x1x16xf32>,
        %get3A_619 = vector.shape_cast %get3A_618 : vector<1x1x16xf32> to vector<16xf32>
        %add3A_620 = arith.addf %add3A_613, %get3A_619 : vector<16xf32>
        %get3A_621 = arith.constant 4 : i32
        %get3A_622 = arith.index_cast %get3A_621 : i32 to index
        %get3A_623 = arith.index_cast %scan3A_555 : i32 to index
        %get3A_624 = arith.constant 16 : index
        %get3A_625 = tpu.vector_load %arg6[%get3A_622, %get3A_623, %get3A_624] {strides = array<i32>} : memref<5x40x128xf32, #tpu.memory_space<vmem>>, vector<1x1x16xf32>,
        %get3A_626 = vector.shape_cast %get3A_625 : vector<1x1x16xf32> to vector<16xf32>
        %add3A_627 = arith.addf %add3A_620, %get3A_626 : vector<16xf32>
        %swap3A_628 = arith.index_cast %scan3A_555 : i32 to index
        %swap3A_629 = arith.constant 16 : index
        %swap3A_630 = tpu.vector_load %arg10[%swap3A_628, %swap3A_629] {strides = array<i32>} : memref<40x128xf32, #tpu.memory_space<vmem>>, vector<1x16xf32>,
        %swap3A_631 = vector.shape_cast %swap3A_630 : vector<1x16xf32> to vector<16xf32>
        %swap3A_632 = vector.shape_cast %add3A_627 : vector<16xf32> to vector<1x16xf32>
        tpu.vector_store %arg10[%swap3A_628, %swap3A_629], %swap3A_632 {strides = array<i32>} : memref<40x128xf32, #tpu.memory_space<vmem>>, vector<1x16xf32>,
        %get3A_633 = arith.constant 0 : i32
        %get3A_634 = arith.index_cast %get3A_633 : i32 to index
        %get3A_635 = arith.index_cast %scan3A_555 : i32 to index
        %get3A_636 = arith.constant 32 : index
        %get3A_637 = tpu.vector_load %arg6[%get3A_634, %get3A_635, %get3A_636] {strides = array<i32>} : memref<5x40x128xf32, #tpu.memory_space<vmem>>, vector<1x1x16xf32>,
        %get3A_638 = vector.shape_cast %get3A_637 : vector<1x1x16xf32> to vector<16xf32>
        %get3A_639 = arith.constant 1 : i32
        %get3A_640 = arith.index_cast %get3A_639 : i32 to index
        %get3A_641 = arith.index_cast %scan3A_555 : i32 to index
        %get3A_642 = arith.constant 32 : index
        %get3A_643 = tpu.vector_load %arg6[%get3A_640, %get3A_641, %get3A_642] {strides = array<i32>} : memref<5x40x128xf32, #tpu.memory_space<vmem>>, vector<1x1x16xf32>,
        %get3A_644 = vector.shape_cast %get3A_643 : vector<1x1x16xf32> to vector<16xf32>
        %add3A_645 = arith.addf %get3A_638, %get3A_644 : vector<16xf32>
        %get3A_646 = arith.constant 2 : i32
        %get3A_647 = arith.index_cast %get3A_646 : i32 to index
        %get3A_648 = arith.index_cast %scan3A_555 : i32 to index
        %get3A_649 = arith.constant 32 : index
        %get3A_650 = tpu.vector_load %arg6[%get3A_647, %get3A_648, %get3A_649] {strides = array<i32>} : memref<5x40x128xf32, #tpu.memory_space<vmem>>, vector<1x1x16xf32>,
        %get3A_651 = vector.shape_cast %get3A_650 : vector<1x1x16xf32> to vector<16xf32>
        %add3A_652 = arith.addf %add3A_645, %get3A_651 : vector<16xf32>
        %get3A_653 = arith.constant 3 : i32
        %get3A_654 = arith.index_cast %get3A_653 : i32 to index
        %get3A_655 = arith.index_cast %scan3A_555 : i32 to index
        %get3A_656 = arith.constant 32 : index
        %get3A_657 = tpu.vector_load %arg6[%get3A_654, %get3A_655, %get3A_656] {strides = array<i32>} : memref<5x40x128xf32, #tpu.memory_space<vmem>>, vector<1x1x16xf32>,
        %get3A_658 = vector.shape_cast %get3A_657 : vector<1x1x16xf32> to vector<16xf32>
        %add3A_659 = arith.addf %add3A_652, %get3A_658 : vector<16xf32>
        %get3A_660 = arith.constant 4 : i32
        %get3A_661 = arith.index_cast %get3A_660 : i32 to index
        %get3A_662 = arith.index_cast %scan3A_555 : i32 to index
        %get3A_663 = arith.constant 32 : index
        %get3A_664 = tpu.vector_load %arg6[%get3A_661, %get3A_662, %get3A_663] {strides = array<i32>} : memref<5x40x128xf32, #tpu.memory_space<vmem>>, vector<1x1x16xf32>,
        %get3A_665 = vector.shape_cast %get3A_664 : vector<1x1x16xf32> to vector<16xf32>
        %add3A_666 = arith.addf %add3A_659, %get3A_665 : vector<16xf32>
        %swap3A_667 = arith.index_cast %scan3A_555 : i32 to index
        %swap3A_668 = arith.constant 32 : index
        %swap3A_669 = tpu.vector_load %arg10[%swap3A_667, %swap3A_668] {strides = array<i32>} : memref<40x128xf32, #tpu.memory_space<vmem>>, vector<1x16xf32>,
        %swap3A_670 = vector.shape_cast %swap3A_669 : vector<1x16xf32> to vector<16xf32>
        %swap3A_671 = vector.shape_cast %add3A_666 : vector<16xf32> to vector<1x16xf32>
        tpu.vector_store %arg10[%swap3A_667, %swap3A_668], %swap3A_671 {strides = array<i32>} : memref<40x128xf32, #tpu.memory_space<vmem>>, vector<1x16xf32>,
        %get3A_672 = arith.constant 0 : i32
        %get3A_673 = arith.index_cast %get3A_672 : i32 to index
        %get3A_674 = arith.index_cast %scan3A_555 : i32 to index
        %get3A_675 = arith.constant 48 : index
        %get3A_676 = tpu.vector_load %arg6[%get3A_673, %get3A_674, %get3A_675] {strides = array<i32>} : memref<5x40x128xf32, #tpu.memory_space<vmem>>, vector<1x1x16xf32>,
        %get3A_677 = vector.shape_cast %get3A_676 : vector<1x1x16xf32> to vector<16xf32>
        %get3A_678 = arith.constant 1 : i32
        %get3A_679 = arith.index_cast %get3A_678 : i32 to index
        %get3A_680 = arith.index_cast %scan3A_555 : i32 to index
        %get3A_681 = arith.constant 48 : index
        %get3A_682 = tpu.vector_load %arg6[%get3A_679, %get3A_680, %get3A_681] {strides = array<i32>} : memref<5x40x128xf32, #tpu.memory_space<vmem>>, vector<1x1x16xf32>,
        %get3A_683 = vector.shape_cast %get3A_682 : vector<1x1x16xf32> to vector<16xf32>
        %add3A_684 = arith.addf %get3A_677, %get3A_683 : vector<16xf32>
        %get3A_685 = arith.constant 2 : i32
        %get3A_686 = arith.index_cast %get3A_685 : i32 to index
        %get3A_687 = arith.index_cast %scan3A_555 : i32 to index
        %get3A_688 = arith.constant 48 : index
        %get3A_689 = tpu.vector_load %arg6[%get3A_686, %get3A_687, %get3A_688] {strides = array<i32>} : memref<5x40x128xf32, #tpu.memory_space<vmem>>, vector<1x1x16xf32>,
        %get3A_690 = vector.shape_cast %get3A_689 : vector<1x1x16xf32> to vector<16xf32>
        %add3A_691 = arith.addf %add3A_684, %get3A_690 : vector<16xf32>
        %get3A_692 = arith.constant 3 : i32
        %get3A_693 = arith.index_cast %get3A_692 : i32 to index
        %get3A_694 = arith.index_cast %scan3A_555 : i32 to index
        %get3A_695 = arith.constant 48 : index
        %get3A_696 = tpu.vector_load %arg6[%get3A_693, %get3A_694, %get3A_695] {strides = array<i32>} : memref<5x40x128xf32, #tpu.memory_space<vmem>>, vector<1x1x16xf32>,
        %get3A_697 = vector.shape_cast %get3A_696 : vector<1x1x16xf32> to vector<16xf32>
        %add3A_698 = arith.addf %add3A_691, %get3A_697 : vector<16xf32>
        %get3A_699 = arith.constant 4 : i32
        %get3A_700 = arith.index_cast %get3A_699 : i32 to index
        %get3A_701 = arith.index_cast %scan3A_555 : i32 to index
        %get3A_702 = arith.constant 48 : index
        %get3A_703 = tpu.vector_load %arg6[%get3A_700, %get3A_701, %get3A_702] {strides = array<i32>} : memref<5x40x128xf32, #tpu.memory_space<vmem>>, vector<1x1x16xf32>,
        %get3A_704 = vector.shape_cast %get3A_703 : vector<1x1x16xf32> to vector<16xf32>
        %add3A_705 = arith.addf %add3A_698, %get3A_704 : vector<16xf32>
        %swap3A_706 = arith.index_cast %scan3A_555 : i32 to index
        %swap3A_707 = arith.constant 48 : index
        %swap3A_708 = tpu.vector_load %arg10[%swap3A_706, %swap3A_707] {strides = array<i32>} : memref<40x128xf32, #tpu.memory_space<vmem>>, vector<1x16xf32>,
        %swap3A_709 = vector.shape_cast %swap3A_708 : vector<1x16xf32> to vector<16xf32>
        %swap3A_710 = vector.shape_cast %add3A_705 : vector<16xf32> to vector<1x16xf32>
        tpu.vector_store %arg10[%swap3A_706, %swap3A_707], %swap3A_710 {strides = array<i32>} : memref<40x128xf32, #tpu.memory_space<vmem>>, vector<1x16xf32>,
        %get3A_711 = arith.constant 0 : i32
        %get3A_712 = arith.index_cast %get3A_711 : i32 to index
        %get3A_713 = arith.index_cast %scan3A_555 : i32 to index
        %get3A_714 = arith.constant 64 : index
        %get3A_715 = tpu.vector_load %arg6[%get3A_712, %get3A_713, %get3A_714] {strides = array<i32>} : memref<5x40x128xf32, #tpu.memory_space<vmem>>, vector<1x1x16xf32>,
        %get3A_716 = vector.shape_cast %get3A_715 : vector<1x1x16xf32> to vector<16xf32>
        %get3A_717 = arith.constant 1 : i32
        %get3A_718 = arith.index_cast %get3A_717 : i32 to index
        %get3A_719 = arith.index_cast %scan3A_555 : i32 to index
        %get3A_720 = arith.constant 64 : index
        %get3A_721 = tpu.vector_load %arg6[%get3A_718, %get3A_719, %get3A_720] {strides = array<i32>} : memref<5x40x128xf32, #tpu.memory_space<vmem>>, vector<1x1x16xf32>,
        %get3A_722 = vector.shape_cast %get3A_721 : vector<1x1x16xf32> to vector<16xf32>
        %add3A_723 = arith.addf %get3A_716, %get3A_722 : vector<16xf32>
        %get3A_724 = arith.constant 2 : i32
        %get3A_725 = arith.index_cast %get3A_724 : i32 to index
        %get3A_726 = arith.index_cast %scan3A_555 : i32 to index
        %get3A_727 = arith.constant 64 : index
        %get3A_728 = tpu.vector_load %arg6[%get3A_725, %get3A_726, %get3A_727] {strides = array<i32>} : memref<5x40x128xf32, #tpu.memory_space<vmem>>, vector<1x1x16xf32>,
        %get3A_729 = vector.shape_cast %get3A_728 : vector<1x1x16xf32> to vector<16xf32>
        %add3A_730 = arith.addf %add3A_723, %get3A_729 : vector<16xf32>
        %get3A_731 = arith.constant 3 : i32
        %get3A_732 = arith.index_cast %get3A_731 : i32 to index
        %get3A_733 = arith.index_cast %scan3A_555 : i32 to index
        %get3A_734 = arith.constant 64 : index
        %get3A_735 = tpu.vector_load %arg6[%get3A_732, %get3A_733, %get3A_734] {strides = array<i32>} : memref<5x40x128xf32, #tpu.memory_space<vmem>>, vector<1x1x16xf32>,
        %get3A_736 = vector.shape_cast %get3A_735 : vector<1x1x16xf32> to vector<16xf32>
        %add3A_737 = arith.addf %add3A_730, %get3A_736 : vector<16xf32>
        %get3A_738 = arith.constant 4 : i32
        %get3A_739 = arith.index_cast %get3A_738 : i32 to index
        %get3A_740 = arith.index_cast %scan3A_555 : i32 to index
        %get3A_741 = arith.constant 64 : index
        %get3A_742 = tpu.vector_load %arg6[%get3A_739, %get3A_740, %get3A_741] {strides = array<i32>} : memref<5x40x128xf32, #tpu.memory_space<vmem>>, vector<1x1x16xf32>,
        %get3A_743 = vector.shape_cast %get3A_742 : vector<1x1x16xf32> to vector<16xf32>
        %add3A_744 = arith.addf %add3A_737, %get3A_743 : vector<16xf32>
        %swap3A_745 = arith.index_cast %scan3A_555 : i32 to index
        %swap3A_746 = arith.constant 64 : index
        %swap3A_747 = tpu.vector_load %arg10[%swap3A_745, %swap3A_746] {strides = array<i32>} : memref<40x128xf32, #tpu.memory_space<vmem>>, vector<1x16xf32>,
        %swap3A_748 = vector.shape_cast %swap3A_747 : vector<1x16xf32> to vector<16xf32>
        %swap3A_749 = vector.shape_cast %add3A_744 : vector<16xf32> to vector<1x16xf32>
        tpu.vector_store %arg10[%swap3A_745, %swap3A_746], %swap3A_749 {strides = array<i32>} : memref<40x128xf32, #tpu.memory_space<vmem>>, vector<1x16xf32>,
        %get3A_750 = arith.constant 0 : i32
        %get3A_751 = arith.index_cast %get3A_750 : i32 to index
        %get3A_752 = arith.index_cast %scan3A_555 : i32 to index
        %get3A_753 = arith.constant 80 : index
        %get3A_754 = tpu.vector_load %arg6[%get3A_751, %get3A_752, %get3A_753] {strides = array<i32>} : memref<5x40x128xf32, #tpu.memory_space<vmem>>, vector<1x1x16xf32>,
        %get3A_755 = vector.shape_cast %get3A_754 : vector<1x1x16xf32> to vector<16xf32>
        %get3A_756 = arith.constant 1 : i32
        %get3A_757 = arith.index_cast %get3A_756 : i32 to index
        %get3A_758 = arith.index_cast %scan3A_555 : i32 to index
        %get3A_759 = arith.constant 80 : index
        %get3A_760 = tpu.vector_load %arg6[%get3A_757, %get3A_758, %get3A_759] {strides = array<i32>} : memref<5x40x128xf32, #tpu.memory_space<vmem>>, vector<1x1x16xf32>,
        %get3A_761 = vector.shape_cast %get3A_760 : vector<1x1x16xf32> to vector<16xf32>
        %add3A_762 = arith.addf %get3A_755, %get3A_761 : vector<16xf32>
        %get3A_763 = arith.constant 2 : i32
        %get3A_764 = arith.index_cast %get3A_763 : i32 to index
        %get3A_765 = arith.index_cast %scan3A_555 : i32 to index
        %get3A_766 = arith.constant 80 : index
        %get3A_767 = tpu.vector_load %arg6[%get3A_764, %get3A_765, %get3A_766] {strides = array<i32>} : memref<5x40x128xf32, #tpu.memory_space<vmem>>, vector<1x1x16xf32>,
        %get3A_768 = vector.shape_cast %get3A_767 : vector<1x1x16xf32> to vector<16xf32>
        %add3A_769 = arith.addf %add3A_762, %get3A_768 : vector<16xf32>
        %get3A_770 = arith.constant 3 : i32
        %get3A_771 = arith.index_cast %get3A_770 : i32 to index
        %get3A_772 = arith.index_cast %scan3A_555 : i32 to index
        %get3A_773 = arith.constant 80 : index
        %get3A_774 = tpu.vector_load %arg6[%get3A_771, %get3A_772, %get3A_773] {strides = array<i32>} : memref<5x40x128xf32, #tpu.memory_space<vmem>>, vector<1x1x16xf32>,
        %get3A_775 = vector.shape_cast %get3A_774 : vector<1x1x16xf32> to vector<16xf32>
        %add3A_776 = arith.addf %add3A_769, %get3A_775 : vector<16xf32>
        %get3A_777 = arith.constant 4 : i32
        %get3A_778 = arith.index_cast %get3A_777 : i32 to index
        %get3A_779 = arith.index_cast %scan3A_555 : i32 to index
        %get3A_780 = arith.constant 80 : index
        %get3A_781 = tpu.vector_load %arg6[%get3A_778, %get3A_779, %get3A_780] {strides = array<i32>} : memref<5x40x128xf32, #tpu.memory_space<vmem>>, vector<1x1x16xf32>,
        %get3A_782 = vector.shape_cast %get3A_781 : vector<1x1x16xf32> to vector<16xf32>
        %add3A_783 = arith.addf %add3A_776, %get3A_782 : vector<16xf32>
        %swap3A_784 = arith.index_cast %scan3A_555 : i32 to index
        %swap3A_785 = arith.constant 80 : index
        %swap3A_786 = tpu.vector_load %arg10[%swap3A_784, %swap3A_785] {strides = array<i32>} : memref<40x128xf32, #tpu.memory_space<vmem>>, vector<1x16xf32>,
        %swap3A_787 = vector.shape_cast %swap3A_786 : vector<1x16xf32> to vector<16xf32>
        %swap3A_788 = vector.shape_cast %add3A_783 : vector<16xf32> to vector<1x16xf32>
        tpu.vector_store %arg10[%swap3A_784, %swap3A_785], %swap3A_788 {strides = array<i32>} : memref<40x128xf32, #tpu.memory_space<vmem>>, vector<1x16xf32>,
        %get3A_789 = arith.constant 0 : i32
        %get3A_790 = arith.index_cast %get3A_789 : i32 to index
        %get3A_791 = arith.index_cast %scan3A_555 : i32 to index
        %get3A_792 = arith.constant 96 : index
        %get3A_793 = tpu.vector_load %arg6[%get3A_790, %get3A_791, %get3A_792] {strides = array<i32>} : memref<5x40x128xf32, #tpu.memory_space<vmem>>, vector<1x1x16xf32>,
        %get3A_794 = vector.shape_cast %get3A_793 : vector<1x1x16xf32> to vector<16xf32>
        %get3A_795 = arith.constant 1 : i32
        %get3A_796 = arith.index_cast %get3A_795 : i32 to index
        %get3A_797 = arith.index_cast %scan3A_555 : i32 to index
        %get3A_798 = arith.constant 96 : index
        %get3A_799 = tpu.vector_load %arg6[%get3A_796, %get3A_797, %get3A_798] {strides = array<i32>} : memref<5x40x128xf32, #tpu.memory_space<vmem>>, vector<1x1x16xf32>,
        %get3A_800 = vector.shape_cast %get3A_799 : vector<1x1x16xf32> to vector<16xf32>
        %add3A_801 = arith.addf %get3A_794, %get3A_800 : vector<16xf32>
        %get3A_802 = arith.constant 2 : i32
        %get3A_803 = arith.index_cast %get3A_802 : i32 to index
        %get3A_804 = arith.index_cast %scan3A_555 : i32 to index
        %get3A_805 = arith.constant 96 : index
        %get3A_806 = tpu.vector_load %arg6[%get3A_803, %get3A_804, %get3A_805] {strides = array<i32>} : memref<5x40x128xf32, #tpu.memory_space<vmem>>, vector<1x1x16xf32>,
        %get3A_807 = vector.shape_cast %get3A_806 : vector<1x1x16xf32> to vector<16xf32>
        %add3A_808 = arith.addf %add3A_801, %get3A_807 : vector<16xf32>
        %get3A_809 = arith.constant 3 : i32
        %get3A_810 = arith.index_cast %get3A_809 : i32 to index
        %get3A_811 = arith.index_cast %scan3A_555 : i32 to index
        %get3A_812 = arith.constant 96 : index
        %get3A_813 = tpu.vector_load %arg6[%get3A_810, %get3A_811, %get3A_812] {strides = array<i32>} : memref<5x40x128xf32, #tpu.memory_space<vmem>>, vector<1x1x16xf32>,
        %get3A_814 = vector.shape_cast %get3A_813 : vector<1x1x16xf32> to vector<16xf32>
        %add3A_815 = arith.addf %add3A_808, %get3A_814 : vector<16xf32>
        %get3A_816 = arith.constant 4 : i32
        %get3A_817 = arith.index_cast %get3A_816 : i32 to index
        %get3A_818 = arith.index_cast %scan3A_555 : i32 to index
        %get3A_819 = arith.constant 96 : index
        %get3A_820 = tpu.vector_load %arg6[%get3A_817, %get3A_818, %get3A_819] {strides = array<i32>} : memref<5x40x128xf32, #tpu.memory_space<vmem>>, vector<1x1x16xf32>,
        %get3A_821 = vector.shape_cast %get3A_820 : vector<1x1x16xf32> to vector<16xf32>
        %add3A_822 = arith.addf %add3A_815, %get3A_821 : vector<16xf32>
        %swap3A_823 = arith.index_cast %scan3A_555 : i32 to index
        %swap3A_824 = arith.constant 96 : index
        %swap3A_825 = tpu.vector_load %arg10[%swap3A_823, %swap3A_824] {strides = array<i32>} : memref<40x128xf32, #tpu.memory_space<vmem>>, vector<1x16xf32>,
        %swap3A_826 = vector.shape_cast %swap3A_825 : vector<1x16xf32> to vector<16xf32>
        %swap3A_827 = vector.shape_cast %add3A_822 : vector<16xf32> to vector<1x16xf32>
        tpu.vector_store %arg10[%swap3A_823, %swap3A_824], %swap3A_827 {strides = array<i32>} : memref<40x128xf32, #tpu.memory_space<vmem>>, vector<1x16xf32>,
        %get3A_828 = arith.constant 0 : i32
        %get3A_829 = arith.index_cast %get3A_828 : i32 to index
        %get3A_830 = arith.index_cast %scan3A_555 : i32 to index
        %get3A_831 = arith.constant 112 : index
        %get3A_832 = tpu.vector_load %arg6[%get3A_829, %get3A_830, %get3A_831] {strides = array<i32>} : memref<5x40x128xf32, #tpu.memory_space<vmem>>, vector<1x1x16xf32>,
        %get3A_833 = vector.shape_cast %get3A_832 : vector<1x1x16xf32> to vector<16xf32>
        %get3A_834 = arith.constant 1 : i32
        %get3A_835 = arith.index_cast %get3A_834 : i32 to index
        %get3A_836 = arith.index_cast %scan3A_555 : i32 to index
        %get3A_837 = arith.constant 112 : index
        %get3A_838 = tpu.vector_load %arg6[%get3A_835, %get3A_836, %get3A_837] {strides = array<i32>} : memref<5x40x128xf32, #tpu.memory_space<vmem>>, vector<1x1x16xf32>,
        %get3A_839 = vector.shape_cast %get3A_838 : vector<1x1x16xf32> to vector<16xf32>
        %add3A_840 = arith.addf %get3A_833, %get3A_839 : vector<16xf32>
        %get3A_841 = arith.constant 2 : i32
        %get3A_842 = arith.index_cast %get3A_841 : i32 to index
        %get3A_843 = arith.index_cast %scan3A_555 : i32 to index
        %get3A_844 = arith.constant 112 : index
        %get3A_845 = tpu.vector_load %arg6[%get3A_842, %get3A_843, %get3A_844] {strides = array<i32>} : memref<5x40x128xf32, #tpu.memory_space<vmem>>, vector<1x1x16xf32>,
        %get3A_846 = vector.shape_cast %get3A_845 : vector<1x1x16xf32> to vector<16xf32>
        %add3A_847 = arith.addf %add3A_840, %get3A_846 : vector<16xf32>
        %get3A_848 = arith.constant 3 : i32
        %get3A_849 = arith.index_cast %get3A_848 : i32 to index
        %get3A_850 = arith.index_cast %scan3A_555 : i32 to index
        %get3A_851 = arith.constant 112 : index
        %get3A_852 = tpu.vector_load %arg6[%get3A_849, %get3A_850, %get3A_851] {strides = array<i32>} : memref<5x40x128xf32, #tpu.memory_space<vmem>>, vector<1x1x16xf32>,
        %get3A_853 = vector.shape_cast %get3A_852 : vector<1x1x16xf32> to vector<16xf32>
        %add3A_854 = arith.addf %add3A_847, %get3A_853 : vector<16xf32>
        %get3A_855 = arith.constant 4 : i32
        %get3A_856 = arith.index_cast %get3A_855 : i32 to index
        %get3A_857 = arith.index_cast %scan3A_555 : i32 to index
        %get3A_858 = arith.constant 112 : index
        %get3A_859 = tpu.vector_load %arg6[%get3A_856, %get3A_857, %get3A_858] {strides = array<i32>} : memref<5x40x128xf32, #tpu.memory_space<vmem>>, vector<1x1x16xf32>,
        %get3A_860 = vector.shape_cast %get3A_859 : vector<1x1x16xf32> to vector<16xf32>
        %add3A_861 = arith.addf %add3A_854, %get3A_860 : vector<16xf32>
        %swap3A_862 = arith.index_cast %scan3A_555 : i32 to index
        %swap3A_863 = arith.constant 112 : index
        %swap3A_864 = tpu.vector_load %arg10[%swap3A_862, %swap3A_863] {strides = array<i32>} : memref<40x128xf32, #tpu.memory_space<vmem>>, vector<1x16xf32>,
        %swap3A_865 = vector.shape_cast %swap3A_864 : vector<1x16xf32> to vector<16xf32>
        %swap3A_866 = vector.shape_cast %add3A_861 : vector<16xf32> to vector<1x16xf32>
        tpu.vector_store %arg10[%swap3A_862, %swap3A_863], %swap3A_866 {strides = array<i32>} : memref<40x128xf32, #tpu.memory_space<vmem>>, vector<1x16xf32>,
        %scan3A_867 = arith.constant 0 : i32
        scf.yield %scan3A_867 : i32
      }
      %scan3A_332 = arith.constant 40 : i32
      %mul3A_333 = arith.constant 40 : i32
      %mul3A_334 = arith.muli %add3A, %mul3A_333 : i32
      %add3A_335 = arith.addi %mul3A_334, %add3A_281 : i32
      %min3A = arith.constant 1219 : i32
      %min3A_336 = arith.minsi %add3A_335, %min3A : i32
      %mul3A_337 = arith.constant 40 : i32
      %mul3A_338 = arith.muli %min3A_336, %mul3A_337 : i32
      %dma_start3A_339 = arith.constant 0 : i32
      %dma_start3A_340 = tpu.memref_slice %arg4[%mul3A_338, %dma_start3A_339] : memref<48800x128xf32, #tpu.memory_space<hbm>> -> memref<40x128xf32, #tpu.memory_space<hbm>>
      %dma_start3A_341 = arith.constant 0 : i32
      %dma_start3A_342 = tpu.memref_slice %arg4[%mul3A_338, %dma_start3A_341] : memref<48800x128xf32, #tpu.memory_space<hbm>> -> memref<40x128xf32, #tpu.memory_space<hbm>>
      tpu.enqueue_dma source(%arg10 : memref<40x128xf32, #tpu.memory_space<vmem>>) target(%dma_start3A_342 : memref<40x128xf32, #tpu.memory_space<hbm>>) target_semaphore(%arg16 : memref<!tpu.dma_semaphore, #tpu.memory_space<semaphore_mem>>)
      %add3A_343 = arith.constant 1 : i32
      %add3A_344 = arith.addi %mul3A_12, %add3A_343 : i32
      %dma_wait3A_345 = arith.constant 0 : i32
      %dma_wait3A_346 = arith.constant 0 : i32
      %dma_wait3A_347 = arith.constant 0 : i32
      %dma_wait3A_348 = tpu.memref_slice %arg7[%dma_wait3A_345, %dma_wait3A_346, %dma_wait3A_347] : memref<5x40x128xf32, #tpu.memory_space<vmem>> -> memref<1x40x128xf32, #tpu.memory_space<vmem>>
      %dma_wait3A_349 = tpu.memref_squeeze %dma_wait3A_348 : memref<1x40x128xf32, #tpu.memory_space<vmem>> -> memref<40x128xf32, #tpu.memory_space<vmem>>
      %dma_wait3A_350 = tpu.memref_slice %arg5[%add3A_84] : memref<8000xi32, #tpu.memory_space<vmem>> -> memref<40xi32, #tpu.memory_space<vmem>>
      %dma_wait3A_351 = arith.constant 0 : i32
      %dma_wait3A_352 = arith.constant 0 : i32
      %dma_wait3A_353 = tpu.memref_slice %arg3[%dma_wait3A_351, %dma_wait3A_352] : memref<100000x128xf32, #tpu.memory_space<hbm>> -> memref<100000x128xf32, #tpu.memory_space<hbm>>
      tpu.wait_indirect_dma semaphore(%arg13 : memref<!tpu.dma_semaphore, #tpu.memory_space<semaphore_mem>>) src(%dma_wait3A_353 : memref<100000x128xf32, #tpu.memory_space<hbm>>) dst(%dma_wait3A_349 : memref<40x128xf32, #tpu.memory_space<vmem>>)
      %dma_wait3A_354 = arith.constant 1 : i32
      %dma_wait3A_355 = arith.constant 0 : i32
      %dma_wait3A_356 = arith.constant 0 : i32
      %dma_wait3A_357 = tpu.memref_slice %arg7[%dma_wait3A_354, %dma_wait3A_355, %dma_wait3A_356] : memref<5x40x128xf32, #tpu.memory_space<vmem>> -> memref<1x40x128xf32, #tpu.memory_space<vmem>>
      %dma_wait3A_358 = tpu.memref_squeeze %dma_wait3A_357 : memref<1x40x128xf32, #tpu.memory_space<vmem>> -> memref<40x128xf32, #tpu.memory_space<vmem>>
      %dma_wait3A_359 = tpu.memref_slice %arg5[%add3A_97] : memref<8000xi32, #tpu.memory_space<vmem>> -> memref<40xi32, #tpu.memory_space<vmem>>
      %dma_wait3A_360 = arith.constant 0 : i32
      %dma_wait3A_361 = arith.constant 0 : i32
      %dma_wait3A_362 = tpu.memref_slice %arg3[%dma_wait3A_360, %dma_wait3A_361] : memref<100000x128xf32, #tpu.memory_space<hbm>> -> memref<100000x128xf32, #tpu.memory_space<hbm>>
      tpu.wait_indirect_dma semaphore(%arg13 : memref<!tpu.dma_semaphore, #tpu.memory_space<semaphore_mem>>) src(%dma_wait3A_362 : memref<100000x128xf32, #tpu.memory_space<hbm>>) dst(%dma_wait3A_358 : memref<40x128xf32, #tpu.memory_space<vmem>>)
      %dma_wait3A_363 = arith.constant 2 : i32
      %dma_wait3A_364 = arith.constant 0 : i32
      %dma_wait3A_365 = arith.constant 0 : i32
      %dma_wait3A_366 = tpu.memref_slice %arg7[%dma_wait3A_363, %dma_wait3A_364, %dma_wait3A_365] : memref<5x40x128xf32, #tpu.memory_space<vmem>> -> memref<1x40x128xf32, #tpu.memory_space<vmem>>
      %dma_wait3A_367 = tpu.memref_squeeze %dma_wait3A_366 : memref<1x40x128xf32, #tpu.memory_space<vmem>> -> memref<40x128xf32, #tpu.memory_space<vmem>>
      %dma_wait3A_368 = tpu.memref_slice %arg5[%add3A_110] : memref<8000xi32, #tpu.memory_space<vmem>> -> memref<40xi32, #tpu.memory_space<vmem>>
      %dma_wait3A_369 = arith.constant 0 : i32
      %dma_wait3A_370 = arith.constant 0 : i32
      %dma_wait3A_371 = tpu.memref_slice %arg3[%dma_wait3A_369, %dma_wait3A_370] : memref<100000x128xf32, #tpu.memory_space<hbm>> -> memref<100000x128xf32, #tpu.memory_space<hbm>>
      tpu.wait_indirect_dma semaphore(%arg13 : memref<!tpu.dma_semaphore, #tpu.memory_space<semaphore_mem>>) src(%dma_wait3A_371 : memref<100000x128xf32, #tpu.memory_space<hbm>>) dst(%dma_wait3A_367 : memref<40x128xf32, #tpu.memory_space<vmem>>)
      %dma_wait3A_372 = arith.constant 3 : i32
      %dma_wait3A_373 = arith.constant 0 : i32
      %dma_wait3A_374 = arith.constant 0 : i32
      %dma_wait3A_375 = tpu.memref_slice %arg7[%dma_wait3A_372, %dma_wait3A_373, %dma_wait3A_374] : memref<5x40x128xf32, #tpu.memory_space<vmem>> -> memref<1x40x128xf32, #tpu.memory_space<vmem>>
      %dma_wait3A_376 = tpu.memref_squeeze %dma_wait3A_375 : memref<1x40x128xf32, #tpu.memory_space<vmem>> -> memref<40x128xf32, #tpu.memory_space<vmem>>
      %dma_wait3A_377 = tpu.memref_slice %arg5[%add3A_123] : memref<8000xi32, #tpu.memory_space<vmem>> -> memref<40xi32, #tpu.memory_space<vmem>>
      %dma_wait3A_378 = arith.constant 0 : i32
      %dma_wait3A_379 = arith.constant 0 : i32
      %dma_wait3A_380 = tpu.memref_slice %arg3[%dma_wait3A_378, %dma_wait3A_379] : memref<100000x128xf32, #tpu.memory_space<hbm>> -> memref<100000x128xf32, #tpu.memory_space<hbm>>
      tpu.wait_indirect_dma semaphore(%arg13 : memref<!tpu.dma_semaphore, #tpu.memory_space<semaphore_mem>>) src(%dma_wait3A_380 : memref<100000x128xf32, #tpu.memory_space<hbm>>) dst(%dma_wait3A_376 : memref<40x128xf32, #tpu.memory_space<vmem>>)
      %dma_wait3A_381 = arith.constant 4 : i32
      %dma_wait3A_382 = arith.constant 0 : i32
      %dma_wait3A_383 = arith.constant 0 : i32
      %dma_wait3A_384 = tpu.memref_slice %arg7[%dma_wait3A_381, %dma_wait3A_382, %dma_wait3A_383] : memref<5x40x128xf32, #tpu.memory_space<vmem>> -> memref<1x40x128xf32, #tpu.memory_space<vmem>>
      %dma_wait3A_385 = tpu.memref_squeeze %dma_wait3A_384 : memref<1x40x128xf32, #tpu.memory_space<vmem>> -> memref<40x128xf32, #tpu.memory_space<vmem>>
      %dma_wait3A_386 = tpu.memref_slice %arg5[%add3A_136] : memref<8000xi32, #tpu.memory_space<vmem>> -> memref<40xi32, #tpu.memory_space<vmem>>
      %dma_wait3A_387 = arith.constant 0 : i32
      %dma_wait3A_388 = arith.constant 0 : i32
      %dma_wait3A_389 = tpu.memref_slice %arg3[%dma_wait3A_387, %dma_wait3A_388] : memref<100000x128xf32, #tpu.memory_space<hbm>> -> memref<100000x128xf32, #tpu.memory_space<hbm>>
      tpu.wait_indirect_dma semaphore(%arg13 : memref<!tpu.dma_semaphore, #tpu.memory_space<semaphore_mem>>) src(%dma_wait3A_389 : memref<100000x128xf32, #tpu.memory_space<hbm>>) dst(%dma_wait3A_385 : memref<40x128xf32, #tpu.memory_space<vmem>>)
      %scan3A_390 = arith.constant 0 : i32
      %scan3A_391 = arith.constant 0 : i32
      %scan3A_392 = arith.constant 40 : i32
      %scan3A_393 = arith.addi %scan3A_391, %scan3A_392 : i32
      %scan3A_394 = arith.constant 1 : i32
      %scan3A_395 = scf.for %scan3A_555 = %scan3A_391 to %scan3A_393 step %scan3A_394 iter_args(%scan3A_556 = %scan3A_390) -> (i32)  : i32 {
        %get3A = arith.constant 0 : i32
        %get3A_557 = arith.index_cast %get3A : i32 to index
        %get3A_558 = arith.index_cast %scan3A_555 : i32 to index
        %get3A_559 = arith.constant 0 : index
        %get3A_560 = tpu.vector_load %arg7[%get3A_557, %get3A_558, %get3A_559] {strides = array<i32>} : memref<5x40x128xf32, #tpu.memory_space<vmem>>, vector<1x1x16xf32>,
        %get3A_561 = vector.shape_cast %get3A_560 : vector<1x1x16xf32> to vector<16xf32>
        %get3A_562 = arith.constant 1 : i32
        %get3A_563 = arith.index_cast %get3A_562 : i32 to index
        %get3A_564 = arith.index_cast %scan3A_555 : i32 to index
        %get3A_565 = arith.constant 0 : index
        %get3A_566 = tpu.vector_load %arg7[%get3A_563, %get3A_564, %get3A_565] {strides = array<i32>} : memref<5x40x128xf32, #tpu.memory_space<vmem>>, vector<1x1x16xf32>,
        %get3A_567 = vector.shape_cast %get3A_566 : vector<1x1x16xf32> to vector<16xf32>
        %add3A_568 = arith.addf %get3A_561, %get3A_567 : vector<16xf32>
        %get3A_569 = arith.constant 2 : i32
        %get3A_570 = arith.index_cast %get3A_569 : i32 to index
        %get3A_571 = arith.index_cast %scan3A_555 : i32 to index
        %get3A_572 = arith.constant 0 : index
        %get3A_573 = tpu.vector_load %arg7[%get3A_570, %get3A_571, %get3A_572] {strides = array<i32>} : memref<5x40x128xf32, #tpu.memory_space<vmem>>, vector<1x1x16xf32>,
        %get3A_574 = vector.shape_cast %get3A_573 : vector<1x1x16xf32> to vector<16xf32>
        %add3A_575 = arith.addf %add3A_568, %get3A_574 : vector<16xf32>
        %get3A_576 = arith.constant 3 : i32
        %get3A_577 = arith.index_cast %get3A_576 : i32 to index
        %get3A_578 = arith.index_cast %scan3A_555 : i32 to index
        %get3A_579 = arith.constant 0 : index
        %get3A_580 = tpu.vector_load %arg7[%get3A_577, %get3A_578, %get3A_579] {strides = array<i32>} : memref<5x40x128xf32, #tpu.memory_space<vmem>>, vector<1x1x16xf32>,
        %get3A_581 = vector.shape_cast %get3A_580 : vector<1x1x16xf32> to vector<16xf32>
        %add3A_582 = arith.addf %add3A_575, %get3A_581 : vector<16xf32>
        %get3A_583 = arith.constant 4 : i32
        %get3A_584 = arith.index_cast %get3A_583 : i32 to index
        %get3A_585 = arith.index_cast %scan3A_555 : i32 to index
        %get3A_586 = arith.constant 0 : index
        %get3A_587 = tpu.vector_load %arg7[%get3A_584, %get3A_585, %get3A_586] {strides = array<i32>} : memref<5x40x128xf32, #tpu.memory_space<vmem>>, vector<1x1x16xf32>,
        %get3A_588 = vector.shape_cast %get3A_587 : vector<1x1x16xf32> to vector<16xf32>
        %add3A_589 = arith.addf %add3A_582, %get3A_588 : vector<16xf32>
        %swap3A = arith.index_cast %scan3A_555 : i32 to index
        %swap3A_590 = arith.constant 0 : index
        %swap3A_591 = tpu.vector_load %arg11[%swap3A, %swap3A_590] {strides = array<i32>} : memref<40x128xf32, #tpu.memory_space<vmem>>, vector<1x16xf32>,
        %swap3A_592 = vector.shape_cast %swap3A_591 : vector<1x16xf32> to vector<16xf32>
        %swap3A_593 = vector.shape_cast %add3A_589 : vector<16xf32> to vector<1x16xf32>
        tpu.vector_store %arg11[%swap3A, %swap3A_590], %swap3A_593 {strides = array<i32>} : memref<40x128xf32, #tpu.memory_space<vmem>>, vector<1x16xf32>,
        %get3A_594 = arith.constant 0 : i32
        %get3A_595 = arith.index_cast %get3A_594 : i32 to index
        %get3A_596 = arith.index_cast %scan3A_555 : i32 to index
        %get3A_597 = arith.constant 16 : index
        %get3A_598 = tpu.vector_load %arg7[%get3A_595, %get3A_596, %get3A_597] {strides = array<i32>} : memref<5x40x128xf32, #tpu.memory_space<vmem>>, vector<1x1x16xf32>,
        %get3A_599 = vector.shape_cast %get3A_598 : vector<1x1x16xf32> to vector<16xf32>
        %get3A_600 = arith.constant 1 : i32
        %get3A_601 = arith.index_cast %get3A_600 : i32 to index
        %get3A_602 = arith.index_cast %scan3A_555 : i32 to index
        %get3A_603 = arith.constant 16 : index
        %get3A_604 = tpu.vector_load %arg7[%get3A_601, %get3A_602, %get3A_603] {strides = array<i32>} : memref<5x40x128xf32, #tpu.memory_space<vmem>>, vector<1x1x16xf32>,
        %get3A_605 = vector.shape_cast %get3A_604 : vector<1x1x16xf32> to vector<16xf32>
        %add3A_606 = arith.addf %get3A_599, %get3A_605 : vector<16xf32>
        %get3A_607 = arith.constant 2 : i32
        %get3A_608 = arith.index_cast %get3A_607 : i32 to index
        %get3A_609 = arith.index_cast %scan3A_555 : i32 to index
        %get3A_610 = arith.constant 16 : index
        %get3A_611 = tpu.vector_load %arg7[%get3A_608, %get3A_609, %get3A_610] {strides = array<i32>} : memref<5x40x128xf32, #tpu.memory_space<vmem>>, vector<1x1x16xf32>,
        %get3A_612 = vector.shape_cast %get3A_611 : vector<1x1x16xf32> to vector<16xf32>
        %add3A_613 = arith.addf %add3A_606, %get3A_612 : vector<16xf32>
        %get3A_614 = arith.constant 3 : i32
        %get3A_615 = arith.index_cast %get3A_614 : i32 to index
        %get3A_616 = arith.index_cast %scan3A_555 : i32 to index
        %get3A_617 = arith.constant 16 : index
        %get3A_618 = tpu.vector_load %arg7[%get3A_615, %get3A_616, %get3A_617] {strides = array<i32>} : memref<5x40x128xf32, #tpu.memory_space<vmem>>, vector<1x1x16xf32>,
        %get3A_619 = vector.shape_cast %get3A_618 : vector<1x1x16xf32> to vector<16xf32>
        %add3A_620 = arith.addf %add3A_613, %get3A_619 : vector<16xf32>
        %get3A_621 = arith.constant 4 : i32
        %get3A_622 = arith.index_cast %get3A_621 : i32 to index
        %get3A_623 = arith.index_cast %scan3A_555 : i32 to index
        %get3A_624 = arith.constant 16 : index
        %get3A_625 = tpu.vector_load %arg7[%get3A_622, %get3A_623, %get3A_624] {strides = array<i32>} : memref<5x40x128xf32, #tpu.memory_space<vmem>>, vector<1x1x16xf32>,
        %get3A_626 = vector.shape_cast %get3A_625 : vector<1x1x16xf32> to vector<16xf32>
        %add3A_627 = arith.addf %add3A_620, %get3A_626 : vector<16xf32>
        %swap3A_628 = arith.index_cast %scan3A_555 : i32 to index
        %swap3A_629 = arith.constant 16 : index
        %swap3A_630 = tpu.vector_load %arg11[%swap3A_628, %swap3A_629] {strides = array<i32>} : memref<40x128xf32, #tpu.memory_space<vmem>>, vector<1x16xf32>,
        %swap3A_631 = vector.shape_cast %swap3A_630 : vector<1x16xf32> to vector<16xf32>
        %swap3A_632 = vector.shape_cast %add3A_627 : vector<16xf32> to vector<1x16xf32>
        tpu.vector_store %arg11[%swap3A_628, %swap3A_629], %swap3A_632 {strides = array<i32>} : memref<40x128xf32, #tpu.memory_space<vmem>>, vector<1x16xf32>,
        %get3A_633 = arith.constant 0 : i32
        %get3A_634 = arith.index_cast %get3A_633 : i32 to index
        %get3A_635 = arith.index_cast %scan3A_555 : i32 to index
        %get3A_636 = arith.constant 32 : index
        %get3A_637 = tpu.vector_load %arg7[%get3A_634, %get3A_635, %get3A_636] {strides = array<i32>} : memref<5x40x128xf32, #tpu.memory_space<vmem>>, vector<1x1x16xf32>,
        %get3A_638 = vector.shape_cast %get3A_637 : vector<1x1x16xf32> to vector<16xf32>
        %get3A_639 = arith.constant 1 : i32
        %get3A_640 = arith.index_cast %get3A_639 : i32 to index
        %get3A_641 = arith.index_cast %scan3A_555 : i32 to index
        %get3A_642 = arith.constant 32 : index
        %get3A_643 = tpu.vector_load %arg7[%get3A_640, %get3A_641, %get3A_642] {strides = array<i32>} : memref<5x40x128xf32, #tpu.memory_space<vmem>>, vector<1x1x16xf32>,
        %get3A_644 = vector.shape_cast %get3A_643 : vector<1x1x16xf32> to vector<16xf32>
        %add3A_645 = arith.addf %get3A_638, %get3A_644 : vector<16xf32>
        %get3A_646 = arith.constant 2 : i32
        %get3A_647 = arith.index_cast %get3A_646 : i32 to index
        %get3A_648 = arith.index_cast %scan3A_555 : i32 to index
        %get3A_649 = arith.constant 32 : index
        %get3A_650 = tpu.vector_load %arg7[%get3A_647, %get3A_648, %get3A_649] {strides = array<i32>} : memref<5x40x128xf32, #tpu.memory_space<vmem>>, vector<1x1x16xf32>,
        %get3A_651 = vector.shape_cast %get3A_650 : vector<1x1x16xf32> to vector<16xf32>
        %add3A_652 = arith.addf %add3A_645, %get3A_651 : vector<16xf32>
        %get3A_653 = arith.constant 3 : i32
        %get3A_654 = arith.index_cast %get3A_653 : i32 to index
        %get3A_655 = arith.index_cast %scan3A_555 : i32 to index
        %get3A_656 = arith.constant 32 : index
        %get3A_657 = tpu.vector_load %arg7[%get3A_654, %get3A_655, %get3A_656] {strides = array<i32>} : memref<5x40x128xf32, #tpu.memory_space<vmem>>, vector<1x1x16xf32>,
        %get3A_658 = vector.shape_cast %get3A_657 : vector<1x1x16xf32> to vector<16xf32>
        %add3A_659 = arith.addf %add3A_652, %get3A_658 : vector<16xf32>
        %get3A_660 = arith.constant 4 : i32
        %get3A_661 = arith.index_cast %get3A_660 : i32 to index
        %get3A_662 = arith.index_cast %scan3A_555 : i32 to index
        %get3A_663 = arith.constant 32 : index
        %get3A_664 = tpu.vector_load %arg7[%get3A_661, %get3A_662, %get3A_663] {strides = array<i32>} : memref<5x40x128xf32, #tpu.memory_space<vmem>>, vector<1x1x16xf32>,
        %get3A_665 = vector.shape_cast %get3A_664 : vector<1x1x16xf32> to vector<16xf32>
        %add3A_666 = arith.addf %add3A_659, %get3A_665 : vector<16xf32>
        %swap3A_667 = arith.index_cast %scan3A_555 : i32 to index
        %swap3A_668 = arith.constant 32 : index
        %swap3A_669 = tpu.vector_load %arg11[%swap3A_667, %swap3A_668] {strides = array<i32>} : memref<40x128xf32, #tpu.memory_space<vmem>>, vector<1x16xf32>,
        %swap3A_670 = vector.shape_cast %swap3A_669 : vector<1x16xf32> to vector<16xf32>
        %swap3A_671 = vector.shape_cast %add3A_666 : vector<16xf32> to vector<1x16xf32>
        tpu.vector_store %arg11[%swap3A_667, %swap3A_668], %swap3A_671 {strides = array<i32>} : memref<40x128xf32, #tpu.memory_space<vmem>>, vector<1x16xf32>,
        %get3A_672 = arith.constant 0 : i32
        %get3A_673 = arith.index_cast %get3A_672 : i32 to index
        %get3A_674 = arith.index_cast %scan3A_555 : i32 to index
        %get3A_675 = arith.constant 48 : index
        %get3A_676 = tpu.vector_load %arg7[%get3A_673, %get3A_674, %get3A_675] {strides = array<i32>} : memref<5x40x128xf32, #tpu.memory_space<vmem>>, vector<1x1x16xf32>,
        %get3A_677 = vector.shape_cast %get3A_676 : vector<1x1x16xf32> to vector<16xf32>
        %get3A_678 = arith.constant 1 : i32
        %get3A_679 = arith.index_cast %get3A_678 : i32 to index
        %get3A_680 = arith.index_cast %scan3A_555 : i32 to index
        %get3A_681 = arith.constant 48 : index
        %get3A_682 = tpu.vector_load %arg7[%get3A_679, %get3A_680, %get3A_681] {strides = array<i32>} : memref<5x40x128xf32, #tpu.memory_space<vmem>>, vector<1x1x16xf32>,
        %get3A_683 = vector.shape_cast %get3A_682 : vector<1x1x16xf32> to vector<16xf32>
        %add3A_684 = arith.addf %get3A_677, %get3A_683 : vector<16xf32>
        %get3A_685 = arith.constant 2 : i32
        %get3A_686 = arith.index_cast %get3A_685 : i32 to index
        %get3A_687 = arith.index_cast %scan3A_555 : i32 to index
        %get3A_688 = arith.constant 48 : index
        %get3A_689 = tpu.vector_load %arg7[%get3A_686, %get3A_687, %get3A_688] {strides = array<i32>} : memref<5x40x128xf32, #tpu.memory_space<vmem>>, vector<1x1x16xf32>,
        %get3A_690 = vector.shape_cast %get3A_689 : vector<1x1x16xf32> to vector<16xf32>
        %add3A_691 = arith.addf %add3A_684, %get3A_690 : vector<16xf32>
        %get3A_692 = arith.constant 3 : i32
        %get3A_693 = arith.index_cast %get3A_692 : i32 to index
        %get3A_694 = arith.index_cast %scan3A_555 : i32 to index
        %get3A_695 = arith.constant 48 : index
        %get3A_696 = tpu.vector_load %arg7[%get3A_693, %get3A_694, %get3A_695] {strides = array<i32>} : memref<5x40x128xf32, #tpu.memory_space<vmem>>, vector<1x1x16xf32>,
        %get3A_697 = vector.shape_cast %get3A_696 : vector<1x1x16xf32> to vector<16xf32>
        %add3A_698 = arith.addf %add3A_691, %get3A_697 : vector<16xf32>
        %get3A_699 = arith.constant 4 : i32
        %get3A_700 = arith.index_cast %get3A_699 : i32 to index
        %get3A_701 = arith.index_cast %scan3A_555 : i32 to index
        %get3A_702 = arith.constant 48 : index
        %get3A_703 = tpu.vector_load %arg7[%get3A_700, %get3A_701, %get3A_702] {strides = array<i32>} : memref<5x40x128xf32, #tpu.memory_space<vmem>>, vector<1x1x16xf32>,
        %get3A_704 = vector.shape_cast %get3A_703 : vector<1x1x16xf32> to vector<16xf32>
        %add3A_705 = arith.addf %add3A_698, %get3A_704 : vector<16xf32>
        %swap3A_706 = arith.index_cast %scan3A_555 : i32 to index
        %swap3A_707 = arith.constant 48 : index
        %swap3A_708 = tpu.vector_load %arg11[%swap3A_706, %swap3A_707] {strides = array<i32>} : memref<40x128xf32, #tpu.memory_space<vmem>>, vector<1x16xf32>,
        %swap3A_709 = vector.shape_cast %swap3A_708 : vector<1x16xf32> to vector<16xf32>
        %swap3A_710 = vector.shape_cast %add3A_705 : vector<16xf32> to vector<1x16xf32>
        tpu.vector_store %arg11[%swap3A_706, %swap3A_707], %swap3A_710 {strides = array<i32>} : memref<40x128xf32, #tpu.memory_space<vmem>>, vector<1x16xf32>,
        %get3A_711 = arith.constant 0 : i32
        %get3A_712 = arith.index_cast %get3A_711 : i32 to index
        %get3A_713 = arith.index_cast %scan3A_555 : i32 to index
        %get3A_714 = arith.constant 64 : index
        %get3A_715 = tpu.vector_load %arg7[%get3A_712, %get3A_713, %get3A_714] {strides = array<i32>} : memref<5x40x128xf32, #tpu.memory_space<vmem>>, vector<1x1x16xf32>,
        %get3A_716 = vector.shape_cast %get3A_715 : vector<1x1x16xf32> to vector<16xf32>
        %get3A_717 = arith.constant 1 : i32
        %get3A_718 = arith.index_cast %get3A_717 : i32 to index
        %get3A_719 = arith.index_cast %scan3A_555 : i32 to index
        %get3A_720 = arith.constant 64 : index
        %get3A_721 = tpu.vector_load %arg7[%get3A_718, %get3A_719, %get3A_720] {strides = array<i32>} : memref<5x40x128xf32, #tpu.memory_space<vmem>>, vector<1x1x16xf32>,
        %get3A_722 = vector.shape_cast %get3A_721 : vector<1x1x16xf32> to vector<16xf32>
        %add3A_723 = arith.addf %get3A_716, %get3A_722 : vector<16xf32>
        %get3A_724 = arith.constant 2 : i32
        %get3A_725 = arith.index_cast %get3A_724 : i32 to index
        %get3A_726 = arith.index_cast %scan3A_555 : i32 to index
        %get3A_727 = arith.constant 64 : index
        %get3A_728 = tpu.vector_load %arg7[%get3A_725, %get3A_726, %get3A_727] {strides = array<i32>} : memref<5x40x128xf32, #tpu.memory_space<vmem>>, vector<1x1x16xf32>,
        %get3A_729 = vector.shape_cast %get3A_728 : vector<1x1x16xf32> to vector<16xf32>
        %add3A_730 = arith.addf %add3A_723, %get3A_729 : vector<16xf32>
        %get3A_731 = arith.constant 3 : i32
        %get3A_732 = arith.index_cast %get3A_731 : i32 to index
        %get3A_733 = arith.index_cast %scan3A_555 : i32 to index
        %get3A_734 = arith.constant 64 : index
        %get3A_735 = tpu.vector_load %arg7[%get3A_732, %get3A_733, %get3A_734] {strides = array<i32>} : memref<5x40x128xf32, #tpu.memory_space<vmem>>, vector<1x1x16xf32>,
        %get3A_736 = vector.shape_cast %get3A_735 : vector<1x1x16xf32> to vector<16xf32>
        %add3A_737 = arith.addf %add3A_730, %get3A_736 : vector<16xf32>
        %get3A_738 = arith.constant 4 : i32
        %get3A_739 = arith.index_cast %get3A_738 : i32 to index
        %get3A_740 = arith.index_cast %scan3A_555 : i32 to index
        %get3A_741 = arith.constant 64 : index
        %get3A_742 = tpu.vector_load %arg7[%get3A_739, %get3A_740, %get3A_741] {strides = array<i32>} : memref<5x40x128xf32, #tpu.memory_space<vmem>>, vector<1x1x16xf32>,
        %get3A_743 = vector.shape_cast %get3A_742 : vector<1x1x16xf32> to vector<16xf32>
        %add3A_744 = arith.addf %add3A_737, %get3A_743 : vector<16xf32>
        %swap3A_745 = arith.index_cast %scan3A_555 : i32 to index
        %swap3A_746 = arith.constant 64 : index
        %swap3A_747 = tpu.vector_load %arg11[%swap3A_745, %swap3A_746] {strides = array<i32>} : memref<40x128xf32, #tpu.memory_space<vmem>>, vector<1x16xf32>,
        %swap3A_748 = vector.shape_cast %swap3A_747 : vector<1x16xf32> to vector<16xf32>
        %swap3A_749 = vector.shape_cast %add3A_744 : vector<16xf32> to vector<1x16xf32>
        tpu.vector_store %arg11[%swap3A_745, %swap3A_746], %swap3A_749 {strides = array<i32>} : memref<40x128xf32, #tpu.memory_space<vmem>>, vector<1x16xf32>,
        %get3A_750 = arith.constant 0 : i32
        %get3A_751 = arith.index_cast %get3A_750 : i32 to index
        %get3A_752 = arith.index_cast %scan3A_555 : i32 to index
        %get3A_753 = arith.constant 80 : index
        %get3A_754 = tpu.vector_load %arg7[%get3A_751, %get3A_752, %get3A_753] {strides = array<i32>} : memref<5x40x128xf32, #tpu.memory_space<vmem>>, vector<1x1x16xf32>,
        %get3A_755 = vector.shape_cast %get3A_754 : vector<1x1x16xf32> to vector<16xf32>
        %get3A_756 = arith.constant 1 : i32
        %get3A_757 = arith.index_cast %get3A_756 : i32 to index
        %get3A_758 = arith.index_cast %scan3A_555 : i32 to index
        %get3A_759 = arith.constant 80 : index
        %get3A_760 = tpu.vector_load %arg7[%get3A_757, %get3A_758, %get3A_759] {strides = array<i32>} : memref<5x40x128xf32, #tpu.memory_space<vmem>>, vector<1x1x16xf32>,
        %get3A_761 = vector.shape_cast %get3A_760 : vector<1x1x16xf32> to vector<16xf32>
        %add3A_762 = arith.addf %get3A_755, %get3A_761 : vector<16xf32>
        %get3A_763 = arith.constant 2 : i32
        %get3A_764 = arith.index_cast %get3A_763 : i32 to index
        %get3A_765 = arith.index_cast %scan3A_555 : i32 to index
        %get3A_766 = arith.constant 80 : index
        %get3A_767 = tpu.vector_load %arg7[%get3A_764, %get3A_765, %get3A_766] {strides = array<i32>} : memref<5x40x128xf32, #tpu.memory_space<vmem>>, vector<1x1x16xf32>,
        %get3A_768 = vector.shape_cast %get3A_767 : vector<1x1x16xf32> to vector<16xf32>
        %add3A_769 = arith.addf %add3A_762, %get3A_768 : vector<16xf32>
        %get3A_770 = arith.constant 3 : i32
        %get3A_771 = arith.index_cast %get3A_770 : i32 to index
        %get3A_772 = arith.index_cast %scan3A_555 : i32 to index
        %get3A_773 = arith.constant 80 : index
        %get3A_774 = tpu.vector_load %arg7[%get3A_771, %get3A_772, %get3A_773] {strides = array<i32>} : memref<5x40x128xf32, #tpu.memory_space<vmem>>, vector<1x1x16xf32>,
        %get3A_775 = vector.shape_cast %get3A_774 : vector<1x1x16xf32> to vector<16xf32>
        %add3A_776 = arith.addf %add3A_769, %get3A_775 : vector<16xf32>
        %get3A_777 = arith.constant 4 : i32
        %get3A_778 = arith.index_cast %get3A_777 : i32 to index
        %get3A_779 = arith.index_cast %scan3A_555 : i32 to index
        %get3A_780 = arith.constant 80 : index
        %get3A_781 = tpu.vector_load %arg7[%get3A_778, %get3A_779, %get3A_780] {strides = array<i32>} : memref<5x40x128xf32, #tpu.memory_space<vmem>>, vector<1x1x16xf32>,
        %get3A_782 = vector.shape_cast %get3A_781 : vector<1x1x16xf32> to vector<16xf32>
        %add3A_783 = arith.addf %add3A_776, %get3A_782 : vector<16xf32>
        %swap3A_784 = arith.index_cast %scan3A_555 : i32 to index
        %swap3A_785 = arith.constant 80 : index
        %swap3A_786 = tpu.vector_load %arg11[%swap3A_784, %swap3A_785] {strides = array<i32>} : memref<40x128xf32, #tpu.memory_space<vmem>>, vector<1x16xf32>,
        %swap3A_787 = vector.shape_cast %swap3A_786 : vector<1x16xf32> to vector<16xf32>
        %swap3A_788 = vector.shape_cast %add3A_783 : vector<16xf32> to vector<1x16xf32>
        tpu.vector_store %arg11[%swap3A_784, %swap3A_785], %swap3A_788 {strides = array<i32>} : memref<40x128xf32, #tpu.memory_space<vmem>>, vector<1x16xf32>,
        %get3A_789 = arith.constant 0 : i32
        %get3A_790 = arith.index_cast %get3A_789 : i32 to index
        %get3A_791 = arith.index_cast %scan3A_555 : i32 to index
        %get3A_792 = arith.constant 96 : index
        %get3A_793 = tpu.vector_load %arg7[%get3A_790, %get3A_791, %get3A_792] {strides = array<i32>} : memref<5x40x128xf32, #tpu.memory_space<vmem>>, vector<1x1x16xf32>,
        %get3A_794 = vector.shape_cast %get3A_793 : vector<1x1x16xf32> to vector<16xf32>
        %get3A_795 = arith.constant 1 : i32
        %get3A_796 = arith.index_cast %get3A_795 : i32 to index
        %get3A_797 = arith.index_cast %scan3A_555 : i32 to index
        %get3A_798 = arith.constant 96 : index
        %get3A_799 = tpu.vector_load %arg7[%get3A_796, %get3A_797, %get3A_798] {strides = array<i32>} : memref<5x40x128xf32, #tpu.memory_space<vmem>>, vector<1x1x16xf32>,
        %get3A_800 = vector.shape_cast %get3A_799 : vector<1x1x16xf32> to vector<16xf32>
        %add3A_801 = arith.addf %get3A_794, %get3A_800 : vector<16xf32>
        %get3A_802 = arith.constant 2 : i32
        %get3A_803 = arith.index_cast %get3A_802 : i32 to index
        %get3A_804 = arith.index_cast %scan3A_555 : i32 to index
        %get3A_805 = arith.constant 96 : index
        %get3A_806 = tpu.vector_load %arg7[%get3A_803, %get3A_804, %get3A_805] {strides = array<i32>} : memref<5x40x128xf32, #tpu.memory_space<vmem>>, vector<1x1x16xf32>,
        %get3A_807 = vector.shape_cast %get3A_806 : vector<1x1x16xf32> to vector<16xf32>
        %add3A_808 = arith.addf %add3A_801, %get3A_807 : vector<16xf32>
        %get3A_809 = arith.constant 3 : i32
        %get3A_810 = arith.index_cast %get3A_809 : i32 to index
        %get3A_811 = arith.index_cast %scan3A_555 : i32 to index
        %get3A_812 = arith.constant 96 : index
        %get3A_813 = tpu.vector_load %arg7[%get3A_810, %get3A_811, %get3A_812] {strides = array<i32>} : memref<5x40x128xf32, #tpu.memory_space<vmem>>, vector<1x1x16xf32>,
        %get3A_814 = vector.shape_cast %get3A_813 : vector<1x1x16xf32> to vector<16xf32>
        %add3A_815 = arith.addf %add3A_808, %get3A_814 : vector<16xf32>
        %get3A_816 = arith.constant 4 : i32
        %get3A_817 = arith.index_cast %get3A_816 : i32 to index
        %get3A_818 = arith.index_cast %scan3A_555 : i32 to index
        %get3A_819 = arith.constant 96 : index
        %get3A_820 = tpu.vector_load %arg7[%get3A_817, %get3A_818, %get3A_819] {strides = array<i32>} : memref<5x40x128xf32, #tpu.memory_space<vmem>>, vector<1x1x16xf32>,
        %get3A_821 = vector.shape_cast %get3A_820 : vector<1x1x16xf32> to vector<16xf32>
        %add3A_822 = arith.addf %add3A_815, %get3A_821 : vector<16xf32>
        %swap3A_823 = arith.index_cast %scan3A_555 : i32 to index
        %swap3A_824 = arith.constant 96 : index
        %swap3A_825 = tpu.vector_load %arg11[%swap3A_823, %swap3A_824] {strides = array<i32>} : memref<40x128xf32, #tpu.memory_space<vmem>>, vector<1x16xf32>,
        %swap3A_826 = vector.shape_cast %swap3A_825 : vector<1x16xf32> to vector<16xf32>
        %swap3A_827 = vector.shape_cast %add3A_822 : vector<16xf32> to vector<1x16xf32>
        tpu.vector_store %arg11[%swap3A_823, %swap3A_824], %swap3A_827 {strides = array<i32>} : memref<40x128xf32, #tpu.memory_space<vmem>>, vector<1x16xf32>,
        %get3A_828 = arith.constant 0 : i32
        %get3A_829 = arith.index_cast %get3A_828 : i32 to index
        %get3A_830 = arith.index_cast %scan3A_555 : i32 to index
        %get3A_831 = arith.constant 112 : index
        %get3A_832 = tpu.vector_load %arg7[%get3A_829, %get3A_830, %get3A_831] {strides = array<i32>} : memref<5x40x128xf32, #tpu.memory_space<vmem>>, vector<1x1x16xf32>,
        %get3A_833 = vector.shape_cast %get3A_832 : vector<1x1x16xf32> to vector<16xf32>
        %get3A_834 = arith.constant 1 : i32
        %get3A_835 = arith.index_cast %get3A_834 : i32 to index
        %get3A_836 = arith.index_cast %scan3A_555 : i32 to index
        %get3A_837 = arith.constant 112 : index
        %get3A_838 = tpu.vector_load %arg7[%get3A_835, %get3A_836, %get3A_837] {strides = array<i32>} : memref<5x40x128xf32, #tpu.memory_space<vmem>>, vector<1x1x16xf32>,
        %get3A_839 = vector.shape_cast %get3A_838 : vector<1x1x16xf32> to vector<16xf32>
        %add3A_840 = arith.addf %get3A_833, %get3A_839 : vector<16xf32>
        %get3A_841 = arith.constant 2 : i32
        %get3A_842 = arith.index_cast %get3A_841 : i32 to index
        %get3A_843 = arith.index_cast %scan3A_555 : i32 to index
        %get3A_844 = arith.constant 112 : index
        %get3A_845 = tpu.vector_load %arg7[%get3A_842, %get3A_843, %get3A_844] {strides = array<i32>} : memref<5x40x128xf32, #tpu.memory_space<vmem>>, vector<1x1x16xf32>,
        %get3A_846 = vector.shape_cast %get3A_845 : vector<1x1x16xf32> to vector<16xf32>
        %add3A_847 = arith.addf %add3A_840, %get3A_846 : vector<16xf32>
        %get3A_848 = arith.constant 3 : i32
        %get3A_849 = arith.index_cast %get3A_848 : i32 to index
        %get3A_850 = arith.index_cast %scan3A_555 : i32 to index
        %get3A_851 = arith.constant 112 : index
        %get3A_852 = tpu.vector_load %arg7[%get3A_849, %get3A_850, %get3A_851] {strides = array<i32>} : memref<5x40x128xf32, #tpu.memory_space<vmem>>, vector<1x1x16xf32>,
        %get3A_853 = vector.shape_cast %get3A_852 : vector<1x1x16xf32> to vector<16xf32>
        %add3A_854 = arith.addf %add3A_847, %get3A_853 : vector<16xf32>
        %get3A_855 = arith.constant 4 : i32
        %get3A_856 = arith.index_cast %get3A_855 : i32 to index
        %get3A_857 = arith.index_cast %scan3A_555 : i32 to index
        %get3A_858 = arith.constant 112 : index
        %get3A_859 = tpu.vector_load %arg7[%get3A_856, %get3A_857, %get3A_858] {strides = array<i32>} : memref<5x40x128xf32, #tpu.memory_space<vmem>>, vector<1x1x16xf32>,
        %get3A_860 = vector.shape_cast %get3A_859 : vector<1x1x16xf32> to vector<16xf32>
        %add3A_861 = arith.addf %add3A_854, %get3A_860 : vector<16xf32>
        %swap3A_862 = arith.index_cast %scan3A_555 : i32 to index
        %swap3A_863 = arith.constant 112 : index
        %swap3A_864 = tpu.vector_load %arg11[%swap3A_862, %swap3A_863] {strides = array<i32>} : memref<40x128xf32, #tpu.memory_space<vmem>>, vector<1x16xf32>,
        %swap3A_865 = vector.shape_cast %swap3A_864 : vector<1x16xf32> to vector<16xf32>
        %swap3A_866 = vector.shape_cast %add3A_861 : vector<16xf32> to vector<1x16xf32>
        tpu.vector_store %arg11[%swap3A_862, %swap3A_863], %swap3A_866 {strides = array<i32>} : memref<40x128xf32, #tpu.memory_space<vmem>>, vector<1x16xf32>,
        %scan3A_867 = arith.constant 0 : i32
        scf.yield %scan3A_867 : i32
      }
      %scan3A_396 = arith.constant 40 : i32
      %mul3A_397 = arith.constant 40 : i32
      %mul3A_398 = arith.muli %add3A, %mul3A_397 : i32
      %add3A_399 = arith.addi %mul3A_398, %add3A_344 : i32
      %min3A_400 = arith.constant 1219 : i32
      %min3A_401 = arith.minsi %add3A_399, %min3A_400 : i32
      %mul3A_402 = arith.constant 40 : i32
      %mul3A_403 = arith.muli %min3A_401, %mul3A_402 : i32
      %dma_start3A_404 = arith.constant 0 : i32
      %dma_start3A_405 = tpu.memref_slice %arg4[%mul3A_403, %dma_start3A_404] : memref<48800x128xf32, #tpu.memory_space<hbm>> -> memref<40x128xf32, #tpu.memory_space<hbm>>
      %dma_start3A_406 = arith.constant 0 : i32
      %dma_start3A_407 = tpu.memref_slice %arg4[%mul3A_403, %dma_start3A_406] : memref<48800x128xf32, #tpu.memory_space<hbm>> -> memref<40x128xf32, #tpu.memory_space<hbm>>
      tpu.enqueue_dma source(%arg11 : memref<40x128xf32, #tpu.memory_space<vmem>>) target(%dma_start3A_407 : memref<40x128xf32, #tpu.memory_space<hbm>>) target_semaphore(%arg17 : memref<!tpu.dma_semaphore, #tpu.memory_space<semaphore_mem>>)
      %dma_wait3A_408 = arith.constant 0 : i32
      %dma_wait3A_409 = tpu.memref_slice %arg4[%mul3A_338, %dma_wait3A_408] : memref<48800x128xf32, #tpu.memory_space<hbm>> -> memref<40x128xf32, #tpu.memory_space<hbm>>
      %dma_wait3A_410 = arith.constant 0 : i32
      %dma_wait3A_411 = tpu.memref_slice %arg4[%mul3A_338, %dma_wait3A_410] : memref<48800x128xf32, #tpu.memory_space<hbm>> -> memref<40x128xf32, #tpu.memory_space<hbm>>
      tpu.wait_dma2 semaphore(%arg16 : memref<!tpu.dma_semaphore, #tpu.memory_space<semaphore_mem>>) src(%arg10 : memref<40x128xf32, #tpu.memory_space<vmem>>) dst(%dma_wait3A_411 : memref<40x128xf32, #tpu.memory_space<hbm>>)
      %add3A_412 = arith.constant 2 : i32
      %add3A_413 = arith.addi %mul3A_12, %add3A_412 : i32
      %dma_wait3A_414 = arith.constant 0 : i32
      %dma_wait3A_415 = arith.constant 0 : i32
      %dma_wait3A_416 = arith.constant 0 : i32
      %dma_wait3A_417 = tpu.memref_slice %arg8[%dma_wait3A_414, %dma_wait3A_415, %dma_wait3A_416] : memref<5x40x128xf32, #tpu.memory_space<vmem>> -> memref<1x40x128xf32, #tpu.memory_space<vmem>>
      %dma_wait3A_418 = tpu.memref_squeeze %dma_wait3A_417 : memref<1x40x128xf32, #tpu.memory_space<vmem>> -> memref<40x128xf32, #tpu.memory_space<vmem>>
      %dma_wait3A_419 = tpu.memref_slice %arg5[%add3A_151] : memref<8000xi32, #tpu.memory_space<vmem>> -> memref<40xi32, #tpu.memory_space<vmem>>
      %dma_wait3A_420 = arith.constant 0 : i32
      %dma_wait3A_421 = arith.constant 0 : i32
      %dma_wait3A_422 = tpu.memref_slice %arg3[%dma_wait3A_420, %dma_wait3A_421] : memref<100000x128xf32, #tpu.memory_space<hbm>> -> memref<100000x128xf32, #tpu.memory_space<hbm>>
      tpu.wait_indirect_dma semaphore(%arg14 : memref<!tpu.dma_semaphore, #tpu.memory_space<semaphore_mem>>) src(%dma_wait3A_422 : memref<100000x128xf32, #tpu.memory_space<hbm>>) dst(%dma_wait3A_418 : memref<40x128xf32, #tpu.memory_space<vmem>>)
      %dma_wait3A_423 = arith.constant 1 : i32
      %dma_wait3A_424 = arith.constant 0 : i32
      %dma_wait3A_425 = arith.constant 0 : i32
      %dma_wait3A_426 = tpu.memref_slice %arg8[%dma_wait3A_423, %dma_wait3A_424, %dma_wait3A_425] : memref<5x40x128xf32, #tpu.memory_space<vmem>> -> memref<1x40x128xf32, #tpu.memory_space<vmem>>
      %dma_wait3A_427 = tpu.memref_squeeze %dma_wait3A_426 : memref<1x40x128xf32, #tpu.memory_space<vmem>> -> memref<40x128xf32, #tpu.memory_space<vmem>>
      %dma_wait3A_428 = tpu.memref_slice %arg5[%add3A_164] : memref<8000xi32, #tpu.memory_space<vmem>> -> memref<40xi32, #tpu.memory_space<vmem>>
      %dma_wait3A_429 = arith.constant 0 : i32
      %dma_wait3A_430 = arith.constant 0 : i32
      %dma_wait3A_431 = tpu.memref_slice %arg3[%dma_wait3A_429, %dma_wait3A_430] : memref<100000x128xf32, #tpu.memory_space<hbm>> -> memref<100000x128xf32, #tpu.memory_space<hbm>>
      tpu.wait_indirect_dma semaphore(%arg14 : memref<!tpu.dma_semaphore, #tpu.memory_space<semaphore_mem>>) src(%dma_wait3A_431 : memref<100000x128xf32, #tpu.memory_space<hbm>>) dst(%dma_wait3A_427 : memref<40x128xf32, #tpu.memory_space<vmem>>)
      %dma_wait3A_432 = arith.constant 2 : i32
      %dma_wait3A_433 = arith.constant 0 : i32
      %dma_wait3A_434 = arith.constant 0 : i32
      %dma_wait3A_435 = tpu.memref_slice %arg8[%dma_wait3A_432, %dma_wait3A_433, %dma_wait3A_434] : memref<5x40x128xf32, #tpu.memory_space<vmem>> -> memref<1x40x128xf32, #tpu.memory_space<vmem>>
      %dma_wait3A_436 = tpu.memref_squeeze %dma_wait3A_435 : memref<1x40x128xf32, #tpu.memory_space<vmem>> -> memref<40x128xf32, #tpu.memory_space<vmem>>
      %dma_wait3A_437 = tpu.memref_slice %arg5[%add3A_177] : memref<8000xi32, #tpu.memory_space<vmem>> -> memref<40xi32, #tpu.memory_space<vmem>>
      %dma_wait3A_438 = arith.constant 0 : i32
      %dma_wait3A_439 = arith.constant 0 : i32
      %dma_wait3A_440 = tpu.memref_slice %arg3[%dma_wait3A_438, %dma_wait3A_439] : memref<100000x128xf32, #tpu.memory_space<hbm>> -> memref<100000x128xf32, #tpu.memory_space<hbm>>
      tpu.wait_indirect_dma semaphore(%arg14 : memref<!tpu.dma_semaphore, #tpu.memory_space<semaphore_mem>>) src(%dma_wait3A_440 : memref<100000x128xf32, #tpu.memory_space<hbm>>) dst(%dma_wait3A_436 : memref<40x128xf32, #tpu.memory_space<vmem>>)
      %dma_wait3A_441 = arith.constant 3 : i32
      %dma_wait3A_442 = arith.constant 0 : i32
      %dma_wait3A_443 = arith.constant 0 : i32
      %dma_wait3A_444 = tpu.memref_slice %arg8[%dma_wait3A_441, %dma_wait3A_442, %dma_wait3A_443] : memref<5x40x128xf32, #tpu.memory_space<vmem>> -> memref<1x40x128xf32, #tpu.memory_space<vmem>>
      %dma_wait3A_445 = tpu.memref_squeeze %dma_wait3A_444 : memref<1x40x128xf32, #tpu.memory_space<vmem>> -> memref<40x128xf32, #tpu.memory_space<vmem>>
      %dma_wait3A_446 = tpu.memref_slice %arg5[%add3A_190] : memref<8000xi32, #tpu.memory_space<vmem>> -> memref<40xi32, #tpu.memory_space<vmem>>
      %dma_wait3A_447 = arith.constant 0 : i32
      %dma_wait3A_448 = arith.constant 0 : i32
      %dma_wait3A_449 = tpu.memref_slice %arg3[%dma_wait3A_447, %dma_wait3A_448] : memref<100000x128xf32, #tpu.memory_space<hbm>> -> memref<100000x128xf32, #tpu.memory_space<hbm>>
      tpu.wait_indirect_dma semaphore(%arg14 : memref<!tpu.dma_semaphore, #tpu.memory_space<semaphore_mem>>) src(%dma_wait3A_449 : memref<100000x128xf32, #tpu.memory_space<hbm>>) dst(%dma_wait3A_445 : memref<40x128xf32, #tpu.memory_space<vmem>>)
      %dma_wait3A_450 = arith.constant 4 : i32
      %dma_wait3A_451 = arith.constant 0 : i32
      %dma_wait3A_452 = arith.constant 0 : i32
      %dma_wait3A_453 = tpu.memref_slice %arg8[%dma_wait3A_450, %dma_wait3A_451, %dma_wait3A_452] : memref<5x40x128xf32, #tpu.memory_space<vmem>> -> memref<1x40x128xf32, #tpu.memory_space<vmem>>
      %dma_wait3A_454 = tpu.memref_squeeze %dma_wait3A_453 : memref<1x40x128xf32, #tpu.memory_space<vmem>> -> memref<40x128xf32, #tpu.memory_space<vmem>>
      %dma_wait3A_455 = tpu.memref_slice %arg5[%add3A_203] : memref<8000xi32, #tpu.memory_space<vmem>> -> memref<40xi32, #tpu.memory_space<vmem>>
      %dma_wait3A_456 = arith.constant 0 : i32
      %dma_wait3A_457 = arith.constant 0 : i32
      %dma_wait3A_458 = tpu.memref_slice %arg3[%dma_wait3A_456, %dma_wait3A_457] : memref<100000x128xf32, #tpu.memory_space<hbm>> -> memref<100000x128xf32, #tpu.memory_space<hbm>>
      tpu.wait_indirect_dma semaphore(%arg14 : memref<!tpu.dma_semaphore, #tpu.memory_space<semaphore_mem>>) src(%dma_wait3A_458 : memref<100000x128xf32, #tpu.memory_space<hbm>>) dst(%dma_wait3A_454 : memref<40x128xf32, #tpu.memory_space<vmem>>)
      %scan3A_459 = arith.constant 0 : i32
      %scan3A_460 = arith.constant 0 : i32
      %scan3A_461 = arith.constant 40 : i32
      %scan3A_462 = arith.addi %scan3A_460, %scan3A_461 : i32
      %scan3A_463 = arith.constant 1 : i32
      %scan3A_464 = scf.for %scan3A_555 = %scan3A_460 to %scan3A_462 step %scan3A_463 iter_args(%scan3A_556 = %scan3A_459) -> (i32)  : i32 {
        %get3A = arith.constant 0 : i32
        %get3A_557 = arith.index_cast %get3A : i32 to index
        %get3A_558 = arith.index_cast %scan3A_555 : i32 to index
        %get3A_559 = arith.constant 0 : index
        %get3A_560 = tpu.vector_load %arg8[%get3A_557, %get3A_558, %get3A_559] {strides = array<i32>} : memref<5x40x128xf32, #tpu.memory_space<vmem>>, vector<1x1x16xf32>,
        %get3A_561 = vector.shape_cast %get3A_560 : vector<1x1x16xf32> to vector<16xf32>
        %get3A_562 = arith.constant 1 : i32
        %get3A_563 = arith.index_cast %get3A_562 : i32 to index
        %get3A_564 = arith.index_cast %scan3A_555 : i32 to index
        %get3A_565 = arith.constant 0 : index
        %get3A_566 = tpu.vector_load %arg8[%get3A_563, %get3A_564, %get3A_565] {strides = array<i32>} : memref<5x40x128xf32, #tpu.memory_space<vmem>>, vector<1x1x16xf32>,
        %get3A_567 = vector.shape_cast %get3A_566 : vector<1x1x16xf32> to vector<16xf32>
        %add3A_568 = arith.addf %get3A_561, %get3A_567 : vector<16xf32>
        %get3A_569 = arith.constant 2 : i32
        %get3A_570 = arith.index_cast %get3A_569 : i32 to index
        %get3A_571 = arith.index_cast %scan3A_555 : i32 to index
        %get3A_572 = arith.constant 0 : index
        %get3A_573 = tpu.vector_load %arg8[%get3A_570, %get3A_571, %get3A_572] {strides = array<i32>} : memref<5x40x128xf32, #tpu.memory_space<vmem>>, vector<1x1x16xf32>,
        %get3A_574 = vector.shape_cast %get3A_573 : vector<1x1x16xf32> to vector<16xf32>
        %add3A_575 = arith.addf %add3A_568, %get3A_574 : vector<16xf32>
        %get3A_576 = arith.constant 3 : i32
        %get3A_577 = arith.index_cast %get3A_576 : i32 to index
        %get3A_578 = arith.index_cast %scan3A_555 : i32 to index
        %get3A_579 = arith.constant 0 : index
        %get3A_580 = tpu.vector_load %arg8[%get3A_577, %get3A_578, %get3A_579] {strides = array<i32>} : memref<5x40x128xf32, #tpu.memory_space<vmem>>, vector<1x1x16xf32>,
        %get3A_581 = vector.shape_cast %get3A_580 : vector<1x1x16xf32> to vector<16xf32>
        %add3A_582 = arith.addf %add3A_575, %get3A_581 : vector<16xf32>
        %get3A_583 = arith.constant 4 : i32
        %get3A_584 = arith.index_cast %get3A_583 : i32 to index
        %get3A_585 = arith.index_cast %scan3A_555 : i32 to index
        %get3A_586 = arith.constant 0 : index
        %get3A_587 = tpu.vector_load %arg8[%get3A_584, %get3A_585, %get3A_586] {strides = array<i32>} : memref<5x40x128xf32, #tpu.memory_space<vmem>>, vector<1x1x16xf32>,
        %get3A_588 = vector.shape_cast %get3A_587 : vector<1x1x16xf32> to vector<16xf32>
        %add3A_589 = arith.addf %add3A_582, %get3A_588 : vector<16xf32>
        %swap3A = arith.index_cast %scan3A_555 : i32 to index
        %swap3A_590 = arith.constant 0 : index
        %swap3A_591 = tpu.vector_load %arg10[%swap3A, %swap3A_590] {strides = array<i32>} : memref<40x128xf32, #tpu.memory_space<vmem>>, vector<1x16xf32>,
        %swap3A_592 = vector.shape_cast %swap3A_591 : vector<1x16xf32> to vector<16xf32>
        %swap3A_593 = vector.shape_cast %add3A_589 : vector<16xf32> to vector<1x16xf32>
        tpu.vector_store %arg10[%swap3A, %swap3A_590], %swap3A_593 {strides = array<i32>} : memref<40x128xf32, #tpu.memory_space<vmem>>, vector<1x16xf32>,
        %get3A_594 = arith.constant 0 : i32
        %get3A_595 = arith.index_cast %get3A_594 : i32 to index
        %get3A_596 = arith.index_cast %scan3A_555 : i32 to index
        %get3A_597 = arith.constant 16 : index
        %get3A_598 = tpu.vector_load %arg8[%get3A_595, %get3A_596, %get3A_597] {strides = array<i32>} : memref<5x40x128xf32, #tpu.memory_space<vmem>>, vector<1x1x16xf32>,
        %get3A_599 = vector.shape_cast %get3A_598 : vector<1x1x16xf32> to vector<16xf32>
        %get3A_600 = arith.constant 1 : i32
        %get3A_601 = arith.index_cast %get3A_600 : i32 to index
        %get3A_602 = arith.index_cast %scan3A_555 : i32 to index
        %get3A_603 = arith.constant 16 : index
        %get3A_604 = tpu.vector_load %arg8[%get3A_601, %get3A_602, %get3A_603] {strides = array<i32>} : memref<5x40x128xf32, #tpu.memory_space<vmem>>, vector<1x1x16xf32>,
        %get3A_605 = vector.shape_cast %get3A_604 : vector<1x1x16xf32> to vector<16xf32>
        %add3A_606 = arith.addf %get3A_599, %get3A_605 : vector<16xf32>
        %get3A_607 = arith.constant 2 : i32
        %get3A_608 = arith.index_cast %get3A_607 : i32 to index
        %get3A_609 = arith.index_cast %scan3A_555 : i32 to index
        %get3A_610 = arith.constant 16 : index
        %get3A_611 = tpu.vector_load %arg8[%get3A_608, %get3A_609, %get3A_610] {strides = array<i32>} : memref<5x40x128xf32, #tpu.memory_space<vmem>>, vector<1x1x16xf32>,
        %get3A_612 = vector.shape_cast %get3A_611 : vector<1x1x16xf32> to vector<16xf32>
        %add3A_613 = arith.addf %add3A_606, %get3A_612 : vector<16xf32>
        %get3A_614 = arith.constant 3 : i32
        %get3A_615 = arith.index_cast %get3A_614 : i32 to index
        %get3A_616 = arith.index_cast %scan3A_555 : i32 to index
        %get3A_617 = arith.constant 16 : index
        %get3A_618 = tpu.vector_load %arg8[%get3A_615, %get3A_616, %get3A_617] {strides = array<i32>} : memref<5x40x128xf32, #tpu.memory_space<vmem>>, vector<1x1x16xf32>,
        %get3A_619 = vector.shape_cast %get3A_618 : vector<1x1x16xf32> to vector<16xf32>
        %add3A_620 = arith.addf %add3A_613, %get3A_619 : vector<16xf32>
        %get3A_621 = arith.constant 4 : i32
        %get3A_622 = arith.index_cast %get3A_621 : i32 to index
        %get3A_623 = arith.index_cast %scan3A_555 : i32 to index
        %get3A_624 = arith.constant 16 : index
        %get3A_625 = tpu.vector_load %arg8[%get3A_622, %get3A_623, %get3A_624] {strides = array<i32>} : memref<5x40x128xf32, #tpu.memory_space<vmem>>, vector<1x1x16xf32>,
        %get3A_626 = vector.shape_cast %get3A_625 : vector<1x1x16xf32> to vector<16xf32>
        %add3A_627 = arith.addf %add3A_620, %get3A_626 : vector<16xf32>
        %swap3A_628 = arith.index_cast %scan3A_555 : i32 to index
        %swap3A_629 = arith.constant 16 : index
        %swap3A_630 = tpu.vector_load %arg10[%swap3A_628, %swap3A_629] {strides = array<i32>} : memref<40x128xf32, #tpu.memory_space<vmem>>, vector<1x16xf32>,
        %swap3A_631 = vector.shape_cast %swap3A_630 : vector<1x16xf32> to vector<16xf32>
        %swap3A_632 = vector.shape_cast %add3A_627 : vector<16xf32> to vector<1x16xf32>
        tpu.vector_store %arg10[%swap3A_628, %swap3A_629], %swap3A_632 {strides = array<i32>} : memref<40x128xf32, #tpu.memory_space<vmem>>, vector<1x16xf32>,
        %get3A_633 = arith.constant 0 : i32
        %get3A_634 = arith.index_cast %get3A_633 : i32 to index
        %get3A_635 = arith.index_cast %scan3A_555 : i32 to index
        %get3A_636 = arith.constant 32 : index
        %get3A_637 = tpu.vector_load %arg8[%get3A_634, %get3A_635, %get3A_636] {strides = array<i32>} : memref<5x40x128xf32, #tpu.memory_space<vmem>>, vector<1x1x16xf32>,
        %get3A_638 = vector.shape_cast %get3A_637 : vector<1x1x16xf32> to vector<16xf32>
        %get3A_639 = arith.constant 1 : i32
        %get3A_640 = arith.index_cast %get3A_639 : i32 to index
        %get3A_641 = arith.index_cast %scan3A_555 : i32 to index
        %get3A_642 = arith.constant 32 : index
        %get3A_643 = tpu.vector_load %arg8[%get3A_640, %get3A_641, %get3A_642] {strides = array<i32>} : memref<5x40x128xf32, #tpu.memory_space<vmem>>, vector<1x1x16xf32>,
        %get3A_644 = vector.shape_cast %get3A_643 : vector<1x1x16xf32> to vector<16xf32>
        %add3A_645 = arith.addf %get3A_638, %get3A_644 : vector<16xf32>
        %get3A_646 = arith.constant 2 : i32
        %get3A_647 = arith.index_cast %get3A_646 : i32 to index
        %get3A_648 = arith.index_cast %scan3A_555 : i32 to index
        %get3A_649 = arith.constant 32 : index
        %get3A_650 = tpu.vector_load %arg8[%get3A_647, %get3A_648, %get3A_649] {strides = array<i32>} : memref<5x40x128xf32, #tpu.memory_space<vmem>>, vector<1x1x16xf32>,
        %get3A_651 = vector.shape_cast %get3A_650 : vector<1x1x16xf32> to vector<16xf32>
        %add3A_652 = arith.addf %add3A_645, %get3A_651 : vector<16xf32>
        %get3A_653 = arith.constant 3 : i32
        %get3A_654 = arith.index_cast %get3A_653 : i32 to index
        %get3A_655 = arith.index_cast %scan3A_555 : i32 to index
        %get3A_656 = arith.constant 32 : index
        %get3A_657 = tpu.vector_load %arg8[%get3A_654, %get3A_655, %get3A_656] {strides = array<i32>} : memref<5x40x128xf32, #tpu.memory_space<vmem>>, vector<1x1x16xf32>,
        %get3A_658 = vector.shape_cast %get3A_657 : vector<1x1x16xf32> to vector<16xf32>
        %add3A_659 = arith.addf %add3A_652, %get3A_658 : vector<16xf32>
        %get3A_660 = arith.constant 4 : i32
        %get3A_661 = arith.index_cast %get3A_660 : i32 to index
        %get3A_662 = arith.index_cast %scan3A_555 : i32 to index
        %get3A_663 = arith.constant 32 : index
        %get3A_664 = tpu.vector_load %arg8[%get3A_661, %get3A_662, %get3A_663] {strides = array<i32>} : memref<5x40x128xf32, #tpu.memory_space<vmem>>, vector<1x1x16xf32>,
        %get3A_665 = vector.shape_cast %get3A_664 : vector<1x1x16xf32> to vector<16xf32>
        %add3A_666 = arith.addf %add3A_659, %get3A_665 : vector<16xf32>
        %swap3A_667 = arith.index_cast %scan3A_555 : i32 to index
        %swap3A_668 = arith.constant 32 : index
        %swap3A_669 = tpu.vector_load %arg10[%swap3A_667, %swap3A_668] {strides = array<i32>} : memref<40x128xf32, #tpu.memory_space<vmem>>, vector<1x16xf32>,
        %swap3A_670 = vector.shape_cast %swap3A_669 : vector<1x16xf32> to vector<16xf32>
        %swap3A_671 = vector.shape_cast %add3A_666 : vector<16xf32> to vector<1x16xf32>
        tpu.vector_store %arg10[%swap3A_667, %swap3A_668], %swap3A_671 {strides = array<i32>} : memref<40x128xf32, #tpu.memory_space<vmem>>, vector<1x16xf32>,
        %get3A_672 = arith.constant 0 : i32
        %get3A_673 = arith.index_cast %get3A_672 : i32 to index
        %get3A_674 = arith.index_cast %scan3A_555 : i32 to index
        %get3A_675 = arith.constant 48 : index
        %get3A_676 = tpu.vector_load %arg8[%get3A_673, %get3A_674, %get3A_675] {strides = array<i32>} : memref<5x40x128xf32, #tpu.memory_space<vmem>>, vector<1x1x16xf32>,
        %get3A_677 = vector.shape_cast %get3A_676 : vector<1x1x16xf32> to vector<16xf32>
        %get3A_678 = arith.constant 1 : i32
        %get3A_679 = arith.index_cast %get3A_678 : i32 to index
        %get3A_680 = arith.index_cast %scan3A_555 : i32 to index
        %get3A_681 = arith.constant 48 : index
        %get3A_682 = tpu.vector_load %arg8[%get3A_679, %get3A_680, %get3A_681] {strides = array<i32>} : memref<5x40x128xf32, #tpu.memory_space<vmem>>, vector<1x1x16xf32>,
        %get3A_683 = vector.shape_cast %get3A_682 : vector<1x1x16xf32> to vector<16xf32>
        %add3A_684 = arith.addf %get3A_677, %get3A_683 : vector<16xf32>
        %get3A_685 = arith.constant 2 : i32
        %get3A_686 = arith.index_cast %get3A_685 : i32 to index
        %get3A_687 = arith.index_cast %scan3A_555 : i32 to index
        %get3A_688 = arith.constant 48 : index
        %get3A_689 = tpu.vector_load %arg8[%get3A_686, %get3A_687, %get3A_688] {strides = array<i32>} : memref<5x40x128xf32, #tpu.memory_space<vmem>>, vector<1x1x16xf32>,
        %get3A_690 = vector.shape_cast %get3A_689 : vector<1x1x16xf32> to vector<16xf32>
        %add3A_691 = arith.addf %add3A_684, %get3A_690 : vector<16xf32>
        %get3A_692 = arith.constant 3 : i32
        %get3A_693 = arith.index_cast %get3A_692 : i32 to index
        %get3A_694 = arith.index_cast %scan3A_555 : i32 to index
        %get3A_695 = arith.constant 48 : index
        %get3A_696 = tpu.vector_load %arg8[%get3A_693, %get3A_694, %get3A_695] {strides = array<i32>} : memref<5x40x128xf32, #tpu.memory_space<vmem>>, vector<1x1x16xf32>,
        %get3A_697 = vector.shape_cast %get3A_696 : vector<1x1x16xf32> to vector<16xf32>
        %add3A_698 = arith.addf %add3A_691, %get3A_697 : vector<16xf32>
        %get3A_699 = arith.constant 4 : i32
        %get3A_700 = arith.index_cast %get3A_699 : i32 to index
        %get3A_701 = arith.index_cast %scan3A_555 : i32 to index
        %get3A_702 = arith.constant 48 : index
        %get3A_703 = tpu.vector_load %arg8[%get3A_700, %get3A_701, %get3A_702] {strides = array<i32>} : memref<5x40x128xf32, #tpu.memory_space<vmem>>, vector<1x1x16xf32>,
        %get3A_704 = vector.shape_cast %get3A_703 : vector<1x1x16xf32> to vector<16xf32>
        %add3A_705 = arith.addf %add3A_698, %get3A_704 : vector<16xf32>
        %swap3A_706 = arith.index_cast %scan3A_555 : i32 to index
        %swap3A_707 = arith.constant 48 : index
        %swap3A_708 = tpu.vector_load %arg10[%swap3A_706, %swap3A_707] {strides = array<i32>} : memref<40x128xf32, #tpu.memory_space<vmem>>, vector<1x16xf32>,
        %swap3A_709 = vector.shape_cast %swap3A_708 : vector<1x16xf32> to vector<16xf32>
        %swap3A_710 = vector.shape_cast %add3A_705 : vector<16xf32> to vector<1x16xf32>
        tpu.vector_store %arg10[%swap3A_706, %swap3A_707], %swap3A_710 {strides = array<i32>} : memref<40x128xf32, #tpu.memory_space<vmem>>, vector<1x16xf32>,
        %get3A_711 = arith.constant 0 : i32
        %get3A_712 = arith.index_cast %get3A_711 : i32 to index
        %get3A_713 = arith.index_cast %scan3A_555 : i32 to index
        %get3A_714 = arith.constant 64 : index
        %get3A_715 = tpu.vector_load %arg8[%get3A_712, %get3A_713, %get3A_714] {strides = array<i32>} : memref<5x40x128xf32, #tpu.memory_space<vmem>>, vector<1x1x16xf32>,
        %get3A_716 = vector.shape_cast %get3A_715 : vector<1x1x16xf32> to vector<16xf32>
        %get3A_717 = arith.constant 1 : i32
        %get3A_718 = arith.index_cast %get3A_717 : i32 to index
        %get3A_719 = arith.index_cast %scan3A_555 : i32 to index
        %get3A_720 = arith.constant 64 : index
        %get3A_721 = tpu.vector_load %arg8[%get3A_718, %get3A_719, %get3A_720] {strides = array<i32>} : memref<5x40x128xf32, #tpu.memory_space<vmem>>, vector<1x1x16xf32>,
        %get3A_722 = vector.shape_cast %get3A_721 : vector<1x1x16xf32> to vector<16xf32>
        %add3A_723 = arith.addf %get3A_716, %get3A_722 : vector<16xf32>
        %get3A_724 = arith.constant 2 : i32
        %get3A_725 = arith.index_cast %get3A_724 : i32 to index
        %get3A_726 = arith.index_cast %scan3A_555 : i32 to index
        %get3A_727 = arith.constant 64 : index
        %get3A_728 = tpu.vector_load %arg8[%get3A_725, %get3A_726, %get3A_727] {strides = array<i32>} : memref<5x40x128xf32, #tpu.memory_space<vmem>>, vector<1x1x16xf32>,
        %get3A_729 = vector.shape_cast %get3A_728 : vector<1x1x16xf32> to vector<16xf32>
        %add3A_730 = arith.addf %add3A_723, %get3A_729 : vector<16xf32>
        %get3A_731 = arith.constant 3 : i32
        %get3A_732 = arith.index_cast %get3A_731 : i32 to index
        %get3A_733 = arith.index_cast %scan3A_555 : i32 to index
        %get3A_734 = arith.constant 64 : index
        %get3A_735 = tpu.vector_load %arg8[%get3A_732, %get3A_733, %get3A_734] {strides = array<i32>} : memref<5x40x128xf32, #tpu.memory_space<vmem>>, vector<1x1x16xf32>,
        %get3A_736 = vector.shape_cast %get3A_735 : vector<1x1x16xf32> to vector<16xf32>
        %add3A_737 = arith.addf %add3A_730, %get3A_736 : vector<16xf32>
        %get3A_738 = arith.constant 4 : i32
        %get3A_739 = arith.index_cast %get3A_738 : i32 to index
        %get3A_740 = arith.index_cast %scan3A_555 : i32 to index
        %get3A_741 = arith.constant 64 : index
        %get3A_742 = tpu.vector_load %arg8[%get3A_739, %get3A_740, %get3A_741] {strides = array<i32>} : memref<5x40x128xf32, #tpu.memory_space<vmem>>, vector<1x1x16xf32>,
        %get3A_743 = vector.shape_cast %get3A_742 : vector<1x1x16xf32> to vector<16xf32>
        %add3A_744 = arith.addf %add3A_737, %get3A_743 : vector<16xf32>
        %swap3A_745 = arith.index_cast %scan3A_555 : i32 to index
        %swap3A_746 = arith.constant 64 : index
        %swap3A_747 = tpu.vector_load %arg10[%swap3A_745, %swap3A_746] {strides = array<i32>} : memref<40x128xf32, #tpu.memory_space<vmem>>, vector<1x16xf32>,
        %swap3A_748 = vector.shape_cast %swap3A_747 : vector<1x16xf32> to vector<16xf32>
        %swap3A_749 = vector.shape_cast %add3A_744 : vector<16xf32> to vector<1x16xf32>
        tpu.vector_store %arg10[%swap3A_745, %swap3A_746], %swap3A_749 {strides = array<i32>} : memref<40x128xf32, #tpu.memory_space<vmem>>, vector<1x16xf32>,
        %get3A_750 = arith.constant 0 : i32
        %get3A_751 = arith.index_cast %get3A_750 : i32 to index
        %get3A_752 = arith.index_cast %scan3A_555 : i32 to index
        %get3A_753 = arith.constant 80 : index
        %get3A_754 = tpu.vector_load %arg8[%get3A_751, %get3A_752, %get3A_753] {strides = array<i32>} : memref<5x40x128xf32, #tpu.memory_space<vmem>>, vector<1x1x16xf32>,
        %get3A_755 = vector.shape_cast %get3A_754 : vector<1x1x16xf32> to vector<16xf32>
        %get3A_756 = arith.constant 1 : i32
        %get3A_757 = arith.index_cast %get3A_756 : i32 to index
        %get3A_758 = arith.index_cast %scan3A_555 : i32 to index
        %get3A_759 = arith.constant 80 : index
        %get3A_760 = tpu.vector_load %arg8[%get3A_757, %get3A_758, %get3A_759] {strides = array<i32>} : memref<5x40x128xf32, #tpu.memory_space<vmem>>, vector<1x1x16xf32>,
        %get3A_761 = vector.shape_cast %get3A_760 : vector<1x1x16xf32> to vector<16xf32>
        %add3A_762 = arith.addf %get3A_755, %get3A_761 : vector<16xf32>
        %get3A_763 = arith.constant 2 : i32
        %get3A_764 = arith.index_cast %get3A_763 : i32 to index
        %get3A_765 = arith.index_cast %scan3A_555 : i32 to index
        %get3A_766 = arith.constant 80 : index
        %get3A_767 = tpu.vector_load %arg8[%get3A_764, %get3A_765, %get3A_766] {strides = array<i32>} : memref<5x40x128xf32, #tpu.memory_space<vmem>>, vector<1x1x16xf32>,
        %get3A_768 = vector.shape_cast %get3A_767 : vector<1x1x16xf32> to vector<16xf32>
        %add3A_769 = arith.addf %add3A_762, %get3A_768 : vector<16xf32>
        %get3A_770 = arith.constant 3 : i32
        %get3A_771 = arith.index_cast %get3A_770 : i32 to index
        %get3A_772 = arith.index_cast %scan3A_555 : i32 to index
        %get3A_773 = arith.constant 80 : index
        %get3A_774 = tpu.vector_load %arg8[%get3A_771, %get3A_772, %get3A_773] {strides = array<i32>} : memref<5x40x128xf32, #tpu.memory_space<vmem>>, vector<1x1x16xf32>,
        %get3A_775 = vector.shape_cast %get3A_774 : vector<1x1x16xf32> to vector<16xf32>
        %add3A_776 = arith.addf %add3A_769, %get3A_775 : vector<16xf32>
        %get3A_777 = arith.constant 4 : i32
        %get3A_778 = arith.index_cast %get3A_777 : i32 to index
        %get3A_779 = arith.index_cast %scan3A_555 : i32 to index
        %get3A_780 = arith.constant 80 : index
        %get3A_781 = tpu.vector_load %arg8[%get3A_778, %get3A_779, %get3A_780] {strides = array<i32>} : memref<5x40x128xf32, #tpu.memory_space<vmem>>, vector<1x1x16xf32>,
        %get3A_782 = vector.shape_cast %get3A_781 : vector<1x1x16xf32> to vector<16xf32>
        %add3A_783 = arith.addf %add3A_776, %get3A_782 : vector<16xf32>
        %swap3A_784 = arith.index_cast %scan3A_555 : i32 to index
        %swap3A_785 = arith.constant 80 : index
        %swap3A_786 = tpu.vector_load %arg10[%swap3A_784, %swap3A_785] {strides = array<i32>} : memref<40x128xf32, #tpu.memory_space<vmem>>, vector<1x16xf32>,
        %swap3A_787 = vector.shape_cast %swap3A_786 : vector<1x16xf32> to vector<16xf32>
        %swap3A_788 = vector.shape_cast %add3A_783 : vector<16xf32> to vector<1x16xf32>
        tpu.vector_store %arg10[%swap3A_784, %swap3A_785], %swap3A_788 {strides = array<i32>} : memref<40x128xf32, #tpu.memory_space<vmem>>, vector<1x16xf32>,
        %get3A_789 = arith.constant 0 : i32
        %get3A_790 = arith.index_cast %get3A_789 : i32 to index
        %get3A_791 = arith.index_cast %scan3A_555 : i32 to index
        %get3A_792 = arith.constant 96 : index
        %get3A_793 = tpu.vector_load %arg8[%get3A_790, %get3A_791, %get3A_792] {strides = array<i32>} : memref<5x40x128xf32, #tpu.memory_space<vmem>>, vector<1x1x16xf32>,
        %get3A_794 = vector.shape_cast %get3A_793 : vector<1x1x16xf32> to vector<16xf32>
        %get3A_795 = arith.constant 1 : i32
        %get3A_796 = arith.index_cast %get3A_795 : i32 to index
        %get3A_797 = arith.index_cast %scan3A_555 : i32 to index
        %get3A_798 = arith.constant 96 : index
        %get3A_799 = tpu.vector_load %arg8[%get3A_796, %get3A_797, %get3A_798] {strides = array<i32>} : memref<5x40x128xf32, #tpu.memory_space<vmem>>, vector<1x1x16xf32>,
        %get3A_800 = vector.shape_cast %get3A_799 : vector<1x1x16xf32> to vector<16xf32>
        %add3A_801 = arith.addf %get3A_794, %get3A_800 : vector<16xf32>
        %get3A_802 = arith.constant 2 : i32
        %get3A_803 = arith.index_cast %get3A_802 : i32 to index
        %get3A_804 = arith.index_cast %scan3A_555 : i32 to index
        %get3A_805 = arith.constant 96 : index
        %get3A_806 = tpu.vector_load %arg8[%get3A_803, %get3A_804, %get3A_805] {strides = array<i32>} : memref<5x40x128xf32, #tpu.memory_space<vmem>>, vector<1x1x16xf32>,
        %get3A_807 = vector.shape_cast %get3A_806 : vector<1x1x16xf32> to vector<16xf32>
        %add3A_808 = arith.addf %add3A_801, %get3A_807 : vector<16xf32>
        %get3A_809 = arith.constant 3 : i32
        %get3A_810 = arith.index_cast %get3A_809 : i32 to index
        %get3A_811 = arith.index_cast %scan3A_555 : i32 to index
        %get3A_812 = arith.constant 96 : index
        %get3A_813 = tpu.vector_load %arg8[%get3A_810, %get3A_811, %get3A_812] {strides = array<i32>} : memref<5x40x128xf32, #tpu.memory_space<vmem>>, vector<1x1x16xf32>,
        %get3A_814 = vector.shape_cast %get3A_813 : vector<1x1x16xf32> to vector<16xf32>
        %add3A_815 = arith.addf %add3A_808, %get3A_814 : vector<16xf32>
        %get3A_816 = arith.constant 4 : i32
        %get3A_817 = arith.index_cast %get3A_816 : i32 to index
        %get3A_818 = arith.index_cast %scan3A_555 : i32 to index
        %get3A_819 = arith.constant 96 : index
        %get3A_820 = tpu.vector_load %arg8[%get3A_817, %get3A_818, %get3A_819] {strides = array<i32>} : memref<5x40x128xf32, #tpu.memory_space<vmem>>, vector<1x1x16xf32>,
        %get3A_821 = vector.shape_cast %get3A_820 : vector<1x1x16xf32> to vector<16xf32>
        %add3A_822 = arith.addf %add3A_815, %get3A_821 : vector<16xf32>
        %swap3A_823 = arith.index_cast %scan3A_555 : i32 to index
        %swap3A_824 = arith.constant 96 : index
        %swap3A_825 = tpu.vector_load %arg10[%swap3A_823, %swap3A_824] {strides = array<i32>} : memref<40x128xf32, #tpu.memory_space<vmem>>, vector<1x16xf32>,
        %swap3A_826 = vector.shape_cast %swap3A_825 : vector<1x16xf32> to vector<16xf32>
        %swap3A_827 = vector.shape_cast %add3A_822 : vector<16xf32> to vector<1x16xf32>
        tpu.vector_store %arg10[%swap3A_823, %swap3A_824], %swap3A_827 {strides = array<i32>} : memref<40x128xf32, #tpu.memory_space<vmem>>, vector<1x16xf32>,
        %get3A_828 = arith.constant 0 : i32
        %get3A_829 = arith.index_cast %get3A_828 : i32 to index
        %get3A_830 = arith.index_cast %scan3A_555 : i32 to index
        %get3A_831 = arith.constant 112 : index
        %get3A_832 = tpu.vector_load %arg8[%get3A_829, %get3A_830, %get3A_831] {strides = array<i32>} : memref<5x40x128xf32, #tpu.memory_space<vmem>>, vector<1x1x16xf32>,
        %get3A_833 = vector.shape_cast %get3A_832 : vector<1x1x16xf32> to vector<16xf32>
        %get3A_834 = arith.constant 1 : i32
        %get3A_835 = arith.index_cast %get3A_834 : i32 to index
        %get3A_836 = arith.index_cast %scan3A_555 : i32 to index
        %get3A_837 = arith.constant 112 : index
        %get3A_838 = tpu.vector_load %arg8[%get3A_835, %get3A_836, %get3A_837] {strides = array<i32>} : memref<5x40x128xf32, #tpu.memory_space<vmem>>, vector<1x1x16xf32>,
        %get3A_839 = vector.shape_cast %get3A_838 : vector<1x1x16xf32> to vector<16xf32>
        %add3A_840 = arith.addf %get3A_833, %get3A_839 : vector<16xf32>
        %get3A_841 = arith.constant 2 : i32
        %get3A_842 = arith.index_cast %get3A_841 : i32 to index
        %get3A_843 = arith.index_cast %scan3A_555 : i32 to index
        %get3A_844 = arith.constant 112 : index
        %get3A_845 = tpu.vector_load %arg8[%get3A_842, %get3A_843, %get3A_844] {strides = array<i32>} : memref<5x40x128xf32, #tpu.memory_space<vmem>>, vector<1x1x16xf32>,
        %get3A_846 = vector.shape_cast %get3A_845 : vector<1x1x16xf32> to vector<16xf32>
        %add3A_847 = arith.addf %add3A_840, %get3A_846 : vector<16xf32>
        %get3A_848 = arith.constant 3 : i32
        %get3A_849 = arith.index_cast %get3A_848 : i32 to index
        %get3A_850 = arith.index_cast %scan3A_555 : i32 to index
        %get3A_851 = arith.constant 112 : index
        %get3A_852 = tpu.vector_load %arg8[%get3A_849, %get3A_850, %get3A_851] {strides = array<i32>} : memref<5x40x128xf32, #tpu.memory_space<vmem>>, vector<1x1x16xf32>,
        %get3A_853 = vector.shape_cast %get3A_852 : vector<1x1x16xf32> to vector<16xf32>
        %add3A_854 = arith.addf %add3A_847, %get3A_853 : vector<16xf32>
        %get3A_855 = arith.constant 4 : i32
        %get3A_856 = arith.index_cast %get3A_855 : i32 to index
        %get3A_857 = arith.index_cast %scan3A_555 : i32 to index
        %get3A_858 = arith.constant 112 : index
        %get3A_859 = tpu.vector_load %arg8[%get3A_856, %get3A_857, %get3A_858] {strides = array<i32>} : memref<5x40x128xf32, #tpu.memory_space<vmem>>, vector<1x1x16xf32>,
        %get3A_860 = vector.shape_cast %get3A_859 : vector<1x1x16xf32> to vector<16xf32>
        %add3A_861 = arith.addf %add3A_854, %get3A_860 : vector<16xf32>
        %swap3A_862 = arith.index_cast %scan3A_555 : i32 to index
        %swap3A_863 = arith.constant 112 : index
        %swap3A_864 = tpu.vector_load %arg10[%swap3A_862, %swap3A_863] {strides = array<i32>} : memref<40x128xf32, #tpu.memory_space<vmem>>, vector<1x16xf32>,
        %swap3A_865 = vector.shape_cast %swap3A_864 : vector<1x16xf32> to vector<16xf32>
        %swap3A_866 = vector.shape_cast %add3A_861 : vector<16xf32> to vector<1x16xf32>
        tpu.vector_store %arg10[%swap3A_862, %swap3A_863], %swap3A_866 {strides = array<i32>} : memref<40x128xf32, #tpu.memory_space<vmem>>, vector<1x16xf32>,
        %scan3A_867 = arith.constant 0 : i32
        scf.yield %scan3A_867 : i32
      }
      %scan3A_465 = arith.constant 40 : i32
      %mul3A_466 = arith.constant 40 : i32
      %mul3A_467 = arith.muli %add3A, %mul3A_466 : i32
      %add3A_468 = arith.addi %mul3A_467, %add3A_413 : i32
      %min3A_469 = arith.constant 1219 : i32
      %min3A_470 = arith.minsi %add3A_468, %min3A_469 : i32
      %mul3A_471 = arith.constant 40 : i32
      %mul3A_472 = arith.muli %min3A_470, %mul3A_471 : i32
      %dma_start3A_473 = arith.constant 0 : i32
      %dma_start3A_474 = tpu.memref_slice %arg4[%mul3A_472, %dma_start3A_473] : memref<48800x128xf32, #tpu.memory_space<hbm>> -> memref<40x128xf32, #tpu.memory_space<hbm>>
      %dma_start3A_475 = arith.constant 0 : i32
      %dma_start3A_476 = tpu.memref_slice %arg4[%mul3A_472, %dma_start3A_475] : memref<48800x128xf32, #tpu.memory_space<hbm>> -> memref<40x128xf32, #tpu.memory_space<hbm>>
      tpu.enqueue_dma source(%arg10 : memref<40x128xf32, #tpu.memory_space<vmem>>) target(%dma_start3A_476 : memref<40x128xf32, #tpu.memory_space<hbm>>) target_semaphore(%arg16 : memref<!tpu.dma_semaphore, #tpu.memory_space<semaphore_mem>>)
      %dma_wait3A_477 = arith.constant 0 : i32
      %dma_wait3A_478 = tpu.memref_slice %arg4[%mul3A_403, %dma_wait3A_477] : memref<48800x128xf32, #tpu.memory_space<hbm>> -> memref<40x128xf32, #tpu.memory_space<hbm>>
      %dma_wait3A_479 = arith.constant 0 : i32
      %dma_wait3A_480 = tpu.memref_slice %arg4[%mul3A_403, %dma_wait3A_479] : memref<48800x128xf32, #tpu.memory_space<hbm>> -> memref<40x128xf32, #tpu.memory_space<hbm>>
      tpu.wait_dma2 semaphore(%arg17 : memref<!tpu.dma_semaphore, #tpu.memory_space<semaphore_mem>>) src(%arg11 : memref<40x128xf32, #tpu.memory_space<vmem>>) dst(%dma_wait3A_480 : memref<40x128xf32, #tpu.memory_space<hbm>>)
      %add3A_481 = arith.constant 3 : i32
      %add3A_482 = arith.addi %mul3A_12, %add3A_481 : i32
      %dma_wait3A_483 = arith.constant 0 : i32
      %dma_wait3A_484 = arith.constant 0 : i32
      %dma_wait3A_485 = arith.constant 0 : i32
      %dma_wait3A_486 = tpu.memref_slice %arg9[%dma_wait3A_483, %dma_wait3A_484, %dma_wait3A_485] : memref<5x40x128xf32, #tpu.memory_space<vmem>> -> memref<1x40x128xf32, #tpu.memory_space<vmem>>
      %dma_wait3A_487 = tpu.memref_squeeze %dma_wait3A_486 : memref<1x40x128xf32, #tpu.memory_space<vmem>> -> memref<40x128xf32, #tpu.memory_space<vmem>>
      %dma_wait3A_488 = tpu.memref_slice %arg5[%add3A_218] : memref<8000xi32, #tpu.memory_space<vmem>> -> memref<40xi32, #tpu.memory_space<vmem>>
      %dma_wait3A_489 = arith.constant 0 : i32
      %dma_wait3A_490 = arith.constant 0 : i32
      %dma_wait3A_491 = tpu.memref_slice %arg3[%dma_wait3A_489, %dma_wait3A_490] : memref<100000x128xf32, #tpu.memory_space<hbm>> -> memref<100000x128xf32, #tpu.memory_space<hbm>>
      tpu.wait_indirect_dma semaphore(%arg15 : memref<!tpu.dma_semaphore, #tpu.memory_space<semaphore_mem>>) src(%dma_wait3A_491 : memref<100000x128xf32, #tpu.memory_space<hbm>>) dst(%dma_wait3A_487 : memref<40x128xf32, #tpu.memory_space<vmem>>)
      %dma_wait3A_492 = arith.constant 1 : i32
      %dma_wait3A_493 = arith.constant 0 : i32
      %dma_wait3A_494 = arith.constant 0 : i32
      %dma_wait3A_495 = tpu.memref_slice %arg9[%dma_wait3A_492, %dma_wait3A_493, %dma_wait3A_494] : memref<5x40x128xf32, #tpu.memory_space<vmem>> -> memref<1x40x128xf32, #tpu.memory_space<vmem>>
      %dma_wait3A_496 = tpu.memref_squeeze %dma_wait3A_495 : memref<1x40x128xf32, #tpu.memory_space<vmem>> -> memref<40x128xf32, #tpu.memory_space<vmem>>
      %dma_wait3A_497 = tpu.memref_slice %arg5[%add3A_231] : memref<8000xi32, #tpu.memory_space<vmem>> -> memref<40xi32, #tpu.memory_space<vmem>>
      %dma_wait3A_498 = arith.constant 0 : i32
      %dma_wait3A_499 = arith.constant 0 : i32
      %dma_wait3A_500 = tpu.memref_slice %arg3[%dma_wait3A_498, %dma_wait3A_499] : memref<100000x128xf32, #tpu.memory_space<hbm>> -> memref<100000x128xf32, #tpu.memory_space<hbm>>
      tpu.wait_indirect_dma semaphore(%arg15 : memref<!tpu.dma_semaphore, #tpu.memory_space<semaphore_mem>>) src(%dma_wait3A_500 : memref<100000x128xf32, #tpu.memory_space<hbm>>) dst(%dma_wait3A_496 : memref<40x128xf32, #tpu.memory_space<vmem>>)
      %dma_wait3A_501 = arith.constant 2 : i32
      %dma_wait3A_502 = arith.constant 0 : i32
      %dma_wait3A_503 = arith.constant 0 : i32
      %dma_wait3A_504 = tpu.memref_slice %arg9[%dma_wait3A_501, %dma_wait3A_502, %dma_wait3A_503] : memref<5x40x128xf32, #tpu.memory_space<vmem>> -> memref<1x40x128xf32, #tpu.memory_space<vmem>>
      %dma_wait3A_505 = tpu.memref_squeeze %dma_wait3A_504 : memref<1x40x128xf32, #tpu.memory_space<vmem>> -> memref<40x128xf32, #tpu.memory_space<vmem>>
      %dma_wait3A_506 = tpu.memref_slice %arg5[%add3A_244] : memref<8000xi32, #tpu.memory_space<vmem>> -> memref<40xi32, #tpu.memory_space<vmem>>
      %dma_wait3A_507 = arith.constant 0 : i32
      %dma_wait3A_508 = arith.constant 0 : i32
      %dma_wait3A_509 = tpu.memref_slice %arg3[%dma_wait3A_507, %dma_wait3A_508] : memref<100000x128xf32, #tpu.memory_space<hbm>> -> memref<100000x128xf32, #tpu.memory_space<hbm>>
      tpu.wait_indirect_dma semaphore(%arg15 : memref<!tpu.dma_semaphore, #tpu.memory_space<semaphore_mem>>) src(%dma_wait3A_509 : memref<100000x128xf32, #tpu.memory_space<hbm>>) dst(%dma_wait3A_505 : memref<40x128xf32, #tpu.memory_space<vmem>>)
      %dma_wait3A_510 = arith.constant 3 : i32
      %dma_wait3A_511 = arith.constant 0 : i32
      %dma_wait3A_512 = arith.constant 0 : i32
      %dma_wait3A_513 = tpu.memref_slice %arg9[%dma_wait3A_510, %dma_wait3A_511, %dma_wait3A_512] : memref<5x40x128xf32, #tpu.memory_space<vmem>> -> memref<1x40x128xf32, #tpu.memory_space<vmem>>
      %dma_wait3A_514 = tpu.memref_squeeze %dma_wait3A_513 : memref<1x40x128xf32, #tpu.memory_space<vmem>> -> memref<40x128xf32, #tpu.memory_space<vmem>>
      %dma_wait3A_515 = tpu.memref_slice %arg5[%add3A_257] : memref<8000xi32, #tpu.memory_space<vmem>> -> memref<40xi32, #tpu.memory_space<vmem>>
      %dma_wait3A_516 = arith.constant 0 : i32
      %dma_wait3A_517 = arith.constant 0 : i32
      %dma_wait3A_518 = tpu.memref_slice %arg3[%dma_wait3A_516, %dma_wait3A_517] : memref<100000x128xf32, #tpu.memory_space<hbm>> -> memref<100000x128xf32, #tpu.memory_space<hbm>>
      tpu.wait_indirect_dma semaphore(%arg15 : memref<!tpu.dma_semaphore, #tpu.memory_space<semaphore_mem>>) src(%dma_wait3A_518 : memref<100000x128xf32, #tpu.memory_space<hbm>>) dst(%dma_wait3A_514 : memref<40x128xf32, #tpu.memory_space<vmem>>)
      %dma_wait3A_519 = arith.constant 4 : i32
      %dma_wait3A_520 = arith.constant 0 : i32
      %dma_wait3A_521 = arith.constant 0 : i32
      %dma_wait3A_522 = tpu.memref_slice %arg9[%dma_wait3A_519, %dma_wait3A_520, %dma_wait3A_521] : memref<5x40x128xf32, #tpu.memory_space<vmem>> -> memref<1x40x128xf32, #tpu.memory_space<vmem>>
      %dma_wait3A_523 = tpu.memref_squeeze %dma_wait3A_522 : memref<1x40x128xf32, #tpu.memory_space<vmem>> -> memref<40x128xf32, #tpu.memory_space<vmem>>
      %dma_wait3A_524 = tpu.memref_slice %arg5[%add3A_270] : memref<8000xi32, #tpu.memory_space<vmem>> -> memref<40xi32, #tpu.memory_space<vmem>>
      %dma_wait3A_525 = arith.constant 0 : i32
      %dma_wait3A_526 = arith.constant 0 : i32
      %dma_wait3A_527 = tpu.memref_slice %arg3[%dma_wait3A_525, %dma_wait3A_526] : memref<100000x128xf32, #tpu.memory_space<hbm>> -> memref<100000x128xf32, #tpu.memory_space<hbm>>
      tpu.wait_indirect_dma semaphore(%arg15 : memref<!tpu.dma_semaphore, #tpu.memory_space<semaphore_mem>>) src(%dma_wait3A_527 : memref<100000x128xf32, #tpu.memory_space<hbm>>) dst(%dma_wait3A_523 : memref<40x128xf32, #tpu.memory_space<vmem>>)
      %scan3A_528 = arith.constant 0 : i32
      %scan3A_529 = arith.constant 0 : i32
      %scan3A_530 = arith.constant 40 : i32
      %scan3A_531 = arith.addi %scan3A_529, %scan3A_530 : i32
      %scan3A_532 = arith.constant 1 : i32
      %scan3A_533 = scf.for %scan3A_555 = %scan3A_529 to %scan3A_531 step %scan3A_532 iter_args(%scan3A_556 = %scan3A_528) -> (i32)  : i32 {
        %get3A = arith.constant 0 : i32
        %get3A_557 = arith.index_cast %get3A : i32 to index
        %get3A_558 = arith.index_cast %scan3A_555 : i32 to index
        %get3A_559 = arith.constant 0 : index
        %get3A_560 = tpu.vector_load %arg9[%get3A_557, %get3A_558, %get3A_559] {strides = array<i32>} : memref<5x40x128xf32, #tpu.memory_space<vmem>>, vector<1x1x16xf32>,
        %get3A_561 = vector.shape_cast %get3A_560 : vector<1x1x16xf32> to vector<16xf32>
        %get3A_562 = arith.constant 1 : i32
        %get3A_563 = arith.index_cast %get3A_562 : i32 to index
        %get3A_564 = arith.index_cast %scan3A_555 : i32 to index
        %get3A_565 = arith.constant 0 : index
        %get3A_566 = tpu.vector_load %arg9[%get3A_563, %get3A_564, %get3A_565] {strides = array<i32>} : memref<5x40x128xf32, #tpu.memory_space<vmem>>, vector<1x1x16xf32>,
        %get3A_567 = vector.shape_cast %get3A_566 : vector<1x1x16xf32> to vector<16xf32>
        %add3A_568 = arith.addf %get3A_561, %get3A_567 : vector<16xf32>
        %get3A_569 = arith.constant 2 : i32
        %get3A_570 = arith.index_cast %get3A_569 : i32 to index
        %get3A_571 = arith.index_cast %scan3A_555 : i32 to index
        %get3A_572 = arith.constant 0 : index
        %get3A_573 = tpu.vector_load %arg9[%get3A_570, %get3A_571, %get3A_572] {strides = array<i32>} : memref<5x40x128xf32, #tpu.memory_space<vmem>>, vector<1x1x16xf32>,
        %get3A_574 = vector.shape_cast %get3A_573 : vector<1x1x16xf32> to vector<16xf32>
        %add3A_575 = arith.addf %add3A_568, %get3A_574 : vector<16xf32>
        %get3A_576 = arith.constant 3 : i32
        %get3A_577 = arith.index_cast %get3A_576 : i32 to index
        %get3A_578 = arith.index_cast %scan3A_555 : i32 to index
        %get3A_579 = arith.constant 0 : index
        %get3A_580 = tpu.vector_load %arg9[%get3A_577, %get3A_578, %get3A_579] {strides = array<i32>} : memref<5x40x128xf32, #tpu.memory_space<vmem>>, vector<1x1x16xf32>,
        %get3A_581 = vector.shape_cast %get3A_580 : vector<1x1x16xf32> to vector<16xf32>
        %add3A_582 = arith.addf %add3A_575, %get3A_581 : vector<16xf32>
        %get3A_583 = arith.constant 4 : i32
        %get3A_584 = arith.index_cast %get3A_583 : i32 to index
        %get3A_585 = arith.index_cast %scan3A_555 : i32 to index
        %get3A_586 = arith.constant 0 : index
        %get3A_587 = tpu.vector_load %arg9[%get3A_584, %get3A_585, %get3A_586] {strides = array<i32>} : memref<5x40x128xf32, #tpu.memory_space<vmem>>, vector<1x1x16xf32>,
        %get3A_588 = vector.shape_cast %get3A_587 : vector<1x1x16xf32> to vector<16xf32>
        %add3A_589 = arith.addf %add3A_582, %get3A_588 : vector<16xf32>
        %swap3A = arith.index_cast %scan3A_555 : i32 to index
        %swap3A_590 = arith.constant 0 : index
        %swap3A_591 = tpu.vector_load %arg11[%swap3A, %swap3A_590] {strides = array<i32>} : memref<40x128xf32, #tpu.memory_space<vmem>>, vector<1x16xf32>,
        %swap3A_592 = vector.shape_cast %swap3A_591 : vector<1x16xf32> to vector<16xf32>
        %swap3A_593 = vector.shape_cast %add3A_589 : vector<16xf32> to vector<1x16xf32>
        tpu.vector_store %arg11[%swap3A, %swap3A_590], %swap3A_593 {strides = array<i32>} : memref<40x128xf32, #tpu.memory_space<vmem>>, vector<1x16xf32>,
        %get3A_594 = arith.constant 0 : i32
        %get3A_595 = arith.index_cast %get3A_594 : i32 to index
        %get3A_596 = arith.index_cast %scan3A_555 : i32 to index
        %get3A_597 = arith.constant 16 : index
        %get3A_598 = tpu.vector_load %arg9[%get3A_595, %get3A_596, %get3A_597] {strides = array<i32>} : memref<5x40x128xf32, #tpu.memory_space<vmem>>, vector<1x1x16xf32>,
        %get3A_599 = vector.shape_cast %get3A_598 : vector<1x1x16xf32> to vector<16xf32>
        %get3A_600 = arith.constant 1 : i32
        %get3A_601 = arith.index_cast %get3A_600 : i32 to index
        %get3A_602 = arith.index_cast %scan3A_555 : i32 to index
        %get3A_603 = arith.constant 16 : index
        %get3A_604 = tpu.vector_load %arg9[%get3A_601, %get3A_602, %get3A_603] {strides = array<i32>} : memref<5x40x128xf32, #tpu.memory_space<vmem>>, vector<1x1x16xf32>,
        %get3A_605 = vector.shape_cast %get3A_604 : vector<1x1x16xf32> to vector<16xf32>
        %add3A_606 = arith.addf %get3A_599, %get3A_605 : vector<16xf32>
        %get3A_607 = arith.constant 2 : i32
        %get3A_608 = arith.index_cast %get3A_607 : i32 to index
        %get3A_609 = arith.index_cast %scan3A_555 : i32 to index
        %get3A_610 = arith.constant 16 : index
        %get3A_611 = tpu.vector_load %arg9[%get3A_608, %get3A_609, %get3A_610] {strides = array<i32>} : memref<5x40x128xf32, #tpu.memory_space<vmem>>, vector<1x1x16xf32>,
        %get3A_612 = vector.shape_cast %get3A_611 : vector<1x1x16xf32> to vector<16xf32>
        %add3A_613 = arith.addf %add3A_606, %get3A_612 : vector<16xf32>
        %get3A_614 = arith.constant 3 : i32
        %get3A_615 = arith.index_cast %get3A_614 : i32 to index
        %get3A_616 = arith.index_cast %scan3A_555 : i32 to index
        %get3A_617 = arith.constant 16 : index
        %get3A_618 = tpu.vector_load %arg9[%get3A_615, %get3A_616, %get3A_617] {strides = array<i32>} : memref<5x40x128xf32, #tpu.memory_space<vmem>>, vector<1x1x16xf32>,
        %get3A_619 = vector.shape_cast %get3A_618 : vector<1x1x16xf32> to vector<16xf32>
        %add3A_620 = arith.addf %add3A_613, %get3A_619 : vector<16xf32>
        %get3A_621 = arith.constant 4 : i32
        %get3A_622 = arith.index_cast %get3A_621 : i32 to index
        %get3A_623 = arith.index_cast %scan3A_555 : i32 to index
        %get3A_624 = arith.constant 16 : index
        %get3A_625 = tpu.vector_load %arg9[%get3A_622, %get3A_623, %get3A_624] {strides = array<i32>} : memref<5x40x128xf32, #tpu.memory_space<vmem>>, vector<1x1x16xf32>,
        %get3A_626 = vector.shape_cast %get3A_625 : vector<1x1x16xf32> to vector<16xf32>
        %add3A_627 = arith.addf %add3A_620, %get3A_626 : vector<16xf32>
        %swap3A_628 = arith.index_cast %scan3A_555 : i32 to index
        %swap3A_629 = arith.constant 16 : index
        %swap3A_630 = tpu.vector_load %arg11[%swap3A_628, %swap3A_629] {strides = array<i32>} : memref<40x128xf32, #tpu.memory_space<vmem>>, vector<1x16xf32>,
        %swap3A_631 = vector.shape_cast %swap3A_630 : vector<1x16xf32> to vector<16xf32>
        %swap3A_632 = vector.shape_cast %add3A_627 : vector<16xf32> to vector<1x16xf32>
        tpu.vector_store %arg11[%swap3A_628, %swap3A_629], %swap3A_632 {strides = array<i32>} : memref<40x128xf32, #tpu.memory_space<vmem>>, vector<1x16xf32>,
        %get3A_633 = arith.constant 0 : i32
        %get3A_634 = arith.index_cast %get3A_633 : i32 to index
        %get3A_635 = arith.index_cast %scan3A_555 : i32 to index
        %get3A_636 = arith.constant 32 : index
        %get3A_637 = tpu.vector_load %arg9[%get3A_634, %get3A_635, %get3A_636] {strides = array<i32>} : memref<5x40x128xf32, #tpu.memory_space<vmem>>, vector<1x1x16xf32>,
        %get3A_638 = vector.shape_cast %get3A_637 : vector<1x1x16xf32> to vector<16xf32>
        %get3A_639 = arith.constant 1 : i32
        %get3A_640 = arith.index_cast %get3A_639 : i32 to index
        %get3A_641 = arith.index_cast %scan3A_555 : i32 to index
        %get3A_642 = arith.constant 32 : index
        %get3A_643 = tpu.vector_load %arg9[%get3A_640, %get3A_641, %get3A_642] {strides = array<i32>} : memref<5x40x128xf32, #tpu.memory_space<vmem>>, vector<1x1x16xf32>,
        %get3A_644 = vector.shape_cast %get3A_643 : vector<1x1x16xf32> to vector<16xf32>
        %add3A_645 = arith.addf %get3A_638, %get3A_644 : vector<16xf32>
        %get3A_646 = arith.constant 2 : i32
        %get3A_647 = arith.index_cast %get3A_646 : i32 to index
        %get3A_648 = arith.index_cast %scan3A_555 : i32 to index
        %get3A_649 = arith.constant 32 : index
        %get3A_650 = tpu.vector_load %arg9[%get3A_647, %get3A_648, %get3A_649] {strides = array<i32>} : memref<5x40x128xf32, #tpu.memory_space<vmem>>, vector<1x1x16xf32>,
        %get3A_651 = vector.shape_cast %get3A_650 : vector<1x1x16xf32> to vector<16xf32>
        %add3A_652 = arith.addf %add3A_645, %get3A_651 : vector<16xf32>
        %get3A_653 = arith.constant 3 : i32
        %get3A_654 = arith.index_cast %get3A_653 : i32 to index
        %get3A_655 = arith.index_cast %scan3A_555 : i32 to index
        %get3A_656 = arith.constant 32 : index
        %get3A_657 = tpu.vector_load %arg9[%get3A_654, %get3A_655, %get3A_656] {strides = array<i32>} : memref<5x40x128xf32, #tpu.memory_space<vmem>>, vector<1x1x16xf32>,
        %get3A_658 = vector.shape_cast %get3A_657 : vector<1x1x16xf32> to vector<16xf32>
        %add3A_659 = arith.addf %add3A_652, %get3A_658 : vector<16xf32>
        %get3A_660 = arith.constant 4 : i32
        %get3A_661 = arith.index_cast %get3A_660 : i32 to index
        %get3A_662 = arith.index_cast %scan3A_555 : i32 to index
        %get3A_663 = arith.constant 32 : index
        %get3A_664 = tpu.vector_load %arg9[%get3A_661, %get3A_662, %get3A_663] {strides = array<i32>} : memref<5x40x128xf32, #tpu.memory_space<vmem>>, vector<1x1x16xf32>,
        %get3A_665 = vector.shape_cast %get3A_664 : vector<1x1x16xf32> to vector<16xf32>
        %add3A_666 = arith.addf %add3A_659, %get3A_665 : vector<16xf32>
        %swap3A_667 = arith.index_cast %scan3A_555 : i32 to index
        %swap3A_668 = arith.constant 32 : index
        %swap3A_669 = tpu.vector_load %arg11[%swap3A_667, %swap3A_668] {strides = array<i32>} : memref<40x128xf32, #tpu.memory_space<vmem>>, vector<1x16xf32>,
        %swap3A_670 = vector.shape_cast %swap3A_669 : vector<1x16xf32> to vector<16xf32>
        %swap3A_671 = vector.shape_cast %add3A_666 : vector<16xf32> to vector<1x16xf32>
        tpu.vector_store %arg11[%swap3A_667, %swap3A_668], %swap3A_671 {strides = array<i32>} : memref<40x128xf32, #tpu.memory_space<vmem>>, vector<1x16xf32>,
        %get3A_672 = arith.constant 0 : i32
        %get3A_673 = arith.index_cast %get3A_672 : i32 to index
        %get3A_674 = arith.index_cast %scan3A_555 : i32 to index
        %get3A_675 = arith.constant 48 : index
        %get3A_676 = tpu.vector_load %arg9[%get3A_673, %get3A_674, %get3A_675] {strides = array<i32>} : memref<5x40x128xf32, #tpu.memory_space<vmem>>, vector<1x1x16xf32>,
        %get3A_677 = vector.shape_cast %get3A_676 : vector<1x1x16xf32> to vector<16xf32>
        %get3A_678 = arith.constant 1 : i32
        %get3A_679 = arith.index_cast %get3A_678 : i32 to index
        %get3A_680 = arith.index_cast %scan3A_555 : i32 to index
        %get3A_681 = arith.constant 48 : index
        %get3A_682 = tpu.vector_load %arg9[%get3A_679, %get3A_680, %get3A_681] {strides = array<i32>} : memref<5x40x128xf32, #tpu.memory_space<vmem>>, vector<1x1x16xf32>,
        %get3A_683 = vector.shape_cast %get3A_682 : vector<1x1x16xf32> to vector<16xf32>
        %add3A_684 = arith.addf %get3A_677, %get3A_683 : vector<16xf32>
        %get3A_685 = arith.constant 2 : i32
        %get3A_686 = arith.index_cast %get3A_685 : i32 to index
        %get3A_687 = arith.index_cast %scan3A_555 : i32 to index
        %get3A_688 = arith.constant 48 : index
        %get3A_689 = tpu.vector_load %arg9[%get3A_686, %get3A_687, %get3A_688] {strides = array<i32>} : memref<5x40x128xf32, #tpu.memory_space<vmem>>, vector<1x1x16xf32>,
        %get3A_690 = vector.shape_cast %get3A_689 : vector<1x1x16xf32> to vector<16xf32>
        %add3A_691 = arith.addf %add3A_684, %get3A_690 : vector<16xf32>
        %get3A_692 = arith.constant 3 : i32
        %get3A_693 = arith.index_cast %get3A_692 : i32 to index
        %get3A_694 = arith.index_cast %scan3A_555 : i32 to index
        %get3A_695 = arith.constant 48 : index
        %get3A_696 = tpu.vector_load %arg9[%get3A_693, %get3A_694, %get3A_695] {strides = array<i32>} : memref<5x40x128xf32, #tpu.memory_space<vmem>>, vector<1x1x16xf32>,
        %get3A_697 = vector.shape_cast %get3A_696 : vector<1x1x16xf32> to vector<16xf32>
        %add3A_698 = arith.addf %add3A_691, %get3A_697 : vector<16xf32>
        %get3A_699 = arith.constant 4 : i32
        %get3A_700 = arith.index_cast %get3A_699 : i32 to index
        %get3A_701 = arith.index_cast %scan3A_555 : i32 to index
        %get3A_702 = arith.constant 48 : index
        %get3A_703 = tpu.vector_load %arg9[%get3A_700, %get3A_701, %get3A_702] {strides = array<i32>} : memref<5x40x128xf32, #tpu.memory_space<vmem>>, vector<1x1x16xf32>,
        %get3A_704 = vector.shape_cast %get3A_703 : vector<1x1x16xf32> to vector<16xf32>
        %add3A_705 = arith.addf %add3A_698, %get3A_704 : vector<16xf32>
        %swap3A_706 = arith.index_cast %scan3A_555 : i32 to index
        %swap3A_707 = arith.constant 48 : index
        %swap3A_708 = tpu.vector_load %arg11[%swap3A_706, %swap3A_707] {strides = array<i32>} : memref<40x128xf32, #tpu.memory_space<vmem>>, vector<1x16xf32>,
        %swap3A_709 = vector.shape_cast %swap3A_708 : vector<1x16xf32> to vector<16xf32>
        %swap3A_710 = vector.shape_cast %add3A_705 : vector<16xf32> to vector<1x16xf32>
        tpu.vector_store %arg11[%swap3A_706, %swap3A_707], %swap3A_710 {strides = array<i32>} : memref<40x128xf32, #tpu.memory_space<vmem>>, vector<1x16xf32>,
        %get3A_711 = arith.constant 0 : i32
        %get3A_712 = arith.index_cast %get3A_711 : i32 to index
        %get3A_713 = arith.index_cast %scan3A_555 : i32 to index
        %get3A_714 = arith.constant 64 : index
        %get3A_715 = tpu.vector_load %arg9[%get3A_712, %get3A_713, %get3A_714] {strides = array<i32>} : memref<5x40x128xf32, #tpu.memory_space<vmem>>, vector<1x1x16xf32>,
        %get3A_716 = vector.shape_cast %get3A_715 : vector<1x1x16xf32> to vector<16xf32>
        %get3A_717 = arith.constant 1 : i32
        %get3A_718 = arith.index_cast %get3A_717 : i32 to index
        %get3A_719 = arith.index_cast %scan3A_555 : i32 to index
        %get3A_720 = arith.constant 64 : index
        %get3A_721 = tpu.vector_load %arg9[%get3A_718, %get3A_719, %get3A_720] {strides = array<i32>} : memref<5x40x128xf32, #tpu.memory_space<vmem>>, vector<1x1x16xf32>,
        %get3A_722 = vector.shape_cast %get3A_721 : vector<1x1x16xf32> to vector<16xf32>
        %add3A_723 = arith.addf %get3A_716, %get3A_722 : vector<16xf32>
        %get3A_724 = arith.constant 2 : i32
        %get3A_725 = arith.index_cast %get3A_724 : i32 to index
        %get3A_726 = arith.index_cast %scan3A_555 : i32 to index
        %get3A_727 = arith.constant 64 : index
        %get3A_728 = tpu.vector_load %arg9[%get3A_725, %get3A_726, %get3A_727] {strides = array<i32>} : memref<5x40x128xf32, #tpu.memory_space<vmem>>, vector<1x1x16xf32>,
        %get3A_729 = vector.shape_cast %get3A_728 : vector<1x1x16xf32> to vector<16xf32>
        %add3A_730 = arith.addf %add3A_723, %get3A_729 : vector<16xf32>
        %get3A_731 = arith.constant 3 : i32
        %get3A_732 = arith.index_cast %get3A_731 : i32 to index
        %get3A_733 = arith.index_cast %scan3A_555 : i32 to index
        %get3A_734 = arith.constant 64 : index
        %get3A_735 = tpu.vector_load %arg9[%get3A_732, %get3A_733, %get3A_734] {strides = array<i32>} : memref<5x40x128xf32, #tpu.memory_space<vmem>>, vector<1x1x16xf32>,
        %get3A_736 = vector.shape_cast %get3A_735 : vector<1x1x16xf32> to vector<16xf32>
        %add3A_737 = arith.addf %add3A_730, %get3A_736 : vector<16xf32>
        %get3A_738 = arith.constant 4 : i32
        %get3A_739 = arith.index_cast %get3A_738 : i32 to index
        %get3A_740 = arith.index_cast %scan3A_555 : i32 to index
        %get3A_741 = arith.constant 64 : index
        %get3A_742 = tpu.vector_load %arg9[%get3A_739, %get3A_740, %get3A_741] {strides = array<i32>} : memref<5x40x128xf32, #tpu.memory_space<vmem>>, vector<1x1x16xf32>,
        %get3A_743 = vector.shape_cast %get3A_742 : vector<1x1x16xf32> to vector<16xf32>
        %add3A_744 = arith.addf %add3A_737, %get3A_743 : vector<16xf32>
        %swap3A_745 = arith.index_cast %scan3A_555 : i32 to index
        %swap3A_746 = arith.constant 64 : index
        %swap3A_747 = tpu.vector_load %arg11[%swap3A_745, %swap3A_746] {strides = array<i32>} : memref<40x128xf32, #tpu.memory_space<vmem>>, vector<1x16xf32>,
        %swap3A_748 = vector.shape_cast %swap3A_747 : vector<1x16xf32> to vector<16xf32>
        %swap3A_749 = vector.shape_cast %add3A_744 : vector<16xf32> to vector<1x16xf32>
        tpu.vector_store %arg11[%swap3A_745, %swap3A_746], %swap3A_749 {strides = array<i32>} : memref<40x128xf32, #tpu.memory_space<vmem>>, vector<1x16xf32>,
        %get3A_750 = arith.constant 0 : i32
        %get3A_751 = arith.index_cast %get3A_750 : i32 to index
        %get3A_752 = arith.index_cast %scan3A_555 : i32 to index
        %get3A_753 = arith.constant 80 : index
        %get3A_754 = tpu.vector_load %arg9[%get3A_751, %get3A_752, %get3A_753] {strides = array<i32>} : memref<5x40x128xf32, #tpu.memory_space<vmem>>, vector<1x1x16xf32>,
        %get3A_755 = vector.shape_cast %get3A_754 : vector<1x1x16xf32> to vector<16xf32>
        %get3A_756 = arith.constant 1 : i32
        %get3A_757 = arith.index_cast %get3A_756 : i32 to index
        %get3A_758 = arith.index_cast %scan3A_555 : i32 to index
        %get3A_759 = arith.constant 80 : index
        %get3A_760 = tpu.vector_load %arg9[%get3A_757, %get3A_758, %get3A_759] {strides = array<i32>} : memref<5x40x128xf32, #tpu.memory_space<vmem>>, vector<1x1x16xf32>,
        %get3A_761 = vector.shape_cast %get3A_760 : vector<1x1x16xf32> to vector<16xf32>
        %add3A_762 = arith.addf %get3A_755, %get3A_761 : vector<16xf32>
        %get3A_763 = arith.constant 2 : i32
        %get3A_764 = arith.index_cast %get3A_763 : i32 to index
        %get3A_765 = arith.index_cast %scan3A_555 : i32 to index
        %get3A_766 = arith.constant 80 : index
        %get3A_767 = tpu.vector_load %arg9[%get3A_764, %get3A_765, %get3A_766] {strides = array<i32>} : memref<5x40x128xf32, #tpu.memory_space<vmem>>, vector<1x1x16xf32>,
        %get3A_768 = vector.shape_cast %get3A_767 : vector<1x1x16xf32> to vector<16xf32>
        %add3A_769 = arith.addf %add3A_762, %get3A_768 : vector<16xf32>
        %get3A_770 = arith.constant 3 : i32
        %get3A_771 = arith.index_cast %get3A_770 : i32 to index
        %get3A_772 = arith.index_cast %scan3A_555 : i32 to index
        %get3A_773 = arith.constant 80 : index
        %get3A_774 = tpu.vector_load %arg9[%get3A_771, %get3A_772, %get3A_773] {strides = array<i32>} : memref<5x40x128xf32, #tpu.memory_space<vmem>>, vector<1x1x16xf32>,
        %get3A_775 = vector.shape_cast %get3A_774 : vector<1x1x16xf32> to vector<16xf32>
        %add3A_776 = arith.addf %add3A_769, %get3A_775 : vector<16xf32>
        %get3A_777 = arith.constant 4 : i32
        %get3A_778 = arith.index_cast %get3A_777 : i32 to index
        %get3A_779 = arith.index_cast %scan3A_555 : i32 to index
        %get3A_780 = arith.constant 80 : index
        %get3A_781 = tpu.vector_load %arg9[%get3A_778, %get3A_779, %get3A_780] {strides = array<i32>} : memref<5x40x128xf32, #tpu.memory_space<vmem>>, vector<1x1x16xf32>,
        %get3A_782 = vector.shape_cast %get3A_781 : vector<1x1x16xf32> to vector<16xf32>
        %add3A_783 = arith.addf %add3A_776, %get3A_782 : vector<16xf32>
        %swap3A_784 = arith.index_cast %scan3A_555 : i32 to index
        %swap3A_785 = arith.constant 80 : index
        %swap3A_786 = tpu.vector_load %arg11[%swap3A_784, %swap3A_785] {strides = array<i32>} : memref<40x128xf32, #tpu.memory_space<vmem>>, vector<1x16xf32>,
        %swap3A_787 = vector.shape_cast %swap3A_786 : vector<1x16xf32> to vector<16xf32>
        %swap3A_788 = vector.shape_cast %add3A_783 : vector<16xf32> to vector<1x16xf32>
        tpu.vector_store %arg11[%swap3A_784, %swap3A_785], %swap3A_788 {strides = array<i32>} : memref<40x128xf32, #tpu.memory_space<vmem>>, vector<1x16xf32>,
        %get3A_789 = arith.constant 0 : i32
        %get3A_790 = arith.index_cast %get3A_789 : i32 to index
        %get3A_791 = arith.index_cast %scan3A_555 : i32 to index
        %get3A_792 = arith.constant 96 : index
        %get3A_793 = tpu.vector_load %arg9[%get3A_790, %get3A_791, %get3A_792] {strides = array<i32>} : memref<5x40x128xf32, #tpu.memory_space<vmem>>, vector<1x1x16xf32>,
        %get3A_794 = vector.shape_cast %get3A_793 : vector<1x1x16xf32> to vector<16xf32>
        %get3A_795 = arith.constant 1 : i32
        %get3A_796 = arith.index_cast %get3A_795 : i32 to index
        %get3A_797 = arith.index_cast %scan3A_555 : i32 to index
        %get3A_798 = arith.constant 96 : index
        %get3A_799 = tpu.vector_load %arg9[%get3A_796, %get3A_797, %get3A_798] {strides = array<i32>} : memref<5x40x128xf32, #tpu.memory_space<vmem>>, vector<1x1x16xf32>,
        %get3A_800 = vector.shape_cast %get3A_799 : vector<1x1x16xf32> to vector<16xf32>
        %add3A_801 = arith.addf %get3A_794, %get3A_800 : vector<16xf32>
        %get3A_802 = arith.constant 2 : i32
        %get3A_803 = arith.index_cast %get3A_802 : i32 to index
        %get3A_804 = arith.index_cast %scan3A_555 : i32 to index
        %get3A_805 = arith.constant 96 : index
        %get3A_806 = tpu.vector_load %arg9[%get3A_803, %get3A_804, %get3A_805] {strides = array<i32>} : memref<5x40x128xf32, #tpu.memory_space<vmem>>, vector<1x1x16xf32>,
        %get3A_807 = vector.shape_cast %get3A_806 : vector<1x1x16xf32> to vector<16xf32>
        %add3A_808 = arith.addf %add3A_801, %get3A_807 : vector<16xf32>
        %get3A_809 = arith.constant 3 : i32
        %get3A_810 = arith.index_cast %get3A_809 : i32 to index
        %get3A_811 = arith.index_cast %scan3A_555 : i32 to index
        %get3A_812 = arith.constant 96 : index
        %get3A_813 = tpu.vector_load %arg9[%get3A_810, %get3A_811, %get3A_812] {strides = array<i32>} : memref<5x40x128xf32, #tpu.memory_space<vmem>>, vector<1x1x16xf32>,
        %get3A_814 = vector.shape_cast %get3A_813 : vector<1x1x16xf32> to vector<16xf32>
        %add3A_815 = arith.addf %add3A_808, %get3A_814 : vector<16xf32>
        %get3A_816 = arith.constant 4 : i32
        %get3A_817 = arith.index_cast %get3A_816 : i32 to index
        %get3A_818 = arith.index_cast %scan3A_555 : i32 to index
        %get3A_819 = arith.constant 96 : index
        %get3A_820 = tpu.vector_load %arg9[%get3A_817, %get3A_818, %get3A_819] {strides = array<i32>} : memref<5x40x128xf32, #tpu.memory_space<vmem>>, vector<1x1x16xf32>,
        %get3A_821 = vector.shape_cast %get3A_820 : vector<1x1x16xf32> to vector<16xf32>
        %add3A_822 = arith.addf %add3A_815, %get3A_821 : vector<16xf32>
        %swap3A_823 = arith.index_cast %scan3A_555 : i32 to index
        %swap3A_824 = arith.constant 96 : index
        %swap3A_825 = tpu.vector_load %arg11[%swap3A_823, %swap3A_824] {strides = array<i32>} : memref<40x128xf32, #tpu.memory_space<vmem>>, vector<1x16xf32>,
        %swap3A_826 = vector.shape_cast %swap3A_825 : vector<1x16xf32> to vector<16xf32>
        %swap3A_827 = vector.shape_cast %add3A_822 : vector<16xf32> to vector<1x16xf32>
        tpu.vector_store %arg11[%swap3A_823, %swap3A_824], %swap3A_827 {strides = array<i32>} : memref<40x128xf32, #tpu.memory_space<vmem>>, vector<1x16xf32>,
        %get3A_828 = arith.constant 0 : i32
        %get3A_829 = arith.index_cast %get3A_828 : i32 to index
        %get3A_830 = arith.index_cast %scan3A_555 : i32 to index
        %get3A_831 = arith.constant 112 : index
        %get3A_832 = tpu.vector_load %arg9[%get3A_829, %get3A_830, %get3A_831] {strides = array<i32>} : memref<5x40x128xf32, #tpu.memory_space<vmem>>, vector<1x1x16xf32>,
        %get3A_833 = vector.shape_cast %get3A_832 : vector<1x1x16xf32> to vector<16xf32>
        %get3A_834 = arith.constant 1 : i32
        %get3A_835 = arith.index_cast %get3A_834 : i32 to index
        %get3A_836 = arith.index_cast %scan3A_555 : i32 to index
        %get3A_837 = arith.constant 112 : index
        %get3A_838 = tpu.vector_load %arg9[%get3A_835, %get3A_836, %get3A_837] {strides = array<i32>} : memref<5x40x128xf32, #tpu.memory_space<vmem>>, vector<1x1x16xf32>,
        %get3A_839 = vector.shape_cast %get3A_838 : vector<1x1x16xf32> to vector<16xf32>
        %add3A_840 = arith.addf %get3A_833, %get3A_839 : vector<16xf32>
        %get3A_841 = arith.constant 2 : i32
        %get3A_842 = arith.index_cast %get3A_841 : i32 to index
        %get3A_843 = arith.index_cast %scan3A_555 : i32 to index
        %get3A_844 = arith.constant 112 : index
        %get3A_845 = tpu.vector_load %arg9[%get3A_842, %get3A_843, %get3A_844] {strides = array<i32>} : memref<5x40x128xf32, #tpu.memory_space<vmem>>, vector<1x1x16xf32>,
        %get3A_846 = vector.shape_cast %get3A_845 : vector<1x1x16xf32> to vector<16xf32>
        %add3A_847 = arith.addf %add3A_840, %get3A_846 : vector<16xf32>
        %get3A_848 = arith.constant 3 : i32
        %get3A_849 = arith.index_cast %get3A_848 : i32 to index
        %get3A_850 = arith.index_cast %scan3A_555 : i32 to index
        %get3A_851 = arith.constant 112 : index
        %get3A_852 = tpu.vector_load %arg9[%get3A_849, %get3A_850, %get3A_851] {strides = array<i32>} : memref<5x40x128xf32, #tpu.memory_space<vmem>>, vector<1x1x16xf32>,
        %get3A_853 = vector.shape_cast %get3A_852 : vector<1x1x16xf32> to vector<16xf32>
        %add3A_854 = arith.addf %add3A_847, %get3A_853 : vector<16xf32>
        %get3A_855 = arith.constant 4 : i32
        %get3A_856 = arith.index_cast %get3A_855 : i32 to index
        %get3A_857 = arith.index_cast %scan3A_555 : i32 to index
        %get3A_858 = arith.constant 112 : index
        %get3A_859 = tpu.vector_load %arg9[%get3A_856, %get3A_857, %get3A_858] {strides = array<i32>} : memref<5x40x128xf32, #tpu.memory_space<vmem>>, vector<1x1x16xf32>,
        %get3A_860 = vector.shape_cast %get3A_859 : vector<1x1x16xf32> to vector<16xf32>
        %add3A_861 = arith.addf %add3A_854, %get3A_860 : vector<16xf32>
        %swap3A_862 = arith.index_cast %scan3A_555 : i32 to index
        %swap3A_863 = arith.constant 112 : index
        %swap3A_864 = tpu.vector_load %arg11[%swap3A_862, %swap3A_863] {strides = array<i32>} : memref<40x128xf32, #tpu.memory_space<vmem>>, vector<1x16xf32>,
        %swap3A_865 = vector.shape_cast %swap3A_864 : vector<1x16xf32> to vector<16xf32>
        %swap3A_866 = vector.shape_cast %add3A_861 : vector<16xf32> to vector<1x16xf32>
        tpu.vector_store %arg11[%swap3A_862, %swap3A_863], %swap3A_866 {strides = array<i32>} : memref<40x128xf32, #tpu.memory_space<vmem>>, vector<1x16xf32>,
        %scan3A_867 = arith.constant 0 : i32
        scf.yield %scan3A_867 : i32
      }
      %scan3A_534 = arith.constant 40 : i32
      %mul3A_535 = arith.constant 40 : i32
      %mul3A_536 = arith.muli %add3A, %mul3A_535 : i32
      %add3A_537 = arith.addi %mul3A_536, %add3A_482 : i32
      %min3A_538 = arith.constant 1219 : i32
      %min3A_539 = arith.minsi %add3A_537, %min3A_538 : i32
      %mul3A_540 = arith.constant 40 : i32
      %mul3A_541 = arith.muli %min3A_539, %mul3A_540 : i32
      %dma_start3A_542 = arith.constant 0 : i32
      %dma_start3A_543 = tpu.memref_slice %arg4[%mul3A_541, %dma_start3A_542] : memref<48800x128xf32, #tpu.memory_space<hbm>> -> memref<40x128xf32, #tpu.memory_space<hbm>>
      %dma_start3A_544 = arith.constant 0 : i32
      %dma_start3A_545 = tpu.memref_slice %arg4[%mul3A_541, %dma_start3A_544] : memref<48800x128xf32, #tpu.memory_space<hbm>> -> memref<40x128xf32, #tpu.memory_space<hbm>>
      tpu.enqueue_dma source(%arg11 : memref<40x128xf32, #tpu.memory_space<vmem>>) target(%dma_start3A_545 : memref<40x128xf32, #tpu.memory_space<hbm>>) target_semaphore(%arg17 : memref<!tpu.dma_semaphore, #tpu.memory_space<semaphore_mem>>)
      %dma_wait3A_546 = arith.constant 0 : i32
      %dma_wait3A_547 = tpu.memref_slice %arg4[%mul3A_472, %dma_wait3A_546] : memref<48800x128xf32, #tpu.memory_space<hbm>> -> memref<40x128xf32, #tpu.memory_space<hbm>>
      %dma_wait3A_548 = arith.constant 0 : i32
      %dma_wait3A_549 = tpu.memref_slice %arg4[%mul3A_472, %dma_wait3A_548] : memref<48800x128xf32, #tpu.memory_space<hbm>> -> memref<40x128xf32, #tpu.memory_space<hbm>>
      tpu.wait_dma2 semaphore(%arg16 : memref<!tpu.dma_semaphore, #tpu.memory_space<semaphore_mem>>) src(%arg10 : memref<40x128xf32, #tpu.memory_space<vmem>>) dst(%dma_wait3A_549 : memref<40x128xf32, #tpu.memory_space<hbm>>)
      %dma_wait3A_550 = arith.constant 0 : i32
      %dma_wait3A_551 = tpu.memref_slice %arg4[%mul3A_541, %dma_wait3A_550] : memref<48800x128xf32, #tpu.memory_space<hbm>> -> memref<40x128xf32, #tpu.memory_space<hbm>>
      %dma_wait3A_552 = arith.constant 0 : i32
      %dma_wait3A_553 = tpu.memref_slice %arg4[%mul3A_541, %dma_wait3A_552] : memref<48800x128xf32, #tpu.memory_space<hbm>> -> memref<40x128xf32, #tpu.memory_space<hbm>>
      tpu.wait_dma2 semaphore(%arg17 : memref<!tpu.dma_semaphore, #tpu.memory_space<semaphore_mem>>) src(%arg11 : memref<40x128xf32, #tpu.memory_space<vmem>>) dst(%dma_wait3A_553 : memref<40x128xf32, #tpu.memory_space<hbm>>)
      %scan3A_554 = arith.constant 0 : i32
      scf.yield %scan3A_554 : i32
    }
    %scan3A_8 = arith.constant 10 : i32
    return
  }
}

#map = affine_map<(d0, d1) -> (0)>
#map1 = affine_map<(d0, d1) -> (0, 0)>
module attributes {stable_mosaic.version = 14 : i64} {
  func.func @_sc_body(%arg0: i32, %arg1: i32, %arg2: memref<256000xi32, #tpu.memory_space<hbm>>, %arg3: memref<100000x128xf32, #tpu.memory_space<hbm>>, %arg4: memref<51200x128xf32, #tpu.memory_space<hbm>>, %arg5: memref<8000xi32, #tpu.memory_space<vmem>>, %arg6: memref<5x40x128xf32, #tpu.memory_space<vmem>>, %arg7: memref<5x40x128xf32, #tpu.memory_space<vmem>>, %arg8: memref<5x40x128xf32, #tpu.memory_space<vmem>>, %arg9: memref<5x40x128xf32, #tpu.memory_space<vmem>>, %arg10: memref<40x128xf32, #tpu.memory_space<vmem>>, %arg11: memref<40x128xf32, #tpu.memory_space<vmem>>, %arg12: memref<!tpu.dma_semaphore, #tpu.memory_space<semaphore_mem>>, %arg13: memref<!tpu.dma_semaphore, #tpu.memory_space<semaphore_mem>>, %arg14: memref<!tpu.dma_semaphore, #tpu.memory_space<semaphore_mem>>, %arg15: memref<!tpu.dma_semaphore, #tpu.memory_space<semaphore_mem>>, %arg16: memref<!tpu.dma_semaphore, #tpu.memory_space<semaphore_mem>>, %arg17: memref<!tpu.dma_semaphore, #tpu.memory_space<semaphore_mem>>) attributes {dimension_semantics = [#tpu.dimension_semantics<core_parallel>, #tpu.dimension_semantics<subcore_parallel>], iteration_bounds = array<i64: 2, 16>, scalar_prefetch = 0 : i64, scratch_operands = 13 : i64, tpu.core_type = #tpu.core_type<sc_vector_subcore>, window_params = [{transform_indices = #map}, {transform_indices = #map1}, {transform_indices = #map1}]} {
    %mul3A = arith.constant 2 : i32
    %mul3A_0 = arith.muli %arg1, %mul3A : i32
    %add3A = arith.addi %mul3A_0, %arg0 : i32
    %mul3A_1 = arith.constant 8000 : i32
    %mul3A_2 = arith.muli %add3A, %mul3A_1 : i32
    "tpu.region"() ({
      %run_scoped3A = tpu.sem_alloc : memref<!tpu.dma_semaphore, #tpu.memory_space<semaphore_mem>>
      %dma_start3A = tpu.memref_slice %arg2[%mul3A_2] : memref<256000xi32, #tpu.memory_space<hbm>> -> memref<8000xi32, #tpu.memory_space<hbm>>
      %dma_start3A_9 = tpu.memref_slice %arg2[%mul3A_2] : memref<256000xi32, #tpu.memory_space<hbm>> -> memref<8000xi32, #tpu.memory_space<hbm>>
      tpu.enqueue_dma source(%dma_start3A_9 : memref<8000xi32, #tpu.memory_space<hbm>>) target(%arg5 : memref<8000xi32, #tpu.memory_space<vmem>>) target_semaphore(%run_scoped3A : memref<!tpu.dma_semaphore, #tpu.memory_space<semaphore_mem>>)
      %dma_wait3A = tpu.memref_slice %arg2[%mul3A_2] : memref<256000xi32, #tpu.memory_space<hbm>> -> memref<8000xi32, #tpu.memory_space<hbm>>
      %dma_wait3A_10 = tpu.memref_slice %arg2[%mul3A_2] : memref<256000xi32, #tpu.memory_space<hbm>> -> memref<8000xi32, #tpu.memory_space<hbm>>
      tpu.wait_dma2 semaphore(%run_scoped3A : memref<!tpu.dma_semaphore, #tpu.memory_space<semaphore_mem>>) src(%dma_wait3A_10 : memref<8000xi32, #tpu.memory_space<hbm>>) dst(%arg5 : memref<8000xi32, #tpu.memory_space<vmem>>)
      tpu.yield
    }) : () -> ()
    %scan3A = arith.constant 0 : i32
    %scan3A_3 = arith.constant 0 : i32
    %scan3A_4 = arith.constant 10 : i32
    %scan3A_5 = arith.addi %scan3A_3, %scan3A_4 : i32
    %scan3A_6 = arith.constant 1 : i32
    %scan3A_7 = scf.for %scan3A_9 = %scan3A_3 to %scan3A_5 step %scan3A_6 iter_args(%scan3A_10 = %scan3A) -> (i32)  : i32 {
      %mul3A_11 = arith.constant 4 : i32
      %mul3A_12 = arith.muli %mul3A_11, %scan3A_9 : i32
      %add3A_13 = arith.constant 0 : i32
      %add3A_14 = arith.addi %mul3A_12, %add3A_13 : i32
      %mul3A_15 = arith.constant 200 : i32
      %mul3A_16 = arith.muli %add3A_14, %mul3A_15 : i32
      %add3A_17 = arith.constant 0 : i32
      %add3A_18 = arith.addi %mul3A_16, %add3A_17 : i32
      %dma_start3A = arith.constant 0 : i32
      %dma_start3A_19 = arith.constant 0 : i32
      %dma_start3A_20 = arith.constant 0 : i32
      %dma_start3A_21 = tpu.memref_slice %arg6[%dma_start3A, %dma_start3A_19, %dma_start3A_20] : memref<5x40x128xf32, #tpu.memory_space<vmem>> -> memref<1x40x128xf32, #tpu.memory_space<vmem>>
      %dma_start3A_22 = tpu.memref_squeeze %dma_start3A_21 : memref<1x40x128xf32, #tpu.memory_space<vmem>> -> memref<40x128xf32, #tpu.memory_space<vmem>>
      %dma_start3A_23 = tpu.memref_slice %arg5[%add3A_18] : memref<8000xi32, #tpu.memory_space<vmem>> -> memref<40xi32, #tpu.memory_space<vmem>>
      %dma_start3A_24 = arith.constant 0 : i32
      %dma_start3A_25 = arith.constant 0 : i32
      %dma_start3A_26 = tpu.memref_slice %arg3[%dma_start3A_24, %dma_start3A_25] : memref<100000x128xf32, #tpu.memory_space<hbm>> -> memref<100000x128xf32, #tpu.memory_space<hbm>>
      tpu.enqueue_indirect_dma source(%dma_start3A_26 : memref<100000x128xf32, #tpu.memory_space<hbm>>) target(%dma_start3A_22 : memref<40x128xf32, #tpu.memory_space<vmem>>) offsets(%dma_start3A_23 : memref<40xi32, #tpu.memory_space<vmem>>) semaphore(%arg12 : memref<!tpu.dma_semaphore, #tpu.memory_space<semaphore_mem>>)
      %mul3A_27 = arith.constant 200 : i32
      %mul3A_28 = arith.muli %add3A_14, %mul3A_27 : i32
      %add3A_29 = arith.constant 40 : i32
      %add3A_30 = arith.addi %mul3A_28, %add3A_29 : i32
      %dma_start3A_31 = arith.constant 1 : i32
      %dma_start3A_32 = arith.constant 0 : i32
      %dma_start3A_33 = arith.constant 0 : i32
      %dma_start3A_34 = tpu.memref_slice %arg6[%dma_start3A_31, %dma_start3A_32, %dma_start3A_33] : memref<5x40x128xf32, #tpu.memory_space<vmem>> -> memref<1x40x128xf32, #tpu.memory_space<vmem>>
      %dma_start3A_35 = tpu.memref_squeeze %dma_start3A_34 : memref<1x40x128xf32, #tpu.memory_space<vmem>> -> memref<40x128xf32, #tpu.memory_space<vmem>>
      %dma_start3A_36 = tpu.memref_slice %arg5[%add3A_30] : memref<8000xi32, #tpu.memory_space<vmem>> -> memref<40xi32, #tpu.memory_space<vmem>>
      %dma_start3A_37 = arith.constant 0 : i32
      %dma_start3A_38 = arith.constant 0 : i32
      %dma_start3A_39 = tpu.memref_slice %arg3[%dma_start3A_37, %dma_start3A_38] : memref<100000x128xf32, #tpu.memory_space<hbm>> -> memref<100000x128xf32, #tpu.memory_space<hbm>>
      tpu.enqueue_indirect_dma source(%dma_start3A_39 : memref<100000x128xf32, #tpu.memory_space<hbm>>) target(%dma_start3A_35 : memref<40x128xf32, #tpu.memory_space<vmem>>) offsets(%dma_start3A_36 : memref<40xi32, #tpu.memory_space<vmem>>) semaphore(%arg12 : memref<!tpu.dma_semaphore, #tpu.memory_space<semaphore_mem>>)
      %mul3A_40 = arith.constant 200 : i32
      %mul3A_41 = arith.muli %add3A_14, %mul3A_40 : i32
      %add3A_42 = arith.constant 80 : i32
      %add3A_43 = arith.addi %mul3A_41, %add3A_42 : i32
      %dma_start3A_44 = arith.constant 2 : i32
      %dma_start3A_45 = arith.constant 0 : i32
      %dma_start3A_46 = arith.constant 0 : i32
      %dma_start3A_47 = tpu.memref_slice %arg6[%dma_start3A_44, %dma_start3A_45, %dma_start3A_46] : memref<5x40x128xf32, #tpu.memory_space<vmem>> -> memref<1x40x128xf32, #tpu.memory_space<vmem>>
      %dma_start3A_48 = tpu.memref_squeeze %dma_start3A_47 : memref<1x40x128xf32, #tpu.memory_space<vmem>> -> memref<40x128xf32, #tpu.memory_space<vmem>>
      %dma_start3A_49 = tpu.memref_slice %arg5[%add3A_43] : memref<8000xi32, #tpu.memory_space<vmem>> -> memref<40xi32, #tpu.memory_space<vmem>>
      %dma_start3A_50 = arith.constant 0 : i32
      %dma_start3A_51 = arith.constant 0 : i32
      %dma_start3A_52 = tpu.memref_slice %arg3[%dma_start3A_50, %dma_start3A_51] : memref<100000x128xf32, #tpu.memory_space<hbm>> -> memref<100000x128xf32, #tpu.memory_space<hbm>>
      tpu.enqueue_indirect_dma source(%dma_start3A_52 : memref<100000x128xf32, #tpu.memory_space<hbm>>) target(%dma_start3A_48 : memref<40x128xf32, #tpu.memory_space<vmem>>) offsets(%dma_start3A_49 : memref<40xi32, #tpu.memory_space<vmem>>) semaphore(%arg12 : memref<!tpu.dma_semaphore, #tpu.memory_space<semaphore_mem>>)
      %mul3A_53 = arith.constant 200 : i32
      %mul3A_54 = arith.muli %add3A_14, %mul3A_53 : i32
      %add3A_55 = arith.constant 120 : i32
      %add3A_56 = arith.addi %mul3A_54, %add3A_55 : i32
      %dma_start3A_57 = arith.constant 3 : i32
      %dma_start3A_58 = arith.constant 0 : i32
      %dma_start3A_59 = arith.constant 0 : i32
      %dma_start3A_60 = tpu.memref_slice %arg6[%dma_start3A_57, %dma_start3A_58, %dma_start3A_59] : memref<5x40x128xf32, #tpu.memory_space<vmem>> -> memref<1x40x128xf32, #tpu.memory_space<vmem>>
      %dma_start3A_61 = tpu.memref_squeeze %dma_start3A_60 : memref<1x40x128xf32, #tpu.memory_space<vmem>> -> memref<40x128xf32, #tpu.memory_space<vmem>>
      %dma_start3A_62 = tpu.memref_slice %arg5[%add3A_56] : memref<8000xi32, #tpu.memory_space<vmem>> -> memref<40xi32, #tpu.memory_space<vmem>>
      %dma_start3A_63 = arith.constant 0 : i32
      %dma_start3A_64 = arith.constant 0 : i32
      %dma_start3A_65 = tpu.memref_slice %arg3[%dma_start3A_63, %dma_start3A_64] : memref<100000x128xf32, #tpu.memory_space<hbm>> -> memref<100000x128xf32, #tpu.memory_space<hbm>>
      tpu.enqueue_indirect_dma source(%dma_start3A_65 : memref<100000x128xf32, #tpu.memory_space<hbm>>) target(%dma_start3A_61 : memref<40x128xf32, #tpu.memory_space<vmem>>) offsets(%dma_start3A_62 : memref<40xi32, #tpu.memory_space<vmem>>) semaphore(%arg12 : memref<!tpu.dma_semaphore, #tpu.memory_space<semaphore_mem>>)
      %mul3A_66 = arith.constant 200 : i32
      %mul3A_67 = arith.muli %add3A_14, %mul3A_66 : i32
      %add3A_68 = arith.constant 160 : i32
      %add3A_69 = arith.addi %mul3A_67, %add3A_68 : i32
      %dma_start3A_70 = arith.constant 4 : i32
      %dma_start3A_71 = arith.constant 0 : i32
      %dma_start3A_72 = arith.constant 0 : i32
      %dma_start3A_73 = tpu.memref_slice %arg6[%dma_start3A_70, %dma_start3A_71, %dma_start3A_72] : memref<5x40x128xf32, #tpu.memory_space<vmem>> -> memref<1x40x128xf32, #tpu.memory_space<vmem>>
      %dma_start3A_74 = tpu.memref_squeeze %dma_start3A_73 : memref<1x40x128xf32, #tpu.memory_space<vmem>> -> memref<40x128xf32, #tpu.memory_space<vmem>>
      %dma_start3A_75 = tpu.memref_slice %arg5[%add3A_69] : memref<8000xi32, #tpu.memory_space<vmem>> -> memref<40xi32, #tpu.memory_space<vmem>>
      %dma_start3A_76 = arith.constant 0 : i32
      %dma_start3A_77 = arith.constant 0 : i32
      %dma_start3A_78 = tpu.memref_slice %arg3[%dma_start3A_76, %dma_start3A_77] : memref<100000x128xf32, #tpu.memory_space<hbm>> -> memref<100000x128xf32, #tpu.memory_space<hbm>>
      tpu.enqueue_indirect_dma source(%dma_start3A_78 : memref<100000x128xf32, #tpu.memory_space<hbm>>) target(%dma_start3A_74 : memref<40x128xf32, #tpu.memory_space<vmem>>) offsets(%dma_start3A_75 : memref<40xi32, #tpu.memory_space<vmem>>) semaphore(%arg12 : memref<!tpu.dma_semaphore, #tpu.memory_space<semaphore_mem>>)
      %add3A_79 = arith.constant 1 : i32
      %add3A_80 = arith.addi %mul3A_12, %add3A_79 : i32
      %mul3A_81 = arith.constant 200 : i32
      %mul3A_82 = arith.muli %add3A_80, %mul3A_81 : i32
      %add3A_83 = arith.constant 0 : i32
      %add3A_84 = arith.addi %mul3A_82, %add3A_83 : i32
      %dma_start3A_85 = arith.constant 0 : i32
      %dma_start3A_86 = arith.constant 0 : i32
      %dma_start3A_87 = arith.constant 0 : i32
      %dma_start3A_88 = tpu.memref_slice %arg7[%dma_start3A_85, %dma_start3A_86, %dma_start3A_87] : memref<5x40x128xf32, #tpu.memory_space<vmem>> -> memref<1x40x128xf32, #tpu.memory_space<vmem>>
      %dma_start3A_89 = tpu.memref_squeeze %dma_start3A_88 : memref<1x40x128xf32, #tpu.memory_space<vmem>> -> memref<40x128xf32, #tpu.memory_space<vmem>>
      %dma_start3A_90 = tpu.memref_slice %arg5[%add3A_84] : memref<8000xi32, #tpu.memory_space<vmem>> -> memref<40xi32, #tpu.memory_space<vmem>>
      %dma_start3A_91 = arith.constant 0 : i32
      %dma_start3A_92 = arith.constant 0 : i32
      %dma_start3A_93 = tpu.memref_slice %arg3[%dma_start3A_91, %dma_start3A_92] : memref<100000x128xf32, #tpu.memory_space<hbm>> -> memref<100000x128xf32, #tpu.memory_space<hbm>>
      tpu.enqueue_indirect_dma source(%dma_start3A_93 : memref<100000x128xf32, #tpu.memory_space<hbm>>) target(%dma_start3A_89 : memref<40x128xf32, #tpu.memory_space<vmem>>) offsets(%dma_start3A_90 : memref<40xi32, #tpu.memory_space<vmem>>) semaphore(%arg13 : memref<!tpu.dma_semaphore, #tpu.memory_space<semaphore_mem>>)
      %mul3A_94 = arith.constant 200 : i32
      %mul3A_95 = arith.muli %add3A_80, %mul3A_94 : i32
      %add3A_96 = arith.constant 40 : i32
      %add3A_97 = arith.addi %mul3A_95, %add3A_96 : i32
      %dma_start3A_98 = arith.constant 1 : i32
      %dma_start3A_99 = arith.constant 0 : i32
      %dma_start3A_100 = arith.constant 0 : i32
      %dma_start3A_101 = tpu.memref_slice %arg7[%dma_start3A_98, %dma_start3A_99, %dma_start3A_100] : memref<5x40x128xf32, #tpu.memory_space<vmem>> -> memref<1x40x128xf32, #tpu.memory_space<vmem>>
      %dma_start3A_102 = tpu.memref_squeeze %dma_start3A_101 : memref<1x40x128xf32, #tpu.memory_space<vmem>> -> memref<40x128xf32, #tpu.memory_space<vmem>>
      %dma_start3A_103 = tpu.memref_slice %arg5[%add3A_97] : memref<8000xi32, #tpu.memory_space<vmem>> -> memref<40xi32, #tpu.memory_space<vmem>>
      %dma_start3A_104 = arith.constant 0 : i32
      %dma_start3A_105 = arith.constant 0 : i32
      %dma_start3A_106 = tpu.memref_slice %arg3[%dma_start3A_104, %dma_start3A_105] : memref<100000x128xf32, #tpu.memory_space<hbm>> -> memref<100000x128xf32, #tpu.memory_space<hbm>>
      tpu.enqueue_indirect_dma source(%dma_start3A_106 : memref<100000x128xf32, #tpu.memory_space<hbm>>) target(%dma_start3A_102 : memref<40x128xf32, #tpu.memory_space<vmem>>) offsets(%dma_start3A_103 : memref<40xi32, #tpu.memory_space<vmem>>) semaphore(%arg13 : memref<!tpu.dma_semaphore, #tpu.memory_space<semaphore_mem>>)
      %mul3A_107 = arith.constant 200 : i32
      %mul3A_108 = arith.muli %add3A_80, %mul3A_107 : i32
      %add3A_109 = arith.constant 80 : i32
      %add3A_110 = arith.addi %mul3A_108, %add3A_109 : i32
      %dma_start3A_111 = arith.constant 2 : i32
      %dma_start3A_112 = arith.constant 0 : i32
      %dma_start3A_113 = arith.constant 0 : i32
      %dma_start3A_114 = tpu.memref_slice %arg7[%dma_start3A_111, %dma_start3A_112, %dma_start3A_113] : memref<5x40x128xf32, #tpu.memory_space<vmem>> -> memref<1x40x128xf32, #tpu.memory_space<vmem>>
      %dma_start3A_115 = tpu.memref_squeeze %dma_start3A_114 : memref<1x40x128xf32, #tpu.memory_space<vmem>> -> memref<40x128xf32, #tpu.memory_space<vmem>>
      %dma_start3A_116 = tpu.memref_slice %arg5[%add3A_110] : memref<8000xi32, #tpu.memory_space<vmem>> -> memref<40xi32, #tpu.memory_space<vmem>>
      %dma_start3A_117 = arith.constant 0 : i32
      %dma_start3A_118 = arith.constant 0 : i32
      %dma_start3A_119 = tpu.memref_slice %arg3[%dma_start3A_117, %dma_start3A_118] : memref<100000x128xf32, #tpu.memory_space<hbm>> -> memref<100000x128xf32, #tpu.memory_space<hbm>>
      tpu.enqueue_indirect_dma source(%dma_start3A_119 : memref<100000x128xf32, #tpu.memory_space<hbm>>) target(%dma_start3A_115 : memref<40x128xf32, #tpu.memory_space<vmem>>) offsets(%dma_start3A_116 : memref<40xi32, #tpu.memory_space<vmem>>) semaphore(%arg13 : memref<!tpu.dma_semaphore, #tpu.memory_space<semaphore_mem>>)
      %mul3A_120 = arith.constant 200 : i32
      %mul3A_121 = arith.muli %add3A_80, %mul3A_120 : i32
      %add3A_122 = arith.constant 120 : i32
      %add3A_123 = arith.addi %mul3A_121, %add3A_122 : i32
      %dma_start3A_124 = arith.constant 3 : i32
      %dma_start3A_125 = arith.constant 0 : i32
      %dma_start3A_126 = arith.constant 0 : i32
      %dma_start3A_127 = tpu.memref_slice %arg7[%dma_start3A_124, %dma_start3A_125, %dma_start3A_126] : memref<5x40x128xf32, #tpu.memory_space<vmem>> -> memref<1x40x128xf32, #tpu.memory_space<vmem>>
      %dma_start3A_128 = tpu.memref_squeeze %dma_start3A_127 : memref<1x40x128xf32, #tpu.memory_space<vmem>> -> memref<40x128xf32, #tpu.memory_space<vmem>>
      %dma_start3A_129 = tpu.memref_slice %arg5[%add3A_123] : memref<8000xi32, #tpu.memory_space<vmem>> -> memref<40xi32, #tpu.memory_space<vmem>>
      %dma_start3A_130 = arith.constant 0 : i32
      %dma_start3A_131 = arith.constant 0 : i32
      %dma_start3A_132 = tpu.memref_slice %arg3[%dma_start3A_130, %dma_start3A_131] : memref<100000x128xf32, #tpu.memory_space<hbm>> -> memref<100000x128xf32, #tpu.memory_space<hbm>>
      tpu.enqueue_indirect_dma source(%dma_start3A_132 : memref<100000x128xf32, #tpu.memory_space<hbm>>) target(%dma_start3A_128 : memref<40x128xf32, #tpu.memory_space<vmem>>) offsets(%dma_start3A_129 : memref<40xi32, #tpu.memory_space<vmem>>) semaphore(%arg13 : memref<!tpu.dma_semaphore, #tpu.memory_space<semaphore_mem>>)
      %mul3A_133 = arith.constant 200 : i32
      %mul3A_134 = arith.muli %add3A_80, %mul3A_133 : i32
      %add3A_135 = arith.constant 160 : i32
      %add3A_136 = arith.addi %mul3A_134, %add3A_135 : i32
      %dma_start3A_137 = arith.constant 4 : i32
      %dma_start3A_138 = arith.constant 0 : i32
      %dma_start3A_139 = arith.constant 0 : i32
      %dma_start3A_140 = tpu.memref_slice %arg7[%dma_start3A_137, %dma_start3A_138, %dma_start3A_139] : memref<5x40x128xf32, #tpu.memory_space<vmem>> -> memref<1x40x128xf32, #tpu.memory_space<vmem>>
      %dma_start3A_141 = tpu.memref_squeeze %dma_start3A_140 : memref<1x40x128xf32, #tpu.memory_space<vmem>> -> memref<40x128xf32, #tpu.memory_space<vmem>>
      %dma_start3A_142 = tpu.memref_slice %arg5[%add3A_136] : memref<8000xi32, #tpu.memory_space<vmem>> -> memref<40xi32, #tpu.memory_space<vmem>>
      %dma_start3A_143 = arith.constant 0 : i32
      %dma_start3A_144 = arith.constant 0 : i32
      %dma_start3A_145 = tpu.memref_slice %arg3[%dma_start3A_143, %dma_start3A_144] : memref<100000x128xf32, #tpu.memory_space<hbm>> -> memref<100000x128xf32, #tpu.memory_space<hbm>>
      tpu.enqueue_indirect_dma source(%dma_start3A_145 : memref<100000x128xf32, #tpu.memory_space<hbm>>) target(%dma_start3A_141 : memref<40x128xf32, #tpu.memory_space<vmem>>) offsets(%dma_start3A_142 : memref<40xi32, #tpu.memory_space<vmem>>) semaphore(%arg13 : memref<!tpu.dma_semaphore, #tpu.memory_space<semaphore_mem>>)
      %add3A_146 = arith.constant 2 : i32
      %add3A_147 = arith.addi %mul3A_12, %add3A_146 : i32
      %mul3A_148 = arith.constant 200 : i32
      %mul3A_149 = arith.muli %add3A_147, %mul3A_148 : i32
      %add3A_150 = arith.constant 0 : i32
      %add3A_151 = arith.addi %mul3A_149, %add3A_150 : i32
      %dma_start3A_152 = arith.constant 0 : i32
      %dma_start3A_153 = arith.constant 0 : i32
      %dma_start3A_154 = arith.constant 0 : i32
      %dma_start3A_155 = tpu.memref_slice %arg8[%dma_start3A_152, %dma_start3A_153, %dma_start3A_154] : memref<5x40x128xf32, #tpu.memory_space<vmem>> -> memref<1x40x128xf32, #tpu.memory_space<vmem>>
      %dma_start3A_156 = tpu.memref_squeeze %dma_start3A_155 : memref<1x40x128xf32, #tpu.memory_space<vmem>> -> memref<40x128xf32, #tpu.memory_space<vmem>>
      %dma_start3A_157 = tpu.memref_slice %arg5[%add3A_151] : memref<8000xi32, #tpu.memory_space<vmem>> -> memref<40xi32, #tpu.memory_space<vmem>>
      %dma_start3A_158 = arith.constant 0 : i32
      %dma_start3A_159 = arith.constant 0 : i32
      %dma_start3A_160 = tpu.memref_slice %arg3[%dma_start3A_158, %dma_start3A_159] : memref<100000x128xf32, #tpu.memory_space<hbm>> -> memref<100000x128xf32, #tpu.memory_space<hbm>>
      tpu.enqueue_indirect_dma source(%dma_start3A_160 : memref<100000x128xf32, #tpu.memory_space<hbm>>) target(%dma_start3A_156 : memref<40x128xf32, #tpu.memory_space<vmem>>) offsets(%dma_start3A_157 : memref<40xi32, #tpu.memory_space<vmem>>) semaphore(%arg14 : memref<!tpu.dma_semaphore, #tpu.memory_space<semaphore_mem>>)
      %mul3A_161 = arith.constant 200 : i32
      %mul3A_162 = arith.muli %add3A_147, %mul3A_161 : i32
      %add3A_163 = arith.constant 40 : i32
      %add3A_164 = arith.addi %mul3A_162, %add3A_163 : i32
      %dma_start3A_165 = arith.constant 1 : i32
      %dma_start3A_166 = arith.constant 0 : i32
      %dma_start3A_167 = arith.constant 0 : i32
      %dma_start3A_168 = tpu.memref_slice %arg8[%dma_start3A_165, %dma_start3A_166, %dma_start3A_167] : memref<5x40x128xf32, #tpu.memory_space<vmem>> -> memref<1x40x128xf32, #tpu.memory_space<vmem>>
      %dma_start3A_169 = tpu.memref_squeeze %dma_start3A_168 : memref<1x40x128xf32, #tpu.memory_space<vmem>> -> memref<40x128xf32, #tpu.memory_space<vmem>>
      %dma_start3A_170 = tpu.memref_slice %arg5[%add3A_164] : memref<8000xi32, #tpu.memory_space<vmem>> -> memref<40xi32, #tpu.memory_space<vmem>>
      %dma_start3A_171 = arith.constant 0 : i32
      %dma_start3A_172 = arith.constant 0 : i32
      %dma_start3A_173 = tpu.memref_slice %arg3[%dma_start3A_171, %dma_start3A_172] : memref<100000x128xf32, #tpu.memory_space<hbm>> -> memref<100000x128xf32, #tpu.memory_space<hbm>>
      tpu.enqueue_indirect_dma source(%dma_start3A_173 : memref<100000x128xf32, #tpu.memory_space<hbm>>) target(%dma_start3A_169 : memref<40x128xf32, #tpu.memory_space<vmem>>) offsets(%dma_start3A_170 : memref<40xi32, #tpu.memory_space<vmem>>) semaphore(%arg14 : memref<!tpu.dma_semaphore, #tpu.memory_space<semaphore_mem>>)
      %mul3A_174 = arith.constant 200 : i32
      %mul3A_175 = arith.muli %add3A_147, %mul3A_174 : i32
      %add3A_176 = arith.constant 80 : i32
      %add3A_177 = arith.addi %mul3A_175, %add3A_176 : i32
      %dma_start3A_178 = arith.constant 2 : i32
      %dma_start3A_179 = arith.constant 0 : i32
      %dma_start3A_180 = arith.constant 0 : i32
      %dma_start3A_181 = tpu.memref_slice %arg8[%dma_start3A_178, %dma_start3A_179, %dma_start3A_180] : memref<5x40x128xf32, #tpu.memory_space<vmem>> -> memref<1x40x128xf32, #tpu.memory_space<vmem>>
      %dma_start3A_182 = tpu.memref_squeeze %dma_start3A_181 : memref<1x40x128xf32, #tpu.memory_space<vmem>> -> memref<40x128xf32, #tpu.memory_space<vmem>>
      %dma_start3A_183 = tpu.memref_slice %arg5[%add3A_177] : memref<8000xi32, #tpu.memory_space<vmem>> -> memref<40xi32, #tpu.memory_space<vmem>>
      %dma_start3A_184 = arith.constant 0 : i32
      %dma_start3A_185 = arith.constant 0 : i32
      %dma_start3A_186 = tpu.memref_slice %arg3[%dma_start3A_184, %dma_start3A_185] : memref<100000x128xf32, #tpu.memory_space<hbm>> -> memref<100000x128xf32, #tpu.memory_space<hbm>>
      tpu.enqueue_indirect_dma source(%dma_start3A_186 : memref<100000x128xf32, #tpu.memory_space<hbm>>) target(%dma_start3A_182 : memref<40x128xf32, #tpu.memory_space<vmem>>) offsets(%dma_start3A_183 : memref<40xi32, #tpu.memory_space<vmem>>) semaphore(%arg14 : memref<!tpu.dma_semaphore, #tpu.memory_space<semaphore_mem>>)
      %mul3A_187 = arith.constant 200 : i32
      %mul3A_188 = arith.muli %add3A_147, %mul3A_187 : i32
      %add3A_189 = arith.constant 120 : i32
      %add3A_190 = arith.addi %mul3A_188, %add3A_189 : i32
      %dma_start3A_191 = arith.constant 3 : i32
      %dma_start3A_192 = arith.constant 0 : i32
      %dma_start3A_193 = arith.constant 0 : i32
      %dma_start3A_194 = tpu.memref_slice %arg8[%dma_start3A_191, %dma_start3A_192, %dma_start3A_193] : memref<5x40x128xf32, #tpu.memory_space<vmem>> -> memref<1x40x128xf32, #tpu.memory_space<vmem>>
      %dma_start3A_195 = tpu.memref_squeeze %dma_start3A_194 : memref<1x40x128xf32, #tpu.memory_space<vmem>> -> memref<40x128xf32, #tpu.memory_space<vmem>>
      %dma_start3A_196 = tpu.memref_slice %arg5[%add3A_190] : memref<8000xi32, #tpu.memory_space<vmem>> -> memref<40xi32, #tpu.memory_space<vmem>>
      %dma_start3A_197 = arith.constant 0 : i32
      %dma_start3A_198 = arith.constant 0 : i32
      %dma_start3A_199 = tpu.memref_slice %arg3[%dma_start3A_197, %dma_start3A_198] : memref<100000x128xf32, #tpu.memory_space<hbm>> -> memref<100000x128xf32, #tpu.memory_space<hbm>>
      tpu.enqueue_indirect_dma source(%dma_start3A_199 : memref<100000x128xf32, #tpu.memory_space<hbm>>) target(%dma_start3A_195 : memref<40x128xf32, #tpu.memory_space<vmem>>) offsets(%dma_start3A_196 : memref<40xi32, #tpu.memory_space<vmem>>) semaphore(%arg14 : memref<!tpu.dma_semaphore, #tpu.memory_space<semaphore_mem>>)
      %mul3A_200 = arith.constant 200 : i32
      %mul3A_201 = arith.muli %add3A_147, %mul3A_200 : i32
      %add3A_202 = arith.constant 160 : i32
      %add3A_203 = arith.addi %mul3A_201, %add3A_202 : i32
      %dma_start3A_204 = arith.constant 4 : i32
      %dma_start3A_205 = arith.constant 0 : i32
      %dma_start3A_206 = arith.constant 0 : i32
      %dma_start3A_207 = tpu.memref_slice %arg8[%dma_start3A_204, %dma_start3A_205, %dma_start3A_206] : memref<5x40x128xf32, #tpu.memory_space<vmem>> -> memref<1x40x128xf32, #tpu.memory_space<vmem>>
      %dma_start3A_208 = tpu.memref_squeeze %dma_start3A_207 : memref<1x40x128xf32, #tpu.memory_space<vmem>> -> memref<40x128xf32, #tpu.memory_space<vmem>>
      %dma_start3A_209 = tpu.memref_slice %arg5[%add3A_203] : memref<8000xi32, #tpu.memory_space<vmem>> -> memref<40xi32, #tpu.memory_space<vmem>>
      %dma_start3A_210 = arith.constant 0 : i32
      %dma_start3A_211 = arith.constant 0 : i32
      %dma_start3A_212 = tpu.memref_slice %arg3[%dma_start3A_210, %dma_start3A_211] : memref<100000x128xf32, #tpu.memory_space<hbm>> -> memref<100000x128xf32, #tpu.memory_space<hbm>>
      tpu.enqueue_indirect_dma source(%dma_start3A_212 : memref<100000x128xf32, #tpu.memory_space<hbm>>) target(%dma_start3A_208 : memref<40x128xf32, #tpu.memory_space<vmem>>) offsets(%dma_start3A_209 : memref<40xi32, #tpu.memory_space<vmem>>) semaphore(%arg14 : memref<!tpu.dma_semaphore, #tpu.memory_space<semaphore_mem>>)
      %add3A_213 = arith.constant 3 : i32
      %add3A_214 = arith.addi %mul3A_12, %add3A_213 : i32
      %mul3A_215 = arith.constant 200 : i32
      %mul3A_216 = arith.muli %add3A_214, %mul3A_215 : i32
      %add3A_217 = arith.constant 0 : i32
      %add3A_218 = arith.addi %mul3A_216, %add3A_217 : i32
      %dma_start3A_219 = arith.constant 0 : i32
      %dma_start3A_220 = arith.constant 0 : i32
      %dma_start3A_221 = arith.constant 0 : i32
      %dma_start3A_222 = tpu.memref_slice %arg9[%dma_start3A_219, %dma_start3A_220, %dma_start3A_221] : memref<5x40x128xf32, #tpu.memory_space<vmem>> -> memref<1x40x128xf32, #tpu.memory_space<vmem>>
      %dma_start3A_223 = tpu.memref_squeeze %dma_start3A_222 : memref<1x40x128xf32, #tpu.memory_space<vmem>> -> memref<40x128xf32, #tpu.memory_space<vmem>>
      %dma_start3A_224 = tpu.memref_slice %arg5[%add3A_218] : memref<8000xi32, #tpu.memory_space<vmem>> -> memref<40xi32, #tpu.memory_space<vmem>>
      %dma_start3A_225 = arith.constant 0 : i32
      %dma_start3A_226 = arith.constant 0 : i32
      %dma_start3A_227 = tpu.memref_slice %arg3[%dma_start3A_225, %dma_start3A_226] : memref<100000x128xf32, #tpu.memory_space<hbm>> -> memref<100000x128xf32, #tpu.memory_space<hbm>>
      tpu.enqueue_indirect_dma source(%dma_start3A_227 : memref<100000x128xf32, #tpu.memory_space<hbm>>) target(%dma_start3A_223 : memref<40x128xf32, #tpu.memory_space<vmem>>) offsets(%dma_start3A_224 : memref<40xi32, #tpu.memory_space<vmem>>) semaphore(%arg15 : memref<!tpu.dma_semaphore, #tpu.memory_space<semaphore_mem>>)
      %mul3A_228 = arith.constant 200 : i32
      %mul3A_229 = arith.muli %add3A_214, %mul3A_228 : i32
      %add3A_230 = arith.constant 40 : i32
      %add3A_231 = arith.addi %mul3A_229, %add3A_230 : i32
      %dma_start3A_232 = arith.constant 1 : i32
      %dma_start3A_233 = arith.constant 0 : i32
      %dma_start3A_234 = arith.constant 0 : i32
      %dma_start3A_235 = tpu.memref_slice %arg9[%dma_start3A_232, %dma_start3A_233, %dma_start3A_234] : memref<5x40x128xf32, #tpu.memory_space<vmem>> -> memref<1x40x128xf32, #tpu.memory_space<vmem>>
      %dma_start3A_236 = tpu.memref_squeeze %dma_start3A_235 : memref<1x40x128xf32, #tpu.memory_space<vmem>> -> memref<40x128xf32, #tpu.memory_space<vmem>>
      %dma_start3A_237 = tpu.memref_slice %arg5[%add3A_231] : memref<8000xi32, #tpu.memory_space<vmem>> -> memref<40xi32, #tpu.memory_space<vmem>>
      %dma_start3A_238 = arith.constant 0 : i32
      %dma_start3A_239 = arith.constant 0 : i32
      %dma_start3A_240 = tpu.memref_slice %arg3[%dma_start3A_238, %dma_start3A_239] : memref<100000x128xf32, #tpu.memory_space<hbm>> -> memref<100000x128xf32, #tpu.memory_space<hbm>>
      tpu.enqueue_indirect_dma source(%dma_start3A_240 : memref<100000x128xf32, #tpu.memory_space<hbm>>) target(%dma_start3A_236 : memref<40x128xf32, #tpu.memory_space<vmem>>) offsets(%dma_start3A_237 : memref<40xi32, #tpu.memory_space<vmem>>) semaphore(%arg15 : memref<!tpu.dma_semaphore, #tpu.memory_space<semaphore_mem>>)
      %mul3A_241 = arith.constant 200 : i32
      %mul3A_242 = arith.muli %add3A_214, %mul3A_241 : i32
      %add3A_243 = arith.constant 80 : i32
      %add3A_244 = arith.addi %mul3A_242, %add3A_243 : i32
      %dma_start3A_245 = arith.constant 2 : i32
      %dma_start3A_246 = arith.constant 0 : i32
      %dma_start3A_247 = arith.constant 0 : i32
      %dma_start3A_248 = tpu.memref_slice %arg9[%dma_start3A_245, %dma_start3A_246, %dma_start3A_247] : memref<5x40x128xf32, #tpu.memory_space<vmem>> -> memref<1x40x128xf32, #tpu.memory_space<vmem>>
      %dma_start3A_249 = tpu.memref_squeeze %dma_start3A_248 : memref<1x40x128xf32, #tpu.memory_space<vmem>> -> memref<40x128xf32, #tpu.memory_space<vmem>>
      %dma_start3A_250 = tpu.memref_slice %arg5[%add3A_244] : memref<8000xi32, #tpu.memory_space<vmem>> -> memref<40xi32, #tpu.memory_space<vmem>>
      %dma_start3A_251 = arith.constant 0 : i32
      %dma_start3A_252 = arith.constant 0 : i32
      %dma_start3A_253 = tpu.memref_slice %arg3[%dma_start3A_251, %dma_start3A_252] : memref<100000x128xf32, #tpu.memory_space<hbm>> -> memref<100000x128xf32, #tpu.memory_space<hbm>>
      tpu.enqueue_indirect_dma source(%dma_start3A_253 : memref<100000x128xf32, #tpu.memory_space<hbm>>) target(%dma_start3A_249 : memref<40x128xf32, #tpu.memory_space<vmem>>) offsets(%dma_start3A_250 : memref<40xi32, #tpu.memory_space<vmem>>) semaphore(%arg15 : memref<!tpu.dma_semaphore, #tpu.memory_space<semaphore_mem>>)
      %mul3A_254 = arith.constant 200 : i32
      %mul3A_255 = arith.muli %add3A_214, %mul3A_254 : i32
      %add3A_256 = arith.constant 120 : i32
      %add3A_257 = arith.addi %mul3A_255, %add3A_256 : i32
      %dma_start3A_258 = arith.constant 3 : i32
      %dma_start3A_259 = arith.constant 0 : i32
      %dma_start3A_260 = arith.constant 0 : i32
      %dma_start3A_261 = tpu.memref_slice %arg9[%dma_start3A_258, %dma_start3A_259, %dma_start3A_260] : memref<5x40x128xf32, #tpu.memory_space<vmem>> -> memref<1x40x128xf32, #tpu.memory_space<vmem>>
      %dma_start3A_262 = tpu.memref_squeeze %dma_start3A_261 : memref<1x40x128xf32, #tpu.memory_space<vmem>> -> memref<40x128xf32, #tpu.memory_space<vmem>>
      %dma_start3A_263 = tpu.memref_slice %arg5[%add3A_257] : memref<8000xi32, #tpu.memory_space<vmem>> -> memref<40xi32, #tpu.memory_space<vmem>>
      %dma_start3A_264 = arith.constant 0 : i32
      %dma_start3A_265 = arith.constant 0 : i32
      %dma_start3A_266 = tpu.memref_slice %arg3[%dma_start3A_264, %dma_start3A_265] : memref<100000x128xf32, #tpu.memory_space<hbm>> -> memref<100000x128xf32, #tpu.memory_space<hbm>>
      tpu.enqueue_indirect_dma source(%dma_start3A_266 : memref<100000x128xf32, #tpu.memory_space<hbm>>) target(%dma_start3A_262 : memref<40x128xf32, #tpu.memory_space<vmem>>) offsets(%dma_start3A_263 : memref<40xi32, #tpu.memory_space<vmem>>) semaphore(%arg15 : memref<!tpu.dma_semaphore, #tpu.memory_space<semaphore_mem>>)
      %mul3A_267 = arith.constant 200 : i32
      %mul3A_268 = arith.muli %add3A_214, %mul3A_267 : i32
      %add3A_269 = arith.constant 160 : i32
      %add3A_270 = arith.addi %mul3A_268, %add3A_269 : i32
      %dma_start3A_271 = arith.constant 4 : i32
      %dma_start3A_272 = arith.constant 0 : i32
      %dma_start3A_273 = arith.constant 0 : i32
      %dma_start3A_274 = tpu.memref_slice %arg9[%dma_start3A_271, %dma_start3A_272, %dma_start3A_273] : memref<5x40x128xf32, #tpu.memory_space<vmem>> -> memref<1x40x128xf32, #tpu.memory_space<vmem>>
      %dma_start3A_275 = tpu.memref_squeeze %dma_start3A_274 : memref<1x40x128xf32, #tpu.memory_space<vmem>> -> memref<40x128xf32, #tpu.memory_space<vmem>>
      %dma_start3A_276 = tpu.memref_slice %arg5[%add3A_270] : memref<8000xi32, #tpu.memory_space<vmem>> -> memref<40xi32, #tpu.memory_space<vmem>>
      %dma_start3A_277 = arith.constant 0 : i32
      %dma_start3A_278 = arith.constant 0 : i32
      %dma_start3A_279 = tpu.memref_slice %arg3[%dma_start3A_277, %dma_start3A_278] : memref<100000x128xf32, #tpu.memory_space<hbm>> -> memref<100000x128xf32, #tpu.memory_space<hbm>>
      tpu.enqueue_indirect_dma source(%dma_start3A_279 : memref<100000x128xf32, #tpu.memory_space<hbm>>) target(%dma_start3A_275 : memref<40x128xf32, #tpu.memory_space<vmem>>) offsets(%dma_start3A_276 : memref<40xi32, #tpu.memory_space<vmem>>) semaphore(%arg15 : memref<!tpu.dma_semaphore, #tpu.memory_space<semaphore_mem>>)
      %add3A_280 = arith.constant 0 : i32
      %add3A_281 = arith.addi %mul3A_12, %add3A_280 : i32
      %dma_wait3A = arith.constant 0 : i32
      %dma_wait3A_282 = arith.constant 0 : i32
      %dma_wait3A_283 = arith.constant 0 : i32
      %dma_wait3A_284 = tpu.memref_slice %arg6[%dma_wait3A, %dma_wait3A_282, %dma_wait3A_283] : memref<5x40x128xf32, #tpu.memory_space<vmem>> -> memref<1x40x128xf32, #tpu.memory_space<vmem>>
      %dma_wait3A_285 = tpu.memref_squeeze %dma_wait3A_284 : memref<1x40x128xf32, #tpu.memory_space<vmem>> -> memref<40x128xf32, #tpu.memory_space<vmem>>
      %dma_wait3A_286 = tpu.memref_slice %arg5[%add3A_18] : memref<8000xi32, #tpu.memory_space<vmem>> -> memref<40xi32, #tpu.memory_space<vmem>>
      %dma_wait3A_287 = arith.constant 0 : i32
      %dma_wait3A_288 = arith.constant 0 : i32
      %dma_wait3A_289 = tpu.memref_slice %arg3[%dma_wait3A_287, %dma_wait3A_288] : memref<100000x128xf32, #tpu.memory_space<hbm>> -> memref<100000x128xf32, #tpu.memory_space<hbm>>
      tpu.wait_indirect_dma semaphore(%arg12 : memref<!tpu.dma_semaphore, #tpu.memory_space<semaphore_mem>>) src(%dma_wait3A_289 : memref<100000x128xf32, #tpu.memory_space<hbm>>) dst(%dma_wait3A_285 : memref<40x128xf32, #tpu.memory_space<vmem>>)
      %dma_wait3A_290 = arith.constant 1 : i32
      %dma_wait3A_291 = arith.constant 0 : i32
      %dma_wait3A_292 = arith.constant 0 : i32
      %dma_wait3A_293 = tpu.memref_slice %arg6[%dma_wait3A_290, %dma_wait3A_291, %dma_wait3A_292] : memref<5x40x128xf32, #tpu.memory_space<vmem>> -> memref<1x40x128xf32, #tpu.memory_space<vmem>>
      %dma_wait3A_294 = tpu.memref_squeeze %dma_wait3A_293 : memref<1x40x128xf32, #tpu.memory_space<vmem>> -> memref<40x128xf32, #tpu.memory_space<vmem>>
      %dma_wait3A_295 = tpu.memref_slice %arg5[%add3A_30] : memref<8000xi32, #tpu.memory_space<vmem>> -> memref<40xi32, #tpu.memory_space<vmem>>
      %dma_wait3A_296 = arith.constant 0 : i32
      %dma_wait3A_297 = arith.constant 0 : i32
      %dma_wait3A_298 = tpu.memref_slice %arg3[%dma_wait3A_296, %dma_wait3A_297] : memref<100000x128xf32, #tpu.memory_space<hbm>> -> memref<100000x128xf32, #tpu.memory_space<hbm>>
      tpu.wait_indirect_dma semaphore(%arg12 : memref<!tpu.dma_semaphore, #tpu.memory_space<semaphore_mem>>) src(%dma_wait3A_298 : memref<100000x128xf32, #tpu.memory_space<hbm>>) dst(%dma_wait3A_294 : memref<40x128xf32, #tpu.memory_space<vmem>>)
      %dma_wait3A_299 = arith.constant 2 : i32
      %dma_wait3A_300 = arith.constant 0 : i32
      %dma_wait3A_301 = arith.constant 0 : i32
      %dma_wait3A_302 = tpu.memref_slice %arg6[%dma_wait3A_299, %dma_wait3A_300, %dma_wait3A_301] : memref<5x40x128xf32, #tpu.memory_space<vmem>> -> memref<1x40x128xf32, #tpu.memory_space<vmem>>
      %dma_wait3A_303 = tpu.memref_squeeze %dma_wait3A_302 : memref<1x40x128xf32, #tpu.memory_space<vmem>> -> memref<40x128xf32, #tpu.memory_space<vmem>>
      %dma_wait3A_304 = tpu.memref_slice %arg5[%add3A_43] : memref<8000xi32, #tpu.memory_space<vmem>> -> memref<40xi32, #tpu.memory_space<vmem>>
      %dma_wait3A_305 = arith.constant 0 : i32
      %dma_wait3A_306 = arith.constant 0 : i32
      %dma_wait3A_307 = tpu.memref_slice %arg3[%dma_wait3A_305, %dma_wait3A_306] : memref<100000x128xf32, #tpu.memory_space<hbm>> -> memref<100000x128xf32, #tpu.memory_space<hbm>>
      tpu.wait_indirect_dma semaphore(%arg12 : memref<!tpu.dma_semaphore, #tpu.memory_space<semaphore_mem>>) src(%dma_wait3A_307 : memref<100000x128xf32, #tpu.memory_space<hbm>>) dst(%dma_wait3A_303 : memref<40x128xf32, #tpu.memory_space<vmem>>)
      %dma_wait3A_308 = arith.constant 3 : i32
      %dma_wait3A_309 = arith.constant 0 : i32
      %dma_wait3A_310 = arith.constant 0 : i32
      %dma_wait3A_311 = tpu.memref_slice %arg6[%dma_wait3A_308, %dma_wait3A_309, %dma_wait3A_310] : memref<5x40x128xf32, #tpu.memory_space<vmem>> -> memref<1x40x128xf32, #tpu.memory_space<vmem>>
      %dma_wait3A_312 = tpu.memref_squeeze %dma_wait3A_311 : memref<1x40x128xf32, #tpu.memory_space<vmem>> -> memref<40x128xf32, #tpu.memory_space<vmem>>
      %dma_wait3A_313 = tpu.memref_slice %arg5[%add3A_56] : memref<8000xi32, #tpu.memory_space<vmem>> -> memref<40xi32, #tpu.memory_space<vmem>>
      %dma_wait3A_314 = arith.constant 0 : i32
      %dma_wait3A_315 = arith.constant 0 : i32
      %dma_wait3A_316 = tpu.memref_slice %arg3[%dma_wait3A_314, %dma_wait3A_315] : memref<100000x128xf32, #tpu.memory_space<hbm>> -> memref<100000x128xf32, #tpu.memory_space<hbm>>
      tpu.wait_indirect_dma semaphore(%arg12 : memref<!tpu.dma_semaphore, #tpu.memory_space<semaphore_mem>>) src(%dma_wait3A_316 : memref<100000x128xf32, #tpu.memory_space<hbm>>) dst(%dma_wait3A_312 : memref<40x128xf32, #tpu.memory_space<vmem>>)
      %dma_wait3A_317 = arith.constant 4 : i32
      %dma_wait3A_318 = arith.constant 0 : i32
      %dma_wait3A_319 = arith.constant 0 : i32
      %dma_wait3A_320 = tpu.memref_slice %arg6[%dma_wait3A_317, %dma_wait3A_318, %dma_wait3A_319] : memref<5x40x128xf32, #tpu.memory_space<vmem>> -> memref<1x40x128xf32, #tpu.memory_space<vmem>>
      %dma_wait3A_321 = tpu.memref_squeeze %dma_wait3A_320 : memref<1x40x128xf32, #tpu.memory_space<vmem>> -> memref<40x128xf32, #tpu.memory_space<vmem>>
      %dma_wait3A_322 = tpu.memref_slice %arg5[%add3A_69] : memref<8000xi32, #tpu.memory_space<vmem>> -> memref<40xi32, #tpu.memory_space<vmem>>
      %dma_wait3A_323 = arith.constant 0 : i32
      %dma_wait3A_324 = arith.constant 0 : i32
      %dma_wait3A_325 = tpu.memref_slice %arg3[%dma_wait3A_323, %dma_wait3A_324] : memref<100000x128xf32, #tpu.memory_space<hbm>> -> memref<100000x128xf32, #tpu.memory_space<hbm>>
      tpu.wait_indirect_dma semaphore(%arg12 : memref<!tpu.dma_semaphore, #tpu.memory_space<semaphore_mem>>) src(%dma_wait3A_325 : memref<100000x128xf32, #tpu.memory_space<hbm>>) dst(%dma_wait3A_321 : memref<40x128xf32, #tpu.memory_space<vmem>>)
      %scan3A_326 = arith.constant 0 : i32
      %scan3A_327 = arith.constant 0 : i32
      %scan3A_328 = arith.constant 40 : i32
      %scan3A_329 = arith.addi %scan3A_327, %scan3A_328 : i32
      %scan3A_330 = arith.constant 1 : i32
      %scan3A_331 = scf.for %scan3A_555 = %scan3A_327 to %scan3A_329 step %scan3A_330 iter_args(%scan3A_556 = %scan3A_326) -> (i32)  : i32 {
        %get3A = arith.constant 0 : i32
        %get3A_557 = arith.index_cast %get3A : i32 to index
        %get3A_558 = arith.index_cast %scan3A_555 : i32 to index
        %get3A_559 = arith.constant 0 : index
        %get3A_560 = tpu.vector_load %arg6[%get3A_557, %get3A_558, %get3A_559] {strides = array<i32>} : memref<5x40x128xf32, #tpu.memory_space<vmem>>, vector<1x1x16xf32>,
        %get3A_561 = vector.shape_cast %get3A_560 : vector<1x1x16xf32> to vector<16xf32>
        %get3A_562 = arith.constant 1 : i32
        %get3A_563 = arith.index_cast %get3A_562 : i32 to index
        %get3A_564 = arith.index_cast %scan3A_555 : i32 to index
        %get3A_565 = arith.constant 0 : index
        %get3A_566 = tpu.vector_load %arg6[%get3A_563, %get3A_564, %get3A_565] {strides = array<i32>} : memref<5x40x128xf32, #tpu.memory_space<vmem>>, vector<1x1x16xf32>,
        %get3A_567 = vector.shape_cast %get3A_566 : vector<1x1x16xf32> to vector<16xf32>
        %add3A_568 = arith.addf %get3A_561, %get3A_567 : vector<16xf32>
        %get3A_569 = arith.constant 2 : i32
        %get3A_570 = arith.index_cast %get3A_569 : i32 to index
        %get3A_571 = arith.index_cast %scan3A_555 : i32 to index
        %get3A_572 = arith.constant 0 : index
        %get3A_573 = tpu.vector_load %arg6[%get3A_570, %get3A_571, %get3A_572] {strides = array<i32>} : memref<5x40x128xf32, #tpu.memory_space<vmem>>, vector<1x1x16xf32>,
        %get3A_574 = vector.shape_cast %get3A_573 : vector<1x1x16xf32> to vector<16xf32>
        %add3A_575 = arith.addf %add3A_568, %get3A_574 : vector<16xf32>
        %get3A_576 = arith.constant 3 : i32
        %get3A_577 = arith.index_cast %get3A_576 : i32 to index
        %get3A_578 = arith.index_cast %scan3A_555 : i32 to index
        %get3A_579 = arith.constant 0 : index
        %get3A_580 = tpu.vector_load %arg6[%get3A_577, %get3A_578, %get3A_579] {strides = array<i32>} : memref<5x40x128xf32, #tpu.memory_space<vmem>>, vector<1x1x16xf32>,
        %get3A_581 = vector.shape_cast %get3A_580 : vector<1x1x16xf32> to vector<16xf32>
        %add3A_582 = arith.addf %add3A_575, %get3A_581 : vector<16xf32>
        %get3A_583 = arith.constant 4 : i32
        %get3A_584 = arith.index_cast %get3A_583 : i32 to index
        %get3A_585 = arith.index_cast %scan3A_555 : i32 to index
        %get3A_586 = arith.constant 0 : index
        %get3A_587 = tpu.vector_load %arg6[%get3A_584, %get3A_585, %get3A_586] {strides = array<i32>} : memref<5x40x128xf32, #tpu.memory_space<vmem>>, vector<1x1x16xf32>,
        %get3A_588 = vector.shape_cast %get3A_587 : vector<1x1x16xf32> to vector<16xf32>
        %add3A_589 = arith.addf %add3A_582, %get3A_588 : vector<16xf32>
        %swap3A = arith.index_cast %scan3A_555 : i32 to index
        %swap3A_590 = arith.constant 0 : index
        %swap3A_591 = tpu.vector_load %arg10[%swap3A, %swap3A_590] {strides = array<i32>} : memref<40x128xf32, #tpu.memory_space<vmem>>, vector<1x16xf32>,
        %swap3A_592 = vector.shape_cast %swap3A_591 : vector<1x16xf32> to vector<16xf32>
        %swap3A_593 = vector.shape_cast %add3A_589 : vector<16xf32> to vector<1x16xf32>
        tpu.vector_store %arg10[%swap3A, %swap3A_590], %swap3A_593 {strides = array<i32>} : memref<40x128xf32, #tpu.memory_space<vmem>>, vector<1x16xf32>,
        %get3A_594 = arith.constant 0 : i32
        %get3A_595 = arith.index_cast %get3A_594 : i32 to index
        %get3A_596 = arith.index_cast %scan3A_555 : i32 to index
        %get3A_597 = arith.constant 16 : index
        %get3A_598 = tpu.vector_load %arg6[%get3A_595, %get3A_596, %get3A_597] {strides = array<i32>} : memref<5x40x128xf32, #tpu.memory_space<vmem>>, vector<1x1x16xf32>,
        %get3A_599 = vector.shape_cast %get3A_598 : vector<1x1x16xf32> to vector<16xf32>
        %get3A_600 = arith.constant 1 : i32
        %get3A_601 = arith.index_cast %get3A_600 : i32 to index
        %get3A_602 = arith.index_cast %scan3A_555 : i32 to index
        %get3A_603 = arith.constant 16 : index
        %get3A_604 = tpu.vector_load %arg6[%get3A_601, %get3A_602, %get3A_603] {strides = array<i32>} : memref<5x40x128xf32, #tpu.memory_space<vmem>>, vector<1x1x16xf32>,
        %get3A_605 = vector.shape_cast %get3A_604 : vector<1x1x16xf32> to vector<16xf32>
        %add3A_606 = arith.addf %get3A_599, %get3A_605 : vector<16xf32>
        %get3A_607 = arith.constant 2 : i32
        %get3A_608 = arith.index_cast %get3A_607 : i32 to index
        %get3A_609 = arith.index_cast %scan3A_555 : i32 to index
        %get3A_610 = arith.constant 16 : index
        %get3A_611 = tpu.vector_load %arg6[%get3A_608, %get3A_609, %get3A_610] {strides = array<i32>} : memref<5x40x128xf32, #tpu.memory_space<vmem>>, vector<1x1x16xf32>,
        %get3A_612 = vector.shape_cast %get3A_611 : vector<1x1x16xf32> to vector<16xf32>
        %add3A_613 = arith.addf %add3A_606, %get3A_612 : vector<16xf32>
        %get3A_614 = arith.constant 3 : i32
        %get3A_615 = arith.index_cast %get3A_614 : i32 to index
        %get3A_616 = arith.index_cast %scan3A_555 : i32 to index
        %get3A_617 = arith.constant 16 : index
        %get3A_618 = tpu.vector_load %arg6[%get3A_615, %get3A_616, %get3A_617] {strides = array<i32>} : memref<5x40x128xf32, #tpu.memory_space<vmem>>, vector<1x1x16xf32>,
        %get3A_619 = vector.shape_cast %get3A_618 : vector<1x1x16xf32> to vector<16xf32>
        %add3A_620 = arith.addf %add3A_613, %get3A_619 : vector<16xf32>
        %get3A_621 = arith.constant 4 : i32
        %get3A_622 = arith.index_cast %get3A_621 : i32 to index
        %get3A_623 = arith.index_cast %scan3A_555 : i32 to index
        %get3A_624 = arith.constant 16 : index
        %get3A_625 = tpu.vector_load %arg6[%get3A_622, %get3A_623, %get3A_624] {strides = array<i32>} : memref<5x40x128xf32, #tpu.memory_space<vmem>>, vector<1x1x16xf32>,
        %get3A_626 = vector.shape_cast %get3A_625 : vector<1x1x16xf32> to vector<16xf32>
        %add3A_627 = arith.addf %add3A_620, %get3A_626 : vector<16xf32>
        %swap3A_628 = arith.index_cast %scan3A_555 : i32 to index
        %swap3A_629 = arith.constant 16 : index
        %swap3A_630 = tpu.vector_load %arg10[%swap3A_628, %swap3A_629] {strides = array<i32>} : memref<40x128xf32, #tpu.memory_space<vmem>>, vector<1x16xf32>,
        %swap3A_631 = vector.shape_cast %swap3A_630 : vector<1x16xf32> to vector<16xf32>
        %swap3A_632 = vector.shape_cast %add3A_627 : vector<16xf32> to vector<1x16xf32>
        tpu.vector_store %arg10[%swap3A_628, %swap3A_629], %swap3A_632 {strides = array<i32>} : memref<40x128xf32, #tpu.memory_space<vmem>>, vector<1x16xf32>,
        %get3A_633 = arith.constant 0 : i32
        %get3A_634 = arith.index_cast %get3A_633 : i32 to index
        %get3A_635 = arith.index_cast %scan3A_555 : i32 to index
        %get3A_636 = arith.constant 32 : index
        %get3A_637 = tpu.vector_load %arg6[%get3A_634, %get3A_635, %get3A_636] {strides = array<i32>} : memref<5x40x128xf32, #tpu.memory_space<vmem>>, vector<1x1x16xf32>,
        %get3A_638 = vector.shape_cast %get3A_637 : vector<1x1x16xf32> to vector<16xf32>
        %get3A_639 = arith.constant 1 : i32
        %get3A_640 = arith.index_cast %get3A_639 : i32 to index
        %get3A_641 = arith.index_cast %scan3A_555 : i32 to index
        %get3A_642 = arith.constant 32 : index
        %get3A_643 = tpu.vector_load %arg6[%get3A_640, %get3A_641, %get3A_642] {strides = array<i32>} : memref<5x40x128xf32, #tpu.memory_space<vmem>>, vector<1x1x16xf32>,
        %get3A_644 = vector.shape_cast %get3A_643 : vector<1x1x16xf32> to vector<16xf32>
        %add3A_645 = arith.addf %get3A_638, %get3A_644 : vector<16xf32>
        %get3A_646 = arith.constant 2 : i32
        %get3A_647 = arith.index_cast %get3A_646 : i32 to index
        %get3A_648 = arith.index_cast %scan3A_555 : i32 to index
        %get3A_649 = arith.constant 32 : index
        %get3A_650 = tpu.vector_load %arg6[%get3A_647, %get3A_648, %get3A_649] {strides = array<i32>} : memref<5x40x128xf32, #tpu.memory_space<vmem>>, vector<1x1x16xf32>,
        %get3A_651 = vector.shape_cast %get3A_650 : vector<1x1x16xf32> to vector<16xf32>
        %add3A_652 = arith.addf %add3A_645, %get3A_651 : vector<16xf32>
        %get3A_653 = arith.constant 3 : i32
        %get3A_654 = arith.index_cast %get3A_653 : i32 to index
        %get3A_655 = arith.index_cast %scan3A_555 : i32 to index
        %get3A_656 = arith.constant 32 : index
        %get3A_657 = tpu.vector_load %arg6[%get3A_654, %get3A_655, %get3A_656] {strides = array<i32>} : memref<5x40x128xf32, #tpu.memory_space<vmem>>, vector<1x1x16xf32>,
        %get3A_658 = vector.shape_cast %get3A_657 : vector<1x1x16xf32> to vector<16xf32>
        %add3A_659 = arith.addf %add3A_652, %get3A_658 : vector<16xf32>
        %get3A_660 = arith.constant 4 : i32
        %get3A_661 = arith.index_cast %get3A_660 : i32 to index
        %get3A_662 = arith.index_cast %scan3A_555 : i32 to index
        %get3A_663 = arith.constant 32 : index
        %get3A_664 = tpu.vector_load %arg6[%get3A_661, %get3A_662, %get3A_663] {strides = array<i32>} : memref<5x40x128xf32, #tpu.memory_space<vmem>>, vector<1x1x16xf32>,
        %get3A_665 = vector.shape_cast %get3A_664 : vector<1x1x16xf32> to vector<16xf32>
        %add3A_666 = arith.addf %add3A_659, %get3A_665 : vector<16xf32>
        %swap3A_667 = arith.index_cast %scan3A_555 : i32 to index
        %swap3A_668 = arith.constant 32 : index
        %swap3A_669 = tpu.vector_load %arg10[%swap3A_667, %swap3A_668] {strides = array<i32>} : memref<40x128xf32, #tpu.memory_space<vmem>>, vector<1x16xf32>,
        %swap3A_670 = vector.shape_cast %swap3A_669 : vector<1x16xf32> to vector<16xf32>
        %swap3A_671 = vector.shape_cast %add3A_666 : vector<16xf32> to vector<1x16xf32>
        tpu.vector_store %arg10[%swap3A_667, %swap3A_668], %swap3A_671 {strides = array<i32>} : memref<40x128xf32, #tpu.memory_space<vmem>>, vector<1x16xf32>,
        %get3A_672 = arith.constant 0 : i32
        %get3A_673 = arith.index_cast %get3A_672 : i32 to index
        %get3A_674 = arith.index_cast %scan3A_555 : i32 to index
        %get3A_675 = arith.constant 48 : index
        %get3A_676 = tpu.vector_load %arg6[%get3A_673, %get3A_674, %get3A_675] {strides = array<i32>} : memref<5x40x128xf32, #tpu.memory_space<vmem>>, vector<1x1x16xf32>,
        %get3A_677 = vector.shape_cast %get3A_676 : vector<1x1x16xf32> to vector<16xf32>
        %get3A_678 = arith.constant 1 : i32
        %get3A_679 = arith.index_cast %get3A_678 : i32 to index
        %get3A_680 = arith.index_cast %scan3A_555 : i32 to index
        %get3A_681 = arith.constant 48 : index
        %get3A_682 = tpu.vector_load %arg6[%get3A_679, %get3A_680, %get3A_681] {strides = array<i32>} : memref<5x40x128xf32, #tpu.memory_space<vmem>>, vector<1x1x16xf32>,
        %get3A_683 = vector.shape_cast %get3A_682 : vector<1x1x16xf32> to vector<16xf32>
        %add3A_684 = arith.addf %get3A_677, %get3A_683 : vector<16xf32>
        %get3A_685 = arith.constant 2 : i32
        %get3A_686 = arith.index_cast %get3A_685 : i32 to index
        %get3A_687 = arith.index_cast %scan3A_555 : i32 to index
        %get3A_688 = arith.constant 48 : index
        %get3A_689 = tpu.vector_load %arg6[%get3A_686, %get3A_687, %get3A_688] {strides = array<i32>} : memref<5x40x128xf32, #tpu.memory_space<vmem>>, vector<1x1x16xf32>,
        %get3A_690 = vector.shape_cast %get3A_689 : vector<1x1x16xf32> to vector<16xf32>
        %add3A_691 = arith.addf %add3A_684, %get3A_690 : vector<16xf32>
        %get3A_692 = arith.constant 3 : i32
        %get3A_693 = arith.index_cast %get3A_692 : i32 to index
        %get3A_694 = arith.index_cast %scan3A_555 : i32 to index
        %get3A_695 = arith.constant 48 : index
        %get3A_696 = tpu.vector_load %arg6[%get3A_693, %get3A_694, %get3A_695] {strides = array<i32>} : memref<5x40x128xf32, #tpu.memory_space<vmem>>, vector<1x1x16xf32>,
        %get3A_697 = vector.shape_cast %get3A_696 : vector<1x1x16xf32> to vector<16xf32>
        %add3A_698 = arith.addf %add3A_691, %get3A_697 : vector<16xf32>
        %get3A_699 = arith.constant 4 : i32
        %get3A_700 = arith.index_cast %get3A_699 : i32 to index
        %get3A_701 = arith.index_cast %scan3A_555 : i32 to index
        %get3A_702 = arith.constant 48 : index
        %get3A_703 = tpu.vector_load %arg6[%get3A_700, %get3A_701, %get3A_702] {strides = array<i32>} : memref<5x40x128xf32, #tpu.memory_space<vmem>>, vector<1x1x16xf32>,
        %get3A_704 = vector.shape_cast %get3A_703 : vector<1x1x16xf32> to vector<16xf32>
        %add3A_705 = arith.addf %add3A_698, %get3A_704 : vector<16xf32>
        %swap3A_706 = arith.index_cast %scan3A_555 : i32 to index
        %swap3A_707 = arith.constant 48 : index
        %swap3A_708 = tpu.vector_load %arg10[%swap3A_706, %swap3A_707] {strides = array<i32>} : memref<40x128xf32, #tpu.memory_space<vmem>>, vector<1x16xf32>,
        %swap3A_709 = vector.shape_cast %swap3A_708 : vector<1x16xf32> to vector<16xf32>
        %swap3A_710 = vector.shape_cast %add3A_705 : vector<16xf32> to vector<1x16xf32>
        tpu.vector_store %arg10[%swap3A_706, %swap3A_707], %swap3A_710 {strides = array<i32>} : memref<40x128xf32, #tpu.memory_space<vmem>>, vector<1x16xf32>,
        %get3A_711 = arith.constant 0 : i32
        %get3A_712 = arith.index_cast %get3A_711 : i32 to index
        %get3A_713 = arith.index_cast %scan3A_555 : i32 to index
        %get3A_714 = arith.constant 64 : index
        %get3A_715 = tpu.vector_load %arg6[%get3A_712, %get3A_713, %get3A_714] {strides = array<i32>} : memref<5x40x128xf32, #tpu.memory_space<vmem>>, vector<1x1x16xf32>,
        %get3A_716 = vector.shape_cast %get3A_715 : vector<1x1x16xf32> to vector<16xf32>
        %get3A_717 = arith.constant 1 : i32
        %get3A_718 = arith.index_cast %get3A_717 : i32 to index
        %get3A_719 = arith.index_cast %scan3A_555 : i32 to index
        %get3A_720 = arith.constant 64 : index
        %get3A_721 = tpu.vector_load %arg6[%get3A_718, %get3A_719, %get3A_720] {strides = array<i32>} : memref<5x40x128xf32, #tpu.memory_space<vmem>>, vector<1x1x16xf32>,
        %get3A_722 = vector.shape_cast %get3A_721 : vector<1x1x16xf32> to vector<16xf32>
        %add3A_723 = arith.addf %get3A_716, %get3A_722 : vector<16xf32>
        %get3A_724 = arith.constant 2 : i32
        %get3A_725 = arith.index_cast %get3A_724 : i32 to index
        %get3A_726 = arith.index_cast %scan3A_555 : i32 to index
        %get3A_727 = arith.constant 64 : index
        %get3A_728 = tpu.vector_load %arg6[%get3A_725, %get3A_726, %get3A_727] {strides = array<i32>} : memref<5x40x128xf32, #tpu.memory_space<vmem>>, vector<1x1x16xf32>,
        %get3A_729 = vector.shape_cast %get3A_728 : vector<1x1x16xf32> to vector<16xf32>
        %add3A_730 = arith.addf %add3A_723, %get3A_729 : vector<16xf32>
        %get3A_731 = arith.constant 3 : i32
        %get3A_732 = arith.index_cast %get3A_731 : i32 to index
        %get3A_733 = arith.index_cast %scan3A_555 : i32 to index
        %get3A_734 = arith.constant 64 : index
        %get3A_735 = tpu.vector_load %arg6[%get3A_732, %get3A_733, %get3A_734] {strides = array<i32>} : memref<5x40x128xf32, #tpu.memory_space<vmem>>, vector<1x1x16xf32>,
        %get3A_736 = vector.shape_cast %get3A_735 : vector<1x1x16xf32> to vector<16xf32>
        %add3A_737 = arith.addf %add3A_730, %get3A_736 : vector<16xf32>
        %get3A_738 = arith.constant 4 : i32
        %get3A_739 = arith.index_cast %get3A_738 : i32 to index
        %get3A_740 = arith.index_cast %scan3A_555 : i32 to index
        %get3A_741 = arith.constant 64 : index
        %get3A_742 = tpu.vector_load %arg6[%get3A_739, %get3A_740, %get3A_741] {strides = array<i32>} : memref<5x40x128xf32, #tpu.memory_space<vmem>>, vector<1x1x16xf32>,
        %get3A_743 = vector.shape_cast %get3A_742 : vector<1x1x16xf32> to vector<16xf32>
        %add3A_744 = arith.addf %add3A_737, %get3A_743 : vector<16xf32>
        %swap3A_745 = arith.index_cast %scan3A_555 : i32 to index
        %swap3A_746 = arith.constant 64 : index
        %swap3A_747 = tpu.vector_load %arg10[%swap3A_745, %swap3A_746] {strides = array<i32>} : memref<40x128xf32, #tpu.memory_space<vmem>>, vector<1x16xf32>,
        %swap3A_748 = vector.shape_cast %swap3A_747 : vector<1x16xf32> to vector<16xf32>
        %swap3A_749 = vector.shape_cast %add3A_744 : vector<16xf32> to vector<1x16xf32>
        tpu.vector_store %arg10[%swap3A_745, %swap3A_746], %swap3A_749 {strides = array<i32>} : memref<40x128xf32, #tpu.memory_space<vmem>>, vector<1x16xf32>,
        %get3A_750 = arith.constant 0 : i32
        %get3A_751 = arith.index_cast %get3A_750 : i32 to index
        %get3A_752 = arith.index_cast %scan3A_555 : i32 to index
        %get3A_753 = arith.constant 80 : index
        %get3A_754 = tpu.vector_load %arg6[%get3A_751, %get3A_752, %get3A_753] {strides = array<i32>} : memref<5x40x128xf32, #tpu.memory_space<vmem>>, vector<1x1x16xf32>,
        %get3A_755 = vector.shape_cast %get3A_754 : vector<1x1x16xf32> to vector<16xf32>
        %get3A_756 = arith.constant 1 : i32
        %get3A_757 = arith.index_cast %get3A_756 : i32 to index
        %get3A_758 = arith.index_cast %scan3A_555 : i32 to index
        %get3A_759 = arith.constant 80 : index
        %get3A_760 = tpu.vector_load %arg6[%get3A_757, %get3A_758, %get3A_759] {strides = array<i32>} : memref<5x40x128xf32, #tpu.memory_space<vmem>>, vector<1x1x16xf32>,
        %get3A_761 = vector.shape_cast %get3A_760 : vector<1x1x16xf32> to vector<16xf32>
        %add3A_762 = arith.addf %get3A_755, %get3A_761 : vector<16xf32>
        %get3A_763 = arith.constant 2 : i32
        %get3A_764 = arith.index_cast %get3A_763 : i32 to index
        %get3A_765 = arith.index_cast %scan3A_555 : i32 to index
        %get3A_766 = arith.constant 80 : index
        %get3A_767 = tpu.vector_load %arg6[%get3A_764, %get3A_765, %get3A_766] {strides = array<i32>} : memref<5x40x128xf32, #tpu.memory_space<vmem>>, vector<1x1x16xf32>,
        %get3A_768 = vector.shape_cast %get3A_767 : vector<1x1x16xf32> to vector<16xf32>
        %add3A_769 = arith.addf %add3A_762, %get3A_768 : vector<16xf32>
        %get3A_770 = arith.constant 3 : i32
        %get3A_771 = arith.index_cast %get3A_770 : i32 to index
        %get3A_772 = arith.index_cast %scan3A_555 : i32 to index
        %get3A_773 = arith.constant 80 : index
        %get3A_774 = tpu.vector_load %arg6[%get3A_771, %get3A_772, %get3A_773] {strides = array<i32>} : memref<5x40x128xf32, #tpu.memory_space<vmem>>, vector<1x1x16xf32>,
        %get3A_775 = vector.shape_cast %get3A_774 : vector<1x1x16xf32> to vector<16xf32>
        %add3A_776 = arith.addf %add3A_769, %get3A_775 : vector<16xf32>
        %get3A_777 = arith.constant 4 : i32
        %get3A_778 = arith.index_cast %get3A_777 : i32 to index
        %get3A_779 = arith.index_cast %scan3A_555 : i32 to index
        %get3A_780 = arith.constant 80 : index
        %get3A_781 = tpu.vector_load %arg6[%get3A_778, %get3A_779, %get3A_780] {strides = array<i32>} : memref<5x40x128xf32, #tpu.memory_space<vmem>>, vector<1x1x16xf32>,
        %get3A_782 = vector.shape_cast %get3A_781 : vector<1x1x16xf32> to vector<16xf32>
        %add3A_783 = arith.addf %add3A_776, %get3A_782 : vector<16xf32>
        %swap3A_784 = arith.index_cast %scan3A_555 : i32 to index
        %swap3A_785 = arith.constant 80 : index
        %swap3A_786 = tpu.vector_load %arg10[%swap3A_784, %swap3A_785] {strides = array<i32>} : memref<40x128xf32, #tpu.memory_space<vmem>>, vector<1x16xf32>,
        %swap3A_787 = vector.shape_cast %swap3A_786 : vector<1x16xf32> to vector<16xf32>
        %swap3A_788 = vector.shape_cast %add3A_783 : vector<16xf32> to vector<1x16xf32>
        tpu.vector_store %arg10[%swap3A_784, %swap3A_785], %swap3A_788 {strides = array<i32>} : memref<40x128xf32, #tpu.memory_space<vmem>>, vector<1x16xf32>,
        %get3A_789 = arith.constant 0 : i32
        %get3A_790 = arith.index_cast %get3A_789 : i32 to index
        %get3A_791 = arith.index_cast %scan3A_555 : i32 to index
        %get3A_792 = arith.constant 96 : index
        %get3A_793 = tpu.vector_load %arg6[%get3A_790, %get3A_791, %get3A_792] {strides = array<i32>} : memref<5x40x128xf32, #tpu.memory_space<vmem>>, vector<1x1x16xf32>,
        %get3A_794 = vector.shape_cast %get3A_793 : vector<1x1x16xf32> to vector<16xf32>
        %get3A_795 = arith.constant 1 : i32
        %get3A_796 = arith.index_cast %get3A_795 : i32 to index
        %get3A_797 = arith.index_cast %scan3A_555 : i32 to index
        %get3A_798 = arith.constant 96 : index
        %get3A_799 = tpu.vector_load %arg6[%get3A_796, %get3A_797, %get3A_798] {strides = array<i32>} : memref<5x40x128xf32, #tpu.memory_space<vmem>>, vector<1x1x16xf32>,
        %get3A_800 = vector.shape_cast %get3A_799 : vector<1x1x16xf32> to vector<16xf32>
        %add3A_801 = arith.addf %get3A_794, %get3A_800 : vector<16xf32>
        %get3A_802 = arith.constant 2 : i32
        %get3A_803 = arith.index_cast %get3A_802 : i32 to index
        %get3A_804 = arith.index_cast %scan3A_555 : i32 to index
        %get3A_805 = arith.constant 96 : index
        %get3A_806 = tpu.vector_load %arg6[%get3A_803, %get3A_804, %get3A_805] {strides = array<i32>} : memref<5x40x128xf32, #tpu.memory_space<vmem>>, vector<1x1x16xf32>,
        %get3A_807 = vector.shape_cast %get3A_806 : vector<1x1x16xf32> to vector<16xf32>
        %add3A_808 = arith.addf %add3A_801, %get3A_807 : vector<16xf32>
        %get3A_809 = arith.constant 3 : i32
        %get3A_810 = arith.index_cast %get3A_809 : i32 to index
        %get3A_811 = arith.index_cast %scan3A_555 : i32 to index
        %get3A_812 = arith.constant 96 : index
        %get3A_813 = tpu.vector_load %arg6[%get3A_810, %get3A_811, %get3A_812] {strides = array<i32>} : memref<5x40x128xf32, #tpu.memory_space<vmem>>, vector<1x1x16xf32>,
        %get3A_814 = vector.shape_cast %get3A_813 : vector<1x1x16xf32> to vector<16xf32>
        %add3A_815 = arith.addf %add3A_808, %get3A_814 : vector<16xf32>
        %get3A_816 = arith.constant 4 : i32
        %get3A_817 = arith.index_cast %get3A_816 : i32 to index
        %get3A_818 = arith.index_cast %scan3A_555 : i32 to index
        %get3A_819 = arith.constant 96 : index
        %get3A_820 = tpu.vector_load %arg6[%get3A_817, %get3A_818, %get3A_819] {strides = array<i32>} : memref<5x40x128xf32, #tpu.memory_space<vmem>>, vector<1x1x16xf32>,
        %get3A_821 = vector.shape_cast %get3A_820 : vector<1x1x16xf32> to vector<16xf32>
        %add3A_822 = arith.addf %add3A_815, %get3A_821 : vector<16xf32>
        %swap3A_823 = arith.index_cast %scan3A_555 : i32 to index
        %swap3A_824 = arith.constant 96 : index
        %swap3A_825 = tpu.vector_load %arg10[%swap3A_823, %swap3A_824] {strides = array<i32>} : memref<40x128xf32, #tpu.memory_space<vmem>>, vector<1x16xf32>,
        %swap3A_826 = vector.shape_cast %swap3A_825 : vector<1x16xf32> to vector<16xf32>
        %swap3A_827 = vector.shape_cast %add3A_822 : vector<16xf32> to vector<1x16xf32>
        tpu.vector_store %arg10[%swap3A_823, %swap3A_824], %swap3A_827 {strides = array<i32>} : memref<40x128xf32, #tpu.memory_space<vmem>>, vector<1x16xf32>,
        %get3A_828 = arith.constant 0 : i32
        %get3A_829 = arith.index_cast %get3A_828 : i32 to index
        %get3A_830 = arith.index_cast %scan3A_555 : i32 to index
        %get3A_831 = arith.constant 112 : index
        %get3A_832 = tpu.vector_load %arg6[%get3A_829, %get3A_830, %get3A_831] {strides = array<i32>} : memref<5x40x128xf32, #tpu.memory_space<vmem>>, vector<1x1x16xf32>,
        %get3A_833 = vector.shape_cast %get3A_832 : vector<1x1x16xf32> to vector<16xf32>
        %get3A_834 = arith.constant 1 : i32
        %get3A_835 = arith.index_cast %get3A_834 : i32 to index
        %get3A_836 = arith.index_cast %scan3A_555 : i32 to index
        %get3A_837 = arith.constant 112 : index
        %get3A_838 = tpu.vector_load %arg6[%get3A_835, %get3A_836, %get3A_837] {strides = array<i32>} : memref<5x40x128xf32, #tpu.memory_space<vmem>>, vector<1x1x16xf32>,
        %get3A_839 = vector.shape_cast %get3A_838 : vector<1x1x16xf32> to vector<16xf32>
        %add3A_840 = arith.addf %get3A_833, %get3A_839 : vector<16xf32>
        %get3A_841 = arith.constant 2 : i32
        %get3A_842 = arith.index_cast %get3A_841 : i32 to index
        %get3A_843 = arith.index_cast %scan3A_555 : i32 to index
        %get3A_844 = arith.constant 112 : index
        %get3A_845 = tpu.vector_load %arg6[%get3A_842, %get3A_843, %get3A_844] {strides = array<i32>} : memref<5x40x128xf32, #tpu.memory_space<vmem>>, vector<1x1x16xf32>,
        %get3A_846 = vector.shape_cast %get3A_845 : vector<1x1x16xf32> to vector<16xf32>
        %add3A_847 = arith.addf %add3A_840, %get3A_846 : vector<16xf32>
        %get3A_848 = arith.constant 3 : i32
        %get3A_849 = arith.index_cast %get3A_848 : i32 to index
        %get3A_850 = arith.index_cast %scan3A_555 : i32 to index
        %get3A_851 = arith.constant 112 : index
        %get3A_852 = tpu.vector_load %arg6[%get3A_849, %get3A_850, %get3A_851] {strides = array<i32>} : memref<5x40x128xf32, #tpu.memory_space<vmem>>, vector<1x1x16xf32>,
        %get3A_853 = vector.shape_cast %get3A_852 : vector<1x1x16xf32> to vector<16xf32>
        %add3A_854 = arith.addf %add3A_847, %get3A_853 : vector<16xf32>
        %get3A_855 = arith.constant 4 : i32
        %get3A_856 = arith.index_cast %get3A_855 : i32 to index
        %get3A_857 = arith.index_cast %scan3A_555 : i32 to index
        %get3A_858 = arith.constant 112 : index
        %get3A_859 = tpu.vector_load %arg6[%get3A_856, %get3A_857, %get3A_858] {strides = array<i32>} : memref<5x40x128xf32, #tpu.memory_space<vmem>>, vector<1x1x16xf32>,
        %get3A_860 = vector.shape_cast %get3A_859 : vector<1x1x16xf32> to vector<16xf32>
        %add3A_861 = arith.addf %add3A_854, %get3A_860 : vector<16xf32>
        %swap3A_862 = arith.index_cast %scan3A_555 : i32 to index
        %swap3A_863 = arith.constant 112 : index
        %swap3A_864 = tpu.vector_load %arg10[%swap3A_862, %swap3A_863] {strides = array<i32>} : memref<40x128xf32, #tpu.memory_space<vmem>>, vector<1x16xf32>,
        %swap3A_865 = vector.shape_cast %swap3A_864 : vector<1x16xf32> to vector<16xf32>
        %swap3A_866 = vector.shape_cast %add3A_861 : vector<16xf32> to vector<1x16xf32>
        tpu.vector_store %arg10[%swap3A_862, %swap3A_863], %swap3A_866 {strides = array<i32>} : memref<40x128xf32, #tpu.memory_space<vmem>>, vector<1x16xf32>,
        %scan3A_867 = arith.constant 0 : i32
        scf.yield %scan3A_867 : i32
      }
      %scan3A_332 = arith.constant 40 : i32
      %mul3A_333 = arith.constant 40 : i32
      %mul3A_334 = arith.muli %add3A, %mul3A_333 : i32
      %add3A_335 = arith.addi %mul3A_334, %add3A_281 : i32
      %min3A = arith.constant 1279 : i32
      %min3A_336 = arith.minsi %add3A_335, %min3A : i32
      %mul3A_337 = arith.constant 40 : i32
      %mul3A_338 = arith.muli %min3A_336, %mul3A_337 : i32
      %dma_start3A_339 = arith.constant 0 : i32
      %dma_start3A_340 = tpu.memref_slice %arg4[%mul3A_338, %dma_start3A_339] : memref<51200x128xf32, #tpu.memory_space<hbm>> -> memref<40x128xf32, #tpu.memory_space<hbm>>
      %dma_start3A_341 = arith.constant 0 : i32
      %dma_start3A_342 = tpu.memref_slice %arg4[%mul3A_338, %dma_start3A_341] : memref<51200x128xf32, #tpu.memory_space<hbm>> -> memref<40x128xf32, #tpu.memory_space<hbm>>
      tpu.enqueue_dma source(%arg10 : memref<40x128xf32, #tpu.memory_space<vmem>>) target(%dma_start3A_342 : memref<40x128xf32, #tpu.memory_space<hbm>>) target_semaphore(%arg16 : memref<!tpu.dma_semaphore, #tpu.memory_space<semaphore_mem>>)
      %add3A_343 = arith.constant 1 : i32
      %add3A_344 = arith.addi %mul3A_12, %add3A_343 : i32
      %dma_wait3A_345 = arith.constant 0 : i32
      %dma_wait3A_346 = arith.constant 0 : i32
      %dma_wait3A_347 = arith.constant 0 : i32
      %dma_wait3A_348 = tpu.memref_slice %arg7[%dma_wait3A_345, %dma_wait3A_346, %dma_wait3A_347] : memref<5x40x128xf32, #tpu.memory_space<vmem>> -> memref<1x40x128xf32, #tpu.memory_space<vmem>>
      %dma_wait3A_349 = tpu.memref_squeeze %dma_wait3A_348 : memref<1x40x128xf32, #tpu.memory_space<vmem>> -> memref<40x128xf32, #tpu.memory_space<vmem>>
      %dma_wait3A_350 = tpu.memref_slice %arg5[%add3A_84] : memref<8000xi32, #tpu.memory_space<vmem>> -> memref<40xi32, #tpu.memory_space<vmem>>
      %dma_wait3A_351 = arith.constant 0 : i32
      %dma_wait3A_352 = arith.constant 0 : i32
      %dma_wait3A_353 = tpu.memref_slice %arg3[%dma_wait3A_351, %dma_wait3A_352] : memref<100000x128xf32, #tpu.memory_space<hbm>> -> memref<100000x128xf32, #tpu.memory_space<hbm>>
      tpu.wait_indirect_dma semaphore(%arg13 : memref<!tpu.dma_semaphore, #tpu.memory_space<semaphore_mem>>) src(%dma_wait3A_353 : memref<100000x128xf32, #tpu.memory_space<hbm>>) dst(%dma_wait3A_349 : memref<40x128xf32, #tpu.memory_space<vmem>>)
      %dma_wait3A_354 = arith.constant 1 : i32
      %dma_wait3A_355 = arith.constant 0 : i32
      %dma_wait3A_356 = arith.constant 0 : i32
      %dma_wait3A_357 = tpu.memref_slice %arg7[%dma_wait3A_354, %dma_wait3A_355, %dma_wait3A_356] : memref<5x40x128xf32, #tpu.memory_space<vmem>> -> memref<1x40x128xf32, #tpu.memory_space<vmem>>
      %dma_wait3A_358 = tpu.memref_squeeze %dma_wait3A_357 : memref<1x40x128xf32, #tpu.memory_space<vmem>> -> memref<40x128xf32, #tpu.memory_space<vmem>>
      %dma_wait3A_359 = tpu.memref_slice %arg5[%add3A_97] : memref<8000xi32, #tpu.memory_space<vmem>> -> memref<40xi32, #tpu.memory_space<vmem>>
      %dma_wait3A_360 = arith.constant 0 : i32
      %dma_wait3A_361 = arith.constant 0 : i32
      %dma_wait3A_362 = tpu.memref_slice %arg3[%dma_wait3A_360, %dma_wait3A_361] : memref<100000x128xf32, #tpu.memory_space<hbm>> -> memref<100000x128xf32, #tpu.memory_space<hbm>>
      tpu.wait_indirect_dma semaphore(%arg13 : memref<!tpu.dma_semaphore, #tpu.memory_space<semaphore_mem>>) src(%dma_wait3A_362 : memref<100000x128xf32, #tpu.memory_space<hbm>>) dst(%dma_wait3A_358 : memref<40x128xf32, #tpu.memory_space<vmem>>)
      %dma_wait3A_363 = arith.constant 2 : i32
      %dma_wait3A_364 = arith.constant 0 : i32
      %dma_wait3A_365 = arith.constant 0 : i32
      %dma_wait3A_366 = tpu.memref_slice %arg7[%dma_wait3A_363, %dma_wait3A_364, %dma_wait3A_365] : memref<5x40x128xf32, #tpu.memory_space<vmem>> -> memref<1x40x128xf32, #tpu.memory_space<vmem>>
      %dma_wait3A_367 = tpu.memref_squeeze %dma_wait3A_366 : memref<1x40x128xf32, #tpu.memory_space<vmem>> -> memref<40x128xf32, #tpu.memory_space<vmem>>
      %dma_wait3A_368 = tpu.memref_slice %arg5[%add3A_110] : memref<8000xi32, #tpu.memory_space<vmem>> -> memref<40xi32, #tpu.memory_space<vmem>>
      %dma_wait3A_369 = arith.constant 0 : i32
      %dma_wait3A_370 = arith.constant 0 : i32
      %dma_wait3A_371 = tpu.memref_slice %arg3[%dma_wait3A_369, %dma_wait3A_370] : memref<100000x128xf32, #tpu.memory_space<hbm>> -> memref<100000x128xf32, #tpu.memory_space<hbm>>
      tpu.wait_indirect_dma semaphore(%arg13 : memref<!tpu.dma_semaphore, #tpu.memory_space<semaphore_mem>>) src(%dma_wait3A_371 : memref<100000x128xf32, #tpu.memory_space<hbm>>) dst(%dma_wait3A_367 : memref<40x128xf32, #tpu.memory_space<vmem>>)
      %dma_wait3A_372 = arith.constant 3 : i32
      %dma_wait3A_373 = arith.constant 0 : i32
      %dma_wait3A_374 = arith.constant 0 : i32
      %dma_wait3A_375 = tpu.memref_slice %arg7[%dma_wait3A_372, %dma_wait3A_373, %dma_wait3A_374] : memref<5x40x128xf32, #tpu.memory_space<vmem>> -> memref<1x40x128xf32, #tpu.memory_space<vmem>>
      %dma_wait3A_376 = tpu.memref_squeeze %dma_wait3A_375 : memref<1x40x128xf32, #tpu.memory_space<vmem>> -> memref<40x128xf32, #tpu.memory_space<vmem>>
      %dma_wait3A_377 = tpu.memref_slice %arg5[%add3A_123] : memref<8000xi32, #tpu.memory_space<vmem>> -> memref<40xi32, #tpu.memory_space<vmem>>
      %dma_wait3A_378 = arith.constant 0 : i32
      %dma_wait3A_379 = arith.constant 0 : i32
      %dma_wait3A_380 = tpu.memref_slice %arg3[%dma_wait3A_378, %dma_wait3A_379] : memref<100000x128xf32, #tpu.memory_space<hbm>> -> memref<100000x128xf32, #tpu.memory_space<hbm>>
      tpu.wait_indirect_dma semaphore(%arg13 : memref<!tpu.dma_semaphore, #tpu.memory_space<semaphore_mem>>) src(%dma_wait3A_380 : memref<100000x128xf32, #tpu.memory_space<hbm>>) dst(%dma_wait3A_376 : memref<40x128xf32, #tpu.memory_space<vmem>>)
      %dma_wait3A_381 = arith.constant 4 : i32
      %dma_wait3A_382 = arith.constant 0 : i32
      %dma_wait3A_383 = arith.constant 0 : i32
      %dma_wait3A_384 = tpu.memref_slice %arg7[%dma_wait3A_381, %dma_wait3A_382, %dma_wait3A_383] : memref<5x40x128xf32, #tpu.memory_space<vmem>> -> memref<1x40x128xf32, #tpu.memory_space<vmem>>
      %dma_wait3A_385 = tpu.memref_squeeze %dma_wait3A_384 : memref<1x40x128xf32, #tpu.memory_space<vmem>> -> memref<40x128xf32, #tpu.memory_space<vmem>>
      %dma_wait3A_386 = tpu.memref_slice %arg5[%add3A_136] : memref<8000xi32, #tpu.memory_space<vmem>> -> memref<40xi32, #tpu.memory_space<vmem>>
      %dma_wait3A_387 = arith.constant 0 : i32
      %dma_wait3A_388 = arith.constant 0 : i32
      %dma_wait3A_389 = tpu.memref_slice %arg3[%dma_wait3A_387, %dma_wait3A_388] : memref<100000x128xf32, #tpu.memory_space<hbm>> -> memref<100000x128xf32, #tpu.memory_space<hbm>>
      tpu.wait_indirect_dma semaphore(%arg13 : memref<!tpu.dma_semaphore, #tpu.memory_space<semaphore_mem>>) src(%dma_wait3A_389 : memref<100000x128xf32, #tpu.memory_space<hbm>>) dst(%dma_wait3A_385 : memref<40x128xf32, #tpu.memory_space<vmem>>)
      %scan3A_390 = arith.constant 0 : i32
      %scan3A_391 = arith.constant 0 : i32
      %scan3A_392 = arith.constant 40 : i32
      %scan3A_393 = arith.addi %scan3A_391, %scan3A_392 : i32
      %scan3A_394 = arith.constant 1 : i32
      %scan3A_395 = scf.for %scan3A_555 = %scan3A_391 to %scan3A_393 step %scan3A_394 iter_args(%scan3A_556 = %scan3A_390) -> (i32)  : i32 {
        %get3A = arith.constant 0 : i32
        %get3A_557 = arith.index_cast %get3A : i32 to index
        %get3A_558 = arith.index_cast %scan3A_555 : i32 to index
        %get3A_559 = arith.constant 0 : index
        %get3A_560 = tpu.vector_load %arg7[%get3A_557, %get3A_558, %get3A_559] {strides = array<i32>} : memref<5x40x128xf32, #tpu.memory_space<vmem>>, vector<1x1x16xf32>,
        %get3A_561 = vector.shape_cast %get3A_560 : vector<1x1x16xf32> to vector<16xf32>
        %get3A_562 = arith.constant 1 : i32
        %get3A_563 = arith.index_cast %get3A_562 : i32 to index
        %get3A_564 = arith.index_cast %scan3A_555 : i32 to index
        %get3A_565 = arith.constant 0 : index
        %get3A_566 = tpu.vector_load %arg7[%get3A_563, %get3A_564, %get3A_565] {strides = array<i32>} : memref<5x40x128xf32, #tpu.memory_space<vmem>>, vector<1x1x16xf32>,
        %get3A_567 = vector.shape_cast %get3A_566 : vector<1x1x16xf32> to vector<16xf32>
        %add3A_568 = arith.addf %get3A_561, %get3A_567 : vector<16xf32>
        %get3A_569 = arith.constant 2 : i32
        %get3A_570 = arith.index_cast %get3A_569 : i32 to index
        %get3A_571 = arith.index_cast %scan3A_555 : i32 to index
        %get3A_572 = arith.constant 0 : index
        %get3A_573 = tpu.vector_load %arg7[%get3A_570, %get3A_571, %get3A_572] {strides = array<i32>} : memref<5x40x128xf32, #tpu.memory_space<vmem>>, vector<1x1x16xf32>,
        %get3A_574 = vector.shape_cast %get3A_573 : vector<1x1x16xf32> to vector<16xf32>
        %add3A_575 = arith.addf %add3A_568, %get3A_574 : vector<16xf32>
        %get3A_576 = arith.constant 3 : i32
        %get3A_577 = arith.index_cast %get3A_576 : i32 to index
        %get3A_578 = arith.index_cast %scan3A_555 : i32 to index
        %get3A_579 = arith.constant 0 : index
        %get3A_580 = tpu.vector_load %arg7[%get3A_577, %get3A_578, %get3A_579] {strides = array<i32>} : memref<5x40x128xf32, #tpu.memory_space<vmem>>, vector<1x1x16xf32>,
        %get3A_581 = vector.shape_cast %get3A_580 : vector<1x1x16xf32> to vector<16xf32>
        %add3A_582 = arith.addf %add3A_575, %get3A_581 : vector<16xf32>
        %get3A_583 = arith.constant 4 : i32
        %get3A_584 = arith.index_cast %get3A_583 : i32 to index
        %get3A_585 = arith.index_cast %scan3A_555 : i32 to index
        %get3A_586 = arith.constant 0 : index
        %get3A_587 = tpu.vector_load %arg7[%get3A_584, %get3A_585, %get3A_586] {strides = array<i32>} : memref<5x40x128xf32, #tpu.memory_space<vmem>>, vector<1x1x16xf32>,
        %get3A_588 = vector.shape_cast %get3A_587 : vector<1x1x16xf32> to vector<16xf32>
        %add3A_589 = arith.addf %add3A_582, %get3A_588 : vector<16xf32>
        %swap3A = arith.index_cast %scan3A_555 : i32 to index
        %swap3A_590 = arith.constant 0 : index
        %swap3A_591 = tpu.vector_load %arg11[%swap3A, %swap3A_590] {strides = array<i32>} : memref<40x128xf32, #tpu.memory_space<vmem>>, vector<1x16xf32>,
        %swap3A_592 = vector.shape_cast %swap3A_591 : vector<1x16xf32> to vector<16xf32>
        %swap3A_593 = vector.shape_cast %add3A_589 : vector<16xf32> to vector<1x16xf32>
        tpu.vector_store %arg11[%swap3A, %swap3A_590], %swap3A_593 {strides = array<i32>} : memref<40x128xf32, #tpu.memory_space<vmem>>, vector<1x16xf32>,
        %get3A_594 = arith.constant 0 : i32
        %get3A_595 = arith.index_cast %get3A_594 : i32 to index
        %get3A_596 = arith.index_cast %scan3A_555 : i32 to index
        %get3A_597 = arith.constant 16 : index
        %get3A_598 = tpu.vector_load %arg7[%get3A_595, %get3A_596, %get3A_597] {strides = array<i32>} : memref<5x40x128xf32, #tpu.memory_space<vmem>>, vector<1x1x16xf32>,
        %get3A_599 = vector.shape_cast %get3A_598 : vector<1x1x16xf32> to vector<16xf32>
        %get3A_600 = arith.constant 1 : i32
        %get3A_601 = arith.index_cast %get3A_600 : i32 to index
        %get3A_602 = arith.index_cast %scan3A_555 : i32 to index
        %get3A_603 = arith.constant 16 : index
        %get3A_604 = tpu.vector_load %arg7[%get3A_601, %get3A_602, %get3A_603] {strides = array<i32>} : memref<5x40x128xf32, #tpu.memory_space<vmem>>, vector<1x1x16xf32>,
        %get3A_605 = vector.shape_cast %get3A_604 : vector<1x1x16xf32> to vector<16xf32>
        %add3A_606 = arith.addf %get3A_599, %get3A_605 : vector<16xf32>
        %get3A_607 = arith.constant 2 : i32
        %get3A_608 = arith.index_cast %get3A_607 : i32 to index
        %get3A_609 = arith.index_cast %scan3A_555 : i32 to index
        %get3A_610 = arith.constant 16 : index
        %get3A_611 = tpu.vector_load %arg7[%get3A_608, %get3A_609, %get3A_610] {strides = array<i32>} : memref<5x40x128xf32, #tpu.memory_space<vmem>>, vector<1x1x16xf32>,
        %get3A_612 = vector.shape_cast %get3A_611 : vector<1x1x16xf32> to vector<16xf32>
        %add3A_613 = arith.addf %add3A_606, %get3A_612 : vector<16xf32>
        %get3A_614 = arith.constant 3 : i32
        %get3A_615 = arith.index_cast %get3A_614 : i32 to index
        %get3A_616 = arith.index_cast %scan3A_555 : i32 to index
        %get3A_617 = arith.constant 16 : index
        %get3A_618 = tpu.vector_load %arg7[%get3A_615, %get3A_616, %get3A_617] {strides = array<i32>} : memref<5x40x128xf32, #tpu.memory_space<vmem>>, vector<1x1x16xf32>,
        %get3A_619 = vector.shape_cast %get3A_618 : vector<1x1x16xf32> to vector<16xf32>
        %add3A_620 = arith.addf %add3A_613, %get3A_619 : vector<16xf32>
        %get3A_621 = arith.constant 4 : i32
        %get3A_622 = arith.index_cast %get3A_621 : i32 to index
        %get3A_623 = arith.index_cast %scan3A_555 : i32 to index
        %get3A_624 = arith.constant 16 : index
        %get3A_625 = tpu.vector_load %arg7[%get3A_622, %get3A_623, %get3A_624] {strides = array<i32>} : memref<5x40x128xf32, #tpu.memory_space<vmem>>, vector<1x1x16xf32>,
        %get3A_626 = vector.shape_cast %get3A_625 : vector<1x1x16xf32> to vector<16xf32>
        %add3A_627 = arith.addf %add3A_620, %get3A_626 : vector<16xf32>
        %swap3A_628 = arith.index_cast %scan3A_555 : i32 to index
        %swap3A_629 = arith.constant 16 : index
        %swap3A_630 = tpu.vector_load %arg11[%swap3A_628, %swap3A_629] {strides = array<i32>} : memref<40x128xf32, #tpu.memory_space<vmem>>, vector<1x16xf32>,
        %swap3A_631 = vector.shape_cast %swap3A_630 : vector<1x16xf32> to vector<16xf32>
        %swap3A_632 = vector.shape_cast %add3A_627 : vector<16xf32> to vector<1x16xf32>
        tpu.vector_store %arg11[%swap3A_628, %swap3A_629], %swap3A_632 {strides = array<i32>} : memref<40x128xf32, #tpu.memory_space<vmem>>, vector<1x16xf32>,
        %get3A_633 = arith.constant 0 : i32
        %get3A_634 = arith.index_cast %get3A_633 : i32 to index
        %get3A_635 = arith.index_cast %scan3A_555 : i32 to index
        %get3A_636 = arith.constant 32 : index
        %get3A_637 = tpu.vector_load %arg7[%get3A_634, %get3A_635, %get3A_636] {strides = array<i32>} : memref<5x40x128xf32, #tpu.memory_space<vmem>>, vector<1x1x16xf32>,
        %get3A_638 = vector.shape_cast %get3A_637 : vector<1x1x16xf32> to vector<16xf32>
        %get3A_639 = arith.constant 1 : i32
        %get3A_640 = arith.index_cast %get3A_639 : i32 to index
        %get3A_641 = arith.index_cast %scan3A_555 : i32 to index
        %get3A_642 = arith.constant 32 : index
        %get3A_643 = tpu.vector_load %arg7[%get3A_640, %get3A_641, %get3A_642] {strides = array<i32>} : memref<5x40x128xf32, #tpu.memory_space<vmem>>, vector<1x1x16xf32>,
        %get3A_644 = vector.shape_cast %get3A_643 : vector<1x1x16xf32> to vector<16xf32>
        %add3A_645 = arith.addf %get3A_638, %get3A_644 : vector<16xf32>
        %get3A_646 = arith.constant 2 : i32
        %get3A_647 = arith.index_cast %get3A_646 : i32 to index
        %get3A_648 = arith.index_cast %scan3A_555 : i32 to index
        %get3A_649 = arith.constant 32 : index
        %get3A_650 = tpu.vector_load %arg7[%get3A_647, %get3A_648, %get3A_649] {strides = array<i32>} : memref<5x40x128xf32, #tpu.memory_space<vmem>>, vector<1x1x16xf32>,
        %get3A_651 = vector.shape_cast %get3A_650 : vector<1x1x16xf32> to vector<16xf32>
        %add3A_652 = arith.addf %add3A_645, %get3A_651 : vector<16xf32>
        %get3A_653 = arith.constant 3 : i32
        %get3A_654 = arith.index_cast %get3A_653 : i32 to index
        %get3A_655 = arith.index_cast %scan3A_555 : i32 to index
        %get3A_656 = arith.constant 32 : index
        %get3A_657 = tpu.vector_load %arg7[%get3A_654, %get3A_655, %get3A_656] {strides = array<i32>} : memref<5x40x128xf32, #tpu.memory_space<vmem>>, vector<1x1x16xf32>,
        %get3A_658 = vector.shape_cast %get3A_657 : vector<1x1x16xf32> to vector<16xf32>
        %add3A_659 = arith.addf %add3A_652, %get3A_658 : vector<16xf32>
        %get3A_660 = arith.constant 4 : i32
        %get3A_661 = arith.index_cast %get3A_660 : i32 to index
        %get3A_662 = arith.index_cast %scan3A_555 : i32 to index
        %get3A_663 = arith.constant 32 : index
        %get3A_664 = tpu.vector_load %arg7[%get3A_661, %get3A_662, %get3A_663] {strides = array<i32>} : memref<5x40x128xf32, #tpu.memory_space<vmem>>, vector<1x1x16xf32>,
        %get3A_665 = vector.shape_cast %get3A_664 : vector<1x1x16xf32> to vector<16xf32>
        %add3A_666 = arith.addf %add3A_659, %get3A_665 : vector<16xf32>
        %swap3A_667 = arith.index_cast %scan3A_555 : i32 to index
        %swap3A_668 = arith.constant 32 : index
        %swap3A_669 = tpu.vector_load %arg11[%swap3A_667, %swap3A_668] {strides = array<i32>} : memref<40x128xf32, #tpu.memory_space<vmem>>, vector<1x16xf32>,
        %swap3A_670 = vector.shape_cast %swap3A_669 : vector<1x16xf32> to vector<16xf32>
        %swap3A_671 = vector.shape_cast %add3A_666 : vector<16xf32> to vector<1x16xf32>
        tpu.vector_store %arg11[%swap3A_667, %swap3A_668], %swap3A_671 {strides = array<i32>} : memref<40x128xf32, #tpu.memory_space<vmem>>, vector<1x16xf32>,
        %get3A_672 = arith.constant 0 : i32
        %get3A_673 = arith.index_cast %get3A_672 : i32 to index
        %get3A_674 = arith.index_cast %scan3A_555 : i32 to index
        %get3A_675 = arith.constant 48 : index
        %get3A_676 = tpu.vector_load %arg7[%get3A_673, %get3A_674, %get3A_675] {strides = array<i32>} : memref<5x40x128xf32, #tpu.memory_space<vmem>>, vector<1x1x16xf32>,
        %get3A_677 = vector.shape_cast %get3A_676 : vector<1x1x16xf32> to vector<16xf32>
        %get3A_678 = arith.constant 1 : i32
        %get3A_679 = arith.index_cast %get3A_678 : i32 to index
        %get3A_680 = arith.index_cast %scan3A_555 : i32 to index
        %get3A_681 = arith.constant 48 : index
        %get3A_682 = tpu.vector_load %arg7[%get3A_679, %get3A_680, %get3A_681] {strides = array<i32>} : memref<5x40x128xf32, #tpu.memory_space<vmem>>, vector<1x1x16xf32>,
        %get3A_683 = vector.shape_cast %get3A_682 : vector<1x1x16xf32> to vector<16xf32>
        %add3A_684 = arith.addf %get3A_677, %get3A_683 : vector<16xf32>
        %get3A_685 = arith.constant 2 : i32
        %get3A_686 = arith.index_cast %get3A_685 : i32 to index
        %get3A_687 = arith.index_cast %scan3A_555 : i32 to index
        %get3A_688 = arith.constant 48 : index
        %get3A_689 = tpu.vector_load %arg7[%get3A_686, %get3A_687, %get3A_688] {strides = array<i32>} : memref<5x40x128xf32, #tpu.memory_space<vmem>>, vector<1x1x16xf32>,
        %get3A_690 = vector.shape_cast %get3A_689 : vector<1x1x16xf32> to vector<16xf32>
        %add3A_691 = arith.addf %add3A_684, %get3A_690 : vector<16xf32>
        %get3A_692 = arith.constant 3 : i32
        %get3A_693 = arith.index_cast %get3A_692 : i32 to index
        %get3A_694 = arith.index_cast %scan3A_555 : i32 to index
        %get3A_695 = arith.constant 48 : index
        %get3A_696 = tpu.vector_load %arg7[%get3A_693, %get3A_694, %get3A_695] {strides = array<i32>} : memref<5x40x128xf32, #tpu.memory_space<vmem>>, vector<1x1x16xf32>,
        %get3A_697 = vector.shape_cast %get3A_696 : vector<1x1x16xf32> to vector<16xf32>
        %add3A_698 = arith.addf %add3A_691, %get3A_697 : vector<16xf32>
        %get3A_699 = arith.constant 4 : i32
        %get3A_700 = arith.index_cast %get3A_699 : i32 to index
        %get3A_701 = arith.index_cast %scan3A_555 : i32 to index
        %get3A_702 = arith.constant 48 : index
        %get3A_703 = tpu.vector_load %arg7[%get3A_700, %get3A_701, %get3A_702] {strides = array<i32>} : memref<5x40x128xf32, #tpu.memory_space<vmem>>, vector<1x1x16xf32>,
        %get3A_704 = vector.shape_cast %get3A_703 : vector<1x1x16xf32> to vector<16xf32>
        %add3A_705 = arith.addf %add3A_698, %get3A_704 : vector<16xf32>
        %swap3A_706 = arith.index_cast %scan3A_555 : i32 to index
        %swap3A_707 = arith.constant 48 : index
        %swap3A_708 = tpu.vector_load %arg11[%swap3A_706, %swap3A_707] {strides = array<i32>} : memref<40x128xf32, #tpu.memory_space<vmem>>, vector<1x16xf32>,
        %swap3A_709 = vector.shape_cast %swap3A_708 : vector<1x16xf32> to vector<16xf32>
        %swap3A_710 = vector.shape_cast %add3A_705 : vector<16xf32> to vector<1x16xf32>
        tpu.vector_store %arg11[%swap3A_706, %swap3A_707], %swap3A_710 {strides = array<i32>} : memref<40x128xf32, #tpu.memory_space<vmem>>, vector<1x16xf32>,
        %get3A_711 = arith.constant 0 : i32
        %get3A_712 = arith.index_cast %get3A_711 : i32 to index
        %get3A_713 = arith.index_cast %scan3A_555 : i32 to index
        %get3A_714 = arith.constant 64 : index
        %get3A_715 = tpu.vector_load %arg7[%get3A_712, %get3A_713, %get3A_714] {strides = array<i32>} : memref<5x40x128xf32, #tpu.memory_space<vmem>>, vector<1x1x16xf32>,
        %get3A_716 = vector.shape_cast %get3A_715 : vector<1x1x16xf32> to vector<16xf32>
        %get3A_717 = arith.constant 1 : i32
        %get3A_718 = arith.index_cast %get3A_717 : i32 to index
        %get3A_719 = arith.index_cast %scan3A_555 : i32 to index
        %get3A_720 = arith.constant 64 : index
        %get3A_721 = tpu.vector_load %arg7[%get3A_718, %get3A_719, %get3A_720] {strides = array<i32>} : memref<5x40x128xf32, #tpu.memory_space<vmem>>, vector<1x1x16xf32>,
        %get3A_722 = vector.shape_cast %get3A_721 : vector<1x1x16xf32> to vector<16xf32>
        %add3A_723 = arith.addf %get3A_716, %get3A_722 : vector<16xf32>
        %get3A_724 = arith.constant 2 : i32
        %get3A_725 = arith.index_cast %get3A_724 : i32 to index
        %get3A_726 = arith.index_cast %scan3A_555 : i32 to index
        %get3A_727 = arith.constant 64 : index
        %get3A_728 = tpu.vector_load %arg7[%get3A_725, %get3A_726, %get3A_727] {strides = array<i32>} : memref<5x40x128xf32, #tpu.memory_space<vmem>>, vector<1x1x16xf32>,
        %get3A_729 = vector.shape_cast %get3A_728 : vector<1x1x16xf32> to vector<16xf32>
        %add3A_730 = arith.addf %add3A_723, %get3A_729 : vector<16xf32>
        %get3A_731 = arith.constant 3 : i32
        %get3A_732 = arith.index_cast %get3A_731 : i32 to index
        %get3A_733 = arith.index_cast %scan3A_555 : i32 to index
        %get3A_734 = arith.constant 64 : index
        %get3A_735 = tpu.vector_load %arg7[%get3A_732, %get3A_733, %get3A_734] {strides = array<i32>} : memref<5x40x128xf32, #tpu.memory_space<vmem>>, vector<1x1x16xf32>,
        %get3A_736 = vector.shape_cast %get3A_735 : vector<1x1x16xf32> to vector<16xf32>
        %add3A_737 = arith.addf %add3A_730, %get3A_736 : vector<16xf32>
        %get3A_738 = arith.constant 4 : i32
        %get3A_739 = arith.index_cast %get3A_738 : i32 to index
        %get3A_740 = arith.index_cast %scan3A_555 : i32 to index
        %get3A_741 = arith.constant 64 : index
        %get3A_742 = tpu.vector_load %arg7[%get3A_739, %get3A_740, %get3A_741] {strides = array<i32>} : memref<5x40x128xf32, #tpu.memory_space<vmem>>, vector<1x1x16xf32>,
        %get3A_743 = vector.shape_cast %get3A_742 : vector<1x1x16xf32> to vector<16xf32>
        %add3A_744 = arith.addf %add3A_737, %get3A_743 : vector<16xf32>
        %swap3A_745 = arith.index_cast %scan3A_555 : i32 to index
        %swap3A_746 = arith.constant 64 : index
        %swap3A_747 = tpu.vector_load %arg11[%swap3A_745, %swap3A_746] {strides = array<i32>} : memref<40x128xf32, #tpu.memory_space<vmem>>, vector<1x16xf32>,
        %swap3A_748 = vector.shape_cast %swap3A_747 : vector<1x16xf32> to vector<16xf32>
        %swap3A_749 = vector.shape_cast %add3A_744 : vector<16xf32> to vector<1x16xf32>
        tpu.vector_store %arg11[%swap3A_745, %swap3A_746], %swap3A_749 {strides = array<i32>} : memref<40x128xf32, #tpu.memory_space<vmem>>, vector<1x16xf32>,
        %get3A_750 = arith.constant 0 : i32
        %get3A_751 = arith.index_cast %get3A_750 : i32 to index
        %get3A_752 = arith.index_cast %scan3A_555 : i32 to index
        %get3A_753 = arith.constant 80 : index
        %get3A_754 = tpu.vector_load %arg7[%get3A_751, %get3A_752, %get3A_753] {strides = array<i32>} : memref<5x40x128xf32, #tpu.memory_space<vmem>>, vector<1x1x16xf32>,
        %get3A_755 = vector.shape_cast %get3A_754 : vector<1x1x16xf32> to vector<16xf32>
        %get3A_756 = arith.constant 1 : i32
        %get3A_757 = arith.index_cast %get3A_756 : i32 to index
        %get3A_758 = arith.index_cast %scan3A_555 : i32 to index
        %get3A_759 = arith.constant 80 : index
        %get3A_760 = tpu.vector_load %arg7[%get3A_757, %get3A_758, %get3A_759] {strides = array<i32>} : memref<5x40x128xf32, #tpu.memory_space<vmem>>, vector<1x1x16xf32>,
        %get3A_761 = vector.shape_cast %get3A_760 : vector<1x1x16xf32> to vector<16xf32>
        %add3A_762 = arith.addf %get3A_755, %get3A_761 : vector<16xf32>
        %get3A_763 = arith.constant 2 : i32
        %get3A_764 = arith.index_cast %get3A_763 : i32 to index
        %get3A_765 = arith.index_cast %scan3A_555 : i32 to index
        %get3A_766 = arith.constant 80 : index
        %get3A_767 = tpu.vector_load %arg7[%get3A_764, %get3A_765, %get3A_766] {strides = array<i32>} : memref<5x40x128xf32, #tpu.memory_space<vmem>>, vector<1x1x16xf32>,
        %get3A_768 = vector.shape_cast %get3A_767 : vector<1x1x16xf32> to vector<16xf32>
        %add3A_769 = arith.addf %add3A_762, %get3A_768 : vector<16xf32>
        %get3A_770 = arith.constant 3 : i32
        %get3A_771 = arith.index_cast %get3A_770 : i32 to index
        %get3A_772 = arith.index_cast %scan3A_555 : i32 to index
        %get3A_773 = arith.constant 80 : index
        %get3A_774 = tpu.vector_load %arg7[%get3A_771, %get3A_772, %get3A_773] {strides = array<i32>} : memref<5x40x128xf32, #tpu.memory_space<vmem>>, vector<1x1x16xf32>,
        %get3A_775 = vector.shape_cast %get3A_774 : vector<1x1x16xf32> to vector<16xf32>
        %add3A_776 = arith.addf %add3A_769, %get3A_775 : vector<16xf32>
        %get3A_777 = arith.constant 4 : i32
        %get3A_778 = arith.index_cast %get3A_777 : i32 to index
        %get3A_779 = arith.index_cast %scan3A_555 : i32 to index
        %get3A_780 = arith.constant 80 : index
        %get3A_781 = tpu.vector_load %arg7[%get3A_778, %get3A_779, %get3A_780] {strides = array<i32>} : memref<5x40x128xf32, #tpu.memory_space<vmem>>, vector<1x1x16xf32>,
        %get3A_782 = vector.shape_cast %get3A_781 : vector<1x1x16xf32> to vector<16xf32>
        %add3A_783 = arith.addf %add3A_776, %get3A_782 : vector<16xf32>
        %swap3A_784 = arith.index_cast %scan3A_555 : i32 to index
        %swap3A_785 = arith.constant 80 : index
        %swap3A_786 = tpu.vector_load %arg11[%swap3A_784, %swap3A_785] {strides = array<i32>} : memref<40x128xf32, #tpu.memory_space<vmem>>, vector<1x16xf32>,
        %swap3A_787 = vector.shape_cast %swap3A_786 : vector<1x16xf32> to vector<16xf32>
        %swap3A_788 = vector.shape_cast %add3A_783 : vector<16xf32> to vector<1x16xf32>
        tpu.vector_store %arg11[%swap3A_784, %swap3A_785], %swap3A_788 {strides = array<i32>} : memref<40x128xf32, #tpu.memory_space<vmem>>, vector<1x16xf32>,
        %get3A_789 = arith.constant 0 : i32
        %get3A_790 = arith.index_cast %get3A_789 : i32 to index
        %get3A_791 = arith.index_cast %scan3A_555 : i32 to index
        %get3A_792 = arith.constant 96 : index
        %get3A_793 = tpu.vector_load %arg7[%get3A_790, %get3A_791, %get3A_792] {strides = array<i32>} : memref<5x40x128xf32, #tpu.memory_space<vmem>>, vector<1x1x16xf32>,
        %get3A_794 = vector.shape_cast %get3A_793 : vector<1x1x16xf32> to vector<16xf32>
        %get3A_795 = arith.constant 1 : i32
        %get3A_796 = arith.index_cast %get3A_795 : i32 to index
        %get3A_797 = arith.index_cast %scan3A_555 : i32 to index
        %get3A_798 = arith.constant 96 : index
        %get3A_799 = tpu.vector_load %arg7[%get3A_796, %get3A_797, %get3A_798] {strides = array<i32>} : memref<5x40x128xf32, #tpu.memory_space<vmem>>, vector<1x1x16xf32>,
        %get3A_800 = vector.shape_cast %get3A_799 : vector<1x1x16xf32> to vector<16xf32>
        %add3A_801 = arith.addf %get3A_794, %get3A_800 : vector<16xf32>
        %get3A_802 = arith.constant 2 : i32
        %get3A_803 = arith.index_cast %get3A_802 : i32 to index
        %get3A_804 = arith.index_cast %scan3A_555 : i32 to index
        %get3A_805 = arith.constant 96 : index
        %get3A_806 = tpu.vector_load %arg7[%get3A_803, %get3A_804, %get3A_805] {strides = array<i32>} : memref<5x40x128xf32, #tpu.memory_space<vmem>>, vector<1x1x16xf32>,
        %get3A_807 = vector.shape_cast %get3A_806 : vector<1x1x16xf32> to vector<16xf32>
        %add3A_808 = arith.addf %add3A_801, %get3A_807 : vector<16xf32>
        %get3A_809 = arith.constant 3 : i32
        %get3A_810 = arith.index_cast %get3A_809 : i32 to index
        %get3A_811 = arith.index_cast %scan3A_555 : i32 to index
        %get3A_812 = arith.constant 96 : index
        %get3A_813 = tpu.vector_load %arg7[%get3A_810, %get3A_811, %get3A_812] {strides = array<i32>} : memref<5x40x128xf32, #tpu.memory_space<vmem>>, vector<1x1x16xf32>,
        %get3A_814 = vector.shape_cast %get3A_813 : vector<1x1x16xf32> to vector<16xf32>
        %add3A_815 = arith.addf %add3A_808, %get3A_814 : vector<16xf32>
        %get3A_816 = arith.constant 4 : i32
        %get3A_817 = arith.index_cast %get3A_816 : i32 to index
        %get3A_818 = arith.index_cast %scan3A_555 : i32 to index
        %get3A_819 = arith.constant 96 : index
        %get3A_820 = tpu.vector_load %arg7[%get3A_817, %get3A_818, %get3A_819] {strides = array<i32>} : memref<5x40x128xf32, #tpu.memory_space<vmem>>, vector<1x1x16xf32>,
        %get3A_821 = vector.shape_cast %get3A_820 : vector<1x1x16xf32> to vector<16xf32>
        %add3A_822 = arith.addf %add3A_815, %get3A_821 : vector<16xf32>
        %swap3A_823 = arith.index_cast %scan3A_555 : i32 to index
        %swap3A_824 = arith.constant 96 : index
        %swap3A_825 = tpu.vector_load %arg11[%swap3A_823, %swap3A_824] {strides = array<i32>} : memref<40x128xf32, #tpu.memory_space<vmem>>, vector<1x16xf32>,
        %swap3A_826 = vector.shape_cast %swap3A_825 : vector<1x16xf32> to vector<16xf32>
        %swap3A_827 = vector.shape_cast %add3A_822 : vector<16xf32> to vector<1x16xf32>
        tpu.vector_store %arg11[%swap3A_823, %swap3A_824], %swap3A_827 {strides = array<i32>} : memref<40x128xf32, #tpu.memory_space<vmem>>, vector<1x16xf32>,
        %get3A_828 = arith.constant 0 : i32
        %get3A_829 = arith.index_cast %get3A_828 : i32 to index
        %get3A_830 = arith.index_cast %scan3A_555 : i32 to index
        %get3A_831 = arith.constant 112 : index
        %get3A_832 = tpu.vector_load %arg7[%get3A_829, %get3A_830, %get3A_831] {strides = array<i32>} : memref<5x40x128xf32, #tpu.memory_space<vmem>>, vector<1x1x16xf32>,
        %get3A_833 = vector.shape_cast %get3A_832 : vector<1x1x16xf32> to vector<16xf32>
        %get3A_834 = arith.constant 1 : i32
        %get3A_835 = arith.index_cast %get3A_834 : i32 to index
        %get3A_836 = arith.index_cast %scan3A_555 : i32 to index
        %get3A_837 = arith.constant 112 : index
        %get3A_838 = tpu.vector_load %arg7[%get3A_835, %get3A_836, %get3A_837] {strides = array<i32>} : memref<5x40x128xf32, #tpu.memory_space<vmem>>, vector<1x1x16xf32>,
        %get3A_839 = vector.shape_cast %get3A_838 : vector<1x1x16xf32> to vector<16xf32>
        %add3A_840 = arith.addf %get3A_833, %get3A_839 : vector<16xf32>
        %get3A_841 = arith.constant 2 : i32
        %get3A_842 = arith.index_cast %get3A_841 : i32 to index
        %get3A_843 = arith.index_cast %scan3A_555 : i32 to index
        %get3A_844 = arith.constant 112 : index
        %get3A_845 = tpu.vector_load %arg7[%get3A_842, %get3A_843, %get3A_844] {strides = array<i32>} : memref<5x40x128xf32, #tpu.memory_space<vmem>>, vector<1x1x16xf32>,
        %get3A_846 = vector.shape_cast %get3A_845 : vector<1x1x16xf32> to vector<16xf32>
        %add3A_847 = arith.addf %add3A_840, %get3A_846 : vector<16xf32>
        %get3A_848 = arith.constant 3 : i32
        %get3A_849 = arith.index_cast %get3A_848 : i32 to index
        %get3A_850 = arith.index_cast %scan3A_555 : i32 to index
        %get3A_851 = arith.constant 112 : index
        %get3A_852 = tpu.vector_load %arg7[%get3A_849, %get3A_850, %get3A_851] {strides = array<i32>} : memref<5x40x128xf32, #tpu.memory_space<vmem>>, vector<1x1x16xf32>,
        %get3A_853 = vector.shape_cast %get3A_852 : vector<1x1x16xf32> to vector<16xf32>
        %add3A_854 = arith.addf %add3A_847, %get3A_853 : vector<16xf32>
        %get3A_855 = arith.constant 4 : i32
        %get3A_856 = arith.index_cast %get3A_855 : i32 to index
        %get3A_857 = arith.index_cast %scan3A_555 : i32 to index
        %get3A_858 = arith.constant 112 : index
        %get3A_859 = tpu.vector_load %arg7[%get3A_856, %get3A_857, %get3A_858] {strides = array<i32>} : memref<5x40x128xf32, #tpu.memory_space<vmem>>, vector<1x1x16xf32>,
        %get3A_860 = vector.shape_cast %get3A_859 : vector<1x1x16xf32> to vector<16xf32>
        %add3A_861 = arith.addf %add3A_854, %get3A_860 : vector<16xf32>
        %swap3A_862 = arith.index_cast %scan3A_555 : i32 to index
        %swap3A_863 = arith.constant 112 : index
        %swap3A_864 = tpu.vector_load %arg11[%swap3A_862, %swap3A_863] {strides = array<i32>} : memref<40x128xf32, #tpu.memory_space<vmem>>, vector<1x16xf32>,
        %swap3A_865 = vector.shape_cast %swap3A_864 : vector<1x16xf32> to vector<16xf32>
        %swap3A_866 = vector.shape_cast %add3A_861 : vector<16xf32> to vector<1x16xf32>
        tpu.vector_store %arg11[%swap3A_862, %swap3A_863], %swap3A_866 {strides = array<i32>} : memref<40x128xf32, #tpu.memory_space<vmem>>, vector<1x16xf32>,
        %scan3A_867 = arith.constant 0 : i32
        scf.yield %scan3A_867 : i32
      }
      %scan3A_396 = arith.constant 40 : i32
      %mul3A_397 = arith.constant 40 : i32
      %mul3A_398 = arith.muli %add3A, %mul3A_397 : i32
      %add3A_399 = arith.addi %mul3A_398, %add3A_344 : i32
      %min3A_400 = arith.constant 1279 : i32
      %min3A_401 = arith.minsi %add3A_399, %min3A_400 : i32
      %mul3A_402 = arith.constant 40 : i32
      %mul3A_403 = arith.muli %min3A_401, %mul3A_402 : i32
      %dma_start3A_404 = arith.constant 0 : i32
      %dma_start3A_405 = tpu.memref_slice %arg4[%mul3A_403, %dma_start3A_404] : memref<51200x128xf32, #tpu.memory_space<hbm>> -> memref<40x128xf32, #tpu.memory_space<hbm>>
      %dma_start3A_406 = arith.constant 0 : i32
      %dma_start3A_407 = tpu.memref_slice %arg4[%mul3A_403, %dma_start3A_406] : memref<51200x128xf32, #tpu.memory_space<hbm>> -> memref<40x128xf32, #tpu.memory_space<hbm>>
      tpu.enqueue_dma source(%arg11 : memref<40x128xf32, #tpu.memory_space<vmem>>) target(%dma_start3A_407 : memref<40x128xf32, #tpu.memory_space<hbm>>) target_semaphore(%arg17 : memref<!tpu.dma_semaphore, #tpu.memory_space<semaphore_mem>>)
      %dma_wait3A_408 = arith.constant 0 : i32
      %dma_wait3A_409 = tpu.memref_slice %arg4[%mul3A_338, %dma_wait3A_408] : memref<51200x128xf32, #tpu.memory_space<hbm>> -> memref<40x128xf32, #tpu.memory_space<hbm>>
      %dma_wait3A_410 = arith.constant 0 : i32
      %dma_wait3A_411 = tpu.memref_slice %arg4[%mul3A_338, %dma_wait3A_410] : memref<51200x128xf32, #tpu.memory_space<hbm>> -> memref<40x128xf32, #tpu.memory_space<hbm>>
      tpu.wait_dma2 semaphore(%arg16 : memref<!tpu.dma_semaphore, #tpu.memory_space<semaphore_mem>>) src(%arg10 : memref<40x128xf32, #tpu.memory_space<vmem>>) dst(%dma_wait3A_411 : memref<40x128xf32, #tpu.memory_space<hbm>>)
      %add3A_412 = arith.constant 2 : i32
      %add3A_413 = arith.addi %mul3A_12, %add3A_412 : i32
      %dma_wait3A_414 = arith.constant 0 : i32
      %dma_wait3A_415 = arith.constant 0 : i32
      %dma_wait3A_416 = arith.constant 0 : i32
      %dma_wait3A_417 = tpu.memref_slice %arg8[%dma_wait3A_414, %dma_wait3A_415, %dma_wait3A_416] : memref<5x40x128xf32, #tpu.memory_space<vmem>> -> memref<1x40x128xf32, #tpu.memory_space<vmem>>
      %dma_wait3A_418 = tpu.memref_squeeze %dma_wait3A_417 : memref<1x40x128xf32, #tpu.memory_space<vmem>> -> memref<40x128xf32, #tpu.memory_space<vmem>>
      %dma_wait3A_419 = tpu.memref_slice %arg5[%add3A_151] : memref<8000xi32, #tpu.memory_space<vmem>> -> memref<40xi32, #tpu.memory_space<vmem>>
      %dma_wait3A_420 = arith.constant 0 : i32
      %dma_wait3A_421 = arith.constant 0 : i32
      %dma_wait3A_422 = tpu.memref_slice %arg3[%dma_wait3A_420, %dma_wait3A_421] : memref<100000x128xf32, #tpu.memory_space<hbm>> -> memref<100000x128xf32, #tpu.memory_space<hbm>>
      tpu.wait_indirect_dma semaphore(%arg14 : memref<!tpu.dma_semaphore, #tpu.memory_space<semaphore_mem>>) src(%dma_wait3A_422 : memref<100000x128xf32, #tpu.memory_space<hbm>>) dst(%dma_wait3A_418 : memref<40x128xf32, #tpu.memory_space<vmem>>)
      %dma_wait3A_423 = arith.constant 1 : i32
      %dma_wait3A_424 = arith.constant 0 : i32
      %dma_wait3A_425 = arith.constant 0 : i32
      %dma_wait3A_426 = tpu.memref_slice %arg8[%dma_wait3A_423, %dma_wait3A_424, %dma_wait3A_425] : memref<5x40x128xf32, #tpu.memory_space<vmem>> -> memref<1x40x128xf32, #tpu.memory_space<vmem>>
      %dma_wait3A_427 = tpu.memref_squeeze %dma_wait3A_426 : memref<1x40x128xf32, #tpu.memory_space<vmem>> -> memref<40x128xf32, #tpu.memory_space<vmem>>
      %dma_wait3A_428 = tpu.memref_slice %arg5[%add3A_164] : memref<8000xi32, #tpu.memory_space<vmem>> -> memref<40xi32, #tpu.memory_space<vmem>>
      %dma_wait3A_429 = arith.constant 0 : i32
      %dma_wait3A_430 = arith.constant 0 : i32
      %dma_wait3A_431 = tpu.memref_slice %arg3[%dma_wait3A_429, %dma_wait3A_430] : memref<100000x128xf32, #tpu.memory_space<hbm>> -> memref<100000x128xf32, #tpu.memory_space<hbm>>
      tpu.wait_indirect_dma semaphore(%arg14 : memref<!tpu.dma_semaphore, #tpu.memory_space<semaphore_mem>>) src(%dma_wait3A_431 : memref<100000x128xf32, #tpu.memory_space<hbm>>) dst(%dma_wait3A_427 : memref<40x128xf32, #tpu.memory_space<vmem>>)
      %dma_wait3A_432 = arith.constant 2 : i32
      %dma_wait3A_433 = arith.constant 0 : i32
      %dma_wait3A_434 = arith.constant 0 : i32
      %dma_wait3A_435 = tpu.memref_slice %arg8[%dma_wait3A_432, %dma_wait3A_433, %dma_wait3A_434] : memref<5x40x128xf32, #tpu.memory_space<vmem>> -> memref<1x40x128xf32, #tpu.memory_space<vmem>>
      %dma_wait3A_436 = tpu.memref_squeeze %dma_wait3A_435 : memref<1x40x128xf32, #tpu.memory_space<vmem>> -> memref<40x128xf32, #tpu.memory_space<vmem>>
      %dma_wait3A_437 = tpu.memref_slice %arg5[%add3A_177] : memref<8000xi32, #tpu.memory_space<vmem>> -> memref<40xi32, #tpu.memory_space<vmem>>
      %dma_wait3A_438 = arith.constant 0 : i32
      %dma_wait3A_439 = arith.constant 0 : i32
      %dma_wait3A_440 = tpu.memref_slice %arg3[%dma_wait3A_438, %dma_wait3A_439] : memref<100000x128xf32, #tpu.memory_space<hbm>> -> memref<100000x128xf32, #tpu.memory_space<hbm>>
      tpu.wait_indirect_dma semaphore(%arg14 : memref<!tpu.dma_semaphore, #tpu.memory_space<semaphore_mem>>) src(%dma_wait3A_440 : memref<100000x128xf32, #tpu.memory_space<hbm>>) dst(%dma_wait3A_436 : memref<40x128xf32, #tpu.memory_space<vmem>>)
      %dma_wait3A_441 = arith.constant 3 : i32
      %dma_wait3A_442 = arith.constant 0 : i32
      %dma_wait3A_443 = arith.constant 0 : i32
      %dma_wait3A_444 = tpu.memref_slice %arg8[%dma_wait3A_441, %dma_wait3A_442, %dma_wait3A_443] : memref<5x40x128xf32, #tpu.memory_space<vmem>> -> memref<1x40x128xf32, #tpu.memory_space<vmem>>
      %dma_wait3A_445 = tpu.memref_squeeze %dma_wait3A_444 : memref<1x40x128xf32, #tpu.memory_space<vmem>> -> memref<40x128xf32, #tpu.memory_space<vmem>>
      %dma_wait3A_446 = tpu.memref_slice %arg5[%add3A_190] : memref<8000xi32, #tpu.memory_space<vmem>> -> memref<40xi32, #tpu.memory_space<vmem>>
      %dma_wait3A_447 = arith.constant 0 : i32
      %dma_wait3A_448 = arith.constant 0 : i32
      %dma_wait3A_449 = tpu.memref_slice %arg3[%dma_wait3A_447, %dma_wait3A_448] : memref<100000x128xf32, #tpu.memory_space<hbm>> -> memref<100000x128xf32, #tpu.memory_space<hbm>>
      tpu.wait_indirect_dma semaphore(%arg14 : memref<!tpu.dma_semaphore, #tpu.memory_space<semaphore_mem>>) src(%dma_wait3A_449 : memref<100000x128xf32, #tpu.memory_space<hbm>>) dst(%dma_wait3A_445 : memref<40x128xf32, #tpu.memory_space<vmem>>)
      %dma_wait3A_450 = arith.constant 4 : i32
      %dma_wait3A_451 = arith.constant 0 : i32
      %dma_wait3A_452 = arith.constant 0 : i32
      %dma_wait3A_453 = tpu.memref_slice %arg8[%dma_wait3A_450, %dma_wait3A_451, %dma_wait3A_452] : memref<5x40x128xf32, #tpu.memory_space<vmem>> -> memref<1x40x128xf32, #tpu.memory_space<vmem>>
      %dma_wait3A_454 = tpu.memref_squeeze %dma_wait3A_453 : memref<1x40x128xf32, #tpu.memory_space<vmem>> -> memref<40x128xf32, #tpu.memory_space<vmem>>
      %dma_wait3A_455 = tpu.memref_slice %arg5[%add3A_203] : memref<8000xi32, #tpu.memory_space<vmem>> -> memref<40xi32, #tpu.memory_space<vmem>>
      %dma_wait3A_456 = arith.constant 0 : i32
      %dma_wait3A_457 = arith.constant 0 : i32
      %dma_wait3A_458 = tpu.memref_slice %arg3[%dma_wait3A_456, %dma_wait3A_457] : memref<100000x128xf32, #tpu.memory_space<hbm>> -> memref<100000x128xf32, #tpu.memory_space<hbm>>
      tpu.wait_indirect_dma semaphore(%arg14 : memref<!tpu.dma_semaphore, #tpu.memory_space<semaphore_mem>>) src(%dma_wait3A_458 : memref<100000x128xf32, #tpu.memory_space<hbm>>) dst(%dma_wait3A_454 : memref<40x128xf32, #tpu.memory_space<vmem>>)
      %scan3A_459 = arith.constant 0 : i32
      %scan3A_460 = arith.constant 0 : i32
      %scan3A_461 = arith.constant 40 : i32
      %scan3A_462 = arith.addi %scan3A_460, %scan3A_461 : i32
      %scan3A_463 = arith.constant 1 : i32
      %scan3A_464 = scf.for %scan3A_555 = %scan3A_460 to %scan3A_462 step %scan3A_463 iter_args(%scan3A_556 = %scan3A_459) -> (i32)  : i32 {
        %get3A = arith.constant 0 : i32
        %get3A_557 = arith.index_cast %get3A : i32 to index
        %get3A_558 = arith.index_cast %scan3A_555 : i32 to index
        %get3A_559 = arith.constant 0 : index
        %get3A_560 = tpu.vector_load %arg8[%get3A_557, %get3A_558, %get3A_559] {strides = array<i32>} : memref<5x40x128xf32, #tpu.memory_space<vmem>>, vector<1x1x16xf32>,
        %get3A_561 = vector.shape_cast %get3A_560 : vector<1x1x16xf32> to vector<16xf32>
        %get3A_562 = arith.constant 1 : i32
        %get3A_563 = arith.index_cast %get3A_562 : i32 to index
        %get3A_564 = arith.index_cast %scan3A_555 : i32 to index
        %get3A_565 = arith.constant 0 : index
        %get3A_566 = tpu.vector_load %arg8[%get3A_563, %get3A_564, %get3A_565] {strides = array<i32>} : memref<5x40x128xf32, #tpu.memory_space<vmem>>, vector<1x1x16xf32>,
        %get3A_567 = vector.shape_cast %get3A_566 : vector<1x1x16xf32> to vector<16xf32>
        %add3A_568 = arith.addf %get3A_561, %get3A_567 : vector<16xf32>
        %get3A_569 = arith.constant 2 : i32
        %get3A_570 = arith.index_cast %get3A_569 : i32 to index
        %get3A_571 = arith.index_cast %scan3A_555 : i32 to index
        %get3A_572 = arith.constant 0 : index
        %get3A_573 = tpu.vector_load %arg8[%get3A_570, %get3A_571, %get3A_572] {strides = array<i32>} : memref<5x40x128xf32, #tpu.memory_space<vmem>>, vector<1x1x16xf32>,
        %get3A_574 = vector.shape_cast %get3A_573 : vector<1x1x16xf32> to vector<16xf32>
        %add3A_575 = arith.addf %add3A_568, %get3A_574 : vector<16xf32>
        %get3A_576 = arith.constant 3 : i32
        %get3A_577 = arith.index_cast %get3A_576 : i32 to index
        %get3A_578 = arith.index_cast %scan3A_555 : i32 to index
        %get3A_579 = arith.constant 0 : index
        %get3A_580 = tpu.vector_load %arg8[%get3A_577, %get3A_578, %get3A_579] {strides = array<i32>} : memref<5x40x128xf32, #tpu.memory_space<vmem>>, vector<1x1x16xf32>,
        %get3A_581 = vector.shape_cast %get3A_580 : vector<1x1x16xf32> to vector<16xf32>
        %add3A_582 = arith.addf %add3A_575, %get3A_581 : vector<16xf32>
        %get3A_583 = arith.constant 4 : i32
        %get3A_584 = arith.index_cast %get3A_583 : i32 to index
        %get3A_585 = arith.index_cast %scan3A_555 : i32 to index
        %get3A_586 = arith.constant 0 : index
        %get3A_587 = tpu.vector_load %arg8[%get3A_584, %get3A_585, %get3A_586] {strides = array<i32>} : memref<5x40x128xf32, #tpu.memory_space<vmem>>, vector<1x1x16xf32>,
        %get3A_588 = vector.shape_cast %get3A_587 : vector<1x1x16xf32> to vector<16xf32>
        %add3A_589 = arith.addf %add3A_582, %get3A_588 : vector<16xf32>
        %swap3A = arith.index_cast %scan3A_555 : i32 to index
        %swap3A_590 = arith.constant 0 : index
        %swap3A_591 = tpu.vector_load %arg10[%swap3A, %swap3A_590] {strides = array<i32>} : memref<40x128xf32, #tpu.memory_space<vmem>>, vector<1x16xf32>,
        %swap3A_592 = vector.shape_cast %swap3A_591 : vector<1x16xf32> to vector<16xf32>
        %swap3A_593 = vector.shape_cast %add3A_589 : vector<16xf32> to vector<1x16xf32>
        tpu.vector_store %arg10[%swap3A, %swap3A_590], %swap3A_593 {strides = array<i32>} : memref<40x128xf32, #tpu.memory_space<vmem>>, vector<1x16xf32>,
        %get3A_594 = arith.constant 0 : i32
        %get3A_595 = arith.index_cast %get3A_594 : i32 to index
        %get3A_596 = arith.index_cast %scan3A_555 : i32 to index
        %get3A_597 = arith.constant 16 : index
        %get3A_598 = tpu.vector_load %arg8[%get3A_595, %get3A_596, %get3A_597] {strides = array<i32>} : memref<5x40x128xf32, #tpu.memory_space<vmem>>, vector<1x1x16xf32>,
        %get3A_599 = vector.shape_cast %get3A_598 : vector<1x1x16xf32> to vector<16xf32>
        %get3A_600 = arith.constant 1 : i32
        %get3A_601 = arith.index_cast %get3A_600 : i32 to index
        %get3A_602 = arith.index_cast %scan3A_555 : i32 to index
        %get3A_603 = arith.constant 16 : index
        %get3A_604 = tpu.vector_load %arg8[%get3A_601, %get3A_602, %get3A_603] {strides = array<i32>} : memref<5x40x128xf32, #tpu.memory_space<vmem>>, vector<1x1x16xf32>,
        %get3A_605 = vector.shape_cast %get3A_604 : vector<1x1x16xf32> to vector<16xf32>
        %add3A_606 = arith.addf %get3A_599, %get3A_605 : vector<16xf32>
        %get3A_607 = arith.constant 2 : i32
        %get3A_608 = arith.index_cast %get3A_607 : i32 to index
        %get3A_609 = arith.index_cast %scan3A_555 : i32 to index
        %get3A_610 = arith.constant 16 : index
        %get3A_611 = tpu.vector_load %arg8[%get3A_608, %get3A_609, %get3A_610] {strides = array<i32>} : memref<5x40x128xf32, #tpu.memory_space<vmem>>, vector<1x1x16xf32>,
        %get3A_612 = vector.shape_cast %get3A_611 : vector<1x1x16xf32> to vector<16xf32>
        %add3A_613 = arith.addf %add3A_606, %get3A_612 : vector<16xf32>
        %get3A_614 = arith.constant 3 : i32
        %get3A_615 = arith.index_cast %get3A_614 : i32 to index
        %get3A_616 = arith.index_cast %scan3A_555 : i32 to index
        %get3A_617 = arith.constant 16 : index
        %get3A_618 = tpu.vector_load %arg8[%get3A_615, %get3A_616, %get3A_617] {strides = array<i32>} : memref<5x40x128xf32, #tpu.memory_space<vmem>>, vector<1x1x16xf32>,
        %get3A_619 = vector.shape_cast %get3A_618 : vector<1x1x16xf32> to vector<16xf32>
        %add3A_620 = arith.addf %add3A_613, %get3A_619 : vector<16xf32>
        %get3A_621 = arith.constant 4 : i32
        %get3A_622 = arith.index_cast %get3A_621 : i32 to index
        %get3A_623 = arith.index_cast %scan3A_555 : i32 to index
        %get3A_624 = arith.constant 16 : index
        %get3A_625 = tpu.vector_load %arg8[%get3A_622, %get3A_623, %get3A_624] {strides = array<i32>} : memref<5x40x128xf32, #tpu.memory_space<vmem>>, vector<1x1x16xf32>,
        %get3A_626 = vector.shape_cast %get3A_625 : vector<1x1x16xf32> to vector<16xf32>
        %add3A_627 = arith.addf %add3A_620, %get3A_626 : vector<16xf32>
        %swap3A_628 = arith.index_cast %scan3A_555 : i32 to index
        %swap3A_629 = arith.constant 16 : index
        %swap3A_630 = tpu.vector_load %arg10[%swap3A_628, %swap3A_629] {strides = array<i32>} : memref<40x128xf32, #tpu.memory_space<vmem>>, vector<1x16xf32>,
        %swap3A_631 = vector.shape_cast %swap3A_630 : vector<1x16xf32> to vector<16xf32>
        %swap3A_632 = vector.shape_cast %add3A_627 : vector<16xf32> to vector<1x16xf32>
        tpu.vector_store %arg10[%swap3A_628, %swap3A_629], %swap3A_632 {strides = array<i32>} : memref<40x128xf32, #tpu.memory_space<vmem>>, vector<1x16xf32>,
        %get3A_633 = arith.constant 0 : i32
        %get3A_634 = arith.index_cast %get3A_633 : i32 to index
        %get3A_635 = arith.index_cast %scan3A_555 : i32 to index
        %get3A_636 = arith.constant 32 : index
        %get3A_637 = tpu.vector_load %arg8[%get3A_634, %get3A_635, %get3A_636] {strides = array<i32>} : memref<5x40x128xf32, #tpu.memory_space<vmem>>, vector<1x1x16xf32>,
        %get3A_638 = vector.shape_cast %get3A_637 : vector<1x1x16xf32> to vector<16xf32>
        %get3A_639 = arith.constant 1 : i32
        %get3A_640 = arith.index_cast %get3A_639 : i32 to index
        %get3A_641 = arith.index_cast %scan3A_555 : i32 to index
        %get3A_642 = arith.constant 32 : index
        %get3A_643 = tpu.vector_load %arg8[%get3A_640, %get3A_641, %get3A_642] {strides = array<i32>} : memref<5x40x128xf32, #tpu.memory_space<vmem>>, vector<1x1x16xf32>,
        %get3A_644 = vector.shape_cast %get3A_643 : vector<1x1x16xf32> to vector<16xf32>
        %add3A_645 = arith.addf %get3A_638, %get3A_644 : vector<16xf32>
        %get3A_646 = arith.constant 2 : i32
        %get3A_647 = arith.index_cast %get3A_646 : i32 to index
        %get3A_648 = arith.index_cast %scan3A_555 : i32 to index
        %get3A_649 = arith.constant 32 : index
        %get3A_650 = tpu.vector_load %arg8[%get3A_647, %get3A_648, %get3A_649] {strides = array<i32>} : memref<5x40x128xf32, #tpu.memory_space<vmem>>, vector<1x1x16xf32>,
        %get3A_651 = vector.shape_cast %get3A_650 : vector<1x1x16xf32> to vector<16xf32>
        %add3A_652 = arith.addf %add3A_645, %get3A_651 : vector<16xf32>
        %get3A_653 = arith.constant 3 : i32
        %get3A_654 = arith.index_cast %get3A_653 : i32 to index
        %get3A_655 = arith.index_cast %scan3A_555 : i32 to index
        %get3A_656 = arith.constant 32 : index
        %get3A_657 = tpu.vector_load %arg8[%get3A_654, %get3A_655, %get3A_656] {strides = array<i32>} : memref<5x40x128xf32, #tpu.memory_space<vmem>>, vector<1x1x16xf32>,
        %get3A_658 = vector.shape_cast %get3A_657 : vector<1x1x16xf32> to vector<16xf32>
        %add3A_659 = arith.addf %add3A_652, %get3A_658 : vector<16xf32>
        %get3A_660 = arith.constant 4 : i32
        %get3A_661 = arith.index_cast %get3A_660 : i32 to index
        %get3A_662 = arith.index_cast %scan3A_555 : i32 to index
        %get3A_663 = arith.constant 32 : index
        %get3A_664 = tpu.vector_load %arg8[%get3A_661, %get3A_662, %get3A_663] {strides = array<i32>} : memref<5x40x128xf32, #tpu.memory_space<vmem>>, vector<1x1x16xf32>,
        %get3A_665 = vector.shape_cast %get3A_664 : vector<1x1x16xf32> to vector<16xf32>
        %add3A_666 = arith.addf %add3A_659, %get3A_665 : vector<16xf32>
        %swap3A_667 = arith.index_cast %scan3A_555 : i32 to index
        %swap3A_668 = arith.constant 32 : index
        %swap3A_669 = tpu.vector_load %arg10[%swap3A_667, %swap3A_668] {strides = array<i32>} : memref<40x128xf32, #tpu.memory_space<vmem>>, vector<1x16xf32>,
        %swap3A_670 = vector.shape_cast %swap3A_669 : vector<1x16xf32> to vector<16xf32>
        %swap3A_671 = vector.shape_cast %add3A_666 : vector<16xf32> to vector<1x16xf32>
        tpu.vector_store %arg10[%swap3A_667, %swap3A_668], %swap3A_671 {strides = array<i32>} : memref<40x128xf32, #tpu.memory_space<vmem>>, vector<1x16xf32>,
        %get3A_672 = arith.constant 0 : i32
        %get3A_673 = arith.index_cast %get3A_672 : i32 to index
        %get3A_674 = arith.index_cast %scan3A_555 : i32 to index
        %get3A_675 = arith.constant 48 : index
        %get3A_676 = tpu.vector_load %arg8[%get3A_673, %get3A_674, %get3A_675] {strides = array<i32>} : memref<5x40x128xf32, #tpu.memory_space<vmem>>, vector<1x1x16xf32>,
        %get3A_677 = vector.shape_cast %get3A_676 : vector<1x1x16xf32> to vector<16xf32>
        %get3A_678 = arith.constant 1 : i32
        %get3A_679 = arith.index_cast %get3A_678 : i32 to index
        %get3A_680 = arith.index_cast %scan3A_555 : i32 to index
        %get3A_681 = arith.constant 48 : index
        %get3A_682 = tpu.vector_load %arg8[%get3A_679, %get3A_680, %get3A_681] {strides = array<i32>} : memref<5x40x128xf32, #tpu.memory_space<vmem>>, vector<1x1x16xf32>,
        %get3A_683 = vector.shape_cast %get3A_682 : vector<1x1x16xf32> to vector<16xf32>
        %add3A_684 = arith.addf %get3A_677, %get3A_683 : vector<16xf32>
        %get3A_685 = arith.constant 2 : i32
        %get3A_686 = arith.index_cast %get3A_685 : i32 to index
        %get3A_687 = arith.index_cast %scan3A_555 : i32 to index
        %get3A_688 = arith.constant 48 : index
        %get3A_689 = tpu.vector_load %arg8[%get3A_686, %get3A_687, %get3A_688] {strides = array<i32>} : memref<5x40x128xf32, #tpu.memory_space<vmem>>, vector<1x1x16xf32>,
        %get3A_690 = vector.shape_cast %get3A_689 : vector<1x1x16xf32> to vector<16xf32>
        %add3A_691 = arith.addf %add3A_684, %get3A_690 : vector<16xf32>
        %get3A_692 = arith.constant 3 : i32
        %get3A_693 = arith.index_cast %get3A_692 : i32 to index
        %get3A_694 = arith.index_cast %scan3A_555 : i32 to index
        %get3A_695 = arith.constant 48 : index
        %get3A_696 = tpu.vector_load %arg8[%get3A_693, %get3A_694, %get3A_695] {strides = array<i32>} : memref<5x40x128xf32, #tpu.memory_space<vmem>>, vector<1x1x16xf32>,
        %get3A_697 = vector.shape_cast %get3A_696 : vector<1x1x16xf32> to vector<16xf32>
        %add3A_698 = arith.addf %add3A_691, %get3A_697 : vector<16xf32>
        %get3A_699 = arith.constant 4 : i32
        %get3A_700 = arith.index_cast %get3A_699 : i32 to index
        %get3A_701 = arith.index_cast %scan3A_555 : i32 to index
        %get3A_702 = arith.constant 48 : index
        %get3A_703 = tpu.vector_load %arg8[%get3A_700, %get3A_701, %get3A_702] {strides = array<i32>} : memref<5x40x128xf32, #tpu.memory_space<vmem>>, vector<1x1x16xf32>,
        %get3A_704 = vector.shape_cast %get3A_703 : vector<1x1x16xf32> to vector<16xf32>
        %add3A_705 = arith.addf %add3A_698, %get3A_704 : vector<16xf32>
        %swap3A_706 = arith.index_cast %scan3A_555 : i32 to index
        %swap3A_707 = arith.constant 48 : index
        %swap3A_708 = tpu.vector_load %arg10[%swap3A_706, %swap3A_707] {strides = array<i32>} : memref<40x128xf32, #tpu.memory_space<vmem>>, vector<1x16xf32>,
        %swap3A_709 = vector.shape_cast %swap3A_708 : vector<1x16xf32> to vector<16xf32>
        %swap3A_710 = vector.shape_cast %add3A_705 : vector<16xf32> to vector<1x16xf32>
        tpu.vector_store %arg10[%swap3A_706, %swap3A_707], %swap3A_710 {strides = array<i32>} : memref<40x128xf32, #tpu.memory_space<vmem>>, vector<1x16xf32>,
        %get3A_711 = arith.constant 0 : i32
        %get3A_712 = arith.index_cast %get3A_711 : i32 to index
        %get3A_713 = arith.index_cast %scan3A_555 : i32 to index
        %get3A_714 = arith.constant 64 : index
        %get3A_715 = tpu.vector_load %arg8[%get3A_712, %get3A_713, %get3A_714] {strides = array<i32>} : memref<5x40x128xf32, #tpu.memory_space<vmem>>, vector<1x1x16xf32>,
        %get3A_716 = vector.shape_cast %get3A_715 : vector<1x1x16xf32> to vector<16xf32>
        %get3A_717 = arith.constant 1 : i32
        %get3A_718 = arith.index_cast %get3A_717 : i32 to index
        %get3A_719 = arith.index_cast %scan3A_555 : i32 to index
        %get3A_720 = arith.constant 64 : index
        %get3A_721 = tpu.vector_load %arg8[%get3A_718, %get3A_719, %get3A_720] {strides = array<i32>} : memref<5x40x128xf32, #tpu.memory_space<vmem>>, vector<1x1x16xf32>,
        %get3A_722 = vector.shape_cast %get3A_721 : vector<1x1x16xf32> to vector<16xf32>
        %add3A_723 = arith.addf %get3A_716, %get3A_722 : vector<16xf32>
        %get3A_724 = arith.constant 2 : i32
        %get3A_725 = arith.index_cast %get3A_724 : i32 to index
        %get3A_726 = arith.index_cast %scan3A_555 : i32 to index
        %get3A_727 = arith.constant 64 : index
        %get3A_728 = tpu.vector_load %arg8[%get3A_725, %get3A_726, %get3A_727] {strides = array<i32>} : memref<5x40x128xf32, #tpu.memory_space<vmem>>, vector<1x1x16xf32>,
        %get3A_729 = vector.shape_cast %get3A_728 : vector<1x1x16xf32> to vector<16xf32>
        %add3A_730 = arith.addf %add3A_723, %get3A_729 : vector<16xf32>
        %get3A_731 = arith.constant 3 : i32
        %get3A_732 = arith.index_cast %get3A_731 : i32 to index
        %get3A_733 = arith.index_cast %scan3A_555 : i32 to index
        %get3A_734 = arith.constant 64 : index
        %get3A_735 = tpu.vector_load %arg8[%get3A_732, %get3A_733, %get3A_734] {strides = array<i32>} : memref<5x40x128xf32, #tpu.memory_space<vmem>>, vector<1x1x16xf32>,
        %get3A_736 = vector.shape_cast %get3A_735 : vector<1x1x16xf32> to vector<16xf32>
        %add3A_737 = arith.addf %add3A_730, %get3A_736 : vector<16xf32>
        %get3A_738 = arith.constant 4 : i32
        %get3A_739 = arith.index_cast %get3A_738 : i32 to index
        %get3A_740 = arith.index_cast %scan3A_555 : i32 to index
        %get3A_741 = arith.constant 64 : index
        %get3A_742 = tpu.vector_load %arg8[%get3A_739, %get3A_740, %get3A_741] {strides = array<i32>} : memref<5x40x128xf32, #tpu.memory_space<vmem>>, vector<1x1x16xf32>,
        %get3A_743 = vector.shape_cast %get3A_742 : vector<1x1x16xf32> to vector<16xf32>
        %add3A_744 = arith.addf %add3A_737, %get3A_743 : vector<16xf32>
        %swap3A_745 = arith.index_cast %scan3A_555 : i32 to index
        %swap3A_746 = arith.constant 64 : index
        %swap3A_747 = tpu.vector_load %arg10[%swap3A_745, %swap3A_746] {strides = array<i32>} : memref<40x128xf32, #tpu.memory_space<vmem>>, vector<1x16xf32>,
        %swap3A_748 = vector.shape_cast %swap3A_747 : vector<1x16xf32> to vector<16xf32>
        %swap3A_749 = vector.shape_cast %add3A_744 : vector<16xf32> to vector<1x16xf32>
        tpu.vector_store %arg10[%swap3A_745, %swap3A_746], %swap3A_749 {strides = array<i32>} : memref<40x128xf32, #tpu.memory_space<vmem>>, vector<1x16xf32>,
        %get3A_750 = arith.constant 0 : i32
        %get3A_751 = arith.index_cast %get3A_750 : i32 to index
        %get3A_752 = arith.index_cast %scan3A_555 : i32 to index
        %get3A_753 = arith.constant 80 : index
        %get3A_754 = tpu.vector_load %arg8[%get3A_751, %get3A_752, %get3A_753] {strides = array<i32>} : memref<5x40x128xf32, #tpu.memory_space<vmem>>, vector<1x1x16xf32>,
        %get3A_755 = vector.shape_cast %get3A_754 : vector<1x1x16xf32> to vector<16xf32>
        %get3A_756 = arith.constant 1 : i32
        %get3A_757 = arith.index_cast %get3A_756 : i32 to index
        %get3A_758 = arith.index_cast %scan3A_555 : i32 to index
        %get3A_759 = arith.constant 80 : index
        %get3A_760 = tpu.vector_load %arg8[%get3A_757, %get3A_758, %get3A_759] {strides = array<i32>} : memref<5x40x128xf32, #tpu.memory_space<vmem>>, vector<1x1x16xf32>,
        %get3A_761 = vector.shape_cast %get3A_760 : vector<1x1x16xf32> to vector<16xf32>
        %add3A_762 = arith.addf %get3A_755, %get3A_761 : vector<16xf32>
        %get3A_763 = arith.constant 2 : i32
        %get3A_764 = arith.index_cast %get3A_763 : i32 to index
        %get3A_765 = arith.index_cast %scan3A_555 : i32 to index
        %get3A_766 = arith.constant 80 : index
        %get3A_767 = tpu.vector_load %arg8[%get3A_764, %get3A_765, %get3A_766] {strides = array<i32>} : memref<5x40x128xf32, #tpu.memory_space<vmem>>, vector<1x1x16xf32>,
        %get3A_768 = vector.shape_cast %get3A_767 : vector<1x1x16xf32> to vector<16xf32>
        %add3A_769 = arith.addf %add3A_762, %get3A_768 : vector<16xf32>
        %get3A_770 = arith.constant 3 : i32
        %get3A_771 = arith.index_cast %get3A_770 : i32 to index
        %get3A_772 = arith.index_cast %scan3A_555 : i32 to index
        %get3A_773 = arith.constant 80 : index
        %get3A_774 = tpu.vector_load %arg8[%get3A_771, %get3A_772, %get3A_773] {strides = array<i32>} : memref<5x40x128xf32, #tpu.memory_space<vmem>>, vector<1x1x16xf32>,
        %get3A_775 = vector.shape_cast %get3A_774 : vector<1x1x16xf32> to vector<16xf32>
        %add3A_776 = arith.addf %add3A_769, %get3A_775 : vector<16xf32>
        %get3A_777 = arith.constant 4 : i32
        %get3A_778 = arith.index_cast %get3A_777 : i32 to index
        %get3A_779 = arith.index_cast %scan3A_555 : i32 to index
        %get3A_780 = arith.constant 80 : index
        %get3A_781 = tpu.vector_load %arg8[%get3A_778, %get3A_779, %get3A_780] {strides = array<i32>} : memref<5x40x128xf32, #tpu.memory_space<vmem>>, vector<1x1x16xf32>,
        %get3A_782 = vector.shape_cast %get3A_781 : vector<1x1x16xf32> to vector<16xf32>
        %add3A_783 = arith.addf %add3A_776, %get3A_782 : vector<16xf32>
        %swap3A_784 = arith.index_cast %scan3A_555 : i32 to index
        %swap3A_785 = arith.constant 80 : index
        %swap3A_786 = tpu.vector_load %arg10[%swap3A_784, %swap3A_785] {strides = array<i32>} : memref<40x128xf32, #tpu.memory_space<vmem>>, vector<1x16xf32>,
        %swap3A_787 = vector.shape_cast %swap3A_786 : vector<1x16xf32> to vector<16xf32>
        %swap3A_788 = vector.shape_cast %add3A_783 : vector<16xf32> to vector<1x16xf32>
        tpu.vector_store %arg10[%swap3A_784, %swap3A_785], %swap3A_788 {strides = array<i32>} : memref<40x128xf32, #tpu.memory_space<vmem>>, vector<1x16xf32>,
        %get3A_789 = arith.constant 0 : i32
        %get3A_790 = arith.index_cast %get3A_789 : i32 to index
        %get3A_791 = arith.index_cast %scan3A_555 : i32 to index
        %get3A_792 = arith.constant 96 : index
        %get3A_793 = tpu.vector_load %arg8[%get3A_790, %get3A_791, %get3A_792] {strides = array<i32>} : memref<5x40x128xf32, #tpu.memory_space<vmem>>, vector<1x1x16xf32>,
        %get3A_794 = vector.shape_cast %get3A_793 : vector<1x1x16xf32> to vector<16xf32>
        %get3A_795 = arith.constant 1 : i32
        %get3A_796 = arith.index_cast %get3A_795 : i32 to index
        %get3A_797 = arith.index_cast %scan3A_555 : i32 to index
        %get3A_798 = arith.constant 96 : index
        %get3A_799 = tpu.vector_load %arg8[%get3A_796, %get3A_797, %get3A_798] {strides = array<i32>} : memref<5x40x128xf32, #tpu.memory_space<vmem>>, vector<1x1x16xf32>,
        %get3A_800 = vector.shape_cast %get3A_799 : vector<1x1x16xf32> to vector<16xf32>
        %add3A_801 = arith.addf %get3A_794, %get3A_800 : vector<16xf32>
        %get3A_802 = arith.constant 2 : i32
        %get3A_803 = arith.index_cast %get3A_802 : i32 to index
        %get3A_804 = arith.index_cast %scan3A_555 : i32 to index
        %get3A_805 = arith.constant 96 : index
        %get3A_806 = tpu.vector_load %arg8[%get3A_803, %get3A_804, %get3A_805] {strides = array<i32>} : memref<5x40x128xf32, #tpu.memory_space<vmem>>, vector<1x1x16xf32>,
        %get3A_807 = vector.shape_cast %get3A_806 : vector<1x1x16xf32> to vector<16xf32>
        %add3A_808 = arith.addf %add3A_801, %get3A_807 : vector<16xf32>
        %get3A_809 = arith.constant 3 : i32
        %get3A_810 = arith.index_cast %get3A_809 : i32 to index
        %get3A_811 = arith.index_cast %scan3A_555 : i32 to index
        %get3A_812 = arith.constant 96 : index
        %get3A_813 = tpu.vector_load %arg8[%get3A_810, %get3A_811, %get3A_812] {strides = array<i32>} : memref<5x40x128xf32, #tpu.memory_space<vmem>>, vector<1x1x16xf32>,
        %get3A_814 = vector.shape_cast %get3A_813 : vector<1x1x16xf32> to vector<16xf32>
        %add3A_815 = arith.addf %add3A_808, %get3A_814 : vector<16xf32>
        %get3A_816 = arith.constant 4 : i32
        %get3A_817 = arith.index_cast %get3A_816 : i32 to index
        %get3A_818 = arith.index_cast %scan3A_555 : i32 to index
        %get3A_819 = arith.constant 96 : index
        %get3A_820 = tpu.vector_load %arg8[%get3A_817, %get3A_818, %get3A_819] {strides = array<i32>} : memref<5x40x128xf32, #tpu.memory_space<vmem>>, vector<1x1x16xf32>,
        %get3A_821 = vector.shape_cast %get3A_820 : vector<1x1x16xf32> to vector<16xf32>
        %add3A_822 = arith.addf %add3A_815, %get3A_821 : vector<16xf32>
        %swap3A_823 = arith.index_cast %scan3A_555 : i32 to index
        %swap3A_824 = arith.constant 96 : index
        %swap3A_825 = tpu.vector_load %arg10[%swap3A_823, %swap3A_824] {strides = array<i32>} : memref<40x128xf32, #tpu.memory_space<vmem>>, vector<1x16xf32>,
        %swap3A_826 = vector.shape_cast %swap3A_825 : vector<1x16xf32> to vector<16xf32>
        %swap3A_827 = vector.shape_cast %add3A_822 : vector<16xf32> to vector<1x16xf32>
        tpu.vector_store %arg10[%swap3A_823, %swap3A_824], %swap3A_827 {strides = array<i32>} : memref<40x128xf32, #tpu.memory_space<vmem>>, vector<1x16xf32>,
        %get3A_828 = arith.constant 0 : i32
        %get3A_829 = arith.index_cast %get3A_828 : i32 to index
        %get3A_830 = arith.index_cast %scan3A_555 : i32 to index
        %get3A_831 = arith.constant 112 : index
        %get3A_832 = tpu.vector_load %arg8[%get3A_829, %get3A_830, %get3A_831] {strides = array<i32>} : memref<5x40x128xf32, #tpu.memory_space<vmem>>, vector<1x1x16xf32>,
        %get3A_833 = vector.shape_cast %get3A_832 : vector<1x1x16xf32> to vector<16xf32>
        %get3A_834 = arith.constant 1 : i32
        %get3A_835 = arith.index_cast %get3A_834 : i32 to index
        %get3A_836 = arith.index_cast %scan3A_555 : i32 to index
        %get3A_837 = arith.constant 112 : index
        %get3A_838 = tpu.vector_load %arg8[%get3A_835, %get3A_836, %get3A_837] {strides = array<i32>} : memref<5x40x128xf32, #tpu.memory_space<vmem>>, vector<1x1x16xf32>,
        %get3A_839 = vector.shape_cast %get3A_838 : vector<1x1x16xf32> to vector<16xf32>
        %add3A_840 = arith.addf %get3A_833, %get3A_839 : vector<16xf32>
        %get3A_841 = arith.constant 2 : i32
        %get3A_842 = arith.index_cast %get3A_841 : i32 to index
        %get3A_843 = arith.index_cast %scan3A_555 : i32 to index
        %get3A_844 = arith.constant 112 : index
        %get3A_845 = tpu.vector_load %arg8[%get3A_842, %get3A_843, %get3A_844] {strides = array<i32>} : memref<5x40x128xf32, #tpu.memory_space<vmem>>, vector<1x1x16xf32>,
        %get3A_846 = vector.shape_cast %get3A_845 : vector<1x1x16xf32> to vector<16xf32>
        %add3A_847 = arith.addf %add3A_840, %get3A_846 : vector<16xf32>
        %get3A_848 = arith.constant 3 : i32
        %get3A_849 = arith.index_cast %get3A_848 : i32 to index
        %get3A_850 = arith.index_cast %scan3A_555 : i32 to index
        %get3A_851 = arith.constant 112 : index
        %get3A_852 = tpu.vector_load %arg8[%get3A_849, %get3A_850, %get3A_851] {strides = array<i32>} : memref<5x40x128xf32, #tpu.memory_space<vmem>>, vector<1x1x16xf32>,
        %get3A_853 = vector.shape_cast %get3A_852 : vector<1x1x16xf32> to vector<16xf32>
        %add3A_854 = arith.addf %add3A_847, %get3A_853 : vector<16xf32>
        %get3A_855 = arith.constant 4 : i32
        %get3A_856 = arith.index_cast %get3A_855 : i32 to index
        %get3A_857 = arith.index_cast %scan3A_555 : i32 to index
        %get3A_858 = arith.constant 112 : index
        %get3A_859 = tpu.vector_load %arg8[%get3A_856, %get3A_857, %get3A_858] {strides = array<i32>} : memref<5x40x128xf32, #tpu.memory_space<vmem>>, vector<1x1x16xf32>,
        %get3A_860 = vector.shape_cast %get3A_859 : vector<1x1x16xf32> to vector<16xf32>
        %add3A_861 = arith.addf %add3A_854, %get3A_860 : vector<16xf32>
        %swap3A_862 = arith.index_cast %scan3A_555 : i32 to index
        %swap3A_863 = arith.constant 112 : index
        %swap3A_864 = tpu.vector_load %arg10[%swap3A_862, %swap3A_863] {strides = array<i32>} : memref<40x128xf32, #tpu.memory_space<vmem>>, vector<1x16xf32>,
        %swap3A_865 = vector.shape_cast %swap3A_864 : vector<1x16xf32> to vector<16xf32>
        %swap3A_866 = vector.shape_cast %add3A_861 : vector<16xf32> to vector<1x16xf32>
        tpu.vector_store %arg10[%swap3A_862, %swap3A_863], %swap3A_866 {strides = array<i32>} : memref<40x128xf32, #tpu.memory_space<vmem>>, vector<1x16xf32>,
        %scan3A_867 = arith.constant 0 : i32
        scf.yield %scan3A_867 : i32
      }
      %scan3A_465 = arith.constant 40 : i32
      %mul3A_466 = arith.constant 40 : i32
      %mul3A_467 = arith.muli %add3A, %mul3A_466 : i32
      %add3A_468 = arith.addi %mul3A_467, %add3A_413 : i32
      %min3A_469 = arith.constant 1279 : i32
      %min3A_470 = arith.minsi %add3A_468, %min3A_469 : i32
      %mul3A_471 = arith.constant 40 : i32
      %mul3A_472 = arith.muli %min3A_470, %mul3A_471 : i32
      %dma_start3A_473 = arith.constant 0 : i32
      %dma_start3A_474 = tpu.memref_slice %arg4[%mul3A_472, %dma_start3A_473] : memref<51200x128xf32, #tpu.memory_space<hbm>> -> memref<40x128xf32, #tpu.memory_space<hbm>>
      %dma_start3A_475 = arith.constant 0 : i32
      %dma_start3A_476 = tpu.memref_slice %arg4[%mul3A_472, %dma_start3A_475] : memref<51200x128xf32, #tpu.memory_space<hbm>> -> memref<40x128xf32, #tpu.memory_space<hbm>>
      tpu.enqueue_dma source(%arg10 : memref<40x128xf32, #tpu.memory_space<vmem>>) target(%dma_start3A_476 : memref<40x128xf32, #tpu.memory_space<hbm>>) target_semaphore(%arg16 : memref<!tpu.dma_semaphore, #tpu.memory_space<semaphore_mem>>)
      %dma_wait3A_477 = arith.constant 0 : i32
      %dma_wait3A_478 = tpu.memref_slice %arg4[%mul3A_403, %dma_wait3A_477] : memref<51200x128xf32, #tpu.memory_space<hbm>> -> memref<40x128xf32, #tpu.memory_space<hbm>>
      %dma_wait3A_479 = arith.constant 0 : i32
      %dma_wait3A_480 = tpu.memref_slice %arg4[%mul3A_403, %dma_wait3A_479] : memref<51200x128xf32, #tpu.memory_space<hbm>> -> memref<40x128xf32, #tpu.memory_space<hbm>>
      tpu.wait_dma2 semaphore(%arg17 : memref<!tpu.dma_semaphore, #tpu.memory_space<semaphore_mem>>) src(%arg11 : memref<40x128xf32, #tpu.memory_space<vmem>>) dst(%dma_wait3A_480 : memref<40x128xf32, #tpu.memory_space<hbm>>)
      %add3A_481 = arith.constant 3 : i32
      %add3A_482 = arith.addi %mul3A_12, %add3A_481 : i32
      %dma_wait3A_483 = arith.constant 0 : i32
      %dma_wait3A_484 = arith.constant 0 : i32
      %dma_wait3A_485 = arith.constant 0 : i32
      %dma_wait3A_486 = tpu.memref_slice %arg9[%dma_wait3A_483, %dma_wait3A_484, %dma_wait3A_485] : memref<5x40x128xf32, #tpu.memory_space<vmem>> -> memref<1x40x128xf32, #tpu.memory_space<vmem>>
      %dma_wait3A_487 = tpu.memref_squeeze %dma_wait3A_486 : memref<1x40x128xf32, #tpu.memory_space<vmem>> -> memref<40x128xf32, #tpu.memory_space<vmem>>
      %dma_wait3A_488 = tpu.memref_slice %arg5[%add3A_218] : memref<8000xi32, #tpu.memory_space<vmem>> -> memref<40xi32, #tpu.memory_space<vmem>>
      %dma_wait3A_489 = arith.constant 0 : i32
      %dma_wait3A_490 = arith.constant 0 : i32
      %dma_wait3A_491 = tpu.memref_slice %arg3[%dma_wait3A_489, %dma_wait3A_490] : memref<100000x128xf32, #tpu.memory_space<hbm>> -> memref<100000x128xf32, #tpu.memory_space<hbm>>
      tpu.wait_indirect_dma semaphore(%arg15 : memref<!tpu.dma_semaphore, #tpu.memory_space<semaphore_mem>>) src(%dma_wait3A_491 : memref<100000x128xf32, #tpu.memory_space<hbm>>) dst(%dma_wait3A_487 : memref<40x128xf32, #tpu.memory_space<vmem>>)
      %dma_wait3A_492 = arith.constant 1 : i32
      %dma_wait3A_493 = arith.constant 0 : i32
      %dma_wait3A_494 = arith.constant 0 : i32
      %dma_wait3A_495 = tpu.memref_slice %arg9[%dma_wait3A_492, %dma_wait3A_493, %dma_wait3A_494] : memref<5x40x128xf32, #tpu.memory_space<vmem>> -> memref<1x40x128xf32, #tpu.memory_space<vmem>>
      %dma_wait3A_496 = tpu.memref_squeeze %dma_wait3A_495 : memref<1x40x128xf32, #tpu.memory_space<vmem>> -> memref<40x128xf32, #tpu.memory_space<vmem>>
      %dma_wait3A_497 = tpu.memref_slice %arg5[%add3A_231] : memref<8000xi32, #tpu.memory_space<vmem>> -> memref<40xi32, #tpu.memory_space<vmem>>
      %dma_wait3A_498 = arith.constant 0 : i32
      %dma_wait3A_499 = arith.constant 0 : i32
      %dma_wait3A_500 = tpu.memref_slice %arg3[%dma_wait3A_498, %dma_wait3A_499] : memref<100000x128xf32, #tpu.memory_space<hbm>> -> memref<100000x128xf32, #tpu.memory_space<hbm>>
      tpu.wait_indirect_dma semaphore(%arg15 : memref<!tpu.dma_semaphore, #tpu.memory_space<semaphore_mem>>) src(%dma_wait3A_500 : memref<100000x128xf32, #tpu.memory_space<hbm>>) dst(%dma_wait3A_496 : memref<40x128xf32, #tpu.memory_space<vmem>>)
      %dma_wait3A_501 = arith.constant 2 : i32
      %dma_wait3A_502 = arith.constant 0 : i32
      %dma_wait3A_503 = arith.constant 0 : i32
      %dma_wait3A_504 = tpu.memref_slice %arg9[%dma_wait3A_501, %dma_wait3A_502, %dma_wait3A_503] : memref<5x40x128xf32, #tpu.memory_space<vmem>> -> memref<1x40x128xf32, #tpu.memory_space<vmem>>
      %dma_wait3A_505 = tpu.memref_squeeze %dma_wait3A_504 : memref<1x40x128xf32, #tpu.memory_space<vmem>> -> memref<40x128xf32, #tpu.memory_space<vmem>>
      %dma_wait3A_506 = tpu.memref_slice %arg5[%add3A_244] : memref<8000xi32, #tpu.memory_space<vmem>> -> memref<40xi32, #tpu.memory_space<vmem>>
      %dma_wait3A_507 = arith.constant 0 : i32
      %dma_wait3A_508 = arith.constant 0 : i32
      %dma_wait3A_509 = tpu.memref_slice %arg3[%dma_wait3A_507, %dma_wait3A_508] : memref<100000x128xf32, #tpu.memory_space<hbm>> -> memref<100000x128xf32, #tpu.memory_space<hbm>>
      tpu.wait_indirect_dma semaphore(%arg15 : memref<!tpu.dma_semaphore, #tpu.memory_space<semaphore_mem>>) src(%dma_wait3A_509 : memref<100000x128xf32, #tpu.memory_space<hbm>>) dst(%dma_wait3A_505 : memref<40x128xf32, #tpu.memory_space<vmem>>)
      %dma_wait3A_510 = arith.constant 3 : i32
      %dma_wait3A_511 = arith.constant 0 : i32
      %dma_wait3A_512 = arith.constant 0 : i32
      %dma_wait3A_513 = tpu.memref_slice %arg9[%dma_wait3A_510, %dma_wait3A_511, %dma_wait3A_512] : memref<5x40x128xf32, #tpu.memory_space<vmem>> -> memref<1x40x128xf32, #tpu.memory_space<vmem>>
      %dma_wait3A_514 = tpu.memref_squeeze %dma_wait3A_513 : memref<1x40x128xf32, #tpu.memory_space<vmem>> -> memref<40x128xf32, #tpu.memory_space<vmem>>
      %dma_wait3A_515 = tpu.memref_slice %arg5[%add3A_257] : memref<8000xi32, #tpu.memory_space<vmem>> -> memref<40xi32, #tpu.memory_space<vmem>>
      %dma_wait3A_516 = arith.constant 0 : i32
      %dma_wait3A_517 = arith.constant 0 : i32
      %dma_wait3A_518 = tpu.memref_slice %arg3[%dma_wait3A_516, %dma_wait3A_517] : memref<100000x128xf32, #tpu.memory_space<hbm>> -> memref<100000x128xf32, #tpu.memory_space<hbm>>
      tpu.wait_indirect_dma semaphore(%arg15 : memref<!tpu.dma_semaphore, #tpu.memory_space<semaphore_mem>>) src(%dma_wait3A_518 : memref<100000x128xf32, #tpu.memory_space<hbm>>) dst(%dma_wait3A_514 : memref<40x128xf32, #tpu.memory_space<vmem>>)
      %dma_wait3A_519 = arith.constant 4 : i32
      %dma_wait3A_520 = arith.constant 0 : i32
      %dma_wait3A_521 = arith.constant 0 : i32
      %dma_wait3A_522 = tpu.memref_slice %arg9[%dma_wait3A_519, %dma_wait3A_520, %dma_wait3A_521] : memref<5x40x128xf32, #tpu.memory_space<vmem>> -> memref<1x40x128xf32, #tpu.memory_space<vmem>>
      %dma_wait3A_523 = tpu.memref_squeeze %dma_wait3A_522 : memref<1x40x128xf32, #tpu.memory_space<vmem>> -> memref<40x128xf32, #tpu.memory_space<vmem>>
      %dma_wait3A_524 = tpu.memref_slice %arg5[%add3A_270] : memref<8000xi32, #tpu.memory_space<vmem>> -> memref<40xi32, #tpu.memory_space<vmem>>
      %dma_wait3A_525 = arith.constant 0 : i32
      %dma_wait3A_526 = arith.constant 0 : i32
      %dma_wait3A_527 = tpu.memref_slice %arg3[%dma_wait3A_525, %dma_wait3A_526] : memref<100000x128xf32, #tpu.memory_space<hbm>> -> memref<100000x128xf32, #tpu.memory_space<hbm>>
      tpu.wait_indirect_dma semaphore(%arg15 : memref<!tpu.dma_semaphore, #tpu.memory_space<semaphore_mem>>) src(%dma_wait3A_527 : memref<100000x128xf32, #tpu.memory_space<hbm>>) dst(%dma_wait3A_523 : memref<40x128xf32, #tpu.memory_space<vmem>>)
      %scan3A_528 = arith.constant 0 : i32
      %scan3A_529 = arith.constant 0 : i32
      %scan3A_530 = arith.constant 40 : i32
      %scan3A_531 = arith.addi %scan3A_529, %scan3A_530 : i32
      %scan3A_532 = arith.constant 1 : i32
      %scan3A_533 = scf.for %scan3A_555 = %scan3A_529 to %scan3A_531 step %scan3A_532 iter_args(%scan3A_556 = %scan3A_528) -> (i32)  : i32 {
        %get3A = arith.constant 0 : i32
        %get3A_557 = arith.index_cast %get3A : i32 to index
        %get3A_558 = arith.index_cast %scan3A_555 : i32 to index
        %get3A_559 = arith.constant 0 : index
        %get3A_560 = tpu.vector_load %arg9[%get3A_557, %get3A_558, %get3A_559] {strides = array<i32>} : memref<5x40x128xf32, #tpu.memory_space<vmem>>, vector<1x1x16xf32>,
        %get3A_561 = vector.shape_cast %get3A_560 : vector<1x1x16xf32> to vector<16xf32>
        %get3A_562 = arith.constant 1 : i32
        %get3A_563 = arith.index_cast %get3A_562 : i32 to index
        %get3A_564 = arith.index_cast %scan3A_555 : i32 to index
        %get3A_565 = arith.constant 0 : index
        %get3A_566 = tpu.vector_load %arg9[%get3A_563, %get3A_564, %get3A_565] {strides = array<i32>} : memref<5x40x128xf32, #tpu.memory_space<vmem>>, vector<1x1x16xf32>,
        %get3A_567 = vector.shape_cast %get3A_566 : vector<1x1x16xf32> to vector<16xf32>
        %add3A_568 = arith.addf %get3A_561, %get3A_567 : vector<16xf32>
        %get3A_569 = arith.constant 2 : i32
        %get3A_570 = arith.index_cast %get3A_569 : i32 to index
        %get3A_571 = arith.index_cast %scan3A_555 : i32 to index
        %get3A_572 = arith.constant 0 : index
        %get3A_573 = tpu.vector_load %arg9[%get3A_570, %get3A_571, %get3A_572] {strides = array<i32>} : memref<5x40x128xf32, #tpu.memory_space<vmem>>, vector<1x1x16xf32>,
        %get3A_574 = vector.shape_cast %get3A_573 : vector<1x1x16xf32> to vector<16xf32>
        %add3A_575 = arith.addf %add3A_568, %get3A_574 : vector<16xf32>
        %get3A_576 = arith.constant 3 : i32
        %get3A_577 = arith.index_cast %get3A_576 : i32 to index
        %get3A_578 = arith.index_cast %scan3A_555 : i32 to index
        %get3A_579 = arith.constant 0 : index
        %get3A_580 = tpu.vector_load %arg9[%get3A_577, %get3A_578, %get3A_579] {strides = array<i32>} : memref<5x40x128xf32, #tpu.memory_space<vmem>>, vector<1x1x16xf32>,
        %get3A_581 = vector.shape_cast %get3A_580 : vector<1x1x16xf32> to vector<16xf32>
        %add3A_582 = arith.addf %add3A_575, %get3A_581 : vector<16xf32>
        %get3A_583 = arith.constant 4 : i32
        %get3A_584 = arith.index_cast %get3A_583 : i32 to index
        %get3A_585 = arith.index_cast %scan3A_555 : i32 to index
        %get3A_586 = arith.constant 0 : index
        %get3A_587 = tpu.vector_load %arg9[%get3A_584, %get3A_585, %get3A_586] {strides = array<i32>} : memref<5x40x128xf32, #tpu.memory_space<vmem>>, vector<1x1x16xf32>,
        %get3A_588 = vector.shape_cast %get3A_587 : vector<1x1x16xf32> to vector<16xf32>
        %add3A_589 = arith.addf %add3A_582, %get3A_588 : vector<16xf32>
        %swap3A = arith.index_cast %scan3A_555 : i32 to index
        %swap3A_590 = arith.constant 0 : index
        %swap3A_591 = tpu.vector_load %arg11[%swap3A, %swap3A_590] {strides = array<i32>} : memref<40x128xf32, #tpu.memory_space<vmem>>, vector<1x16xf32>,
        %swap3A_592 = vector.shape_cast %swap3A_591 : vector<1x16xf32> to vector<16xf32>
        %swap3A_593 = vector.shape_cast %add3A_589 : vector<16xf32> to vector<1x16xf32>
        tpu.vector_store %arg11[%swap3A, %swap3A_590], %swap3A_593 {strides = array<i32>} : memref<40x128xf32, #tpu.memory_space<vmem>>, vector<1x16xf32>,
        %get3A_594 = arith.constant 0 : i32
        %get3A_595 = arith.index_cast %get3A_594 : i32 to index
        %get3A_596 = arith.index_cast %scan3A_555 : i32 to index
        %get3A_597 = arith.constant 16 : index
        %get3A_598 = tpu.vector_load %arg9[%get3A_595, %get3A_596, %get3A_597] {strides = array<i32>} : memref<5x40x128xf32, #tpu.memory_space<vmem>>, vector<1x1x16xf32>,
        %get3A_599 = vector.shape_cast %get3A_598 : vector<1x1x16xf32> to vector<16xf32>
        %get3A_600 = arith.constant 1 : i32
        %get3A_601 = arith.index_cast %get3A_600 : i32 to index
        %get3A_602 = arith.index_cast %scan3A_555 : i32 to index
        %get3A_603 = arith.constant 16 : index
        %get3A_604 = tpu.vector_load %arg9[%get3A_601, %get3A_602, %get3A_603] {strides = array<i32>} : memref<5x40x128xf32, #tpu.memory_space<vmem>>, vector<1x1x16xf32>,
        %get3A_605 = vector.shape_cast %get3A_604 : vector<1x1x16xf32> to vector<16xf32>
        %add3A_606 = arith.addf %get3A_599, %get3A_605 : vector<16xf32>
        %get3A_607 = arith.constant 2 : i32
        %get3A_608 = arith.index_cast %get3A_607 : i32 to index
        %get3A_609 = arith.index_cast %scan3A_555 : i32 to index
        %get3A_610 = arith.constant 16 : index
        %get3A_611 = tpu.vector_load %arg9[%get3A_608, %get3A_609, %get3A_610] {strides = array<i32>} : memref<5x40x128xf32, #tpu.memory_space<vmem>>, vector<1x1x16xf32>,
        %get3A_612 = vector.shape_cast %get3A_611 : vector<1x1x16xf32> to vector<16xf32>
        %add3A_613 = arith.addf %add3A_606, %get3A_612 : vector<16xf32>
        %get3A_614 = arith.constant 3 : i32
        %get3A_615 = arith.index_cast %get3A_614 : i32 to index
        %get3A_616 = arith.index_cast %scan3A_555 : i32 to index
        %get3A_617 = arith.constant 16 : index
        %get3A_618 = tpu.vector_load %arg9[%get3A_615, %get3A_616, %get3A_617] {strides = array<i32>} : memref<5x40x128xf32, #tpu.memory_space<vmem>>, vector<1x1x16xf32>,
        %get3A_619 = vector.shape_cast %get3A_618 : vector<1x1x16xf32> to vector<16xf32>
        %add3A_620 = arith.addf %add3A_613, %get3A_619 : vector<16xf32>
        %get3A_621 = arith.constant 4 : i32
        %get3A_622 = arith.index_cast %get3A_621 : i32 to index
        %get3A_623 = arith.index_cast %scan3A_555 : i32 to index
        %get3A_624 = arith.constant 16 : index
        %get3A_625 = tpu.vector_load %arg9[%get3A_622, %get3A_623, %get3A_624] {strides = array<i32>} : memref<5x40x128xf32, #tpu.memory_space<vmem>>, vector<1x1x16xf32>,
        %get3A_626 = vector.shape_cast %get3A_625 : vector<1x1x16xf32> to vector<16xf32>
        %add3A_627 = arith.addf %add3A_620, %get3A_626 : vector<16xf32>
        %swap3A_628 = arith.index_cast %scan3A_555 : i32 to index
        %swap3A_629 = arith.constant 16 : index
        %swap3A_630 = tpu.vector_load %arg11[%swap3A_628, %swap3A_629] {strides = array<i32>} : memref<40x128xf32, #tpu.memory_space<vmem>>, vector<1x16xf32>,
        %swap3A_631 = vector.shape_cast %swap3A_630 : vector<1x16xf32> to vector<16xf32>
        %swap3A_632 = vector.shape_cast %add3A_627 : vector<16xf32> to vector<1x16xf32>
        tpu.vector_store %arg11[%swap3A_628, %swap3A_629], %swap3A_632 {strides = array<i32>} : memref<40x128xf32, #tpu.memory_space<vmem>>, vector<1x16xf32>,
        %get3A_633 = arith.constant 0 : i32
        %get3A_634 = arith.index_cast %get3A_633 : i32 to index
        %get3A_635 = arith.index_cast %scan3A_555 : i32 to index
        %get3A_636 = arith.constant 32 : index
        %get3A_637 = tpu.vector_load %arg9[%get3A_634, %get3A_635, %get3A_636] {strides = array<i32>} : memref<5x40x128xf32, #tpu.memory_space<vmem>>, vector<1x1x16xf32>,
        %get3A_638 = vector.shape_cast %get3A_637 : vector<1x1x16xf32> to vector<16xf32>
        %get3A_639 = arith.constant 1 : i32
        %get3A_640 = arith.index_cast %get3A_639 : i32 to index
        %get3A_641 = arith.index_cast %scan3A_555 : i32 to index
        %get3A_642 = arith.constant 32 : index
        %get3A_643 = tpu.vector_load %arg9[%get3A_640, %get3A_641, %get3A_642] {strides = array<i32>} : memref<5x40x128xf32, #tpu.memory_space<vmem>>, vector<1x1x16xf32>,
        %get3A_644 = vector.shape_cast %get3A_643 : vector<1x1x16xf32> to vector<16xf32>
        %add3A_645 = arith.addf %get3A_638, %get3A_644 : vector<16xf32>
        %get3A_646 = arith.constant 2 : i32
        %get3A_647 = arith.index_cast %get3A_646 : i32 to index
        %get3A_648 = arith.index_cast %scan3A_555 : i32 to index
        %get3A_649 = arith.constant 32 : index
        %get3A_650 = tpu.vector_load %arg9[%get3A_647, %get3A_648, %get3A_649] {strides = array<i32>} : memref<5x40x128xf32, #tpu.memory_space<vmem>>, vector<1x1x16xf32>,
        %get3A_651 = vector.shape_cast %get3A_650 : vector<1x1x16xf32> to vector<16xf32>
        %add3A_652 = arith.addf %add3A_645, %get3A_651 : vector<16xf32>
        %get3A_653 = arith.constant 3 : i32
        %get3A_654 = arith.index_cast %get3A_653 : i32 to index
        %get3A_655 = arith.index_cast %scan3A_555 : i32 to index
        %get3A_656 = arith.constant 32 : index
        %get3A_657 = tpu.vector_load %arg9[%get3A_654, %get3A_655, %get3A_656] {strides = array<i32>} : memref<5x40x128xf32, #tpu.memory_space<vmem>>, vector<1x1x16xf32>,
        %get3A_658 = vector.shape_cast %get3A_657 : vector<1x1x16xf32> to vector<16xf32>
        %add3A_659 = arith.addf %add3A_652, %get3A_658 : vector<16xf32>
        %get3A_660 = arith.constant 4 : i32
        %get3A_661 = arith.index_cast %get3A_660 : i32 to index
        %get3A_662 = arith.index_cast %scan3A_555 : i32 to index
        %get3A_663 = arith.constant 32 : index
        %get3A_664 = tpu.vector_load %arg9[%get3A_661, %get3A_662, %get3A_663] {strides = array<i32>} : memref<5x40x128xf32, #tpu.memory_space<vmem>>, vector<1x1x16xf32>,
        %get3A_665 = vector.shape_cast %get3A_664 : vector<1x1x16xf32> to vector<16xf32>
        %add3A_666 = arith.addf %add3A_659, %get3A_665 : vector<16xf32>
        %swap3A_667 = arith.index_cast %scan3A_555 : i32 to index
        %swap3A_668 = arith.constant 32 : index
        %swap3A_669 = tpu.vector_load %arg11[%swap3A_667, %swap3A_668] {strides = array<i32>} : memref<40x128xf32, #tpu.memory_space<vmem>>, vector<1x16xf32>,
        %swap3A_670 = vector.shape_cast %swap3A_669 : vector<1x16xf32> to vector<16xf32>
        %swap3A_671 = vector.shape_cast %add3A_666 : vector<16xf32> to vector<1x16xf32>
        tpu.vector_store %arg11[%swap3A_667, %swap3A_668], %swap3A_671 {strides = array<i32>} : memref<40x128xf32, #tpu.memory_space<vmem>>, vector<1x16xf32>,
        %get3A_672 = arith.constant 0 : i32
        %get3A_673 = arith.index_cast %get3A_672 : i32 to index
        %get3A_674 = arith.index_cast %scan3A_555 : i32 to index
        %get3A_675 = arith.constant 48 : index
        %get3A_676 = tpu.vector_load %arg9[%get3A_673, %get3A_674, %get3A_675] {strides = array<i32>} : memref<5x40x128xf32, #tpu.memory_space<vmem>>, vector<1x1x16xf32>,
        %get3A_677 = vector.shape_cast %get3A_676 : vector<1x1x16xf32> to vector<16xf32>
        %get3A_678 = arith.constant 1 : i32
        %get3A_679 = arith.index_cast %get3A_678 : i32 to index
        %get3A_680 = arith.index_cast %scan3A_555 : i32 to index
        %get3A_681 = arith.constant 48 : index
        %get3A_682 = tpu.vector_load %arg9[%get3A_679, %get3A_680, %get3A_681] {strides = array<i32>} : memref<5x40x128xf32, #tpu.memory_space<vmem>>, vector<1x1x16xf32>,
        %get3A_683 = vector.shape_cast %get3A_682 : vector<1x1x16xf32> to vector<16xf32>
        %add3A_684 = arith.addf %get3A_677, %get3A_683 : vector<16xf32>
        %get3A_685 = arith.constant 2 : i32
        %get3A_686 = arith.index_cast %get3A_685 : i32 to index
        %get3A_687 = arith.index_cast %scan3A_555 : i32 to index
        %get3A_688 = arith.constant 48 : index
        %get3A_689 = tpu.vector_load %arg9[%get3A_686, %get3A_687, %get3A_688] {strides = array<i32>} : memref<5x40x128xf32, #tpu.memory_space<vmem>>, vector<1x1x16xf32>,
        %get3A_690 = vector.shape_cast %get3A_689 : vector<1x1x16xf32> to vector<16xf32>
        %add3A_691 = arith.addf %add3A_684, %get3A_690 : vector<16xf32>
        %get3A_692 = arith.constant 3 : i32
        %get3A_693 = arith.index_cast %get3A_692 : i32 to index
        %get3A_694 = arith.index_cast %scan3A_555 : i32 to index
        %get3A_695 = arith.constant 48 : index
        %get3A_696 = tpu.vector_load %arg9[%get3A_693, %get3A_694, %get3A_695] {strides = array<i32>} : memref<5x40x128xf32, #tpu.memory_space<vmem>>, vector<1x1x16xf32>,
        %get3A_697 = vector.shape_cast %get3A_696 : vector<1x1x16xf32> to vector<16xf32>
        %add3A_698 = arith.addf %add3A_691, %get3A_697 : vector<16xf32>
        %get3A_699 = arith.constant 4 : i32
        %get3A_700 = arith.index_cast %get3A_699 : i32 to index
        %get3A_701 = arith.index_cast %scan3A_555 : i32 to index
        %get3A_702 = arith.constant 48 : index
        %get3A_703 = tpu.vector_load %arg9[%get3A_700, %get3A_701, %get3A_702] {strides = array<i32>} : memref<5x40x128xf32, #tpu.memory_space<vmem>>, vector<1x1x16xf32>,
        %get3A_704 = vector.shape_cast %get3A_703 : vector<1x1x16xf32> to vector<16xf32>
        %add3A_705 = arith.addf %add3A_698, %get3A_704 : vector<16xf32>
        %swap3A_706 = arith.index_cast %scan3A_555 : i32 to index
        %swap3A_707 = arith.constant 48 : index
        %swap3A_708 = tpu.vector_load %arg11[%swap3A_706, %swap3A_707] {strides = array<i32>} : memref<40x128xf32, #tpu.memory_space<vmem>>, vector<1x16xf32>,
        %swap3A_709 = vector.shape_cast %swap3A_708 : vector<1x16xf32> to vector<16xf32>
        %swap3A_710 = vector.shape_cast %add3A_705 : vector<16xf32> to vector<1x16xf32>
        tpu.vector_store %arg11[%swap3A_706, %swap3A_707], %swap3A_710 {strides = array<i32>} : memref<40x128xf32, #tpu.memory_space<vmem>>, vector<1x16xf32>,
        %get3A_711 = arith.constant 0 : i32
        %get3A_712 = arith.index_cast %get3A_711 : i32 to index
        %get3A_713 = arith.index_cast %scan3A_555 : i32 to index
        %get3A_714 = arith.constant 64 : index
        %get3A_715 = tpu.vector_load %arg9[%get3A_712, %get3A_713, %get3A_714] {strides = array<i32>} : memref<5x40x128xf32, #tpu.memory_space<vmem>>, vector<1x1x16xf32>,
        %get3A_716 = vector.shape_cast %get3A_715 : vector<1x1x16xf32> to vector<16xf32>
        %get3A_717 = arith.constant 1 : i32
        %get3A_718 = arith.index_cast %get3A_717 : i32 to index
        %get3A_719 = arith.index_cast %scan3A_555 : i32 to index
        %get3A_720 = arith.constant 64 : index
        %get3A_721 = tpu.vector_load %arg9[%get3A_718, %get3A_719, %get3A_720] {strides = array<i32>} : memref<5x40x128xf32, #tpu.memory_space<vmem>>, vector<1x1x16xf32>,
        %get3A_722 = vector.shape_cast %get3A_721 : vector<1x1x16xf32> to vector<16xf32>
        %add3A_723 = arith.addf %get3A_716, %get3A_722 : vector<16xf32>
        %get3A_724 = arith.constant 2 : i32
        %get3A_725 = arith.index_cast %get3A_724 : i32 to index
        %get3A_726 = arith.index_cast %scan3A_555 : i32 to index
        %get3A_727 = arith.constant 64 : index
        %get3A_728 = tpu.vector_load %arg9[%get3A_725, %get3A_726, %get3A_727] {strides = array<i32>} : memref<5x40x128xf32, #tpu.memory_space<vmem>>, vector<1x1x16xf32>,
        %get3A_729 = vector.shape_cast %get3A_728 : vector<1x1x16xf32> to vector<16xf32>
        %add3A_730 = arith.addf %add3A_723, %get3A_729 : vector<16xf32>
        %get3A_731 = arith.constant 3 : i32
        %get3A_732 = arith.index_cast %get3A_731 : i32 to index
        %get3A_733 = arith.index_cast %scan3A_555 : i32 to index
        %get3A_734 = arith.constant 64 : index
        %get3A_735 = tpu.vector_load %arg9[%get3A_732, %get3A_733, %get3A_734] {strides = array<i32>} : memref<5x40x128xf32, #tpu.memory_space<vmem>>, vector<1x1x16xf32>,
        %get3A_736 = vector.shape_cast %get3A_735 : vector<1x1x16xf32> to vector<16xf32>
        %add3A_737 = arith.addf %add3A_730, %get3A_736 : vector<16xf32>
        %get3A_738 = arith.constant 4 : i32
        %get3A_739 = arith.index_cast %get3A_738 : i32 to index
        %get3A_740 = arith.index_cast %scan3A_555 : i32 to index
        %get3A_741 = arith.constant 64 : index
        %get3A_742 = tpu.vector_load %arg9[%get3A_739, %get3A_740, %get3A_741] {strides = array<i32>} : memref<5x40x128xf32, #tpu.memory_space<vmem>>, vector<1x1x16xf32>,
        %get3A_743 = vector.shape_cast %get3A_742 : vector<1x1x16xf32> to vector<16xf32>
        %add3A_744 = arith.addf %add3A_737, %get3A_743 : vector<16xf32>
        %swap3A_745 = arith.index_cast %scan3A_555 : i32 to index
        %swap3A_746 = arith.constant 64 : index
        %swap3A_747 = tpu.vector_load %arg11[%swap3A_745, %swap3A_746] {strides = array<i32>} : memref<40x128xf32, #tpu.memory_space<vmem>>, vector<1x16xf32>,
        %swap3A_748 = vector.shape_cast %swap3A_747 : vector<1x16xf32> to vector<16xf32>
        %swap3A_749 = vector.shape_cast %add3A_744 : vector<16xf32> to vector<1x16xf32>
        tpu.vector_store %arg11[%swap3A_745, %swap3A_746], %swap3A_749 {strides = array<i32>} : memref<40x128xf32, #tpu.memory_space<vmem>>, vector<1x16xf32>,
        %get3A_750 = arith.constant 0 : i32
        %get3A_751 = arith.index_cast %get3A_750 : i32 to index
        %get3A_752 = arith.index_cast %scan3A_555 : i32 to index
        %get3A_753 = arith.constant 80 : index
        %get3A_754 = tpu.vector_load %arg9[%get3A_751, %get3A_752, %get3A_753] {strides = array<i32>} : memref<5x40x128xf32, #tpu.memory_space<vmem>>, vector<1x1x16xf32>,
        %get3A_755 = vector.shape_cast %get3A_754 : vector<1x1x16xf32> to vector<16xf32>
        %get3A_756 = arith.constant 1 : i32
        %get3A_757 = arith.index_cast %get3A_756 : i32 to index
        %get3A_758 = arith.index_cast %scan3A_555 : i32 to index
        %get3A_759 = arith.constant 80 : index
        %get3A_760 = tpu.vector_load %arg9[%get3A_757, %get3A_758, %get3A_759] {strides = array<i32>} : memref<5x40x128xf32, #tpu.memory_space<vmem>>, vector<1x1x16xf32>,
        %get3A_761 = vector.shape_cast %get3A_760 : vector<1x1x16xf32> to vector<16xf32>
        %add3A_762 = arith.addf %get3A_755, %get3A_761 : vector<16xf32>
        %get3A_763 = arith.constant 2 : i32
        %get3A_764 = arith.index_cast %get3A_763 : i32 to index
        %get3A_765 = arith.index_cast %scan3A_555 : i32 to index
        %get3A_766 = arith.constant 80 : index
        %get3A_767 = tpu.vector_load %arg9[%get3A_764, %get3A_765, %get3A_766] {strides = array<i32>} : memref<5x40x128xf32, #tpu.memory_space<vmem>>, vector<1x1x16xf32>,
        %get3A_768 = vector.shape_cast %get3A_767 : vector<1x1x16xf32> to vector<16xf32>
        %add3A_769 = arith.addf %add3A_762, %get3A_768 : vector<16xf32>
        %get3A_770 = arith.constant 3 : i32
        %get3A_771 = arith.index_cast %get3A_770 : i32 to index
        %get3A_772 = arith.index_cast %scan3A_555 : i32 to index
        %get3A_773 = arith.constant 80 : index
        %get3A_774 = tpu.vector_load %arg9[%get3A_771, %get3A_772, %get3A_773] {strides = array<i32>} : memref<5x40x128xf32, #tpu.memory_space<vmem>>, vector<1x1x16xf32>,
        %get3A_775 = vector.shape_cast %get3A_774 : vector<1x1x16xf32> to vector<16xf32>
        %add3A_776 = arith.addf %add3A_769, %get3A_775 : vector<16xf32>
        %get3A_777 = arith.constant 4 : i32
        %get3A_778 = arith.index_cast %get3A_777 : i32 to index
        %get3A_779 = arith.index_cast %scan3A_555 : i32 to index
        %get3A_780 = arith.constant 80 : index
        %get3A_781 = tpu.vector_load %arg9[%get3A_778, %get3A_779, %get3A_780] {strides = array<i32>} : memref<5x40x128xf32, #tpu.memory_space<vmem>>, vector<1x1x16xf32>,
        %get3A_782 = vector.shape_cast %get3A_781 : vector<1x1x16xf32> to vector<16xf32>
        %add3A_783 = arith.addf %add3A_776, %get3A_782 : vector<16xf32>
        %swap3A_784 = arith.index_cast %scan3A_555 : i32 to index
        %swap3A_785 = arith.constant 80 : index
        %swap3A_786 = tpu.vector_load %arg11[%swap3A_784, %swap3A_785] {strides = array<i32>} : memref<40x128xf32, #tpu.memory_space<vmem>>, vector<1x16xf32>,
        %swap3A_787 = vector.shape_cast %swap3A_786 : vector<1x16xf32> to vector<16xf32>
        %swap3A_788 = vector.shape_cast %add3A_783 : vector<16xf32> to vector<1x16xf32>
        tpu.vector_store %arg11[%swap3A_784, %swap3A_785], %swap3A_788 {strides = array<i32>} : memref<40x128xf32, #tpu.memory_space<vmem>>, vector<1x16xf32>,
        %get3A_789 = arith.constant 0 : i32
        %get3A_790 = arith.index_cast %get3A_789 : i32 to index
        %get3A_791 = arith.index_cast %scan3A_555 : i32 to index
        %get3A_792 = arith.constant 96 : index
        %get3A_793 = tpu.vector_load %arg9[%get3A_790, %get3A_791, %get3A_792] {strides = array<i32>} : memref<5x40x128xf32, #tpu.memory_space<vmem>>, vector<1x1x16xf32>,
        %get3A_794 = vector.shape_cast %get3A_793 : vector<1x1x16xf32> to vector<16xf32>
        %get3A_795 = arith.constant 1 : i32
        %get3A_796 = arith.index_cast %get3A_795 : i32 to index
        %get3A_797 = arith.index_cast %scan3A_555 : i32 to index
        %get3A_798 = arith.constant 96 : index
        %get3A_799 = tpu.vector_load %arg9[%get3A_796, %get3A_797, %get3A_798] {strides = array<i32>} : memref<5x40x128xf32, #tpu.memory_space<vmem>>, vector<1x1x16xf32>,
        %get3A_800 = vector.shape_cast %get3A_799 : vector<1x1x16xf32> to vector<16xf32>
        %add3A_801 = arith.addf %get3A_794, %get3A_800 : vector<16xf32>
        %get3A_802 = arith.constant 2 : i32
        %get3A_803 = arith.index_cast %get3A_802 : i32 to index
        %get3A_804 = arith.index_cast %scan3A_555 : i32 to index
        %get3A_805 = arith.constant 96 : index
        %get3A_806 = tpu.vector_load %arg9[%get3A_803, %get3A_804, %get3A_805] {strides = array<i32>} : memref<5x40x128xf32, #tpu.memory_space<vmem>>, vector<1x1x16xf32>,
        %get3A_807 = vector.shape_cast %get3A_806 : vector<1x1x16xf32> to vector<16xf32>
        %add3A_808 = arith.addf %add3A_801, %get3A_807 : vector<16xf32>
        %get3A_809 = arith.constant 3 : i32
        %get3A_810 = arith.index_cast %get3A_809 : i32 to index
        %get3A_811 = arith.index_cast %scan3A_555 : i32 to index
        %get3A_812 = arith.constant 96 : index
        %get3A_813 = tpu.vector_load %arg9[%get3A_810, %get3A_811, %get3A_812] {strides = array<i32>} : memref<5x40x128xf32, #tpu.memory_space<vmem>>, vector<1x1x16xf32>,
        %get3A_814 = vector.shape_cast %get3A_813 : vector<1x1x16xf32> to vector<16xf32>
        %add3A_815 = arith.addf %add3A_808, %get3A_814 : vector<16xf32>
        %get3A_816 = arith.constant 4 : i32
        %get3A_817 = arith.index_cast %get3A_816 : i32 to index
        %get3A_818 = arith.index_cast %scan3A_555 : i32 to index
        %get3A_819 = arith.constant 96 : index
        %get3A_820 = tpu.vector_load %arg9[%get3A_817, %get3A_818, %get3A_819] {strides = array<i32>} : memref<5x40x128xf32, #tpu.memory_space<vmem>>, vector<1x1x16xf32>,
        %get3A_821 = vector.shape_cast %get3A_820 : vector<1x1x16xf32> to vector<16xf32>
        %add3A_822 = arith.addf %add3A_815, %get3A_821 : vector<16xf32>
        %swap3A_823 = arith.index_cast %scan3A_555 : i32 to index
        %swap3A_824 = arith.constant 96 : index
        %swap3A_825 = tpu.vector_load %arg11[%swap3A_823, %swap3A_824] {strides = array<i32>} : memref<40x128xf32, #tpu.memory_space<vmem>>, vector<1x16xf32>,
        %swap3A_826 = vector.shape_cast %swap3A_825 : vector<1x16xf32> to vector<16xf32>
        %swap3A_827 = vector.shape_cast %add3A_822 : vector<16xf32> to vector<1x16xf32>
        tpu.vector_store %arg11[%swap3A_823, %swap3A_824], %swap3A_827 {strides = array<i32>} : memref<40x128xf32, #tpu.memory_space<vmem>>, vector<1x16xf32>,
        %get3A_828 = arith.constant 0 : i32
        %get3A_829 = arith.index_cast %get3A_828 : i32 to index
        %get3A_830 = arith.index_cast %scan3A_555 : i32 to index
        %get3A_831 = arith.constant 112 : index
        %get3A_832 = tpu.vector_load %arg9[%get3A_829, %get3A_830, %get3A_831] {strides = array<i32>} : memref<5x40x128xf32, #tpu.memory_space<vmem>>, vector<1x1x16xf32>,
        %get3A_833 = vector.shape_cast %get3A_832 : vector<1x1x16xf32> to vector<16xf32>
        %get3A_834 = arith.constant 1 : i32
        %get3A_835 = arith.index_cast %get3A_834 : i32 to index
        %get3A_836 = arith.index_cast %scan3A_555 : i32 to index
        %get3A_837 = arith.constant 112 : index
        %get3A_838 = tpu.vector_load %arg9[%get3A_835, %get3A_836, %get3A_837] {strides = array<i32>} : memref<5x40x128xf32, #tpu.memory_space<vmem>>, vector<1x1x16xf32>,
        %get3A_839 = vector.shape_cast %get3A_838 : vector<1x1x16xf32> to vector<16xf32>
        %add3A_840 = arith.addf %get3A_833, %get3A_839 : vector<16xf32>
        %get3A_841 = arith.constant 2 : i32
        %get3A_842 = arith.index_cast %get3A_841 : i32 to index
        %get3A_843 = arith.index_cast %scan3A_555 : i32 to index
        %get3A_844 = arith.constant 112 : index
        %get3A_845 = tpu.vector_load %arg9[%get3A_842, %get3A_843, %get3A_844] {strides = array<i32>} : memref<5x40x128xf32, #tpu.memory_space<vmem>>, vector<1x1x16xf32>,
        %get3A_846 = vector.shape_cast %get3A_845 : vector<1x1x16xf32> to vector<16xf32>
        %add3A_847 = arith.addf %add3A_840, %get3A_846 : vector<16xf32>
        %get3A_848 = arith.constant 3 : i32
        %get3A_849 = arith.index_cast %get3A_848 : i32 to index
        %get3A_850 = arith.index_cast %scan3A_555 : i32 to index
        %get3A_851 = arith.constant 112 : index
        %get3A_852 = tpu.vector_load %arg9[%get3A_849, %get3A_850, %get3A_851] {strides = array<i32>} : memref<5x40x128xf32, #tpu.memory_space<vmem>>, vector<1x1x16xf32>,
        %get3A_853 = vector.shape_cast %get3A_852 : vector<1x1x16xf32> to vector<16xf32>
        %add3A_854 = arith.addf %add3A_847, %get3A_853 : vector<16xf32>
        %get3A_855 = arith.constant 4 : i32
        %get3A_856 = arith.index_cast %get3A_855 : i32 to index
        %get3A_857 = arith.index_cast %scan3A_555 : i32 to index
        %get3A_858 = arith.constant 112 : index
        %get3A_859 = tpu.vector_load %arg9[%get3A_856, %get3A_857, %get3A_858] {strides = array<i32>} : memref<5x40x128xf32, #tpu.memory_space<vmem>>, vector<1x1x16xf32>,
        %get3A_860 = vector.shape_cast %get3A_859 : vector<1x1x16xf32> to vector<16xf32>
        %add3A_861 = arith.addf %add3A_854, %get3A_860 : vector<16xf32>
        %swap3A_862 = arith.index_cast %scan3A_555 : i32 to index
        %swap3A_863 = arith.constant 112 : index
        %swap3A_864 = tpu.vector_load %arg11[%swap3A_862, %swap3A_863] {strides = array<i32>} : memref<40x128xf32, #tpu.memory_space<vmem>>, vector<1x16xf32>,
        %swap3A_865 = vector.shape_cast %swap3A_864 : vector<1x16xf32> to vector<16xf32>
        %swap3A_866 = vector.shape_cast %add3A_861 : vector<16xf32> to vector<1x16xf32>
        tpu.vector_store %arg11[%swap3A_862, %swap3A_863], %swap3A_866 {strides = array<i32>} : memref<40x128xf32, #tpu.memory_space<vmem>>, vector<1x16xf32>,
        %scan3A_867 = arith.constant 0 : i32
        scf.yield %scan3A_867 : i32
      }
      %scan3A_534 = arith.constant 40 : i32
      %mul3A_535 = arith.constant 40 : i32
      %mul3A_536 = arith.muli %add3A, %mul3A_535 : i32
      %add3A_537 = arith.addi %mul3A_536, %add3A_482 : i32
      %min3A_538 = arith.constant 1279 : i32
      %min3A_539 = arith.minsi %add3A_537, %min3A_538 : i32
      %mul3A_540 = arith.constant 40 : i32
      %mul3A_541 = arith.muli %min3A_539, %mul3A_540 : i32
      %dma_start3A_542 = arith.constant 0 : i32
      %dma_start3A_543 = tpu.memref_slice %arg4[%mul3A_541, %dma_start3A_542] : memref<51200x128xf32, #tpu.memory_space<hbm>> -> memref<40x128xf32, #tpu.memory_space<hbm>>
      %dma_start3A_544 = arith.constant 0 : i32
      %dma_start3A_545 = tpu.memref_slice %arg4[%mul3A_541, %dma_start3A_544] : memref<51200x128xf32, #tpu.memory_space<hbm>> -> memref<40x128xf32, #tpu.memory_space<hbm>>
      tpu.enqueue_dma source(%arg11 : memref<40x128xf32, #tpu.memory_space<vmem>>) target(%dma_start3A_545 : memref<40x128xf32, #tpu.memory_space<hbm>>) target_semaphore(%arg17 : memref<!tpu.dma_semaphore, #tpu.memory_space<semaphore_mem>>)
      %dma_wait3A_546 = arith.constant 0 : i32
      %dma_wait3A_547 = tpu.memref_slice %arg4[%mul3A_472, %dma_wait3A_546] : memref<51200x128xf32, #tpu.memory_space<hbm>> -> memref<40x128xf32, #tpu.memory_space<hbm>>
      %dma_wait3A_548 = arith.constant 0 : i32
      %dma_wait3A_549 = tpu.memref_slice %arg4[%mul3A_472, %dma_wait3A_548] : memref<51200x128xf32, #tpu.memory_space<hbm>> -> memref<40x128xf32, #tpu.memory_space<hbm>>
      tpu.wait_dma2 semaphore(%arg16 : memref<!tpu.dma_semaphore, #tpu.memory_space<semaphore_mem>>) src(%arg10 : memref<40x128xf32, #tpu.memory_space<vmem>>) dst(%dma_wait3A_549 : memref<40x128xf32, #tpu.memory_space<hbm>>)
      %dma_wait3A_550 = arith.constant 0 : i32
      %dma_wait3A_551 = tpu.memref_slice %arg4[%mul3A_541, %dma_wait3A_550] : memref<51200x128xf32, #tpu.memory_space<hbm>> -> memref<40x128xf32, #tpu.memory_space<hbm>>
      %dma_wait3A_552 = arith.constant 0 : i32
      %dma_wait3A_553 = tpu.memref_slice %arg4[%mul3A_541, %dma_wait3A_552] : memref<51200x128xf32, #tpu.memory_space<hbm>> -> memref<40x128xf32, #tpu.memory_space<hbm>>
      tpu.wait_dma2 semaphore(%arg17 : memref<!tpu.dma_semaphore, #tpu.memory_space<semaphore_mem>>) src(%arg11 : memref<40x128xf32, #tpu.memory_space<vmem>>) dst(%dma_wait3A_553 : memref<40x128xf32, #tpu.memory_space<hbm>>)
      %scan3A_554 = arith.constant 0 : i32
      scf.yield %scan3A_554 : i32
    }
    %scan3A_8 = arith.constant 10 : i32
    return
  }
}

module attributes {stable_mosaic.version = 14 : i64} {
  func.func @_mm_body(%arg0: i32, %arg1: memref<2048x128xf32, #tpu.memory_space<vmem>>, %arg2: memref<2048x128xf32, #tpu.memory_space<vmem>>, %arg3: memref<128x128xf32, #tpu.memory_space<vmem>>, %arg4: memref<128x128xf32, #tpu.memory_space<vmem>>, %arg5: memref<128x2048xf32, #tpu.memory_space<vmem>>) attributes {dimension_semantics = [#tpu.dimension_semantics<arbitrary>], iteration_bounds = array<i64: 25>, scalar_prefetch = 0 : i64, scratch_operands = 0 : i64, tpu.core_type = #tpu.core_type<tc>, window_params = [{transform_indices = @transform_0, window_bounds = array<i64: 2048, 128>}, {transform_indices = @transform_1, window_bounds = array<i64: 2048, 128>}, {pipeline_mode = #tpu.pipeline_mode<synchronous>, transform_indices = @transform_2, window_bounds = array<i64: 128, 128>}, {pipeline_mode = #tpu.pipeline_mode<synchronous>, transform_indices = @transform_3, window_bounds = array<i64: 128, 128>}, {transform_indices = @transform_4, window_bounds = array<i64: 128, 2048>}]} {
    %get3A = arith.constant 0 : index
    %get3A_0 = arith.constant 0 : index
    %get3A_1 = vector.load %arg3[%get3A, %get3A_0] : memref<128x128xf32, #tpu.memory_space<vmem>>, vector<128x128xf32>
    %get3A_2 = arith.constant 0 : index
    %get3A_3 = arith.constant 0 : index
    %get3A_4 = vector.load %arg1[%get3A_2, %get3A_3] : memref<2048x128xf32, #tpu.memory_space<vmem>>, vector<2048x128xf32>
    %dot_general3A = arith.constant dense<0.000000e+00> : vector<128x2048xf32>
    %dot_general3A_5 = tpu.matmul %get3A_1, %get3A_4, %dot_general3A {dimension_numbers = #tpu.dot_dimension_numbers<[1], [1], [0], [0], [0, 0, 1, 0], [], []>, transpose_lhs_hint = false} : vector<128x128xf32>, vector<2048x128xf32>, vector<128x2048xf32> -> vector<128x2048xf32>
    %get3A_6 = arith.constant 0 : index
    %get3A_7 = arith.constant 0 : index
    %get3A_8 = vector.load %arg4[%get3A_6, %get3A_7] : memref<128x128xf32, #tpu.memory_space<vmem>>, vector<128x128xf32>
    %get3A_9 = arith.constant 0 : index
    %get3A_10 = arith.constant 0 : index
    %get3A_11 = vector.load %arg2[%get3A_9, %get3A_10] : memref<2048x128xf32, #tpu.memory_space<vmem>>, vector<2048x128xf32>
    %dot_general3A_12 = arith.constant dense<0.000000e+00> : vector<128x2048xf32>
    %dot_general3A_13 = tpu.matmul %get3A_8, %get3A_11, %dot_general3A_12 {dimension_numbers = #tpu.dot_dimension_numbers<[1], [1], [0], [0], [0, 0, 1, 0], [], []>, transpose_lhs_hint = false} : vector<128x128xf32>, vector<2048x128xf32>, vector<128x2048xf32> -> vector<128x2048xf32>
    %add3A = arith.addf %dot_general3A_5, %dot_general3A_13 : vector<128x2048xf32>
    %max3A = arith.constant 0.000000e+00 : f32
    %max3A_14 = vector.broadcast %max3A : f32 to vector<128x2048xf32>
    %max3A_15 = arith.maximumf %add3A, %max3A_14 : vector<128x2048xf32>
    %swap3A = arith.constant 0 : index
    %swap3A_16 = arith.constant 0 : index
    %swap3A_17 = vector.load %arg5[%swap3A, %swap3A_16] : memref<128x2048xf32, #tpu.memory_space<vmem>>, vector<128x2048xf32>
    tpu.vector_store %arg5[%swap3A, %swap3A_16], %max3A_15 {strides = array<i32>} : memref<128x2048xf32, #tpu.memory_space<vmem>>, vector<128x2048xf32>,
    return
  }
  func.func @transform_0(%arg0: i32) -> (i32, i32) {
    %c0_i32 = arith.constant 0 : i32
    %c0_i32_0 = arith.constant 0 : i32
    return %arg0, %c0_i32 : i32, i32
  }
  func.func @transform_1(%arg0: i32) -> (i32, i32) {
    %c0_i32 = arith.constant 0 : i32
    %c0_i32_0 = arith.constant 0 : i32
    return %arg0, %c0_i32 : i32, i32
  }
  func.func @transform_2(%arg0: i32) -> (i32, i32) {
    %c0_i32 = arith.constant 0 : i32
    %c0_i32_0 = arith.constant 0 : i32
    %c0_i32_1 = arith.constant 0 : i32
    return %c0_i32, %c0_i32_0 : i32, i32
  }
  func.func @transform_3(%arg0: i32) -> (i32, i32) {
    %c0_i32 = arith.constant 0 : i32
    %c0_i32_0 = arith.constant 0 : i32
    %c0_i32_1 = arith.constant 0 : i32
    return %c0_i32, %c0_i32_0 : i32, i32
  }
  func.func @transform_4(%arg0: i32) -> (i32, i32) {
    %c0_i32 = arith.constant 0 : i32
    %c0_i32_0 = arith.constant 0 : i32
    return %c0_i32, %arg0 : i32, i32
  }
}

module attributes {stable_mosaic.version = 14 : i64} {
  func.func @_mm_body2(%arg0: i32, %arg1: memref<128x100000xf32, #tpu.memory_space<any>>, %arg2: memref<2048x128xf32, #tpu.memory_space<vmem>>, %arg3: memref<2048x128xf32, #tpu.memory_space<vmem>>, %arg4: memref<128x128xf32, #tpu.memory_space<vmem>>, %arg5: memref<128x128xf32, #tpu.memory_space<vmem>>, %arg6: memref<128x2048xf32, #tpu.memory_space<vmem>>) attributes {dimension_semantics = [#tpu.dimension_semantics<arbitrary>], iteration_bounds = array<i64: 24>, scalar_prefetch = 0 : i64, scratch_operands = 0 : i64, tpu.core_type = #tpu.core_type<tc>, window_params = [{}, {transform_indices = @transform_1, window_bounds = array<i64: 2048, 128>}, {transform_indices = @transform_2, window_bounds = array<i64: 2048, 128>}, {pipeline_mode = #tpu.pipeline_mode<synchronous>, transform_indices = @transform_3, window_bounds = array<i64: 128, 128>}, {pipeline_mode = #tpu.pipeline_mode<synchronous>, transform_indices = @transform_4, window_bounds = array<i64: 128, 128>}, {transform_indices = @transform_5, window_bounds = array<i64: 128, 2048>}]} {
    %get3A = arith.constant 0 : index
    %get3A_0 = arith.constant 0 : index
    %get3A_1 = vector.load %arg4[%get3A, %get3A_0] : memref<128x128xf32, #tpu.memory_space<vmem>>, vector<128x128xf32>
    %get3A_2 = arith.constant 0 : index
    %get3A_3 = arith.constant 0 : index
    %get3A_4 = vector.load %arg2[%get3A_2, %get3A_3] : memref<2048x128xf32, #tpu.memory_space<vmem>>, vector<2048x128xf32>
    %dot_general3A = arith.constant dense<0.000000e+00> : vector<128x2048xf32>
    %dot_general3A_5 = tpu.matmul %get3A_1, %get3A_4, %dot_general3A {dimension_numbers = #tpu.dot_dimension_numbers<[1], [1], [0], [0], [0, 0, 1, 0], [], []>, transpose_lhs_hint = false} : vector<128x128xf32>, vector<2048x128xf32>, vector<128x2048xf32> -> vector<128x2048xf32>
    %get3A_6 = arith.constant 0 : index
    %get3A_7 = arith.constant 0 : index
    %get3A_8 = vector.load %arg5[%get3A_6, %get3A_7] : memref<128x128xf32, #tpu.memory_space<vmem>>, vector<128x128xf32>
    %get3A_9 = arith.constant 0 : index
    %get3A_10 = arith.constant 0 : index
    %get3A_11 = vector.load %arg3[%get3A_9, %get3A_10] : memref<2048x128xf32, #tpu.memory_space<vmem>>, vector<2048x128xf32>
    %dot_general3A_12 = arith.constant dense<0.000000e+00> : vector<128x2048xf32>
    %dot_general3A_13 = tpu.matmul %get3A_8, %get3A_11, %dot_general3A_12 {dimension_numbers = #tpu.dot_dimension_numbers<[1], [1], [0], [0], [0, 0, 1, 0], [], []>, transpose_lhs_hint = false} : vector<128x128xf32>, vector<2048x128xf32>, vector<128x2048xf32> -> vector<128x2048xf32>
    %add3A = arith.addf %dot_general3A_5, %dot_general3A_13 : vector<128x2048xf32>
    %max3A = arith.constant 0.000000e+00 : f32
    %max3A_14 = vector.broadcast %max3A : f32 to vector<128x2048xf32>
    %max3A_15 = arith.maximumf %add3A, %max3A_14 : vector<128x2048xf32>
    %swap3A = arith.constant 0 : index
    %swap3A_16 = arith.constant 0 : index
    %swap3A_17 = vector.load %arg6[%swap3A, %swap3A_16] : memref<128x2048xf32, #tpu.memory_space<vmem>>, vector<128x2048xf32>
    tpu.vector_store %arg6[%swap3A, %swap3A_16], %max3A_15 {strides = array<i32>} : memref<128x2048xf32, #tpu.memory_space<vmem>>, vector<128x2048xf32>,
    return
  }
  func.func @transform_1(%arg0: i32) -> (i32, i32) {
    %add3A = arith.constant 25 : i32
    %add3A_0 = arith.addi %arg0, %add3A : i32
    %c0_i32 = arith.constant 0 : i32
    %c0_i32_1 = arith.constant 0 : i32
    return %add3A_0, %c0_i32 : i32, i32
  }
  func.func @transform_2(%arg0: i32) -> (i32, i32) {
    %c0_i32 = arith.constant 0 : i32
    %c0_i32_0 = arith.constant 0 : i32
    return %arg0, %c0_i32 : i32, i32
  }
  func.func @transform_3(%arg0: i32) -> (i32, i32) {
    %c0_i32 = arith.constant 0 : i32
    %c0_i32_0 = arith.constant 0 : i32
    %c0_i32_1 = arith.constant 0 : i32
    return %c0_i32, %c0_i32_0 : i32, i32
  }
  func.func @transform_4(%arg0: i32) -> (i32, i32) {
    %c0_i32 = arith.constant 0 : i32
    %c0_i32_0 = arith.constant 0 : i32
    %c0_i32_1 = arith.constant 0 : i32
    return %c0_i32, %c0_i32_0 : i32, i32
  }
  func.func @transform_5(%arg0: i32) -> (i32, i32) {
    %add3A = arith.constant 25 : i32
    %add3A_0 = arith.addi %arg0, %add3A : i32
    %c0_i32 = arith.constant 0 : i32
    %c0_i32_1 = arith.constant 0 : i32
    return %c0_i32, %add3A_0 : i32, i32
  }
}

</mosaic_0001>

<sc_bundles>
// kernel: kernel.6.cloned.1.call-start
scs
__scs_entry_jumppad:
0x0: {  	(pc) =	sbr.rel $0x88, $3  }
0x1: {  	(tag) =	ssettag $0x0;
	lr =	simm.s32 $0x1  }
0x2: {  	[smem:$0x3F9E] =	sst lr;
	_ =	strace $0xD0000000  }
0x3: {  	_ = 	snop  }
0x4: {  	_ = 	snop  }
0x5: {  	_ = 	snop  }
0x6: {  	_ = 	snop  }
0x7: {  	_ = 	snop  }
__scs_overlays_trampoline_lowered:
0x8: {  	[smem:$0x3FAD] =	sst s0  }
0x9: {  	[smem:$0x3FAE] =	sst s1  }
0xa: {  	[smem:$0x3FAF] =	sst s2  }
0xb: {  	[smem:$0x3FB0] =	sst s3  }
0xc: {  	[smem:$0x3FB1] =	sst s4  }
0xd: {  	[smem:$0x3FB2] =	sst s5  }
0xe: {  	[smem:$0x3FB3] =	sst s6  }
0xf: {  	[smem:$0x3FB4] =	sst s7  }
0x10: {  	[smem:$0x3FB5] =	sst s8  }
0x11: {  	[smem:$0x3FB6] =	sst s9;
	s0 =	simm.s32 @!p0 $0x0  }
0x12: {  	s1 =	sld [smem:$0x3F9C];
	s0 =	simm.s32 @p0 $0x1  }
0x13: {  	[smem:$0x3FB7] =	sst s0;
	s0 =	simm.s32 @!p1 $0x0  }
0x14: {  	s2 =	sld [smem:$0x3F9B];
	s0 =	simm.s32 @p1 $0x1  }
0x15: {  	[smem:$0x3FB8] =	sst s0;
	s0 =	simm.s32 @!p2 $0x0  }
0x16: {  	s3 =	sld [smem:$0x3FDB];
	s0 =	simm.s32 @p2 $0x1  }
0x17: {  	s4 =	simm.s32 $0x1BF5;
	[smem:$0x3FBA] =	sst s0  }
0x18: {  	s0 =	sld [smem:$0x3F9D];
	_ =	swait.ge [sflag:s4], $0x0  }
0x19: {  	s7 =	sld [smem:$0x3F9E]  }
0x1a: {  	s8 =	sadd.s32 $0xFFFFE003, lr  }
0x1b: {  	s9 =	sadd.s32 $0xFFFFFEF7, lr;
	s5 =	simm.s32 $0xFFFFFFFF;
	p2 =	slt.u32 s8, $0xFFFFF086  }
0x1c: {  	p1 =	slt.u32 s9, $0xF7A;
	s5 =	simm.s32 @!p2 $0x0  }
0x1d: {  	s5 =	simm.s32 @p1 $0x1;
	p0 =	seq.s32 s7, s2  }
0x1e: {  	s7 =	smul.u32 @!p0 $0xF7A, s2;
	p2 =	seq.s32 @!p0 s5, $0x0  }
0x1f: {  	s9 =	smul.u32 $0xF7A, s1;
	s8 =	simm.s32 @!p0 $0x1BF5;
	p2 =	por !p2, p0  }
0x20: {  	[sflag:s8] =	ssyncset.s32 @!p0 $0xFFFFF086;
	s6 =	sadd.s32 @!p0 s3, s7;
	s7 =	simm.s32 @!p0 $0x108  }
0x21: {  	s3 =	sadd.s32 s3, s9;
	s6 =	sadd.s32 @!p0 $0x88, s6;
	s7 =	simm.s32 @p2 $0x1082  }
0x22: {  	[simem:s7], [sflag:s8] =	dma.local @!p0 [hbm:s6], $0xF7A  }
0x23: {  	s9 =	sor.u32 $0xD0000000, s2;
	s6 =	simm.s32 $0x108;
	_ =	swait.ge @!p0 [sflag:s8], $0x0  }
0x24: {  	s3 =	sadd.s32 $0x88, s3;
	s6 =	simm.s32 @!p1 $0x1082;
	[sflag:s4] =	ssyncset.s32 $0xFFFFF086  }
0x25: {  	[simem:s6], [sflag:s4] =	dma.local [hbm:s3], $0xF7A  }
0x26: {  	[smem:$0x3F9E] =	sst s1;
	(tag) =	ssettag s2;
	_ =	strace s9  }
0x27: {  	s1 =	sld [smem:$0x3FAE]  }
0x28: {  	s2 =	sld [smem:$0x3FAF]  }
0x29: {  	s4 =	sld [smem:$0x3FB1]  }
0x2a: {  	p0 =	seq.s32 s5, $0x0;
	s5 =	sld [smem:$0x3FB2]  }
0x2b: {  	s6 =	sld [smem:$0x3FB3]  }
0x2c: {  	s7 =	sld [smem:$0x3FB4]  }
0x2d: {  	s3 =	simm.s32 $0x108;
	s8 =	sld [smem:$0x3FB5]  }
0x2e: {  	s3 =	simm.s32 @!p0 $0x1082;
	s9 =	sld [smem:$0x3FB6]  }
0x2f: {  	lr =	sadd.s32 s0, s3;
	s0 =	sld [smem:$0x3FAD]  }
0x30: {  	s3 =	sld [smem:$0x3FB0]  }
0x31: {  	[smem:$0x3FB9] =	sst s10  }
0x32: {  	s10 =	sld [smem:$0x3FB7];
	_ =	sdelay $0x3  }
0x33: {  	p0 =	seq.s32 s10, $0x1;
	s10 =	sld [smem:$0x3FB9];
	_ =	sdelay $0x3  }
0x34: {  	[smem:$0x3FB9] =	sst s10  }
0x35: {  	s10 =	sld [smem:$0x3FB8];
	_ =	sdelay $0x3  }
0x36: {  	p1 =	seq.s32 s10, $0x1;
	s10 =	sld [smem:$0x3FB9];
	_ =	sdelay $0x3  }
0x37: {  	[smem:$0x3FB9] =	sst s10  }
0x38: {  	s10 =	sld [smem:$0x3FBA]  }
0x39: {  	_ = 	snop;
	(pc) =	sbr.ind lr, $3  }
0x3a: {  	_ = 	snop  }
0x3b: {  	_ = 	snop  }
0x3c: {  	p2 =	seq.s32 s10, $0x1;
	s10 =	sld [smem:$0x3FB9]  }
0x3d: {  	_ =	shalt  }
0x3e: {  	_ =	shalt  }
0x3f: {  	_ =	shalt  }
0x40: {  	_ =	shalt  }
0x41: {  	_ =	shalt  }
0x42: {  	_ =	shalt  }
0x43: {  	_ =	shalt  }
0x44: {  	_ =	shalt  }
0x45: {  	_ =	shalt  }
0x46: {  	_ =	shalt  }
0x47: {  	_ =	shalt  }
0x48: {  	_ =	shalt  }
0x49: {  	_ =	shalt  }
0x4a: {  	_ =	shalt  }
0x4b: {  	_ =	shalt  }
0x4c: {  	_ =	shalt  }
0x4d: {  	_ =	shalt  }
0x4e: {  	_ =	shalt  }
0x4f: {  	_ =	shalt  }
0x50: {  	_ =	shalt  }
0x51: {  	_ =	shalt  }
0x52: {  	_ =	shalt  }
0x53: {  	_ =	shalt  }
0x54: {  	_ =	shalt  }
0x55: {  	_ =	shalt  }
0x56: {  	_ =	shalt  }
0x57: {  	_ =	shalt  }
0x58: {  	_ =	shalt  }
0x59: {  	_ =	shalt  }
0x5a: {  	_ =	shalt  }
0x5b: {  	_ =	shalt  }
0x5c: {  	_ =	shalt  }
0x5d: {  	_ =	shalt  }
0x5e: {  	_ =	shalt  }
0x5f: {  	_ =	shalt  }
0x60: {  	_ =	shalt  }
0x61: {  	_ =	shalt  }
0x62: {  	_ =	shalt  }
0x63: {  	_ =	shalt  }
0x64: {  	_ =	shalt  }
0x65: {  	_ =	shalt  }
0x66: {  	_ =	shalt  }
0x67: {  	_ =	shalt  }
0x68: {  	_ =	shalt  }
0x69: {  	_ =	shalt  }
0x6a: {  	_ =	shalt  }
0x6b: {  	_ =	shalt  }
0x6c: {  	_ =	shalt  }
0x6d: {  	_ =	shalt  }
0x6e: {  	_ =	shalt  }
0x6f: {  	_ =	shalt  }
0x70: {  	_ =	shalt  }
0x71: {  	_ =	shalt  }
0x72: {  	_ =	shalt  }
0x73: {  	_ =	shalt  }
0x74: {  	_ =	shalt  }
0x75: {  	_ =	shalt  }
0x76: {  	_ =	shalt  }
0x77: {  	_ =	shalt  }
0x78: {  	_ =	shalt  }
0x79: {  	_ =	shalt  }
0x7a: {  	_ =	shalt  }
0x7b: {  	_ =	shalt  }
0x7c: {  	_ =	shalt  }
0x7d: {  	_ =	shalt  }
0x7e: {  	_ =	shalt  }
0x7f: {  	_ =	shalt  }
0x80: {  	_ =	shalt  }
0x81: {  	_ =	shalt  }
0x82: {  	_ =	shalt  }
0x83: {  	_ =	shalt  }
0x84: {  	_ =	shalt  }
0x85: {  	_ =	shalt  }
0x86: {  	_ =	shalt  }
0x87: {  	_ =	shalt  }
.Lfunc_end0:
.L_simem_size_0:
called_computation_lowered:
.L_overlay_start_0:
0x88: {  	s2 =	sld [smem:$0x3FD9]  }
0x89: {  	s3 =	sld [smem:$0x3FFE];
	_ =	sdelay $0x1  }
0x8a: {  	s1 =	srdreg.scid  }
0x8b: {  	s0 =	sand.u32 $0x1, s1  }
0x8c: {  	s17 =	sshll.u32 s0, $0xA;
	s2 =	sadd.s32 s3, s2  }
0x8d: {  	s2 =	sadd.s32 s2, s17  }
0x8e: {  	[smem:$0x3FC5] =	sst s2  }
0x8f: {  	_ = 	snop  }
0x90: {  	s2 =	sld [smem:$0x3FC9]  }
0x91: {  	s18 =	sld [smem:$0x3FD0];
	(tm) =	ssettm $0x1  }
0x92: {  	s4 =	sld [smem:$0x3FFB];
	_ =	sdelay $0x3  }
0x93: {  	_ =	strace s4  }
0x94: {  	s4 =	sld [smem:$0x3FFC];
	_ =	sdelay $0x3  }
0x95: {  	_ =	strace s4  }
0x96: {  	s4 =	sld [smem:$0x3FFD];
	_ =	sdelay $0x3  }
0x97: {  	_ =	strace s4  }
0x98: {  	_ =	strace $0x8FFFFFFF  }
0x99: {  	s19 =	sld [smem:$0x3FDB];
	_ =	sdelay $0x1  }
0x9a: {  	s5 =	simm.s32 $_scs_section_size  }
0x9b: {  	s6 =	simm.s32 $_size__tile_overlayer_lowered;
	s7 =	simm.s32 $_tile_overlayer_lowered  }
0x9c: {  	s22 =	simm.s32 $0x1BFF;
	s21 =	sshll.u32 s7, $0x1;
	s4 =	sadd.s32 s5, s19  }
0x9d: {  	s8 =	simm.s32 $0x0;
	s20 =	sshll.u32 s6, $0x1;
	s6 =	sadd.s32 s21, s4  }
0x9e: {  	[timem:s8], [sflag:s22] =	dma.local [hbm:s6], s20  }
0x9f: {  	_ =	swait.ge [sflag:s22], s20  }
0xa0: {  	s5 =	ssub.s32 $0x0, s20;
	[sflag:s22] =	ssyncset.done $0x0  }
0xa1: {  	[sflag:s22] =	ssyncadd.s32 s5;
	_ =	sdelay $0x1  }
0xa2: {  	s23 =	simm.s32 $0x1B8B  }
0xa3: {  	_ =	swait.ge [sflag:s23], $0x1  }
0xa4: {  	[sflag:s23] =	ssyncset.done $0x0  }
0xa5: {  	s25 =	simm.s32 $0x1B8E;
	s24 =	sld [smem:$0x3FFE];
	[sflag:s23] =	ssyncadd.s32 $0xFFFFFFFF  }
0xa6: {  	s26 =	simm.s32 $execute0_lowered;
	[smem:$0x3FD2] =	sst s25  }
0xa7: {  	s6 =	sshll.u32 s26, $0x1;
	_ =	strace $0x80000046;
	[dreg:$0x1] =	wrdreg $0xFFFFFFFF  }
0xa8: {  	s28 =	simm.s32 $_size_execute0_lowered;
	s4 =	sadd.s32 s4, s6;
	[dreg:$0x0] =	wrdreg $0x0  }
0xa9: {  	s6 =	sshll.u32 s28, $0x1;
	[dreg:$0x2] =	wrdreg s4  }
0xaa: {  	[dreg:$0x3] =	wrdreg s6  }
0xab: {  	[dreg:$0x4] =	wrdreg $0xC0  }
0xac: {  	_ =	task [dreg:s8], $0x5FFFF  }
0xad: {  	[dreg:$0x1] =	wrdreg $0xFFFFFFFF  }
0xae: {  	[dreg:$0x0] =	wrdreg $0x60  }
0xaf: {  	[dreg:$0x2] =	wrdreg s24  }
0xb0: {  	[dreg:$0x3] =	wrdreg s2  }
0xb1: {  	[dreg:$0x4] =	wrdreg s18  }
0xb2: {  	[dreg:$0x5] =	wrdreg $0x9  }
0xb3: {  	_ =	task.clear_ibuf [dreg:s8], $0x6FFFF;
	_ =	strace $0x90000046  }
0xb4: {  	s29 =	simm.s32 $0x9;
	_ =	strace $0x80000048  }
0xb5: {  	_ =	swait.ge [sflag:s29], $0x1  }
0xb6: {  	[sflag:s29] =	ssyncadd.s32 $0xFFFFFFFF  }
0xb7: {  	_ =	strace $0x90000048  }
0xb8: {  	_ =	sfence  }
0xb9: {  	s30 =	sld [smem:$0x0];
	_ =	sdelay $0x2  }
0xba: {  	s31 =	sshll.u32 s1, $0xD;
	s1 =	sshrl.u32 s1, $0x2  }
0xbb: {  	s3 =	sand.u32 $0x4000, s31;
	s1 =	sadd.s32 s1, s30  }
0xbc: {  	s0 =	sor.u32 s3, s0;
	s1 =	sshll.u32 s1, $0x11  }
0xbd: {  	s0 =	sor.u32 s1, s0  }
0xbe: {  	s0 =	sadd.s32 $0x8F2B, s0  }
0xbf: {  	[sflag:s0] =	ssyncadd.remote.s32 $0x1  }
0xc0: {  	_ =	sfence.sel $0xFFFF  }
0xc1: {  	[dreg:$0x0] =	wrdreg $0xFFFFFFFF;
	(pc) =	sbr.abs _section_cstart, $3  }
0xc2: {  	[dreg:$0x1] =	wrdreg $0xFFFFFFFF  }
0xc3: {  	_ =	task.clear_ibuf [dreg:s8], $0x2FFFF;
	_ =	strace $0x9FFFFFFF  }
0xc4: {  	(tm) =	ssettm $0x7FFFFFFF  }
0xc5: {  	_ =	shalt  }
tec
execute0_lowered:
.L_overlay_start_1:
0x0: {  	(tag) =	ssettag $0x1  }
0x1: {  	s0 =	srdreg.scid;
	s2 =	stileid.u32  }
0x2: {  	s1 =	rddreg [dreg:$0x0];
	s4 =	simm.s32 $0x0;
	s9 =	simm.s32 $0x28  }
0x3: {  	s20 =	simm.s32 $0xE780;
	s21 =	simm.s32 $0xFB80;
	s22 =	simm.s32 $0x10F80  }
0x4: {  	s23 =	simm.s32 $0x12380;
	s24 =	simm.s32 $0x13780;
	s25 =	simm.s32 $0x14B80  }
0x5: {  	s28 =	simm.s32 $0x17380;
	s29 =	simm.s32 $0x18780;
	s30 =	simm.s32 $0x19B80  }
0x6: {  	s31 =	simm.s32 $0x1;
	s7 =	simm.s32 $0x5;
	s8 =	simm.s32 $0x3  }
0x7: {  	s10 =	simm.s32 $0x6;
	s11 =	simm.s32 $0x4;
	s13 =	simm.s32 $0x0  }
0x8: {  	s0 =	sand.u32 $0x1, s0;
	s3 =	sshll.u32 s2, $0x1;
	s2 =	rddreg [dreg:$0x1]  }
0x9: {  	[smem:$0x7FF] =	sst s4;
	s5 =	sor.u32 s0, s3;
	s0 =	ssub.s32 $0x2, s0  }
0xa: {  	s3 =	rddreg [dreg:$0x2];
	s6 =	smul.u32 $0x3E8, s5;
	s26 =	sshrl.u32 s0, $0x1  }
0xb: {  	_ =	strace $0x80000047;
	s0 =	ssub.s32 s0, s26;
	s26 =	simm.s32 $0x15F80  }
0xc: {  	s1 =	sadd.s32 s6, s1;
	s6 =	smul.u32 $0x28, s5;
	s0 =	smax.u32 s0, $0x1  }
0xd: {  	s5 =	simm.s32 $0x1C380;
	s1 =	sadd.s32 $0xC00, s1;
	[dreg:$0x5] =	wrdreg s0  }
0xe: {  	s0 =	simm.s32 $0x2;
	[dreg:$0x4] =	wrdreg s1;
	s1 =	simm.s32 $0x1AF80  }
.LBB2_1:
0xf: {  	[dreg:$0x6] =	wrdreg s13  }
0x10: {  	s12 =	rddreg [dreg:$0x4];
	s19 =	simm.s32 $0x7  }
0x11: {  	[tilespmem:s4], [sflag:$0x7] =	stream.linear.gather [hbm4b:s12+s4], $0x1F40, $0x38;
	[tilespmem:$0x1D780] =	vst v63  }
0x12: {  	_ =	swait.ge [sflag:s19], $0x1F40  }
0x13: {  	[sflag:s19] =	ssyncset.done $0x0  }
0x14: {  	s12 =	simm.s32 $0x0;
	[sflag:s19] =	ssyncadd.s32 $0xFFFFE0C0  }
.LBB2_2:
0x15: {  	s13 =	smul.u32 $0xC80, s12;
	_ =	sdelay $0x1  }
0x16: {  	s14 =	simm.s32 $0x1F80;
	s13 =	sshra.s32 s13, $0x2  }
0x17: {  	[tilespmem:s14], [sflag:$0x1] =	stream.indirect.gather [hbm4b:s2+s9], $0x80, s13, s9, $0xb8;
	[tilespmem:$0x1D780] =	vst v63  }
0x18: {  	s15 =	simm.s32 $0x3380;
	s19 =	sadd.s32 $0x28, s13  }
0x19: {  	[tilespmem:s15], [sflag:$0x1] =	stream.indirect.gather [hbm4b:s2+s9], $0x80, s19, s9, $0xb8;
	[tilespmem:$0x1D780] =	vst v63  }
0x1a: {  	s16 =	simm.s32 $0x4780;
	s15 =	sadd.s32 $0x50, s13  }
0x1b: {  	[tilespmem:s16], [sflag:$0x1] =	stream.indirect.gather [hbm4b:s2+s9], $0x80, s15, s9, $0xb8;
	[tilespmem:$0x1D780] =	vst v63  }
0x1c: {  	s16 =	sshll.u32 s12, $0x2  }
0x1d: {  	s18 =	simm.s32 $0x5B80;
	s17 =	sadd.s32 $0x78, s13;
	s15 =	sor.u32 $0x1, s16  }
0x1e: {  	[tilespmem:s18], [sflag:$0x1] =	stream.indirect.gather [hbm4b:s2+s9], $0x80, s17, s9, $0xb8;
	[tilespmem:$0x1D780] =	vst v63  }
0x1f: {  	s13 =	sadd.s32 $0xA0, s13;
	s19 =	smul.u32 $0x320, s15;
	s17 =	simm.s32 $0x6F80  }
0x20: {  	[tilespmem:s17], [sflag:$0x1] =	stream.indirect.gather [hbm4b:s2+s9], $0x80, s13, s9, $0xb8;
	[tilespmem:$0x1D780] =	vst v63  }
0x21: {  	s13 =	sshra.s32 s19, $0x2;
	s17 =	simm.s32 $0x8380  }
0x22: {  	[tilespmem:s17], [sflag:$0x2] =	stream.indirect.gather [hbm4b:s2+s9], $0x80, s13, s9, $0xb8;
	[tilespmem:$0x1D780] =	vst v63  }
0x23: {  	s19 =	simm.s32 $0x9780;
	s18 =	sadd.s32 $0x28, s13  }
0x24: {  	[tilespmem:s19], [sflag:$0x2] =	stream.indirect.gather [hbm4b:s2+s9], $0x80, s18, s9, $0xb8;
	[tilespmem:$0x1D780] =	vst v63  }
0x25: {  	s18 =	sadd.s32 $0x50, s13;
	s19 =	simm.s32 $0xAB80  }
0x26: {  	[tilespmem:s19], [sflag:$0x2] =	stream.indirect.gather [hbm4b:s2+s9], $0x80, s18, s9, $0xb8;
	[tilespmem:$0x1D780] =	vst v63  }
0x27: {  	s14 =	sor.u32 $0x2, s16;
	s17 =	sadd.s32 $0x78, s13;
	s18 =	simm.s32 $0xBF80  }
0x28: {  	[tilespmem:s18], [sflag:$0x2] =	stream.indirect.gather [hbm4b:s2+s9], $0x80, s17, s9, $0xb8;
	[tilespmem:$0x1D780] =	vst v63  }
0x29: {  	s13 =	sadd.s32 $0xA0, s13;
	s19 =	smul.u32 $0x320, s14;
	s18 =	simm.s32 $0xD380  }
0x2a: {  	[tilespmem:s18], [sflag:$0x2] =	stream.indirect.gather [hbm4b:s2+s9], $0x80, s13, s9, $0xb8;
	[tilespmem:$0x1D780] =	vst v63  }
0x2b: {  	s17 =	sshra.s32 s19, $0x2  }
0x2c: {  	[tilespmem:s20], [sflag:$0x3] =	stream.indirect.gather [hbm4b:s2+s9], $0x80, s17, s9, $0xb8;
	[tilespmem:$0x1D780] =	vst v63  }
0x2d: {  	s18 =	sadd.s32 $0x28, s17  }
0x2e: {  	[tilespmem:s21], [sflag:$0x3] =	stream.indirect.gather [hbm4b:s2+s9], $0x80, s18, s9, $0xb8;
	[tilespmem:$0x1D780] =	vst v63  }
0x2f: {  	s19 =	sadd.s32 $0x50, s17  }
0x30: {  	[tilespmem:s22], [sflag:$0x3] =	stream.indirect.gather [hbm4b:s2+s9], $0x80, s19, s9, $0xb8;
	[tilespmem:$0x1D780] =	vst v63  }
0x31: {  	s13 =	sshllo.u32 s12, $0x2;
	s18 =	sadd.s32 $0x78, s17  }
0x32: {  	[tilespmem:s23], [sflag:$0x3] =	stream.indirect.gather [hbm4b:s2+s9], $0x80, s18, s9, $0xb8;
	[tilespmem:$0x1D780] =	vst v63  }
0x33: {  	s17 =	sadd.s32 $0xA0, s17;
	s19 =	smul.u32 $0x320, s13  }
0x34: {  	[tilespmem:s24], [sflag:$0x3] =	stream.indirect.gather [hbm4b:s2+s9], $0x80, s17, s9, $0xb8;
	[tilespmem:$0x1D780] =	vst v63  }
0x35: {  	s17 =	sshra.s32 s19, $0x2  }
0x36: {  	[tilespmem:s25], [sflag:$0x4] =	stream.indirect.gather [hbm4b:s2+s9], $0x80, s17, s9, $0xb8;
	[tilespmem:$0x1D780] =	vst v63  }
0x37: {  	s18 =	sadd.s32 $0x28, s17  }
0x38: {  	[tilespmem:s26], [sflag:$0x4] =	stream.indirect.gather [hbm4b:s2+s9], $0x80, s18, s9, $0xb8;
	[tilespmem:$0x1D780] =	vst v63  }
0x39: {  	s19 =	sadd.s32 $0x50, s17  }
0x3a: {  	[tilespmem:s28], [sflag:$0x4] =	stream.indirect.gather [hbm4b:s2+s9], $0x80, s19, s9, $0xb8;
	[tilespmem:$0x1D780] =	vst v63  }
0x3b: {  	s19 =	sadd.s32 $0x78, s17  }
0x3c: {  	[tilespmem:s29], [sflag:$0x4] =	stream.indirect.gather [hbm4b:s2+s9], $0x80, s19, s9, $0xb8;
	[tilespmem:$0x1D780] =	vst v63  }
0x3d: {  	s17 =	sadd.s32 $0xA0, s17  }
0x3e: {  	[tilespmem:s30], [sflag:$0x4] =	stream.indirect.gather [hbm4b:s2+s9], $0x80, s17, s9, $0xb8;
	[tilespmem:$0x1D780] =	vst v63  }
0x3f: {  	_ =	swait.ge [sflag:s31], $0x1400  }
0x40: {  	[sflag:s31] =	ssyncset.done $0x0  }
0x41: {  	[sflag:s31] =	ssyncadd.s32 $0xFFFFEC00  }
0x42: {  	_ =	swait.ge [sflag:s31], $0x1400  }
0x43: {  	[sflag:s31] =	ssyncset.done $0x0  }
0x44: {  	[sflag:s31] =	ssyncadd.s32 $0xFFFFEC00  }
0x45: {  	_ =	swait.ge [sflag:s31], $0x1400  }
0x46: {  	[sflag:s31] =	ssyncset.done $0x0  }
0x47: {  	[sflag:s31] =	ssyncadd.s32 $0xFFFFEC00  }
0x48: {  	_ =	swait.ge [sflag:s31], $0x1400  }
0x49: {  	[sflag:s31] =	ssyncset.done $0x0  }
0x4a: {  	[sflag:s31] =	ssyncadd.s32 $0xFFFFEC00  }
0x4b: {  	_ =	swait.ge [sflag:s31], $0x1400  }
0x4c: {  	[sflag:s31] =	ssyncset.done $0x0  }
0x4d: {  	s17 =	simm.s32 $0x0;
	[sflag:s31] =	ssyncadd.s32 $0xFFFFEC00  }
0x4e: {  	v0 =	vld [tilespmem:s17+$0x1FF0]  }
0x4f: {  	v1 =	vld [tilespmem:s17+$0x33F0]  }
0x50: {  	v2 =	vld [tilespmem:s17+$0x1F80]  }
0x51: {  	v3 =	vld [tilespmem:s17+$0x47F0]  }
0x52: {  	v4 =	vld [tilespmem:s17+$0x3380]  }
0x53: {  	v5 =	vld [tilespmem:s17+$0x5BF0]  }
0x54: {  	v6 =	vld [tilespmem:s17+$0x1F90]  }
0x55: {  	v7 =	vld [tilespmem:s17+$0x3390]  }
0x56: {  	v8 =	vld [tilespmem:s17+$0x33A0]  }
0x57: {  	v9 =	vld [tilespmem:s17+$0x33B0]  }
0x58: {  	v10 =	vld [tilespmem:s17+$0x33C0]  }
0x59: {  	v11 =	vld [tilespmem:s17+$0x33D0]  }
0x5a: {  	v12 =	vld [tilespmem:s17+$0x1FE0]  }
0x5b: {  	v13 =	vld [tilespmem:s17+$0x33E0]  }
0x5c: {  	v14 =	vld [tilespmem:s17+$0x4780]  }
0x5d: {  	v15 =	vld [tilespmem:s17+$0x4790]  }
0x5e: {  	v16 =	vld [tilespmem:s17+$0x47A0]  }
0x5f: {  	v17 =	vld [tilespmem:s17+$0x47B0]  }
0x60: {  	v18 =	vld [tilespmem:s17+$0x47C0]  }
0x61: {  	v19 =	vld [tilespmem:s17+$0x47D0]  }
0x62: {  	v20 =	vld [tilespmem:s17+$0x47E0]  }
0x63: {  	v21 =	vld [tilespmem:s17+$0x5B80];
	v0 =	vadd.f32 v1, v0  }
0x64: {  	v1 =	vld [tilespmem:s17+$0x6FF0]  }
0x65: {  	v22 =	vld [tilespmem:s17+$0x5B90];
	v0 =	vadd.f32 v3, v0  }
0x66: {  	v23 =	vld [tilespmem:s17+$0x5BA0]  }
0x67: {  	v24 =	vld [tilespmem:s17+$0x5BB0];
	v0 =	vadd.f32 v5, v0  }
0x68: {  	v3 =	vld [tilespmem:s17+$0x1FA0]  }
0x69: {  	v5 =	vld [tilespmem:s17+$0x1FB0];
	v0 =	vadd.f32 v1, v0  }
0x6a: {  	v2 =	vadd.f32 v4, v2;
	v1 =	vld [tilespmem:s17+$0x1FC0]  }
0x6b: {  	v4 =	vadd.f32 v7, v6;
	[tilespmem:s17+$0x1AFF0] =	vst v0;
	v0 =	vld [tilespmem:s17+$0x1FD0]  }
0x6c: {  	v25 =	vld [tilespmem:s17+$0x5BC0];
	v6 =	vadd.f32 v13, v12;
	v2 =	vadd.f32 v14, v2  }
0x6d: {  	v63 =	vld [tilespmem:s17+$0x6FA0];
	v4 =	vadd.f32 v15, v4;
	v3 =	vadd.f32 v8, v3  }
0x6e: {  	v13 =	vadd.f32 v20, v6;
	v14 =	vadd.f32 v21, v2;
	v8 =	vld [tilespmem:s17+$0x6F80]  }
0x6f: {  	v5 =	vadd.f32 v9, v5;
	v9 =	vld [tilespmem:s17+$0x5BD0];
	v3 =	vadd.f32 v16, v3  }
0x70: {  	v1 =	vadd.f32 v10, v1;
	v0 =	vadd.f32 v11, v0;
	v11 =	vld [tilespmem:s17+$0x6F90]  }
0x71: {  	v15 =	vadd.f32 v22, v4;
	v10 =	vld [tilespmem:s17+$0x5BE0];
	v5 =	vadd.f32 v17, v5  }
0x72: {  	v7 =	vld [tilespmem:s17+$0x6FB0];
	v16 =	vadd.f32 v23, v3;
	v1 =	vadd.f32 v18, v1  }
0x73: {  	v4 =	vld [tilespmem:s17+$0x6FC0];
	v14 =	vadd.f32 v8, v14;
	v0 =	vadd.f32 v19, v0  }
0x74: {  	v6 =	vadd.f32 v24, v5;
	v5 =	vld [tilespmem:s17+$0x6FD0];
	v2 =	vadd.f32 v25, v1  }
0x75: {  	s18 =	simm.s32 $0x80;
	v8 =	vld [tilespmem:s17+$0x6FE0];
	v3 =	vadd.f32 v9, v0;
	v9 =	vadd.f32 v11, v15  }
0x76: {  	s19 =	simm.s32 $0x400;
	v1 =	vld [tilespmem:s18+$0x1FF0];
	[tilespmem:s17+$0x1AF80] =	vst v14;
	v0 =	vadd.f32 v10, v13;
	v10 =	vadd.f32 v63, v16  }
.LBB2_3:
0x77: {  	p0 =	sne.s32 s19, $0x4E00;
	v11 =	vld [tilespmem:s18+$0x33F0];
	[tilespmem:s17+$0x1AF90] =	vst v9;
	v6 =	vadd.f32 v7, v6  }
0x78: {  	v7 =	vld [tilespmem:s18+$0x1F80];
	[tilespmem:s17+$0x1AFA0] =	vst v10;
	v2 =	vadd.f32 v4, v2  }
0x79: {  	v4 =	vld [tilespmem:s18+$0x47F0];
	[tilespmem:s17+$0x1AFB0] =	vst v6;
	v3 =	vadd.f32 v5, v3  }
0x7a: {  	v5 =	vld [tilespmem:s18+$0x3380];
	[tilespmem:s17+$0x1AFC0] =	vst v2;
	v0 =	vadd.f32 v8, v0  }
0x7b: {  	v2 =	vld [tilespmem:s18+$0x5BF0];
	[tilespmem:s17+$0x1AFD0] =	vst v3  }
0x7c: {  	v3 =	vld [tilespmem:s18+$0x1F90];
	v1 =	vadd.f32 v11, v1;
	[tilespmem:s17+$0x1AFE0] =	vst v0;
	s17 =	smov.u32 s18  }
0x7d: {  	v0 =	vld [tilespmem:s17+$0x6FF0]  }
0x7e: {  	v6 =	vld [tilespmem:s17+$0x3390];
	v1 =	vadd.f32 v4, v1  }
0x7f: {  	v4 =	vadd.f32 v5, v7;
	v5 =	vld [tilespmem:s17+$0x1FA0]  }
0x80: {  	v7 =	vld [tilespmem:s17+$0x33A0];
	v1 =	vadd.f32 v2, v1  }
0x81: {  	v2 =	vld [tilespmem:s17+$0x1FB0]  }
0x82: {  	v8 =	vld [tilespmem:s17+$0x33B0];
	v0 =	vadd.f32 v0, v1  }
0x83: {  	v1 =	vadd.f32 v6, v3;
	v3 =	vld [tilespmem:s17+$0x1FC0]  }
0x84: {  	v6 =	vld [tilespmem:s17+$0x33C0];
	[tilespmem:s17+$0x1AFF0] =	vst v0  }
0x85: {  	v0 =	vadd.f32 v7, v5;
	v5 =	vld [tilespmem:s17+$0x1FD0]  }
0x86: {  	v7 =	vld [tilespmem:s17+$0x33D0]  }
0x87: {  	v2 =	vadd.f32 v8, v2;
	v8 =	vld [tilespmem:s17+$0x1FE0]  }
0x88: {  	v9 =	vld [tilespmem:s17+$0x33E0]  }
0x89: {  	v10 =	vld [tilespmem:s17+$0x4780];
	v3 =	vadd.f32 v6, v3  }
0x8a: {  	v6 =	vld [tilespmem:s17+$0x4790]  }
0x8b: {  	v11 =	vld [tilespmem:s17+$0x47A0];
	v5 =	vadd.f32 v7, v5  }
0x8c: {  	v7 =	vld [tilespmem:s17+$0x47B0]  }
0x8d: {  	v12 =	vld [tilespmem:s17+$0x47C0];
	v8 =	vadd.f32 v9, v8  }
0x8e: {  	v4 =	vadd.f32 v10, v4;
	v9 =	vld [tilespmem:s17+$0x47D0]  }
0x8f: {  	v1 =	vadd.f32 v6, v1;
	v6 =	vld [tilespmem:s17+$0x47E0]  }
0x90: {  	v10 =	vld [tilespmem:s17+$0x5B80];
	v0 =	vadd.f32 v11, v0  }
0x91: {  	v11 =	vld [tilespmem:s17+$0x5B90];
	v2 =	vadd.f32 v7, v2  }
0x92: {  	v7 =	vld [tilespmem:s17+$0x5BA0];
	v3 =	vadd.f32 v12, v3  }
0x93: {  	v12 =	vld [tilespmem:s17+$0x5BB0];
	v5 =	vadd.f32 v9, v5  }
0x94: {  	v9 =	vld [tilespmem:s17+$0x5BC0];
	v8 =	vadd.f32 v6, v8  }
0x95: {  	v10 =	vadd.f32 v10, v4;
	v4 =	vld [tilespmem:s17+$0x5BD0]  }
0x96: {  	v1 =	vadd.f32 v11, v1;
	v11 =	vld [tilespmem:s17+$0x5BE0]  }
0x97: {  	v13 =	vld [tilespmem:s17+$0x6F80];
	v14 =	vadd.f32 v7, v0  }
0x98: {  	v15 =	vld [tilespmem:s17+$0x6F90];
	v6 =	vadd.f32 v12, v2  }
0x99: {  	v12 =	vld [tilespmem:s17+$0x6FA0];
	v2 =	vadd.f32 v9, v3  }
.Ltmp0:
0x9a: {  	v7 =	vld [tilespmem:s17+$0x6FB0];
	v3 =	vadd.f32 v4, v5;
	(pc) =	sbr.rel @p0 .LBB2_3-.Ltmp0, $4  }
0x9b: {  	v4 =	vld [tilespmem:s17+$0x6FC0];
	v0 =	vadd.f32 v11, v8  }
0x9c: {  	v10 =	vadd.f32 v13, v10;
	v5 =	vld [tilespmem:s17+$0x6FD0]  }
0x9d: {  	s18 =	sshra.s32 s19, $0x2;
	v9 =	vadd.f32 v15, v1;
	v8 =	vld [tilespmem:s17+$0x6FE0]  }
0x9e: {  	s19 =	sadd.s32 $0x200, s19;
	v1 =	vld [tilespmem:s18+$0x1FF0];
	[tilespmem:s17+$0x1AF80] =	vst v10;
	v10 =	vadd.f32 v12, v14  }
0x9f: {  	v11 =	vld [tilespmem:s18+$0x33F0];
	[tilespmem:s17+$0x1AF90] =	vst v9;
	v6 =	vadd.f32 v7, v6  }
0xa0: {  	v9 =	vld [tilespmem:s18+$0x1F80];
	[tilespmem:s17+$0x1AFA0] =	vst v10;
	v2 =	vadd.f32 v4, v2  }
0xa1: {  	v7 =	vld [tilespmem:s18+$0x47F0];
	[tilespmem:s17+$0x1AFB0] =	vst v6;
	v3 =	vadd.f32 v5, v3  }
0xa2: {  	v4 =	vld [tilespmem:s18+$0x3380];
	[tilespmem:s17+$0x1AFC0] =	vst v2;
	v0 =	vadd.f32 v8, v0  }
0xa3: {  	v2 =	vld [tilespmem:s18+$0x5BF0];
	[tilespmem:s17+$0x1AFD0] =	vst v3  }
0xa4: {  	v3 =	vld [tilespmem:s18+$0x1F90];
	[tilespmem:s17+$0x1AFE0] =	vst v0  }
0xa5: {  	v0 =	vadd.f32 v11, v1;
	v1 =	vld [tilespmem:s18+$0x6FF0]  }
0xa6: {  	v5 =	vld [tilespmem:s18+$0x3390]  }
0xa7: {  	v6 =	vld [tilespmem:s18+$0x1FA0]  }
0xa8: {  	v8 =	vld [tilespmem:s18+$0x33B0]  }
0xa9: {  	v10 =	vld [tilespmem:s18+$0x33C0]  }
0xaa: {  	v11 =	vld [tilespmem:s18+$0x33D0]  }
0xab: {  	v12 =	vld [tilespmem:s18+$0x1FE0]  }
0xac: {  	v13 =	vld [tilespmem:s18+$0x33E0]  }
0xad: {  	v14 =	vld [tilespmem:s18+$0x4780]  }
0xae: {  	v15 =	vld [tilespmem:s18+$0x4790]  }
0xaf: {  	v16 =	vld [tilespmem:s18+$0x47A0]  }
0xb0: {  	v17 =	vld [tilespmem:s18+$0x47B0]  }
0xb1: {  	v18 =	vld [tilespmem:s18+$0x47C0]  }
0xb2: {  	v19 =	vld [tilespmem:s18+$0x47D0]  }
0xb3: {  	v20 =	vld [tilespmem:s18+$0x47E0]  }
0xb4: {  	v21 =	vld [tilespmem:s18+$0x5B80]  }
0xb5: {  	v22 =	vld [tilespmem:s18+$0x5B90];
	v0 =	vadd.f32 v7, v0  }
0xb6: {  	v23 =	vld [tilespmem:s18+$0x5BA0]  }
0xb7: {  	v24 =	vld [tilespmem:s18+$0x5BB0];
	v0 =	vadd.f32 v2, v0  }
0xb8: {  	v7 =	vld [tilespmem:s18+$0x33A0]  }
0xb9: {  	v2 =	vld [tilespmem:s18+$0x1FB0];
	v0 =	vadd.f32 v1, v0  }
0xba: {  	v1 =	vld [tilespmem:s18+$0x1FC0]  }
0xbb: {  	v4 =	vadd.f32 v4, v9;
	[tilespmem:s18+$0x1AFF0] =	vst v0;
	v0 =	vld [tilespmem:s18+$0x1FD0]  }
0xbc: {  	v47 =	vld [tilespmem:s18+$0x6FA0];
	v3 =	vadd.f32 v5, v3  }
0xbd: {  	v48 =	vld [tilespmem:s18+$0x6FB0];
	v9 =	vadd.f32 v13, v12;
	v4 =	vadd.f32 v14, v4  }
0xbe: {  	v5 =	vld [tilespmem:s18+$0x5BC0];
	v6 =	vadd.f32 v7, v6;
	v2 =	vadd.f32 v8, v2  }
0xbf: {  	v3 =	vadd.f32 v15, v3;
	v1 =	vadd.f32 v10, v1;
	v10 =	vld [tilespmem:s18+$0x6F80]  }
0xc0: {  	v2 =	vadd.f32 v17, v2;
	v0 =	vadd.f32 v11, v0;
	v11 =	vld [tilespmem:s18+$0x6F90]  }
0xc1: {  	v49 =	vld [tilespmem:s18+$0x6FC0];
	v4 =	vadd.f32 v21, v4;
	v6 =	vadd.f32 v16, v6  }
0xc2: {  	v7 =	vld [tilespmem:s18+$0x5BD0];
	v3 =	vadd.f32 v22, v3;
	v2 =	vadd.f32 v24, v2  }
0xc3: {  	v8 =	vld [tilespmem:s18+$0x5BE0];
	v1 =	vadd.f32 v18, v1;
	v0 =	vadd.f32 v19, v0  }
0xc4: {  	v2 =	vadd.f32 v48, v2;
	v4 =	vadd.f32 v10, v4;
	v10 =	vld [tilespmem:s18+$0x6FD0]  }
0xc5: {  	v1 =	vadd.f32 v5, v1;
	v3 =	vadd.f32 v11, v3;
	v11 =	vld [tilespmem:s18+$0x6FE0]  }
0xc6: {  	v9 =	vadd.f32 v20, v9;
	v6 =	vadd.f32 v23, v6;
	[tilespmem:s18+$0x1AFB0] =	vst v2  }
0xc7: {  	v0 =	vadd.f32 v7, v0;
	v1 =	vadd.f32 v49, v1;
	[tilespmem:s18+$0x1AF80] =	vst v4  }
0xc8: {  	v4 =	vadd.f32 v47, v6;
	[tilespmem:s18+$0x1AF90] =	vst v3;
	v3 =	vadd.f32 v8, v9  }
0xc9: {  	s16 =	sadd.s32 s6, s16;
	[tilespmem:s18+$0x1AFC0] =	vst v1;
	v0 =	vadd.f32 v10, v0  }
0xca: {  	s16 =	smul.u32 $0x280, s16;
	[tilespmem:s18+$0x1AFA0] =	vst v4;
	v1 =	vadd.f32 v11, v3  }
0xcb: {  	[tilespmem:s18+$0x1AFD0] =	vst v0  }
0xcc: {  	s19 =	simm.s32 $0x0;
	s16 =	sadd.s32 s3, s16;
	[tilespmem:s18+$0x1AFE0] =	vst v1  }
0xcd: {  	[hbm4b:s16+s19] =	stream.linear.scatter [tilespmem:s1], [sflag:$0x5], $0x1400, $0x38;
	[tilespmem:$0x1D780] =	vst v63  }
0xce: {  	_ =	swait.ge [sflag:s0], $0x1400  }
0xcf: {  	[sflag:s0] =	ssyncset.done $0x0  }
0xd0: {  	[sflag:s0] =	ssyncadd.s32 $0xFFFFEC00  }
0xd1: {  	_ =	swait.ge [sflag:s0], $0x1400  }
0xd2: {  	[sflag:s0] =	ssyncset.done $0x0  }
0xd3: {  	[sflag:s0] =	ssyncadd.s32 $0xFFFFEC00  }
0xd4: {  	_ =	swait.ge [sflag:s0], $0x1400  }
0xd5: {  	[sflag:s0] =	ssyncset.done $0x0  }
0xd6: {  	[sflag:s0] =	ssyncadd.s32 $0xFFFFEC00  }
0xd7: {  	_ =	swait.ge [sflag:s0], $0x1400  }
0xd8: {  	[sflag:s0] =	ssyncset.done $0x0  }
0xd9: {  	[sflag:s0] =	ssyncadd.s32 $0xFFFFEC00  }
0xda: {  	_ =	swait.ge [sflag:s0], $0x1400  }
0xdb: {  	[sflag:s0] =	ssyncset.done $0x0  }
0xdc: {  	s16 =	simm.s32 $0x0;
	[sflag:s0] =	ssyncadd.s32 $0xFFFFEC00  }
0xdd: {  	v0 =	vld [tilespmem:s16+$0x83F0]  }
0xde: {  	v1 =	vld [tilespmem:s16+$0x97F0]  }
0xdf: {  	v2 =	vld [tilespmem:s16+$0x8380]  }
0xe0: {  	v3 =	vld [tilespmem:s16+$0xABF0]  }
0xe1: {  	v4 =	vld [tilespmem:s16+$0x9780]  }
0xe2: {  	v5 =	vld [tilespmem:s16+$0xBFF0]  }
0xe3: {  	v6 =	vld [tilespmem:s16+$0x8390]  }
0xe4: {  	v7 =	vld [tilespmem:s16+$0x9790]  }
0xe5: {  	v8 =	vld [tilespmem:s16+$0x97A0]  }
0xe6: {  	v9 =	vld [tilespmem:s16+$0x97B0]  }
0xe7: {  	v10 =	vld [tilespmem:s16+$0x97C0]  }
0xe8: {  	v11 =	vld [tilespmem:s16+$0x97D0]  }
0xe9: {  	v50 =	vld [tilespmem:s16+$0x83E0]  }
0xea: {  	v51 =	vld [tilespmem:s16+$0x97E0]  }
0xeb: {  	v52 =	vld [tilespmem:s16+$0xAB80]  }
0xec: {  	v53 =	vld [tilespmem:s16+$0xAB90]  }
0xed: {  	v54 =	vld [tilespmem:s16+$0xABA0]  }
0xee: {  	v55 =	vld [tilespmem:s16+$0xABB0]  }
0xef: {  	v56 =	vld [tilespmem:s16+$0xABC0]  }
0xf0: {  	v57 =	vld [tilespmem:s16+$0xABD0]  }
0xf1: {  	v58 =	vld [tilespmem:s16+$0xABE0]  }
0xf2: {  	v59 =	vld [tilespmem:s16+$0xBF80];
	v0 =	vadd.f32 v1, v0  }
0xf3: {  	v1 =	vld [tilespmem:s16+$0xD3F0]  }
0xf4: {  	v60 =	vld [tilespmem:s16+$0xBF90];
	v0 =	vadd.f32 v3, v0  }
0xf5: {  	v61 =	vld [tilespmem:s16+$0xBFA0]  }
0xf6: {  	v62 =	vld [tilespmem:s16+$0xBFB0];
	v0 =	vadd.f32 v5, v0  }
0xf7: {  	v3 =	vld [tilespmem:s16+$0x83A0]  }
0xf8: {  	v5 =	vld [tilespmem:s16+$0x83B0];
	v0 =	vadd.f32 v1, v0  }
0xf9: {  	v2 =	vadd.f32 v4, v2;
	v1 =	vld [tilespmem:s16+$0x83C0]  }
0xfa: {  	v4 =	vadd.f32 v7, v6;
	[tilespmem:s16+$0x1C3F0] =	vst v0;
	v0 =	vld [tilespmem:s16+$0x83D0]  }
0xfb: {  	v25 =	vld [tilespmem:s16+$0xBFC0];
	v6 =	vadd.f32 v51, v50;
	v2 =	vadd.f32 v52, v2  }
0xfc: {  	v63 =	vld [tilespmem:s16+$0xD3A0];
	v4 =	vadd.f32 v53, v4;
	v3 =	vadd.f32 v8, v3  }
0xfd: {  	v13 =	vadd.f32 v58, v6;
	v14 =	vadd.f32 v59, v2;
	v8 =	vld [tilespmem:s16+$0xD380]  }
0xfe: {  	v5 =	vadd.f32 v9, v5;
	v9 =	vld [tilespmem:s16+$0xBFD0];
	v3 =	vadd.f32 v54, v3  }
0xff: {  	v1 =	vadd.f32 v10, v1;
	v0 =	vadd.f32 v11, v0;
	v11 =	vld [tilespmem:s16+$0xD390]  }
0x100: {  	v15 =	vadd.f32 v60, v4;
	v10 =	vld [tilespmem:s16+$0xBFE0];
	v5 =	vadd.f32 v55, v5  }
0x101: {  	v7 =	vld [tilespmem:s16+$0xD3B0];
	v16 =	vadd.f32 v61, v3;
	v1 =	vadd.f32 v56, v1  }
0x102: {  	v4 =	vld [tilespmem:s16+$0xD3C0];
	v14 =	vadd.f32 v8, v14;
	v0 =	vadd.f32 v57, v0  }
0x103: {  	v6 =	vadd.f32 v62, v5;
	v5 =	vld [tilespmem:s16+$0xD3D0];
	v2 =	vadd.f32 v25, v1  }
0x104: {  	s17 =	simm.s32 $0x80;
	v8 =	vld [tilespmem:s16+$0xD3E0];
	v3 =	vadd.f32 v9, v0;
	v9 =	vadd.f32 v11, v15  }
0x105: {  	s18 =	simm.s32 $0x400;
	v1 =	vld [tilespmem:s17+$0x83F0];
	[tilespmem:s16+$0x1C380] =	vst v14;
	v0 =	vadd.f32 v10, v13;
	v10 =	vadd.f32 v63, v16  }
.LBB2_5:
0x106: {  	p0 =	sne.s32 s18, $0x4E00;
	v11 =	vld [tilespmem:s17+$0x97F0];
	[tilespmem:s16+$0x1C390] =	vst v9;
	v6 =	vadd.f32 v7, v6  }
0x107: {  	v7 =	vld [tilespmem:s17+$0x8380];
	[tilespmem:s16+$0x1C3A0] =	vst v10;
	v2 =	vadd.f32 v4, v2  }
0x108: {  	v4 =	vld [tilespmem:s17+$0xABF0];
	[tilespmem:s16+$0x1C3B0] =	vst v6;
	v3 =	vadd.f32 v5, v3  }
0x109: {  	v5 =	vld [tilespmem:s17+$0x9780];
	[tilespmem:s16+$0x1C3C0] =	vst v2;
	v0 =	vadd.f32 v8, v0  }
0x10a: {  	v2 =	vld [tilespmem:s17+$0xBFF0];
	[tilespmem:s16+$0x1C3D0] =	vst v3  }
0x10b: {  	v3 =	vld [tilespmem:s17+$0x8390];
	v1 =	vadd.f32 v11, v1;
	[tilespmem:s16+$0x1C3E0] =	vst v0;
	s16 =	smov.u32 s17  }
0x10c: {  	v0 =	vld [tilespmem:s16+$0xD3F0]  }
0x10d: {  	v6 =	vld [tilespmem:s16+$0x9790];
	v1 =	vadd.f32 v4, v1  }
0x10e: {  	v4 =	vadd.f32 v5, v7;
	v5 =	vld [tilespmem:s16+$0x83A0]  }
0x10f: {  	v7 =	vld [tilespmem:s16+$0x97A0];
	v1 =	vadd.f32 v2, v1  }
0x110: {  	v2 =	vld [tilespmem:s16+$0x83B0]  }
0x111: {  	v8 =	vld [tilespmem:s16+$0x97B0];
	v0 =	vadd.f32 v0, v1  }
0x112: {  	v1 =	vadd.f32 v6, v3;
	v3 =	vld [tilespmem:s16+$0x83C0]  }
0x113: {  	v6 =	vld [tilespmem:s16+$0x97C0];
	[tilespmem:s16+$0x1C3F0] =	vst v0  }
0x114: {  	v0 =	vadd.f32 v7, v5;
	v5 =	vld [tilespmem:s16+$0x83D0]  }
0x115: {  	v7 =	vld [tilespmem:s16+$0x97D0]  }
0x116: {  	v2 =	vadd.f32 v8, v2;
	v8 =	vld [tilespmem:s16+$0x83E0]  }
0x117: {  	v9 =	vld [tilespmem:s16+$0x97E0]  }
0x118: {  	v10 =	vld [tilespmem:s16+$0xAB80];
	v3 =	vadd.f32 v6, v3  }
0x119: {  	v6 =	vld [tilespmem:s16+$0xAB90]  }
0x11a: {  	v11 =	vld [tilespmem:s16+$0xABA0];
	v5 =	vadd.f32 v7, v5  }
0x11b: {  	v7 =	vld [tilespmem:s16+$0xABB0]  }
0x11c: {  	v12 =	vld [tilespmem:s16+$0xABC0];
	v8 =	vadd.f32 v9, v8  }
0x11d: {  	v4 =	vadd.f32 v10, v4;
	v9 =	vld [tilespmem:s16+$0xABD0]  }
0x11e: {  	v1 =	vadd.f32 v6, v1;
	v6 =	vld [tilespmem:s16+$0xABE0]  }
0x11f: {  	v10 =	vld [tilespmem:s16+$0xBF80];
	v0 =	vadd.f32 v11, v0  }
0x120: {  	v11 =	vld [tilespmem:s16+$0xBF90];
	v2 =	vadd.f32 v7, v2  }
0x121: {  	v7 =	vld [tilespmem:s16+$0xBFA0];
	v3 =	vadd.f32 v12, v3  }
0x122: {  	v12 =	vld [tilespmem:s16+$0xBFB0];
	v5 =	vadd.f32 v9, v5  }
0x123: {  	v9 =	vld [tilespmem:s16+$0xBFC0];
	v8 =	vadd.f32 v6, v8  }
0x124: {  	v10 =	vadd.f32 v10, v4;
	v4 =	vld [tilespmem:s16+$0xBFD0]  }
0x125: {  	v1 =	vadd.f32 v11, v1;
	v11 =	vld [tilespmem:s16+$0xBFE0]  }
0x126: {  	v13 =	vld [tilespmem:s16+$0xD380];
	v14 =	vadd.f32 v7, v0  }
0x127: {  	v15 =	vld [tilespmem:s16+$0xD390];
	v6 =	vadd.f32 v12, v2  }
0x128: {  	v12 =	vld [tilespmem:s16+$0xD3A0];
	v2 =	vadd.f32 v9, v3  }
.Ltmp1:
0x129: {  	v7 =	vld [tilespmem:s16+$0xD3B0];
	v3 =	vadd.f32 v4, v5;
	(pc) =	sbr.rel @p0 .LBB2_5-.Ltmp1, $4  }
0x12a: {  	v4 =	vld [tilespmem:s16+$0xD3C0];
	v0 =	vadd.f32 v11, v8  }
0x12b: {  	v10 =	vadd.f32 v13, v10;
	v5 =	vld [tilespmem:s16+$0xD3D0]  }
0x12c: {  	s17 =	sshra.s32 s18, $0x2;
	v9 =	vadd.f32 v15, v1;
	v8 =	vld [tilespmem:s16+$0xD3E0]  }
0x12d: {  	s18 =	sadd.s32 $0x200, s18;
	v1 =	vld [tilespmem:s17+$0x83F0];
	[tilespmem:s16+$0x1C380] =	vst v10;
	v10 =	vadd.f32 v12, v14  }
0x12e: {  	v11 =	vld [tilespmem:s17+$0x97F0];
	[tilespmem:s16+$0x1C390] =	vst v9;
	v6 =	vadd.f32 v7, v6  }
0x12f: {  	v9 =	vld [tilespmem:s17+$0x8380];
	[tilespmem:s16+$0x1C3A0] =	vst v10;
	v2 =	vadd.f32 v4, v2  }
0x130: {  	v7 =	vld [tilespmem:s17+$0xABF0];
	[tilespmem:s16+$0x1C3B0] =	vst v6;
	v3 =	vadd.f32 v5, v3  }
0x131: {  	v4 =	vld [tilespmem:s17+$0x9780];
	[tilespmem:s16+$0x1C3C0] =	vst v2;
	v0 =	vadd.f32 v8, v0  }
0x132: {  	v2 =	vld [tilespmem:s17+$0xBFF0];
	[tilespmem:s16+$0x1C3D0] =	vst v3  }
0x133: {  	v3 =	vld [tilespmem:s17+$0x8390];
	[tilespmem:s16+$0x1C3E0] =	vst v0  }
0x134: {  	v0 =	vadd.f32 v11, v1;
	v1 =	vld [tilespmem:s17+$0xD3F0]  }
0x135: {  	v5 =	vld [tilespmem:s17+$0x9790]  }
0x136: {  	v6 =	vld [tilespmem:s17+$0x83A0]  }
0x137: {  	v8 =	vld [tilespmem:s17+$0x97B0]  }
0x138: {  	v10 =	vld [tilespmem:s17+$0x97C0]  }
0x139: {  	v11 =	vld [tilespmem:s17+$0x97D0]  }
0x13a: {  	v12 =	vld [tilespmem:s17+$0x83E0]  }
0x13b: {  	v13 =	vld [tilespmem:s17+$0x97E0]  }
0x13c: {  	v14 =	vld [tilespmem:s17+$0xAB80]  }
0x13d: {  	v15 =	vld [tilespmem:s17+$0xAB90]  }
0x13e: {  	v16 =	vld [tilespmem:s17+$0xABA0]  }
0x13f: {  	v17 =	vld [tilespmem:s17+$0xABB0]  }
0x140: {  	v18 =	vld [tilespmem:s17+$0xABC0]  }
0x141: {  	v19 =	vld [tilespmem:s17+$0xABD0]  }
0x142: {  	v20 =	vld [tilespmem:s17+$0xABE0]  }
0x143: {  	v21 =	vld [tilespmem:s17+$0xBF80]  }
0x144: {  	v22 =	vld [tilespmem:s17+$0xBF90];
	v0 =	vadd.f32 v7, v0  }
0x145: {  	v23 =	vld [tilespmem:s17+$0xBFA0]  }
0x146: {  	v24 =	vld [tilespmem:s17+$0xBFB0];
	v0 =	vadd.f32 v2, v0  }
0x147: {  	v7 =	vld [tilespmem:s17+$0x97A0]  }
0x148: {  	v2 =	vld [tilespmem:s17+$0x83B0];
	v0 =	vadd.f32 v1, v0  }
0x149: {  	v1 =	vld [tilespmem:s17+$0x83C0]  }
0x14a: {  	v4 =	vadd.f32 v4, v9;
	[tilespmem:s17+$0x1C3F0] =	vst v0;
	v0 =	vld [tilespmem:s17+$0x83D0]  }
0x14b: {  	v47 =	vld [tilespmem:s17+$0xD3A0];
	v3 =	vadd.f32 v5, v3  }
0x14c: {  	v48 =	vld [tilespmem:s17+$0xD3B0];
	v9 =	vadd.f32 v13, v12;
	v4 =	vadd.f32 v14, v4  }
0x14d: {  	v5 =	vld [tilespmem:s17+$0xBFC0];
	v6 =	vadd.f32 v7, v6;
	v2 =	vadd.f32 v8, v2  }
0x14e: {  	v3 =	vadd.f32 v15, v3;
	v1 =	vadd.f32 v10, v1;
	v10 =	vld [tilespmem:s17+$0xD380]  }
0x14f: {  	v2 =	vadd.f32 v17, v2;
	v0 =	vadd.f32 v11, v0;
	v11 =	vld [tilespmem:s17+$0xD390]  }
0x150: {  	v49 =	vld [tilespmem:s17+$0xD3C0];
	v4 =	vadd.f32 v21, v4;
	v6 =	vadd.f32 v16, v6  }
0x151: {  	v7 =	vld [tilespmem:s17+$0xBFD0];
	v3 =	vadd.f32 v22, v3;
	v2 =	vadd.f32 v24, v2  }
0x152: {  	v8 =	vld [tilespmem:s17+$0xBFE0];
	v1 =	vadd.f32 v18, v1;
	v0 =	vadd.f32 v19, v0  }
0x153: {  	v2 =	vadd.f32 v48, v2;
	v4 =	vadd.f32 v10, v4;
	v10 =	vld [tilespmem:s17+$0xD3D0]  }
0x154: {  	v1 =	vadd.f32 v5, v1;
	v3 =	vadd.f32 v11, v3;
	v11 =	vld [tilespmem:s17+$0xD3E0]  }
0x155: {  	v9 =	vadd.f32 v20, v9;
	v6 =	vadd.f32 v23, v6;
	[tilespmem:s17+$0x1C3B0] =	vst v2  }
0x156: {  	v0 =	vadd.f32 v7, v0;
	v1 =	vadd.f32 v49, v1;
	[tilespmem:s17+$0x1C380] =	vst v4  }
0x157: {  	v4 =	vadd.f32 v47, v6;
	[tilespmem:s17+$0x1C390] =	vst v3;
	v3 =	vadd.f32 v8, v9  }
0x158: {  	s15 =	sadd.s32 s6, s15;
	[tilespmem:s17+$0x1C3C0] =	vst v1;
	v0 =	vadd.f32 v10, v0  }
0x159: {  	s15 =	smul.u32 $0x280, s15;
	[tilespmem:s17+$0x1C3A0] =	vst v4;
	v1 =	vadd.f32 v11, v3  }
0x15a: {  	[tilespmem:s17+$0x1C3D0] =	vst v0  }
0x15b: {  	s19 =	simm.s32 $0x0;
	s15 =	sadd.s32 s3, s15;
	[tilespmem:s17+$0x1C3E0] =	vst v1  }
0x15c: {  	[hbm4b:s15+s19] =	stream.linear.scatter [tilespmem:s5], [sflag:$0x6], $0x1400, $0x38;
	[tilespmem:$0x1D780] =	vst v63  }
0x15d: {  	_ =	swait.ge [sflag:s7], $0x1400  }
0x15e: {  	[sflag:s7] =	ssyncset.done $0x0  }
0x15f: {  	[sflag:s7] =	ssyncadd.s32 $0xFFFFEC00  }
0x160: {  	_ =	swait.ge [sflag:s8], $0x1400  }
0x161: {  	[sflag:s8] =	ssyncset.done $0x0  }
0x162: {  	[sflag:s8] =	ssyncadd.s32 $0xFFFFEC00  }
0x163: {  	_ =	swait.ge [sflag:s8], $0x1400  }
0x164: {  	[sflag:s8] =	ssyncset.done $0x0  }
0x165: {  	[sflag:s8] =	ssyncadd.s32 $0xFFFFEC00  }
0x166: {  	_ =	swait.ge [sflag:s8], $0x1400  }
0x167: {  	[sflag:s8] =	ssyncset.done $0x0  }
0x168: {  	[sflag:s8] =	ssyncadd.s32 $0xFFFFEC00  }
0x169: {  	_ =	swait.ge [sflag:s8], $0x1400  }
0x16a: {  	[sflag:s8] =	ssyncset.done $0x0  }
0x16b: {  	[sflag:s8] =	ssyncadd.s32 $0xFFFFEC00  }
0x16c: {  	_ =	swait.ge [sflag:s8], $0x1400  }
0x16d: {  	[sflag:s8] =	ssyncset.done $0x0  }
0x16e: {  	s15 =	simm.s32 $0x0;
	[sflag:s8] =	ssyncadd.s32 $0xFFFFEC00  }
0x16f: {  	v0 =	vld [tilespmem:s15+$0xE7F0]  }
0x170: {  	v1 =	vld [tilespmem:s15+$0xFBF0]  }
0x171: {  	v2 =	vld [tilespmem:s15+$0xE780]  }
0x172: {  	v3 =	vld [tilespmem:s15+$0x10FF0]  }
0x173: {  	v4 =	vld [tilespmem:s15+$0xFB80]  }
0x174: {  	v5 =	vld [tilespmem:s15+$0x123F0]  }
0x175: {  	v6 =	vld [tilespmem:s15+$0xE790]  }
0x176: {  	v7 =	vld [tilespmem:s15+$0xFB90]  }
0x177: {  	v8 =	vld [tilespmem:s15+$0xFBA0]  }
0x178: {  	v9 =	vld [tilespmem:s15+$0xFBB0]  }
0x179: {  	v10 =	vld [tilespmem:s15+$0xFBC0]  }
0x17a: {  	v11 =	vld [tilespmem:s15+$0xFBD0]  }
0x17b: {  	v50 =	vld [tilespmem:s15+$0xE7E0]  }
0x17c: {  	v51 =	vld [tilespmem:s15+$0xFBE0]  }
0x17d: {  	v52 =	vld [tilespmem:s15+$0x10F80]  }
0x17e: {  	v53 =	vld [tilespmem:s15+$0x10F90]  }
0x17f: {  	v54 =	vld [tilespmem:s15+$0x10FA0]  }
0x180: {  	v55 =	vld [tilespmem:s15+$0x10FB0]  }
0x181: {  	v56 =	vld [tilespmem:s15+$0x10FC0]  }
0x182: {  	v57 =	vld [tilespmem:s15+$0x10FD0]  }
0x183: {  	v58 =	vld [tilespmem:s15+$0x10FE0]  }
0x184: {  	v59 =	vld [tilespmem:s15+$0x12380];
	v0 =	vadd.f32 v1, v0  }
0x185: {  	v1 =	vld [tilespmem:s15+$0x137F0]  }
0x186: {  	v60 =	vld [tilespmem:s15+$0x12390];
	v0 =	vadd.f32 v3, v0  }
0x187: {  	v61 =	vld [tilespmem:s15+$0x123A0]  }
0x188: {  	v62 =	vld [tilespmem:s15+$0x123B0];
	v0 =	vadd.f32 v5, v0  }
0x189: {  	v3 =	vld [tilespmem:s15+$0xE7A0]  }
0x18a: {  	v5 =	vld [tilespmem:s15+$0xE7B0];
	v0 =	vadd.f32 v1, v0  }
0x18b: {  	v2 =	vadd.f32 v4, v2;
	v1 =	vld [tilespmem:s15+$0xE7C0]  }
0x18c: {  	v4 =	vadd.f32 v7, v6;
	[tilespmem:s15+$0x1AFF0] =	vst v0;
	v0 =	vld [tilespmem:s15+$0xE7D0]  }
0x18d: {  	v25 =	vld [tilespmem:s15+$0x123C0];
	v6 =	vadd.f32 v51, v50;
	v2 =	vadd.f32 v52, v2  }
0x18e: {  	v63 =	vld [tilespmem:s15+$0x137A0];
	v4 =	vadd.f32 v53, v4;
	v3 =	vadd.f32 v8, v3  }
0x18f: {  	v13 =	vadd.f32 v58, v6;
	v14 =	vadd.f32 v59, v2;
	v8 =	vld [tilespmem:s15+$0x13780]  }
0x190: {  	v5 =	vadd.f32 v9, v5;
	v9 =	vld [tilespmem:s15+$0x123D0];
	v3 =	vadd.f32 v54, v3  }
0x191: {  	v1 =	vadd.f32 v10, v1;
	v0 =	vadd.f32 v11, v0;
	v11 =	vld [tilespmem:s15+$0x13790]  }
0x192: {  	v15 =	vadd.f32 v60, v4;
	v10 =	vld [tilespmem:s15+$0x123E0];
	v5 =	vadd.f32 v55, v5  }
0x193: {  	v7 =	vld [tilespmem:s15+$0x137B0];
	v16 =	vadd.f32 v61, v3;
	v1 =	vadd.f32 v56, v1  }
0x194: {  	v4 =	vld [tilespmem:s15+$0x137C0];
	v14 =	vadd.f32 v8, v14;
	v0 =	vadd.f32 v57, v0  }
0x195: {  	v6 =	vadd.f32 v62, v5;
	v5 =	vld [tilespmem:s15+$0x137D0];
	v2 =	vadd.f32 v25, v1  }
0x196: {  	s16 =	simm.s32 $0x80;
	v8 =	vld [tilespmem:s15+$0x137E0];
	v3 =	vadd.f32 v9, v0;
	v9 =	vadd.f32 v11, v15  }
0x197: {  	s17 =	simm.s32 $0x400;
	v1 =	vld [tilespmem:s16+$0xE7F0];
	[tilespmem:s15+$0x1AF80] =	vst v14;
	v0 =	vadd.f32 v10, v13;
	v10 =	vadd.f32 v63, v16  }
.LBB2_7:
0x198: {  	p0 =	sne.s32 s17, $0x4E00;
	v11 =	vld [tilespmem:s16+$0xFBF0];
	[tilespmem:s15+$0x1AF90] =	vst v9;
	v6 =	vadd.f32 v7, v6  }
0x199: {  	v7 =	vld [tilespmem:s16+$0xE780];
	[tilespmem:s15+$0x1AFA0] =	vst v10;
	v2 =	vadd.f32 v4, v2  }
0x19a: {  	v4 =	vld [tilespmem:s16+$0x10FF0];
	[tilespmem:s15+$0x1AFB0] =	vst v6;
	v3 =	vadd.f32 v5, v3  }
0x19b: {  	v5 =	vld [tilespmem:s16+$0xFB80];
	[tilespmem:s15+$0x1AFC0] =	vst v2;
	v0 =	vadd.f32 v8, v0  }
0x19c: {  	v2 =	vld [tilespmem:s16+$0x123F0];
	[tilespmem:s15+$0x1AFD0] =	vst v3  }
0x19d: {  	v3 =	vld [tilespmem:s16+$0xE790];
	v1 =	vadd.f32 v11, v1;
	[tilespmem:s15+$0x1AFE0] =	vst v0;
	s15 =	smov.u32 s16  }
0x19e: {  	v0 =	vld [tilespmem:s15+$0x137F0]  }
0x19f: {  	v6 =	vld [tilespmem:s15+$0xFB90];
	v1 =	vadd.f32 v4, v1  }
0x1a0: {  	v4 =	vadd.f32 v5, v7;
	v5 =	vld [tilespmem:s15+$0xE7A0]  }
0x1a1: {  	v7 =	vld [tilespmem:s15+$0xFBA0];
	v1 =	vadd.f32 v2, v1  }
0x1a2: {  	v2 =	vld [tilespmem:s15+$0xE7B0]  }
0x1a3: {  	v8 =	vld [tilespmem:s15+$0xFBB0];
	v0 =	vadd.f32 v0, v1  }
0x1a4: {  	v1 =	vadd.f32 v6, v3;
	v3 =	vld [tilespmem:s15+$0xE7C0]  }
0x1a5: {  	v6 =	vld [tilespmem:s15+$0xFBC0];
	[tilespmem:s15+$0x1AFF0] =	vst v0  }
0x1a6: {  	v0 =	vadd.f32 v7, v5;
	v5 =	vld [tilespmem:s15+$0xE7D0]  }
0x1a7: {  	v7 =	vld [tilespmem:s15+$0xFBD0]  }
0x1a8: {  	v2 =	vadd.f32 v8, v2;
	v8 =	vld [tilespmem:s15+$0xE7E0]  }
0x1a9: {  	v9 =	vld [tilespmem:s15+$0xFBE0]  }
0x1aa: {  	v10 =	vld [tilespmem:s15+$0x10F80];
	v3 =	vadd.f32 v6, v3  }
0x1ab: {  	v6 =	vld [tilespmem:s15+$0x10F90]  }
0x1ac: {  	v11 =	vld [tilespmem:s15+$0x10FA0];
	v5 =	vadd.f32 v7, v5  }
0x1ad: {  	v7 =	vld [tilespmem:s15+$0x10FB0]  }
0x1ae: {  	v12 =	vld [tilespmem:s15+$0x10FC0];
	v8 =	vadd.f32 v9, v8  }
0x1af: {  	v4 =	vadd.f32 v10, v4;
	v9 =	vld [tilespmem:s15+$0x10FD0]  }
0x1b0: {  	v1 =	vadd.f32 v6, v1;
	v6 =	vld [tilespmem:s15+$0x10FE0]  }
0x1b1: {  	v10 =	vld [tilespmem:s15+$0x12380];
	v0 =	vadd.f32 v11, v0  }
0x1b2: {  	v11 =	vld [tilespmem:s15+$0x12390];
	v2 =	vadd.f32 v7, v2  }
0x1b3: {  	v7 =	vld [tilespmem:s15+$0x123A0];
	v3 =	vadd.f32 v12, v3  }
0x1b4: {  	v12 =	vld [tilespmem:s15+$0x123B0];
	v5 =	vadd.f32 v9, v5  }
0x1b5: {  	v9 =	vld [tilespmem:s15+$0x123C0];
	v8 =	vadd.f32 v6, v8  }
0x1b6: {  	v10 =	vadd.f32 v10, v4;
	v4 =	vld [tilespmem:s15+$0x123D0]  }
0x1b7: {  	v1 =	vadd.f32 v11, v1;
	v11 =	vld [tilespmem:s15+$0x123E0]  }
0x1b8: {  	v13 =	vld [tilespmem:s15+$0x13780];
	v14 =	vadd.f32 v7, v0  }
0x1b9: {  	v15 =	vld [tilespmem:s15+$0x13790];
	v6 =	vadd.f32 v12, v2  }
0x1ba: {  	v12 =	vld [tilespmem:s15+$0x137A0];
	v2 =	vadd.f32 v9, v3  }
.Ltmp2:
0x1bb: {  	v7 =	vld [tilespmem:s15+$0x137B0];
	v3 =	vadd.f32 v4, v5;
	(pc) =	sbr.rel @p0 .LBB2_7-.Ltmp2, $4  }
0x1bc: {  	v4 =	vld [tilespmem:s15+$0x137C0];
	v0 =	vadd.f32 v11, v8  }
0x1bd: {  	v10 =	vadd.f32 v13, v10;
	v5 =	vld [tilespmem:s15+$0x137D0]  }
0x1be: {  	s16 =	sshra.s32 s17, $0x2;
	v9 =	vadd.f32 v15, v1;
	v8 =	vld [tilespmem:s15+$0x137E0]  }
0x1bf: {  	s17 =	sadd.s32 $0x200, s17;
	v1 =	vld [tilespmem:s16+$0xE7F0];
	[tilespmem:s15+$0x1AF80] =	vst v10;
	v10 =	vadd.f32 v12, v14  }
0x1c0: {  	v11 =	vld [tilespmem:s16+$0xFBF0];
	[tilespmem:s15+$0x1AF90] =	vst v9;
	v6 =	vadd.f32 v7, v6  }
0x1c1: {  	v9 =	vld [tilespmem:s16+$0xE780];
	[tilespmem:s15+$0x1AFA0] =	vst v10;
	v2 =	vadd.f32 v4, v2  }
0x1c2: {  	v7 =	vld [tilespmem:s16+$0x10FF0];
	[tilespmem:s15+$0x1AFB0] =	vst v6;
	v3 =	vadd.f32 v5, v3  }
0x1c3: {  	v4 =	vld [tilespmem:s16+$0xFB80];
	[tilespmem:s15+$0x1AFC0] =	vst v2;
	v0 =	vadd.f32 v8, v0  }
0x1c4: {  	v2 =	vld [tilespmem:s16+$0x123F0];
	[tilespmem:s15+$0x1AFD0] =	vst v3  }
0x1c5: {  	v3 =	vld [tilespmem:s16+$0xE790];
	[tilespmem:s15+$0x1AFE0] =	vst v0  }
0x1c6: {  	v0 =	vadd.f32 v11, v1;
	v1 =	vld [tilespmem:s16+$0x137F0]  }
0x1c7: {  	v5 =	vld [tilespmem:s16+$0xFB90]  }
0x1c8: {  	v6 =	vld [tilespmem:s16+$0xE7A0]  }
0x1c9: {  	v8 =	vld [tilespmem:s16+$0xFBB0]  }
0x1ca: {  	v10 =	vld [tilespmem:s16+$0xFBC0]  }
0x1cb: {  	v11 =	vld [tilespmem:s16+$0xFBD0]  }
0x1cc: {  	v12 =	vld [tilespmem:s16+$0xE7E0]  }
0x1cd: {  	v13 =	vld [tilespmem:s16+$0xFBE0]  }
0x1ce: {  	v14 =	vld [tilespmem:s16+$0x10F80]  }
0x1cf: {  	v15 =	vld [tilespmem:s16+$0x10F90]  }
0x1d0: {  	v16 =	vld [tilespmem:s16+$0x10FA0]  }
0x1d1: {  	v17 =	vld [tilespmem:s16+$0x10FB0]  }
0x1d2: {  	v18 =	vld [tilespmem:s16+$0x10FC0]  }
0x1d3: {  	v19 =	vld [tilespmem:s16+$0x10FD0]  }
0x1d4: {  	v20 =	vld [tilespmem:s16+$0x10FE0]  }
0x1d5: {  	v21 =	vld [tilespmem:s16+$0x12380]  }
0x1d6: {  	v22 =	vld [tilespmem:s16+$0x12390];
	v0 =	vadd.f32 v7, v0  }
0x1d7: {  	v23 =	vld [tilespmem:s16+$0x123A0]  }
0x1d8: {  	v24 =	vld [tilespmem:s16+$0x123B0];
	v0 =	vadd.f32 v2, v0  }
0x1d9: {  	v7 =	vld [tilespmem:s16+$0xFBA0]  }
0x1da: {  	v2 =	vld [tilespmem:s16+$0xE7B0];
	v0 =	vadd.f32 v1, v0  }
0x1db: {  	v1 =	vld [tilespmem:s16+$0xE7C0]  }
0x1dc: {  	v4 =	vadd.f32 v4, v9;
	[tilespmem:s16+$0x1AFF0] =	vst v0;
	v0 =	vld [tilespmem:s16+$0xE7D0]  }
0x1dd: {  	v47 =	vld [tilespmem:s16+$0x137A0];
	v3 =	vadd.f32 v5, v3  }
0x1de: {  	v48 =	vld [tilespmem:s16+$0x137B0];
	v9 =	vadd.f32 v13, v12;
	v4 =	vadd.f32 v14, v4  }
0x1df: {  	v5 =	vld [tilespmem:s16+$0x123C0];
	v6 =	vadd.f32 v7, v6;
	v2 =	vadd.f32 v8, v2  }
0x1e0: {  	v3 =	vadd.f32 v15, v3;
	v1 =	vadd.f32 v10, v1;
	v10 =	vld [tilespmem:s16+$0x13780]  }
0x1e1: {  	v2 =	vadd.f32 v17, v2;
	v0 =	vadd.f32 v11, v0;
	v11 =	vld [tilespmem:s16+$0x13790]  }
0x1e2: {  	v49 =	vld [tilespmem:s16+$0x137C0];
	v4 =	vadd.f32 v21, v4;
	v6 =	vadd.f32 v16, v6  }
0x1e3: {  	v7 =	vld [tilespmem:s16+$0x123D0];
	v3 =	vadd.f32 v22, v3;
	v2 =	vadd.f32 v24, v2  }
0x1e4: {  	v8 =	vld [tilespmem:s16+$0x123E0];
	v1 =	vadd.f32 v18, v1;
	v0 =	vadd.f32 v19, v0  }
0x1e5: {  	v2 =	vadd.f32 v48, v2;
	v4 =	vadd.f32 v10, v4;
	v10 =	vld [tilespmem:s16+$0x137D0]  }
0x1e6: {  	v1 =	vadd.f32 v5, v1;
	v3 =	vadd.f32 v11, v3;
	v11 =	vld [tilespmem:s16+$0x137E0]  }
0x1e7: {  	v9 =	vadd.f32 v20, v9;
	v6 =	vadd.f32 v23, v6;
	[tilespmem:s16+$0x1AFB0] =	vst v2  }
0x1e8: {  	v0 =	vadd.f32 v7, v0;
	v1 =	vadd.f32 v49, v1;
	[tilespmem:s16+$0x1AF80] =	vst v4  }
0x1e9: {  	v4 =	vadd.f32 v47, v6;
	[tilespmem:s16+$0x1AF90] =	vst v3;
	v3 =	vadd.f32 v8, v9  }
0x1ea: {  	s14 =	sadd.s32 s6, s14;
	[tilespmem:s16+$0x1AFC0] =	vst v1;
	v0 =	vadd.f32 v10, v0  }
0x1eb: {  	s14 =	smul.u32 $0x280, s14;
	[tilespmem:s16+$0x1AFA0] =	vst v4;
	v1 =	vadd.f32 v11, v3  }
0x1ec: {  	[tilespmem:s16+$0x1AFD0] =	vst v0  }
0x1ed: {  	s19 =	simm.s32 $0x0;
	s14 =	sadd.s32 s3, s14;
	[tilespmem:s16+$0x1AFE0] =	vst v1  }
0x1ee: {  	[hbm4b:s14+s19] =	stream.linear.scatter [tilespmem:s1], [sflag:$0x5], $0x1400, $0x38;
	[tilespmem:$0x1D780] =	vst v63  }
0x1ef: {  	_ =	swait.ge [sflag:s10], $0x1400  }
0x1f0: {  	[sflag:s10] =	ssyncset.done $0x0  }
0x1f1: {  	[sflag:s10] =	ssyncadd.s32 $0xFFFFEC00  }
0x1f2: {  	_ =	swait.ge [sflag:s11], $0x1400  }
0x1f3: {  	[sflag:s11] =	ssyncset.done $0x0  }
0x1f4: {  	[sflag:s11] =	ssyncadd.s32 $0xFFFFEC00  }
0x1f5: {  	_ =	swait.ge [sflag:s11], $0x1400  }
0x1f6: {  	[sflag:s11] =	ssyncset.done $0x0  }
0x1f7: {  	[sflag:s11] =	ssyncadd.s32 $0xFFFFEC00  }
0x1f8: {  	_ =	swait.ge [sflag:s11], $0x1400  }
0x1f9: {  	[sflag:s11] =	ssyncset.done $0x0  }
0x1fa: {  	[sflag:s11] =	ssyncadd.s32 $0xFFFFEC00  }
0x1fb: {  	_ =	swait.ge [sflag:s11], $0x1400  }
0x1fc: {  	[sflag:s11] =	ssyncset.done $0x0  }
0x1fd: {  	[sflag:s11] =	ssyncadd.s32 $0xFFFFEC00  }
0x1fe: {  	_ =	swait.ge [sflag:s11], $0x1400  }
0x1ff: {  	[sflag:s11] =	ssyncset.done $0x0  }
0x200: {  	s14 =	simm.s32 $0x0;
	[sflag:s11] =	ssyncadd.s32 $0xFFFFEC00  }
0x201: {  	v0 =	vld [tilespmem:s14+$0x14BF0]  }
0x202: {  	v1 =	vld [tilespmem:s14+$0x15FF0]  }
0x203: {  	v2 =	vld [tilespmem:s14+$0x14B80]  }
0x204: {  	v3 =	vld [tilespmem:s14+$0x173F0]  }
0x205: {  	v4 =	vld [tilespmem:s14+$0x15F80]  }
0x206: {  	v5 =	vld [tilespmem:s14+$0x187F0]  }
0x207: {  	v6 =	vld [tilespmem:s14+$0x14B90]  }
0x208: {  	v7 =	vld [tilespmem:s14+$0x15F90]  }
0x209: {  	v8 =	vld [tilespmem:s14+$0x15FA0]  }
0x20a: {  	v9 =	vld [tilespmem:s14+$0x15FB0]  }
0x20b: {  	v10 =	vld [tilespmem:s14+$0x15FC0]  }
0x20c: {  	v11 =	vld [tilespmem:s14+$0x15FD0]  }
0x20d: {  	v50 =	vld [tilespmem:s14+$0x14BE0]  }
0x20e: {  	v51 =	vld [tilespmem:s14+$0x15FE0]  }
0x20f: {  	v52 =	vld [tilespmem:s14+$0x17380]  }
0x210: {  	v53 =	vld [tilespmem:s14+$0x17390]  }
0x211: {  	v54 =	vld [tilespmem:s14+$0x173A0]  }
0x212: {  	v55 =	vld [tilespmem:s14+$0x173B0]  }
0x213: {  	v56 =	vld [tilespmem:s14+$0x173C0]  }
0x214: {  	v57 =	vld [tilespmem:s14+$0x173D0]  }
0x215: {  	v58 =	vld [tilespmem:s14+$0x173E0]  }
0x216: {  	v59 =	vld [tilespmem:s14+$0x18780];
	v0 =	vadd.f32 v1, v0  }
0x217: {  	v1 =	vld [tilespmem:s14+$0x19BF0]  }
0x218: {  	v60 =	vld [tilespmem:s14+$0x18790];
	v0 =	vadd.f32 v3, v0  }
0x219: {  	v61 =	vld [tilespmem:s14+$0x187A0]  }
0x21a: {  	v62 =	vld [tilespmem:s14+$0x187B0];
	v0 =	vadd.f32 v5, v0  }
0x21b: {  	v3 =	vld [tilespmem:s14+$0x14BA0]  }
0x21c: {  	v5 =	vld [tilespmem:s14+$0x14BB0];
	v0 =	vadd.f32 v1, v0  }
0x21d: {  	v2 =	vadd.f32 v4, v2;
	v1 =	vld [tilespmem:s14+$0x14BC0]  }
0x21e: {  	v4 =	vadd.f32 v7, v6;
	[tilespmem:s14+$0x1C3F0] =	vst v0;
	v0 =	vld [tilespmem:s14+$0x14BD0]  }
0x21f: {  	v25 =	vld [tilespmem:s14+$0x187C0];
	v6 =	vadd.f32 v51, v50;
	v2 =	vadd.f32 v52, v2  }
0x220: {  	v63 =	vld [tilespmem:s14+$0x19BA0];
	v4 =	vadd.f32 v53, v4;
	v3 =	vadd.f32 v8, v3  }
0x221: {  	v13 =	vadd.f32 v58, v6;
	v14 =	vadd.f32 v59, v2;
	v8 =	vld [tilespmem:s14+$0x19B80]  }
0x222: {  	v5 =	vadd.f32 v9, v5;
	v9 =	vld [tilespmem:s14+$0x187D0];
	v3 =	vadd.f32 v54, v3  }
0x223: {  	v1 =	vadd.f32 v10, v1;
	v0 =	vadd.f32 v11, v0;
	v11 =	vld [tilespmem:s14+$0x19B90]  }
0x224: {  	v15 =	vadd.f32 v60, v4;
	v10 =	vld [tilespmem:s14+$0x187E0];
	v5 =	vadd.f32 v55, v5  }
0x225: {  	v7 =	vld [tilespmem:s14+$0x19BB0];
	v16 =	vadd.f32 v61, v3;
	v1 =	vadd.f32 v56, v1  }
0x226: {  	v4 =	vld [tilespmem:s14+$0x19BC0];
	v14 =	vadd.f32 v8, v14;
	v0 =	vadd.f32 v57, v0  }
0x227: {  	v6 =	vadd.f32 v62, v5;
	v5 =	vld [tilespmem:s14+$0x19BD0];
	v2 =	vadd.f32 v25, v1  }
0x228: {  	s15 =	simm.s32 $0x80;
	v8 =	vld [tilespmem:s14+$0x19BE0];
	v3 =	vadd.f32 v9, v0;
	v9 =	vadd.f32 v11, v15  }
0x229: {  	s16 =	simm.s32 $0x400;
	v1 =	vld [tilespmem:s15+$0x14BF0];
	[tilespmem:s14+$0x1C380] =	vst v14;
	v0 =	vadd.f32 v10, v13;
	v10 =	vadd.f32 v63, v16  }
.LBB2_9:
0x22a: {  	p0 =	sne.s32 s16, $0x4E00;
	v11 =	vld [tilespmem:s15+$0x15FF0];
	[tilespmem:s14+$0x1C390] =	vst v9;
	v6 =	vadd.f32 v7, v6  }
0x22b: {  	v7 =	vld [tilespmem:s15+$0x14B80];
	[tilespmem:s14+$0x1C3A0] =	vst v10;
	v2 =	vadd.f32 v4, v2  }
0x22c: {  	v4 =	vld [tilespmem:s15+$0x173F0];
	[tilespmem:s14+$0x1C3B0] =	vst v6;
	v3 =	vadd.f32 v5, v3  }
0x22d: {  	v5 =	vld [tilespmem:s15+$0x15F80];
	[tilespmem:s14+$0x1C3C0] =	vst v2;
	v0 =	vadd.f32 v8, v0  }
0x22e: {  	v2 =	vld [tilespmem:s15+$0x187F0];
	[tilespmem:s14+$0x1C3D0] =	vst v3  }
0x22f: {  	v3 =	vld [tilespmem:s15+$0x14B90];
	v1 =	vadd.f32 v11, v1;
	[tilespmem:s14+$0x1C3E0] =	vst v0;
	s14 =	smov.u32 s15  }
0x230: {  	v0 =	vld [tilespmem:s14+$0x19BF0]  }
0x231: {  	v6 =	vld [tilespmem:s14+$0x15F90];
	v1 =	vadd.f32 v4, v1  }
0x232: {  	v4 =	vadd.f32 v5, v7;
	v5 =	vld [tilespmem:s14+$0x14BA0]  }
0x233: {  	v7 =	vld [tilespmem:s14+$0x15FA0];
	v1 =	vadd.f32 v2, v1  }
0x234: {  	v2 =	vld [tilespmem:s14+$0x14BB0]  }
0x235: {  	v8 =	vld [tilespmem:s14+$0x15FB0];
	v0 =	vadd.f32 v0, v1  }
0x236: {  	v1 =	vadd.f32 v6, v3;
	v3 =	vld [tilespmem:s14+$0x14BC0]  }
0x237: {  	v6 =	vld [tilespmem:s14+$0x15FC0];
	[tilespmem:s14+$0x1C3F0] =	vst v0  }
0x238: {  	v0 =	vadd.f32 v7, v5;
	v5 =	vld [tilespmem:s14+$0x14BD0]  }
0x239: {  	v7 =	vld [tilespmem:s14+$0x15FD0]  }
0x23a: {  	v2 =	vadd.f32 v8, v2;
	v8 =	vld [tilespmem:s14+$0x14BE0]  }
0x23b: {  	v9 =	vld [tilespmem:s14+$0x15FE0]  }
0x23c: {  	v10 =	vld [tilespmem:s14+$0x17380];
	v3 =	vadd.f32 v6, v3  }
0x23d: {  	v6 =	vld [tilespmem:s14+$0x17390]  }
0x23e: {  	v11 =	vld [tilespmem:s14+$0x173A0];
	v5 =	vadd.f32 v7, v5  }
0x23f: {  	v7 =	vld [tilespmem:s14+$0x173B0]  }
0x240: {  	v12 =	vld [tilespmem:s14+$0x173C0];
	v8 =	vadd.f32 v9, v8  }
0x241: {  	v4 =	vadd.f32 v10, v4;
	v9 =	vld [tilespmem:s14+$0x173D0]  }
0x242: {  	v1 =	vadd.f32 v6, v1;
	v6 =	vld [tilespmem:s14+$0x173E0]  }
0x243: {  	v10 =	vld [tilespmem:s14+$0x18780];
	v0 =	vadd.f32 v11, v0  }
0x244: {  	v11 =	vld [tilespmem:s14+$0x18790];
	v2 =	vadd.f32 v7, v2  }
0x245: {  	v7 =	vld [tilespmem:s14+$0x187A0];
	v3 =	vadd.f32 v12, v3  }
0x246: {  	v12 =	vld [tilespmem:s14+$0x187B0];
	v5 =	vadd.f32 v9, v5  }
0x247: {  	v9 =	vld [tilespmem:s14+$0x187C0];
	v8 =	vadd.f32 v6, v8  }
0x248: {  	v10 =	vadd.f32 v10, v4;
	v4 =	vld [tilespmem:s14+$0x187D0]  }
0x249: {  	v1 =	vadd.f32 v11, v1;
	v11 =	vld [tilespmem:s14+$0x187E0]  }
0x24a: {  	v13 =	vld [tilespmem:s14+$0x19B80];
	v14 =	vadd.f32 v7, v0  }
0x24b: {  	v15 =	vld [tilespmem:s14+$0x19B90];
	v6 =	vadd.f32 v12, v2  }
0x24c: {  	v12 =	vld [tilespmem:s14+$0x19BA0];
	v2 =	vadd.f32 v9, v3  }
.Ltmp3:
0x24d: {  	v7 =	vld [tilespmem:s14+$0x19BB0];
	v3 =	vadd.f32 v4, v5;
	(pc) =	sbr.rel @p0 .LBB2_9-.Ltmp3, $4  }
0x24e: {  	v4 =	vld [tilespmem:s14+$0x19BC0];
	v0 =	vadd.f32 v11, v8  }
0x24f: {  	v10 =	vadd.f32 v13, v10;
	v5 =	vld [tilespmem:s14+$0x19BD0]  }
0x250: {  	s15 =	sshra.s32 s16, $0x2;
	v9 =	vadd.f32 v15, v1;
	v8 =	vld [tilespmem:s14+$0x19BE0]  }
0x251: {  	s16 =	sadd.s32 $0x200, s16;
	v1 =	vld [tilespmem:s15+$0x14BF0];
	[tilespmem:s14+$0x1C380] =	vst v10;
	v10 =	vadd.f32 v12, v14  }
0x252: {  	v11 =	vld [tilespmem:s15+$0x15FF0];
	[tilespmem:s14+$0x1C390] =	vst v9;
	v6 =	vadd.f32 v7, v6  }
0x253: {  	v9 =	vld [tilespmem:s15+$0x14B80];
	[tilespmem:s14+$0x1C3A0] =	vst v10;
	v2 =	vadd.f32 v4, v2  }
0x254: {  	v39 =	vld [tilespmem:s15+$0x173F0];
	[tilespmem:s14+$0x1C3B0] =	vst v6;
	v3 =	vadd.f32 v5, v3  }
0x255: {  	v40 =	vld [tilespmem:s15+$0x15F80];
	[tilespmem:s14+$0x1C3C0] =	vst v2;
	v0 =	vadd.f32 v8, v0  }
0x256: {  	v2 =	vld [tilespmem:s15+$0x187F0];
	[tilespmem:s14+$0x1C3D0] =	vst v3  }
0x257: {  	v3 =	vld [tilespmem:s15+$0x14B90];
	[tilespmem:s14+$0x1C3E0] =	vst v0  }
0x258: {  	v42 =	vld [tilespmem:s15+$0x19BF0]  }
0x259: {  	v43 =	vld [tilespmem:s15+$0x15F90]  }
0x25a: {  	v6 =	vld [tilespmem:s15+$0x14BA0]  }
0x25b: {  	v44 =	vld [tilespmem:s15+$0x15FA0]  }
0x25c: {  	v45 =	vld [tilespmem:s15+$0x14BB0]  }
0x25d: {  	v46 =	vld [tilespmem:s15+$0x15FB0]  }
0x25e: {  	v47 =	vld [tilespmem:s15+$0x14BC0]  }
0x25f: {  	v10 =	vld [tilespmem:s15+$0x15FC0]  }
0x260: {  	v48 =	vld [tilespmem:s15+$0x14BD0]  }
0x261: {  	v49 =	vld [tilespmem:s15+$0x15FD0]  }
0x262: {  	v12 =	vld [tilespmem:s15+$0x14BE0]  }
0x263: {  	v13 =	vld [tilespmem:s15+$0x15FE0]  }
0x264: {  	v14 =	vld [tilespmem:s15+$0x17380]  }
0x265: {  	v15 =	vld [tilespmem:s15+$0x17390]  }
0x266: {  	v16 =	vld [tilespmem:s15+$0x173A0]  }
0x267: {  	v17 =	vld [tilespmem:s15+$0x173B0]  }
0x268: {  	v18 =	vld [tilespmem:s15+$0x173C0]  }
0x269: {  	v41 =	vadd.f32 v11, v1;
	v19 =	vld [tilespmem:s15+$0x173D0]  }
0x26a: {  	v20 =	vld [tilespmem:s15+$0x173E0]  }
0x26b: {  	v21 =	vld [tilespmem:s15+$0x18780];
	v0 =	vadd.f32 v39, v41  }
0x26c: {  	v22 =	vld [tilespmem:s15+$0x18790]  }
0x26d: {  	v23 =	vld [tilespmem:s15+$0x187A0];
	v0 =	vadd.f32 v2, v0  }
0x26e: {  	v24 =	vld [tilespmem:s15+$0x187B0];
	v4 =	vadd.f32 v40, v9  }
0x26f: {  	v50 =	vld [tilespmem:s15+$0x187C0];
	v0 =	vadd.f32 v42, v0;
	v3 =	vadd.f32 v43, v3  }
0x270: {  	v51 =	vld [tilespmem:s15+$0x187D0];
	v6 =	vadd.f32 v44, v6;
	v2 =	vadd.f32 v46, v45  }
0x271: {  	v52 =	vld [tilespmem:s15+$0x187E0];
	v1 =	vadd.f32 v10, v47;
	v53 =	vadd.f32 v13, v12  }
0x272: {  	v54 =	vld [tilespmem:s15+$0x19B80];
	v4 =	vadd.f32 v14, v4;
	[tilespmem:s15+$0x1C3F0] =	vst v0;
	v0 =	vadd.f32 v49, v48  }
0x273: {  	v55 =	vld [tilespmem:s15+$0x19B90];
	v3 =	vadd.f32 v15, v3;
	v6 =	vadd.f32 v16, v6  }
0x274: {  	v56 =	vld [tilespmem:s15+$0x19BA0];
	v2 =	vadd.f32 v17, v2;
	v1 =	vadd.f32 v18, v1  }
0x275: {  	v57 =	vld [tilespmem:s15+$0x19BB0];
	v4 =	vadd.f32 v21, v4;
	v9 =	vadd.f32 v20, v53  }
0x276: {  	v58 =	vld [tilespmem:s15+$0x19BC0];
	v0 =	vadd.f32 v19, v0;
	v3 =	vadd.f32 v22, v3  }
0x277: {  	v60 =	vld [tilespmem:s15+$0x19BE0];
	v6 =	vadd.f32 v23, v6;
	v4 =	vadd.f32 v54, v4  }
0x278: {  	v59 =	vld [tilespmem:s15+$0x19BD0];
	v2 =	vadd.f32 v24, v2;
	v3 =	vadd.f32 v55, v3  }
0x279: {  	v1 =	vadd.f32 v50, v1;
	[tilespmem:s15+$0x1C380] =	vst v4;
	v61 =	vadd.f32 v56, v6  }
0x27a: {  	v62 =	vadd.f32 v52, v9;
	v2 =	vadd.f32 v57, v2;
	[tilespmem:s15+$0x1C390] =	vst v3  }
0x27b: {  	v0 =	vadd.f32 v51, v0;
	v1 =	vadd.f32 v58, v1;
	[tilespmem:s15+$0x1C3A0] =	vst v61  }
0x27c: {  	s13 =	sadd.s32 s6, s13;
	v63 =	vadd.f32 v60, v62;
	[tilespmem:s15+$0x1C3B0] =	vst v2  }
0x27d: {  	s13 =	smul.u32 $0x280, s13;
	v0 =	vadd.f32 v59, v0;
	[tilespmem:s15+$0x1C3C0] =	vst v1  }
0x27e: {  	[tilespmem:s15+$0x1C3E0] =	vst v63  }
0x27f: {  	s12 =	sadd.s32 $0x1, s12;
	s13 =	sadd.s32 s3, s13;
	[tilespmem:s15+$0x1C3D0] =	vst v0  }
0x280: {  	[hbm4b:s13+s4] =	stream.linear.scatter [tilespmem:s5], [sflag:$0x6], $0x1400, $0x38;
	[tilespmem:$0x1D780] =	vst v63  }
0x281: {  	p0 =	sne.s32 s12, $0xA;
	_ =	swait.ge [sflag:s7], $0x1400  }
.Ltmp4:
0x282: {  	[sflag:s7] =	ssyncset.done $0x0;
	(pc) =	sbr.rel @p0 .LBB2_2-.Ltmp4, $4  }
0x283: {  	[sflag:s7] =	ssyncadd.s32 $0xFFFFEC00  }
0x284: {  	_ =	swait.ge [sflag:s10], $0x1400  }
0x285: {  	[sflag:s10] =	ssyncset.done $0x0  }
0x286: {  	[sflag:s10] =	ssyncadd.s32 $0xFFFFEC00  }
0x287: {  	s13 =	rddreg [dreg:$0x6]  }
0x288: {  	s12 =	rddreg [dreg:$0x5];
	s13 =	sadd.s32 $0x1, s13  }
0x289: {  	p0 =	sne.s32 s13, s12  }
.Ltmp5:
0x28a: {  	_ = 	snop;
	(pc) =	sbr.rel @p0 .LBB2_1-.Ltmp5, $1  }
0x28b: {  	_ =	sdelay $0x3  }
0x28c: {  	_ =	sfence.sel $0x180000  }
0x28d: {  	[bflag:$0x0] =	sbarrier.arrive $0xFFFF  }
0x28e: {  	_ =	strace $0x90000047  }
0x28f: {  	s0 =	stileid.u32;
	[bflag:$0x2] =	sbarrier.arrive $0xFFFF  }
0x290: {  	p0 =	sne.s32 s0, $0x0;
	s0 =	rddreg [dreg:$0x3]  }
0x291: {  	s0 =	sadd.s32 @!p0 $0x100000, s0  }
0x292: {  	[sflag:s0] =	ssyncadd.tile.s32 @!p0 $0x1;
	_ =	shalt  }
.Lfunc_end2:
_tile_overlayer_lowered:
.L_overlay_start_2:
0x293: {  	(tag) =	ssettag $0x2  }
0x294: {  	s0 =	rddreg [dreg:$0x0];
	s2 =	stileid.u32  }
0x295: {  	s1 =	rddreg [dreg:$0x1];
	p0 =	sne.s32 s2, $0x0  }
0x296: {  	s3 =	rddreg [dreg:$0x2];
	[bflag:$0x3] =	sbarrier.arrive $0xFFFF;
	s2 =	simm.s32 @!p0 $0x1C07  }
0x297: {  	[timem:s3], [sflag:s2] =	dma.local @!p0 [hbm:s0], s1  }
0x298: {  	s0 =	simm.s32 @!p0 $0x7  }
0x299: {  	_ =	swait.ge @!p0 [sflag:s0], s1  }
0x29a: {  	s1 =	ssub.s32 @!p0 $0x0, s1;
	[sflag:s0] =	ssyncset.done @!p0 $0x0  }
0x29b: {  	[sflag:s0] =	ssyncadd.s32 @!p0 s1  }
0x29c: {  	[bflag:$0x3] =	sbarrier.arrive $0xFFFF  }
0x29d: {  	_ =	shalt  }

// kernel: kernel.9.cloned.1.call-start
scs
__scs_entry_jumppad:
0x0: {  	(pc) =	sbr.rel $0x88, $3  }
0x1: {  	(tag) =	ssettag $0x0;
	lr =	simm.s32 $0x1  }
0x2: {  	[smem:$0x3F9E] =	sst lr;
	_ =	strace $0xD0000000  }
0x3: {  	_ = 	snop  }
0x4: {  	_ = 	snop  }
0x5: {  	_ = 	snop  }
0x6: {  	_ = 	snop  }
0x7: {  	_ = 	snop  }
__scs_overlays_trampoline_lowered:
0x8: {  	[smem:$0x3FAD] =	sst s0  }
0x9: {  	[smem:$0x3FAE] =	sst s1  }
0xa: {  	[smem:$0x3FAF] =	sst s2  }
0xb: {  	[smem:$0x3FB0] =	sst s3  }
0xc: {  	[smem:$0x3FB1] =	sst s4  }
0xd: {  	[smem:$0x3FB2] =	sst s5  }
0xe: {  	[smem:$0x3FB3] =	sst s6  }
0xf: {  	[smem:$0x3FB4] =	sst s7  }
0x10: {  	[smem:$0x3FB5] =	sst s8  }
0x11: {  	[smem:$0x3FB6] =	sst s9;
	s0 =	simm.s32 @!p0 $0x0  }
0x12: {  	s1 =	sld [smem:$0x3F9C];
	s0 =	simm.s32 @p0 $0x1  }
0x13: {  	[smem:$0x3FB7] =	sst s0;
	s0 =	simm.s32 @!p1 $0x0  }
0x14: {  	s2 =	sld [smem:$0x3F9B];
	s0 =	simm.s32 @p1 $0x1  }
0x15: {  	[smem:$0x3FB8] =	sst s0;
	s0 =	simm.s32 @!p2 $0x0  }
0x16: {  	s3 =	sld [smem:$0x3FDB];
	s0 =	simm.s32 @p2 $0x1  }
0x17: {  	s4 =	simm.s32 $0x1BF5;
	[smem:$0x3FBA] =	sst s0  }
0x18: {  	s0 =	sld [smem:$0x3F9D];
	_ =	swait.ge [sflag:s4], $0x0  }
0x19: {  	s7 =	sld [smem:$0x3F9E]  }
0x1a: {  	s8 =	sadd.s32 $0xFFFFE003, lr  }
0x1b: {  	s9 =	sadd.s32 $0xFFFFFEF7, lr;
	s5 =	simm.s32 $0xFFFFFFFF;
	p2 =	slt.u32 s8, $0xFFFFF086  }
0x1c: {  	p1 =	slt.u32 s9, $0xF7A;
	s5 =	simm.s32 @!p2 $0x0  }
0x1d: {  	s5 =	simm.s32 @p1 $0x1;
	p0 =	seq.s32 s7, s2  }
0x1e: {  	s7 =	smul.u32 @!p0 $0xF7A, s2;
	p2 =	seq.s32 @!p0 s5, $0x0  }
0x1f: {  	s9 =	smul.u32 $0xF7A, s1;
	s8 =	simm.s32 @!p0 $0x1BF5;
	p2 =	por !p2, p0  }
0x20: {  	[sflag:s8] =	ssyncset.s32 @!p0 $0xFFFFF086;
	s6 =	sadd.s32 @!p0 s3, s7;
	s7 =	simm.s32 @!p0 $0x108  }
0x21: {  	s3 =	sadd.s32 s3, s9;
	s6 =	sadd.s32 @!p0 $0x88, s6;
	s7 =	simm.s32 @p2 $0x1082  }
0x22: {  	[simem:s7], [sflag:s8] =	dma.local @!p0 [hbm:s6], $0xF7A  }
0x23: {  	s9 =	sor.u32 $0xD0000000, s2;
	s6 =	simm.s32 $0x108;
	_ =	swait.ge @!p0 [sflag:s8], $0x0  }
0x24: {  	s3 =	sadd.s32 $0x88, s3;
	s6 =	simm.s32 @!p1 $0x1082;
	[sflag:s4] =	ssyncset.s32 $0xFFFFF086  }
0x25: {  	[simem:s6], [sflag:s4] =	dma.local [hbm:s3], $0xF7A  }
0x26: {  	[smem:$0x3F9E] =	sst s1;
	(tag) =	ssettag s2;
	_ =	strace s9  }
0x27: {  	s1 =	sld [smem:$0x3FAE]  }
0x28: {  	s2 =	sld [smem:$0x3FAF]  }
0x29: {  	s4 =	sld [smem:$0x3FB1]  }
0x2a: {  	p0 =	seq.s32 s5, $0x0;
	s5 =	sld [smem:$0x3FB2]  }
0x2b: {  	s6 =	sld [smem:$0x3FB3]  }
0x2c: {  	s7 =	sld [smem:$0x3FB4]  }
0x2d: {  	s3 =	simm.s32 $0x108;
	s8 =	sld [smem:$0x3FB5]  }
0x2e: {  	s3 =	simm.s32 @!p0 $0x1082;
	s9 =	sld [smem:$0x3FB6]  }
0x2f: {  	lr =	sadd.s32 s0, s3;
	s0 =	sld [smem:$0x3FAD]  }
0x30: {  	s3 =	sld [smem:$0x3FB0]  }
0x31: {  	[smem:$0x3FB9] =	sst s10  }
0x32: {  	s10 =	sld [smem:$0x3FB7];
	_ =	sdelay $0x3  }
0x33: {  	p0 =	seq.s32 s10, $0x1;
	s10 =	sld [smem:$0x3FB9];
	_ =	sdelay $0x3  }
0x34: {  	[smem:$0x3FB9] =	sst s10  }
0x35: {  	s10 =	sld [smem:$0x3FB8];
	_ =	sdelay $0x3  }
0x36: {  	p1 =	seq.s32 s10, $0x1;
	s10 =	sld [smem:$0x3FB9];
	_ =	sdelay $0x3  }
0x37: {  	[smem:$0x3FB9] =	sst s10  }
0x38: {  	s10 =	sld [smem:$0x3FBA]  }
0x39: {  	_ = 	snop;
	(pc) =	sbr.ind lr, $3  }
0x3a: {  	_ = 	snop  }
0x3b: {  	_ = 	snop  }
0x3c: {  	p2 =	seq.s32 s10, $0x1;
	s10 =	sld [smem:$0x3FB9]  }
0x3d: {  	_ =	shalt  }
0x3e: {  	_ =	shalt  }
0x3f: {  	_ =	shalt  }
0x40: {  	_ =	shalt  }
0x41: {  	_ =	shalt  }
0x42: {  	_ =	shalt  }
0x43: {  	_ =	shalt  }
0x44: {  	_ =	shalt  }
0x45: {  	_ =	shalt  }
0x46: {  	_ =	shalt  }
0x47: {  	_ =	shalt  }
0x48: {  	_ =	shalt  }
0x49: {  	_ =	shalt  }
0x4a: {  	_ =	shalt  }
0x4b: {  	_ =	shalt  }
0x4c: {  	_ =	shalt  }
0x4d: {  	_ =	shalt  }
0x4e: {  	_ =	shalt  }
0x4f: {  	_ =	shalt  }
0x50: {  	_ =	shalt  }
0x51: {  	_ =	shalt  }
0x52: {  	_ =	shalt  }
0x53: {  	_ =	shalt  }
0x54: {  	_ =	shalt  }
0x55: {  	_ =	shalt  }
0x56: {  	_ =	shalt  }
0x57: {  	_ =	shalt  }
0x58: {  	_ =	shalt  }
0x59: {  	_ =	shalt  }
0x5a: {  	_ =	shalt  }
0x5b: {  	_ =	shalt  }
0x5c: {  	_ =	shalt  }
0x5d: {  	_ =	shalt  }
0x5e: {  	_ =	shalt  }
0x5f: {  	_ =	shalt  }
0x60: {  	_ =	shalt  }
0x61: {  	_ =	shalt  }
0x62: {  	_ =	shalt  }
0x63: {  	_ =	shalt  }
0x64: {  	_ =	shalt  }
0x65: {  	_ =	shalt  }
0x66: {  	_ =	shalt  }
0x67: {  	_ =	shalt  }
0x68: {  	_ =	shalt  }
0x69: {  	_ =	shalt  }
0x6a: {  	_ =	shalt  }
0x6b: {  	_ =	shalt  }
0x6c: {  	_ =	shalt  }
0x6d: {  	_ =	shalt  }
0x6e: {  	_ =	shalt  }
0x6f: {  	_ =	shalt  }
0x70: {  	_ =	shalt  }
0x71: {  	_ =	shalt  }
0x72: {  	_ =	shalt  }
0x73: {  	_ =	shalt  }
0x74: {  	_ =	shalt  }
0x75: {  	_ =	shalt  }
0x76: {  	_ =	shalt  }
0x77: {  	_ =	shalt  }
0x78: {  	_ =	shalt  }
0x79: {  	_ =	shalt  }
0x7a: {  	_ =	shalt  }
0x7b: {  	_ =	shalt  }
0x7c: {  	_ =	shalt  }
0x7d: {  	_ =	shalt  }
0x7e: {  	_ =	shalt  }
0x7f: {  	_ =	shalt  }
0x80: {  	_ =	shalt  }
0x81: {  	_ =	shalt  }
0x82: {  	_ =	shalt  }
0x83: {  	_ =	shalt  }
0x84: {  	_ =	shalt  }
0x85: {  	_ =	shalt  }
0x86: {  	_ =	shalt  }
0x87: {  	_ =	shalt  }
.Lfunc_end0:
.L_simem_size_0:
called_computation.1_lowered:
.L_overlay_start_0:
0x88: {  	s2 =	sld [smem:$0x3FD9]  }
0x89: {  	s3 =	sld [smem:$0x3FFE];
	_ =	sdelay $0x1  }
0x8a: {  	s1 =	srdreg.scid  }
0x8b: {  	s0 =	sand.u32 $0x1, s1  }
0x8c: {  	s17 =	sshll.u32 s0, $0xA;
	s2 =	sadd.s32 s3, s2  }
0x8d: {  	s2 =	sadd.s32 s2, s17  }
0x8e: {  	[smem:$0x3FC5] =	sst s2  }
0x8f: {  	_ = 	snop  }
0x90: {  	s18 =	sld [smem:$0x3FC9];
	(tm) =	ssettm $0x1  }
0x91: {  	s19 =	sld [smem:$0x3FFB];
	_ =	sdelay $0x3  }
0x92: {  	_ =	strace s19  }
0x93: {  	s2 =	sld [smem:$0x3FFC];
	_ =	sdelay $0x3  }
0x94: {  	_ =	strace s2  }
0x95: {  	s2 =	sld [smem:$0x3FFD];
	_ =	sdelay $0x3  }
0x96: {  	_ =	strace s2  }
0x97: {  	_ =	strace $0x8FFFFFFF  }
0x98: {  	s20 =	sld [smem:$0x3FDB];
	_ =	sdelay $0x1  }
0x99: {  	s4 =	simm.s32 $_scs_section_size  }
0x9a: {  	s5 =	simm.s32 $_size__tile_overlayer_lowered;
	s6 =	simm.s32 $_tile_overlayer_lowered  }
0x9b: {  	s7 =	simm.s32 $0x1BFF;
	s21 =	sshll.u32 s6, $0x1;
	s4 =	sadd.s32 s4, s20  }
0x9c: {  	s22 =	simm.s32 $0x0;
	s5 =	sshll.u32 s5, $0x1;
	s6 =	sadd.s32 s21, s4  }
0x9d: {  	[timem:s22], [sflag:s7] =	dma.local [hbm:s6], s5  }
0x9e: {  	_ =	swait.ge [sflag:s7], s5  }
0x9f: {  	s5 =	ssub.s32 $0x0, s5;
	[sflag:s7] =	ssyncset.done $0x0  }
0xa0: {  	[sflag:s7] =	ssyncadd.s32 s5;
	_ =	sdelay $0x1  }
0xa1: {  	s23 =	simm.s32 $0x1B8B  }
0xa2: {  	_ =	swait.ge [sflag:s23], $0x1  }
0xa3: {  	[sflag:s23] =	ssyncset.done $0x0  }
0xa4: {  	[sflag:s23] =	ssyncadd.s32 $0xFFFFFFFF  }
0xa5: {  	s5 =	sld [smem:$0x0]  }
0xa6: {  	s6 =	sand.u32 $0xFFFFFFFE, s1  }
0xa7: {  	p0 =	sne.s32 s1, s6  }
0xa8: {  	s6 =	sshll.u32 @p0 s6, $0xE  }
0xa9: {  	s6 =	sadd.s32 @p0 $0x11B8D, s6;
	s7 =	sshll.u32 @p0 s5, $0x11  }
0xaa: {  	s6 =	sor.u32 @p0 s7, s6  }
0xab: {  	[sflag:s6] =	ssyncadd.remote.s32 @p0 $0x1;
	_ =	sdelay $0x1  }
0xac: {  	s6 =	simm.s32 @p0 $0x1B8D  }
0xad: {  	_ =	swait.eq @p0 [sflag:s6], $0x1  }
0xae: {  	[sflag:s6] =	ssyncadd.s32 @p0 $0xFFFFFFFF  }
0xaf: {  	s7 =	sshll.u32 @!p0 s1, $0xE  }
0xb0: {  	s7 =	sor.u32 @!p0 $0x4000, s7;
	s6 =	simm.s32 @!p0 $0x1B8D  }
0xb1: {  	s5 =	sshll.u32 @!p0 s5, $0x11;
	s7 =	sadd.s32 @!p0 $0x11B8D, s7;
	_ =	swait.eq @!p0 [sflag:s6], $0x1  }
0xb2: {  	s5 =	sor.u32 @!p0 s5, s7;
	[sflag:s6] =	ssyncadd.s32 @!p0 $0xFFFFFFFF  }
0xb3: {  	s25 =	simm.s32 $0x1B8E;
	s24 =	sld [smem:$0x3FFE];
	[sflag:s5] =	ssyncadd.remote.s32 @!p0 $0x1  }
0xb4: {  	s26 =	simm.s32 $execute0_lowered;
	[smem:$0x3FD2] =	sst s25  }
0xb5: {  	s6 =	sshll.u32 s26, $0x1;
	_ =	strace $0x80000049;
	[dreg:$0x1] =	wrdreg $0xFFFFFFFF  }
0xb6: {  	s28 =	simm.s32 $_size_execute0_lowered;
	s4 =	sadd.s32 s4, s6;
	[dreg:$0x0] =	wrdreg $0x0  }
0xb7: {  	s6 =	sshll.u32 s28, $0x1;
	[dreg:$0x2] =	wrdreg s4  }
0xb8: {  	[dreg:$0x3] =	wrdreg s6  }
0xb9: {  	[dreg:$0x4] =	wrdreg $0xC0  }
0xba: {  	_ =	task [dreg:s22], $0x5FFFF  }
0xbb: {  	[dreg:$0x1] =	wrdreg $0xFFFFFFFF  }
0xbc: {  	[dreg:$0x0] =	wrdreg $0x60  }
0xbd: {  	[dreg:$0x2] =	wrdreg s24  }
0xbe: {  	[dreg:$0x3] =	wrdreg s18  }
0xbf: {  	[dreg:$0x4] =	wrdreg $0xA  }
0xc0: {  	_ =	task.clear_ibuf [dreg:s22], $0x5FFFF;
	_ =	strace $0x90000049  }
0xc1: {  	s29 =	simm.s32 $0xA;
	_ =	strace $0x8000004B  }
0xc2: {  	_ =	swait.ge [sflag:s29], $0x1  }
0xc3: {  	[sflag:s29] =	ssyncadd.s32 $0xFFFFFFFF  }
0xc4: {  	_ =	strace $0x9000004B  }
0xc5: {  	_ =	sfence  }
0xc6: {  	s30 =	sld [smem:$0x0];
	_ =	sdelay $0x2  }
0xc7: {  	s31 =	sshll.u32 s1, $0xD;
	s1 =	sshrl.u32 s1, $0x2  }
0xc8: {  	s4 =	sand.u32 $0x4000, s31;
	s1 =	sadd.s32 s1, s30  }
0xc9: {  	s0 =	sor.u32 s4, s0;
	s1 =	sshll.u32 s1, $0x11  }
0xca: {  	s0 =	sor.u32 s1, s0  }
0xcb: {  	s0 =	sadd.s32 $0x8F2B, s0  }
0xcc: {  	[sflag:s0] =	ssyncadd.remote.s32 $0x1  }
0xcd: {  	_ =	sfence.sel $0xFFFF  }
0xce: {  	[dreg:$0x0] =	wrdreg $0xFFFFFFFF;
	(pc) =	sbr.abs _section_cstart, $3  }
0xcf: {  	[dreg:$0x1] =	wrdreg $0xFFFFFFFF  }
0xd0: {  	_ =	task.clear_ibuf [dreg:s22], $0x2FFFF;
	_ =	strace $0x9FFFFFFF  }
0xd1: {  	(tm) =	ssettm $0x7FFFFFFF  }
tec
execute0_lowered:
.L_overlay_start_1:
0x0: {  	(tag) =	ssettag $0x1  }
0x1: {  	s0 =	srdreg.scid;
	s2 =	stileid.u32  }
0x2: {  	s1 =	rddreg [dreg:$0x0];
	s9 =	simm.s32 $0x28;
	s20 =	simm.s32 $0xE780  }
0x3: {  	s21 =	simm.s32 $0xFB80;
	s22 =	simm.s32 $0x10F80;
	s23 =	simm.s32 $0x12380  }
0x4: {  	s24 =	simm.s32 $0x13780;
	s25 =	simm.s32 $0x14B80;
	s28 =	simm.s32 $0x17380  }
0x5: {  	s29 =	simm.s32 $0x18780;
	s30 =	simm.s32 $0x19B80;
	s31 =	simm.s32 $0x1  }
0x6: {  	s8 =	simm.s32 $0x3;
	s10 =	simm.s32 $0x6;
	s11 =	simm.s32 $0x4  }
0x7: {  	s13 =	simm.s32 $0x0;
	s0 =	sand.u32 $0x1, s0;
	s3 =	sshll.u32 s2, $0x1  }
0x8: {  	s5 =	sor.u32 s0, s3;
	s3 =	simm.s32 $0x0;
	s0 =	ssub.s32 $0x2, s0  }
0x9: {  	s4 =	smul.u32 $0x3E8, s5;
	[smem:$0x7FF] =	sst s3;
	s7 =	sshrl.u32 s0, $0x1  }
0xa: {  	s2 =	rddreg [dreg:$0x1];
	_ =	strace $0x8000004A;
	s0 =	ssub.s32 s0, s7  }
0xb: {  	s7 =	simm.s32 $0x5;
	s6 =	sadd.s32 s4, s1;
	s4 =	sadd.s32 $0x10800, s1  }
0xc: {  	s0 =	smax.u32 s0, $0x1;
	s1 =	simm.s32 $0x1AF80;
	s26 =	sadd.s32 $0x8A00, s6  }
0xd: {  	s6 =	smul.u32 $0x28, s5;
	[dreg:$0x4] =	wrdreg s0;
	s0 =	simm.s32 $0x2  }
0xe: {  	s5 =	simm.s32 $0x1C380;
	[dreg:$0x3] =	wrdreg s26;
	s26 =	simm.s32 $0x15F80  }
.LBB2_1:
0xf: {  	[dreg:$0x5] =	wrdreg s13  }
0x10: {  	s12 =	rddreg [dreg:$0x3];
	s19 =	simm.s32 $0x7  }
0x11: {  	[tilespmem:s3], [sflag:$0x7] =	stream.linear.gather [hbm4b:s12+s3], $0x1F40, $0x38;
	[tilespmem:$0x1D780] =	vst v63  }
0x12: {  	_ =	swait.ge [sflag:s19], $0x1F40  }
0x13: {  	[sflag:s19] =	ssyncset.done $0x0  }
0x14: {  	s12 =	simm.s32 $0x0;
	[sflag:s19] =	ssyncadd.s32 $0xFFFFE0C0  }
.LBB2_2:
0x15: {  	s13 =	smul.u32 $0xC80, s12;
	_ =	sdelay $0x1  }
0x16: {  	s14 =	simm.s32 $0x1F80;
	s13 =	sshra.s32 s13, $0x2  }
0x17: {  	[tilespmem:s14], [sflag:$0x1] =	stream.indirect.gather [hbm4b:s2+s9], $0x80, s13, s9, $0xb8;
	[tilespmem:$0x1D780] =	vst v63  }
0x18: {  	s15 =	simm.s32 $0x3380;
	s19 =	sadd.s32 $0x28, s13  }
0x19: {  	[tilespmem:s15], [sflag:$0x1] =	stream.indirect.gather [hbm4b:s2+s9], $0x80, s19, s9, $0xb8;
	[tilespmem:$0x1D780] =	vst v63  }
0x1a: {  	s16 =	simm.s32 $0x4780;
	s15 =	sadd.s32 $0x50, s13  }
0x1b: {  	[tilespmem:s16], [sflag:$0x1] =	stream.indirect.gather [hbm4b:s2+s9], $0x80, s15, s9, $0xb8;
	[tilespmem:$0x1D780] =	vst v63  }
0x1c: {  	s16 =	sshll.u32 s12, $0x2  }
0x1d: {  	s18 =	simm.s32 $0x5B80;
	s17 =	sadd.s32 $0x78, s13;
	s15 =	sor.u32 $0x1, s16  }
0x1e: {  	[tilespmem:s18], [sflag:$0x1] =	stream.indirect.gather [hbm4b:s2+s9], $0x80, s17, s9, $0xb8;
	[tilespmem:$0x1D780] =	vst v63  }
0x1f: {  	s13 =	sadd.s32 $0xA0, s13;
	s19 =	smul.u32 $0x320, s15;
	s17 =	simm.s32 $0x6F80  }
0x20: {  	[tilespmem:s17], [sflag:$0x1] =	stream.indirect.gather [hbm4b:s2+s9], $0x80, s13, s9, $0xb8;
	[tilespmem:$0x1D780] =	vst v63  }
0x21: {  	s13 =	sshra.s32 s19, $0x2;
	s17 =	simm.s32 $0x8380  }
0x22: {  	[tilespmem:s17], [sflag:$0x2] =	stream.indirect.gather [hbm4b:s2+s9], $0x80, s13, s9, $0xb8;
	[tilespmem:$0x1D780] =	vst v63  }
0x23: {  	s19 =	simm.s32 $0x9780;
	s18 =	sadd.s32 $0x28, s13  }
0x24: {  	[tilespmem:s19], [sflag:$0x2] =	stream.indirect.gather [hbm4b:s2+s9], $0x80, s18, s9, $0xb8;
	[tilespmem:$0x1D780] =	vst v63  }
0x25: {  	s18 =	sadd.s32 $0x50, s13;
	s19 =	simm.s32 $0xAB80  }
0x26: {  	[tilespmem:s19], [sflag:$0x2] =	stream.indirect.gather [hbm4b:s2+s9], $0x80, s18, s9, $0xb8;
	[tilespmem:$0x1D780] =	vst v63  }
0x27: {  	s14 =	sor.u32 $0x2, s16;
	s17 =	sadd.s32 $0x78, s13;
	s18 =	simm.s32 $0xBF80  }
0x28: {  	[tilespmem:s18], [sflag:$0x2] =	stream.indirect.gather [hbm4b:s2+s9], $0x80, s17, s9, $0xb8;
	[tilespmem:$0x1D780] =	vst v63  }
0x29: {  	s13 =	sadd.s32 $0xA0, s13;
	s19 =	smul.u32 $0x320, s14;
	s18 =	simm.s32 $0xD380  }
0x2a: {  	[tilespmem:s18], [sflag:$0x2] =	stream.indirect.gather [hbm4b:s2+s9], $0x80, s13, s9, $0xb8;
	[tilespmem:$0x1D780] =	vst v63  }
0x2b: {  	s17 =	sshra.s32 s19, $0x2  }
0x2c: {  	[tilespmem:s20], [sflag:$0x3] =	stream.indirect.gather [hbm4b:s2+s9], $0x80, s17, s9, $0xb8;
	[tilespmem:$0x1D780] =	vst v63  }
0x2d: {  	s18 =	sadd.s32 $0x28, s17  }
0x2e: {  	[tilespmem:s21], [sflag:$0x3] =	stream.indirect.gather [hbm4b:s2+s9], $0x80, s18, s9, $0xb8;
	[tilespmem:$0x1D780] =	vst v63  }
0x2f: {  	s19 =	sadd.s32 $0x50, s17  }
0x30: {  	[tilespmem:s22], [sflag:$0x3] =	stream.indirect.gather [hbm4b:s2+s9], $0x80, s19, s9, $0xb8;
	[tilespmem:$0x1D780] =	vst v63  }
0x31: {  	s13 =	sshllo.u32 s12, $0x2;
	s18 =	sadd.s32 $0x78, s17  }
0x32: {  	[tilespmem:s23], [sflag:$0x3] =	stream.indirect.gather [hbm4b:s2+s9], $0x80, s18, s9, $0xb8;
	[tilespmem:$0x1D780] =	vst v63  }
0x33: {  	s17 =	sadd.s32 $0xA0, s17;
	s19 =	smul.u32 $0x320, s13  }
0x34: {  	[tilespmem:s24], [sflag:$0x3] =	stream.indirect.gather [hbm4b:s2+s9], $0x80, s17, s9, $0xb8;
	[tilespmem:$0x1D780] =	vst v63  }
0x35: {  	s17 =	sshra.s32 s19, $0x2  }
0x36: {  	[tilespmem:s25], [sflag:$0x4] =	stream.indirect.gather [hbm4b:s2+s9], $0x80, s17, s9, $0xb8;
	[tilespmem:$0x1D780] =	vst v63  }
0x37: {  	s18 =	sadd.s32 $0x28, s17  }
0x38: {  	[tilespmem:s26], [sflag:$0x4] =	stream.indirect.gather [hbm4b:s2+s9], $0x80, s18, s9, $0xb8;
	[tilespmem:$0x1D780] =	vst v63  }
0x39: {  	s19 =	sadd.s32 $0x50, s17  }
0x3a: {  	[tilespmem:s28], [sflag:$0x4] =	stream.indirect.gather [hbm4b:s2+s9], $0x80, s19, s9, $0xb8;
	[tilespmem:$0x1D780] =	vst v63  }
0x3b: {  	s19 =	sadd.s32 $0x78, s17  }
0x3c: {  	[tilespmem:s29], [sflag:$0x4] =	stream.indirect.gather [hbm4b:s2+s9], $0x80, s19, s9, $0xb8;
	[tilespmem:$0x1D780] =	vst v63  }
0x3d: {  	s17 =	sadd.s32 $0xA0, s17  }
0x3e: {  	[tilespmem:s30], [sflag:$0x4] =	stream.indirect.gather [hbm4b:s2+s9], $0x80, s17, s9, $0xb8;
	[tilespmem:$0x1D780] =	vst v63  }
0x3f: {  	_ =	swait.ge [sflag:s31], $0x1400  }
0x40: {  	[sflag:s31] =	ssyncset.done $0x0  }
0x41: {  	[sflag:s31] =	ssyncadd.s32 $0xFFFFEC00  }
0x42: {  	_ =	swait.ge [sflag:s31], $0x1400  }
0x43: {  	[sflag:s31] =	ssyncset.done $0x0  }
0x44: {  	[sflag:s31] =	ssyncadd.s32 $0xFFFFEC00  }
0x45: {  	_ =	swait.ge [sflag:s31], $0x1400  }
0x46: {  	[sflag:s31] =	ssyncset.done $0x0  }
0x47: {  	[sflag:s31] =	ssyncadd.s32 $0xFFFFEC00  }
0x48: {  	_ =	swait.ge [sflag:s31], $0x1400  }
0x49: {  	[sflag:s31] =	ssyncset.done $0x0  }
0x4a: {  	[sflag:s31] =	ssyncadd.s32 $0xFFFFEC00  }
0x4b: {  	_ =	swait.ge [sflag:s31], $0x1400  }
0x4c: {  	[sflag:s31] =	ssyncset.done $0x0  }
0x4d: {  	s17 =	simm.s32 $0x0;
	[sflag:s31] =	ssyncadd.s32 $0xFFFFEC00  }
0x4e: {  	v0 =	vld [tilespmem:s17+$0x1FF0]  }
0x4f: {  	v1 =	vld [tilespmem:s17+$0x33F0]  }
0x50: {  	v2 =	vld [tilespmem:s17+$0x1F80]  }
0x51: {  	v3 =	vld [tilespmem:s17+$0x47F0]  }
0x52: {  	v4 =	vld [tilespmem:s17+$0x3380]  }
0x53: {  	v5 =	vld [tilespmem:s17+$0x5BF0]  }
0x54: {  	v6 =	vld [tilespmem:s17+$0x1F90]  }
0x55: {  	v7 =	vld [tilespmem:s17+$0x3390]  }
0x56: {  	v8 =	vld [tilespmem:s17+$0x33A0]  }
0x57: {  	v9 =	vld [tilespmem:s17+$0x33B0]  }
0x58: {  	v10 =	vld [tilespmem:s17+$0x33C0]  }
0x59: {  	v11 =	vld [tilespmem:s17+$0x33D0]  }
0x5a: {  	v12 =	vld [tilespmem:s17+$0x1FE0]  }
0x5b: {  	v13 =	vld [tilespmem:s17+$0x33E0]  }
0x5c: {  	v14 =	vld [tilespmem:s17+$0x4780]  }
0x5d: {  	v15 =	vld [tilespmem:s17+$0x4790]  }
0x5e: {  	v16 =	vld [tilespmem:s17+$0x47A0]  }
0x5f: {  	v17 =	vld [tilespmem:s17+$0x47B0]  }
0x60: {  	v18 =	vld [tilespmem:s17+$0x47C0]  }
0x61: {  	v19 =	vld [tilespmem:s17+$0x47D0]  }
0x62: {  	v20 =	vld [tilespmem:s17+$0x47E0]  }
0x63: {  	v21 =	vld [tilespmem:s17+$0x5B80];
	v0 =	vadd.f32 v1, v0  }
0x64: {  	v1 =	vld [tilespmem:s17+$0x6FF0]  }
0x65: {  	v22 =	vld [tilespmem:s17+$0x5B90];
	v0 =	vadd.f32 v3, v0  }
0x66: {  	v23 =	vld [tilespmem:s17+$0x5BA0]  }
0x67: {  	v24 =	vld [tilespmem:s17+$0x5BB0];
	v0 =	vadd.f32 v5, v0  }
0x68: {  	v3 =	vld [tilespmem:s17+$0x1FA0]  }
0x69: {  	v5 =	vld [tilespmem:s17+$0x1FB0];
	v0 =	vadd.f32 v1, v0  }
0x6a: {  	v2 =	vadd.f32 v4, v2;
	v1 =	vld [tilespmem:s17+$0x1FC0]  }
0x6b: {  	v4 =	vadd.f32 v7, v6;
	[tilespmem:s17+$0x1AFF0] =	vst v0;
	v0 =	vld [tilespmem:s17+$0x1FD0]  }
0x6c: {  	v25 =	vld [tilespmem:s17+$0x5BC0];
	v6 =	vadd.f32 v13, v12;
	v2 =	vadd.f32 v14, v2  }
0x6d: {  	v63 =	vld [tilespmem:s17+$0x6FA0];
	v4 =	vadd.f32 v15, v4;
	v3 =	vadd.f32 v8, v3  }
0x6e: {  	v13 =	vadd.f32 v20, v6;
	v14 =	vadd.f32 v21, v2;
	v8 =	vld [tilespmem:s17+$0x6F80]  }
0x6f: {  	v5 =	vadd.f32 v9, v5;
	v9 =	vld [tilespmem:s17+$0x5BD0];
	v3 =	vadd.f32 v16, v3  }
0x70: {  	v1 =	vadd.f32 v10, v1;
	v0 =	vadd.f32 v11, v0;
	v11 =	vld [tilespmem:s17+$0x6F90]  }
0x71: {  	v15 =	vadd.f32 v22, v4;
	v10 =	vld [tilespmem:s17+$0x5BE0];
	v5 =	vadd.f32 v17, v5  }
0x72: {  	v7 =	vld [tilespmem:s17+$0x6FB0];
	v16 =	vadd.f32 v23, v3;
	v1 =	vadd.f32 v18, v1  }
0x73: {  	v4 =	vld [tilespmem:s17+$0x6FC0];
	v14 =	vadd.f32 v8, v14;
	v0 =	vadd.f32 v19, v0  }
0x74: {  	v6 =	vadd.f32 v24, v5;
	v5 =	vld [tilespmem:s17+$0x6FD0];
	v2 =	vadd.f32 v25, v1  }
0x75: {  	s18 =	simm.s32 $0x80;
	v8 =	vld [tilespmem:s17+$0x6FE0];
	v3 =	vadd.f32 v9, v0;
	v9 =	vadd.f32 v11, v15  }
0x76: {  	s19 =	simm.s32 $0x400;
	v1 =	vld [tilespmem:s18+$0x1FF0];
	[tilespmem:s17+$0x1AF80] =	vst v14;
	v0 =	vadd.f32 v10, v13;
	v10 =	vadd.f32 v63, v16  }
.LBB2_3:
0x77: {  	p0 =	sne.s32 s19, $0x4E00;
	v11 =	vld [tilespmem:s18+$0x33F0];
	[tilespmem:s17+$0x1AF90] =	vst v9;
	v6 =	vadd.f32 v7, v6  }
0x78: {  	v7 =	vld [tilespmem:s18+$0x1F80];
	[tilespmem:s17+$0x1AFA0] =	vst v10;
	v2 =	vadd.f32 v4, v2  }
0x79: {  	v4 =	vld [tilespmem:s18+$0x47F0];
	[tilespmem:s17+$0x1AFB0] =	vst v6;
	v3 =	vadd.f32 v5, v3  }
0x7a: {  	v5 =	vld [tilespmem:s18+$0x3380];
	[tilespmem:s17+$0x1AFC0] =	vst v2;
	v0 =	vadd.f32 v8, v0  }
0x7b: {  	v2 =	vld [tilespmem:s18+$0x5BF0];
	[tilespmem:s17+$0x1AFD0] =	vst v3  }
0x7c: {  	v3 =	vld [tilespmem:s18+$0x1F90];
	v1 =	vadd.f32 v11, v1;
	[tilespmem:s17+$0x1AFE0] =	vst v0;
	s17 =	smov.u32 s18  }
0x7d: {  	v0 =	vld [tilespmem:s17+$0x6FF0]  }
0x7e: {  	v6 =	vld [tilespmem:s17+$0x3390];
	v1 =	vadd.f32 v4, v1  }
0x7f: {  	v4 =	vadd.f32 v5, v7;
	v5 =	vld [tilespmem:s17+$0x1FA0]  }
0x80: {  	v7 =	vld [tilespmem:s17+$0x33A0];
	v1 =	vadd.f32 v2, v1  }
0x81: {  	v2 =	vld [tilespmem:s17+$0x1FB0]  }
0x82: {  	v8 =	vld [tilespmem:s17+$0x33B0];
	v0 =	vadd.f32 v0, v1  }
0x83: {  	v1 =	vadd.f32 v6, v3;
	v3 =	vld [tilespmem:s17+$0x1FC0]  }
0x84: {  	v6 =	vld [tilespmem:s17+$0x33C0];
	[tilespmem:s17+$0x1AFF0] =	vst v0  }
0x85: {  	v0 =	vadd.f32 v7, v5;
	v5 =	vld [tilespmem:s17+$0x1FD0]  }
0x86: {  	v7 =	vld [tilespmem:s17+$0x33D0]  }
0x87: {  	v2 =	vadd.f32 v8, v2;
	v8 =	vld [tilespmem:s17+$0x1FE0]  }
0x88: {  	v9 =	vld [tilespmem:s17+$0x33E0]  }
0x89: {  	v10 =	vld [tilespmem:s17+$0x4780];
	v3 =	vadd.f32 v6, v3  }
0x8a: {  	v6 =	vld [tilespmem:s17+$0x4790]  }
0x8b: {  	v11 =	vld [tilespmem:s17+$0x47A0];
	v5 =	vadd.f32 v7, v5  }
0x8c: {  	v7 =	vld [tilespmem:s17+$0x47B0]  }
0x8d: {  	v12 =	vld [tilespmem:s17+$0x47C0];
	v8 =	vadd.f32 v9, v8  }
0x8e: {  	v4 =	vadd.f32 v10, v4;
	v9 =	vld [tilespmem:s17+$0x47D0]  }
0x8f: {  	v1 =	vadd.f32 v6, v1;
	v6 =	vld [tilespmem:s17+$0x47E0]  }
0x90: {  	v10 =	vld [tilespmem:s17+$0x5B80];
	v0 =	vadd.f32 v11, v0  }
0x91: {  	v11 =	vld [tilespmem:s17+$0x5B90];
	v2 =	vadd.f32 v7, v2  }
0x92: {  	v7 =	vld [tilespmem:s17+$0x5BA0];
	v3 =	vadd.f32 v12, v3  }
0x93: {  	v12 =	vld [tilespmem:s17+$0x5BB0];
	v5 =	vadd.f32 v9, v5  }
0x94: {  	v9 =	vld [tilespmem:s17+$0x5BC0];
	v8 =	vadd.f32 v6, v8  }
0x95: {  	v10 =	vadd.f32 v10, v4;
	v4 =	vld [tilespmem:s17+$0x5BD0]  }
0x96: {  	v1 =	vadd.f32 v11, v1;
	v11 =	vld [tilespmem:s17+$0x5BE0]  }
0x97: {  	v13 =	vld [tilespmem:s17+$0x6F80];
	v14 =	vadd.f32 v7, v0  }
0x98: {  	v15 =	vld [tilespmem:s17+$0x6F90];
	v6 =	vadd.f32 v12, v2  }
0x99: {  	v12 =	vld [tilespmem:s17+$0x6FA0];
	v2 =	vadd.f32 v9, v3  }
.Ltmp0:
0x9a: {  	v7 =	vld [tilespmem:s17+$0x6FB0];
	v3 =	vadd.f32 v4, v5;
	(pc) =	sbr.rel @p0 .LBB2_3-.Ltmp0, $4  }
0x9b: {  	v4 =	vld [tilespmem:s17+$0x6FC0];
	v0 =	vadd.f32 v11, v8  }
0x9c: {  	v10 =	vadd.f32 v13, v10;
	v5 =	vld [tilespmem:s17+$0x6FD0]  }
0x9d: {  	s18 =	sshra.s32 s19, $0x2;
	v9 =	vadd.f32 v15, v1;
	v8 =	vld [tilespmem:s17+$0x6FE0]  }
0x9e: {  	s19 =	sadd.s32 $0x200, s19;
	v1 =	vld [tilespmem:s18+$0x1FF0];
	[tilespmem:s17+$0x1AF80] =	vst v10;
	v10 =	vadd.f32 v12, v14  }
0x9f: {  	v11 =	vld [tilespmem:s18+$0x33F0];
	[tilespmem:s17+$0x1AF90] =	vst v9;
	v6 =	vadd.f32 v7, v6  }
0xa0: {  	v9 =	vld [tilespmem:s18+$0x1F80];
	[tilespmem:s17+$0x1AFA0] =	vst v10;
	v2 =	vadd.f32 v4, v2  }
0xa1: {  	v7 =	vld [tilespmem:s18+$0x47F0];
	[tilespmem:s17+$0x1AFB0] =	vst v6;
	v3 =	vadd.f32 v5, v3  }
0xa2: {  	v4 =	vld [tilespmem:s18+$0x3380];
	[tilespmem:s17+$0x1AFC0] =	vst v2;
	v0 =	vadd.f32 v8, v0  }
0xa3: {  	v2 =	vld [tilespmem:s18+$0x5BF0];
	[tilespmem:s17+$0x1AFD0] =	vst v3  }
0xa4: {  	v3 =	vld [tilespmem:s18+$0x1F90];
	[tilespmem:s17+$0x1AFE0] =	vst v0  }
0xa5: {  	v0 =	vadd.f32 v11, v1;
	v1 =	vld [tilespmem:s18+$0x6FF0]  }
0xa6: {  	v5 =	vld [tilespmem:s18+$0x3390]  }
0xa7: {  	v6 =	vld [tilespmem:s18+$0x1FA0]  }
0xa8: {  	v8 =	vld [tilespmem:s18+$0x33B0]  }
0xa9: {  	v10 =	vld [tilespmem:s18+$0x33C0]  }
0xaa: {  	v11 =	vld [tilespmem:s18+$0x33D0]  }
0xab: {  	v12 =	vld [tilespmem:s18+$0x1FE0]  }
0xac: {  	v13 =	vld [tilespmem:s18+$0x33E0]  }
0xad: {  	v14 =	vld [tilespmem:s18+$0x4780]  }
0xae: {  	v15 =	vld [tilespmem:s18+$0x4790]  }
0xaf: {  	v16 =	vld [tilespmem:s18+$0x47A0]  }
0xb0: {  	v17 =	vld [tilespmem:s18+$0x47B0]  }
0xb1: {  	v18 =	vld [tilespmem:s18+$0x47C0]  }
0xb2: {  	v19 =	vld [tilespmem:s18+$0x47D0]  }
0xb3: {  	v20 =	vld [tilespmem:s18+$0x47E0]  }
0xb4: {  	v21 =	vld [tilespmem:s18+$0x5B80]  }
0xb5: {  	v22 =	vld [tilespmem:s18+$0x5B90];
	v0 =	vadd.f32 v7, v0  }
0xb6: {  	v23 =	vld [tilespmem:s18+$0x5BA0]  }
0xb7: {  	v24 =	vld [tilespmem:s18+$0x5BB0];
	v0 =	vadd.f32 v2, v0  }
0xb8: {  	v7 =	vld [tilespmem:s18+$0x33A0]  }
0xb9: {  	v2 =	vld [tilespmem:s18+$0x1FB0];
	v0 =	vadd.f32 v1, v0  }
0xba: {  	v1 =	vld [tilespmem:s18+$0x1FC0]  }
0xbb: {  	v4 =	vadd.f32 v4, v9;
	[tilespmem:s18+$0x1AFF0] =	vst v0;
	v0 =	vld [tilespmem:s18+$0x1FD0]  }
0xbc: {  	v47 =	vld [tilespmem:s18+$0x6FA0];
	v3 =	vadd.f32 v5, v3  }
0xbd: {  	v48 =	vld [tilespmem:s18+$0x6FB0];
	v9 =	vadd.f32 v13, v12;
	v4 =	vadd.f32 v14, v4  }
0xbe: {  	v5 =	vld [tilespmem:s18+$0x5BC0];
	v6 =	vadd.f32 v7, v6;
	v2 =	vadd.f32 v8, v2  }
0xbf: {  	v3 =	vadd.f32 v15, v3;
	v1 =	vadd.f32 v10, v1;
	v10 =	vld [tilespmem:s18+$0x6F80]  }
0xc0: {  	v2 =	vadd.f32 v17, v2;
	v0 =	vadd.f32 v11, v0;
	v11 =	vld [tilespmem:s18+$0x6F90]  }
0xc1: {  	v49 =	vld [tilespmem:s18+$0x6FC0];
	v4 =	vadd.f32 v21, v4;
	v6 =	vadd.f32 v16, v6  }
0xc2: {  	v7 =	vld [tilespmem:s18+$0x5BD0];
	v3 =	vadd.f32 v22, v3;
	v2 =	vadd.f32 v24, v2  }
0xc3: {  	v8 =	vld [tilespmem:s18+$0x5BE0];
	v1 =	vadd.f32 v18, v1;
	v0 =	vadd.f32 v19, v0  }
0xc4: {  	v2 =	vadd.f32 v48, v2;
	v4 =	vadd.f32 v10, v4;
	v10 =	vld [tilespmem:s18+$0x6FD0]  }
0xc5: {  	v1 =	vadd.f32 v5, v1;
	v3 =	vadd.f32 v11, v3;
	v11 =	vld [tilespmem:s18+$0x6FE0]  }
0xc6: {  	v9 =	vadd.f32 v20, v9;
	v6 =	vadd.f32 v23, v6;
	[tilespmem:s18+$0x1AFB0] =	vst v2  }
0xc7: {  	v0 =	vadd.f32 v7, v0;
	v1 =	vadd.f32 v49, v1;
	[tilespmem:s18+$0x1AF80] =	vst v4  }
0xc8: {  	s16 =	sadd.s32 s6, s16;
	v4 =	vadd.f32 v47, v6;
	[tilespmem:s18+$0x1AF90] =	vst v3;
	v3 =	vadd.f32 v8, v9  }
0xc9: {  	s16 =	smin.u32 s16, $0x4C3;
	[tilespmem:s18+$0x1AFC0] =	vst v1;
	v0 =	vadd.f32 v10, v0  }
0xca: {  	s16 =	smul.u32 $0x280, s16;
	[tilespmem:s18+$0x1AFA0] =	vst v4;
	v1 =	vadd.f32 v11, v3  }
0xcb: {  	[tilespmem:s18+$0x1AFD0] =	vst v0  }
0xcc: {  	s19 =	simm.s32 $0x0;
	s16 =	sadd.s32 s4, s16;
	[tilespmem:s18+$0x1AFE0] =	vst v1  }
0xcd: {  	[hbm4b:s16+s19] =	stream.linear.scatter [tilespmem:s1], [sflag:$0x5], $0x1400, $0x38;
	[tilespmem:$0x1D780] =	vst v63  }
0xce: {  	_ =	swait.ge [sflag:s0], $0x1400  }
0xcf: {  	[sflag:s0] =	ssyncset.done $0x0  }
0xd0: {  	[sflag:s0] =	ssyncadd.s32 $0xFFFFEC00  }
0xd1: {  	_ =	swait.ge [sflag:s0], $0x1400  }
0xd2: {  	[sflag:s0] =	ssyncset.done $0x0  }
0xd3: {  	[sflag:s0] =	ssyncadd.s32 $0xFFFFEC00  }
0xd4: {  	_ =	swait.ge [sflag:s0], $0x1400  }
0xd5: {  	[sflag:s0] =	ssyncset.done $0x0  }
0xd6: {  	[sflag:s0] =	ssyncadd.s32 $0xFFFFEC00  }
0xd7: {  	_ =	swait.ge [sflag:s0], $0x1400  }
0xd8: {  	[sflag:s0] =	ssyncset.done $0x0  }
0xd9: {  	[sflag:s0] =	ssyncadd.s32 $0xFFFFEC00  }
0xda: {  	_ =	swait.ge [sflag:s0], $0x1400  }
0xdb: {  	[sflag:s0] =	ssyncset.done $0x0  }
0xdc: {  	s16 =	simm.s32 $0x0;
	[sflag:s0] =	ssyncadd.s32 $0xFFFFEC00  }
0xdd: {  	v0 =	vld [tilespmem:s16+$0x83F0]  }
0xde: {  	v1 =	vld [tilespmem:s16+$0x97F0]  }
0xdf: {  	v2 =	vld [tilespmem:s16+$0x8380]  }
0xe0: {  	v3 =	vld [tilespmem:s16+$0xABF0]  }
0xe1: {  	v4 =	vld [tilespmem:s16+$0x9780]  }
0xe2: {  	v5 =	vld [tilespmem:s16+$0xBFF0]  }
0xe3: {  	v6 =	vld [tilespmem:s16+$0x8390]  }
0xe4: {  	v7 =	vld [tilespmem:s16+$0x9790]  }
0xe5: {  	v8 =	vld [tilespmem:s16+$0x97A0]  }
0xe6: {  	v9 =	vld [tilespmem:s16+$0x97B0]  }
0xe7: {  	v10 =	vld [tilespmem:s16+$0x97C0]  }
0xe8: {  	v11 =	vld [tilespmem:s16+$0x97D0]  }
0xe9: {  	v50 =	vld [tilespmem:s16+$0x83E0]  }
0xea: {  	v51 =	vld [tilespmem:s16+$0x97E0]  }
0xeb: {  	v52 =	vld [tilespmem:s16+$0xAB80]  }
0xec: {  	v53 =	vld [tilespmem:s16+$0xAB90]  }
0xed: {  	v54 =	vld [tilespmem:s16+$0xABA0]  }
0xee: {  	v55 =	vld [tilespmem:s16+$0xABB0]  }
0xef: {  	v56 =	vld [tilespmem:s16+$0xABC0]  }
0xf0: {  	v57 =	vld [tilespmem:s16+$0xABD0]  }
0xf1: {  	v58 =	vld [tilespmem:s16+$0xABE0]  }
0xf2: {  	v59 =	vld [tilespmem:s16+$0xBF80];
	v0 =	vadd.f32 v1, v0  }
0xf3: {  	v1 =	vld [tilespmem:s16+$0xD3F0]  }
0xf4: {  	v60 =	vld [tilespmem:s16+$0xBF90];
	v0 =	vadd.f32 v3, v0  }
0xf5: {  	v61 =	vld [tilespmem:s16+$0xBFA0]  }
0xf6: {  	v62 =	vld [tilespmem:s16+$0xBFB0];
	v0 =	vadd.f32 v5, v0  }
0xf7: {  	v3 =	vld [tilespmem:s16+$0x83A0]  }
0xf8: {  	v5 =	vld [tilespmem:s16+$0x83B0];
	v0 =	vadd.f32 v1, v0  }
0xf9: {  	v2 =	vadd.f32 v4, v2;
	v1 =	vld [tilespmem:s16+$0x83C0]  }
0xfa: {  	v4 =	vadd.f32 v7, v6;
	[tilespmem:s16+$0x1C3F0] =	vst v0;
	v0 =	vld [tilespmem:s16+$0x83D0]  }
0xfb: {  	v25 =	vld [tilespmem:s16+$0xBFC0];
	v6 =	vadd.f32 v51, v50;
	v2 =	vadd.f32 v52, v2  }
0xfc: {  	v63 =	vld [tilespmem:s16+$0xD3A0];
	v4 =	vadd.f32 v53, v4;
	v3 =	vadd.f32 v8, v3  }
0xfd: {  	v13 =	vadd.f32 v58, v6;
	v14 =	vadd.f32 v59, v2;
	v8 =	vld [tilespmem:s16+$0xD380]  }
0xfe: {  	v5 =	vadd.f32 v9, v5;
	v9 =	vld [tilespmem:s16+$0xBFD0];
	v3 =	vadd.f32 v54, v3  }
0xff: {  	v1 =	vadd.f32 v10, v1;
	v0 =	vadd.f32 v11, v0;
	v11 =	vld [tilespmem:s16+$0xD390]  }
0x100: {  	v15 =	vadd.f32 v60, v4;
	v10 =	vld [tilespmem:s16+$0xBFE0];
	v5 =	vadd.f32 v55, v5  }
0x101: {  	v7 =	vld [tilespmem:s16+$0xD3B0];
	v16 =	vadd.f32 v61, v3;
	v1 =	vadd.f32 v56, v1  }
0x102: {  	v4 =	vld [tilespmem:s16+$0xD3C0];
	v14 =	vadd.f32 v8, v14;
	v0 =	vadd.f32 v57, v0  }
0x103: {  	v6 =	vadd.f32 v62, v5;
	v5 =	vld [tilespmem:s16+$0xD3D0];
	v2 =	vadd.f32 v25, v1  }
0x104: {  	s17 =	simm.s32 $0x80;
	v8 =	vld [tilespmem:s16+$0xD3E0];
	v3 =	vadd.f32 v9, v0;
	v9 =	vadd.f32 v11, v15  }
0x105: {  	s18 =	simm.s32 $0x400;
	v1 =	vld [tilespmem:s17+$0x83F0];
	[tilespmem:s16+$0x1C380] =	vst v14;
	v0 =	vadd.f32 v10, v13;
	v10 =	vadd.f32 v63, v16  }
.LBB2_5:
0x106: {  	p0 =	sne.s32 s18, $0x4E00;
	v11 =	vld [tilespmem:s17+$0x97F0];
	[tilespmem:s16+$0x1C390] =	vst v9;
	v6 =	vadd.f32 v7, v6  }
0x107: {  	v7 =	vld [tilespmem:s17+$0x8380];
	[tilespmem:s16+$0x1C3A0] =	vst v10;
	v2 =	vadd.f32 v4, v2  }
0x108: {  	v4 =	vld [tilespmem:s17+$0xABF0];
	[tilespmem:s16+$0x1C3B0] =	vst v6;
	v3 =	vadd.f32 v5, v3  }
0x109: {  	v5 =	vld [tilespmem:s17+$0x9780];
	[tilespmem:s16+$0x1C3C0] =	vst v2;
	v0 =	vadd.f32 v8, v0  }
0x10a: {  	v2 =	vld [tilespmem:s17+$0xBFF0];
	[tilespmem:s16+$0x1C3D0] =	vst v3  }
0x10b: {  	v3 =	vld [tilespmem:s17+$0x8390];
	v1 =	vadd.f32 v11, v1;
	[tilespmem:s16+$0x1C3E0] =	vst v0;
	s16 =	smov.u32 s17  }
0x10c: {  	v0 =	vld [tilespmem:s16+$0xD3F0]  }
0x10d: {  	v6 =	vld [tilespmem:s16+$0x9790];
	v1 =	vadd.f32 v4, v1  }
0x10e: {  	v4 =	vadd.f32 v5, v7;
	v5 =	vld [tilespmem:s16+$0x83A0]  }
0x10f: {  	v7 =	vld [tilespmem:s16+$0x97A0];
	v1 =	vadd.f32 v2, v1  }
0x110: {  	v2 =	vld [tilespmem:s16+$0x83B0]  }
0x111: {  	v8 =	vld [tilespmem:s16+$0x97B0];
	v0 =	vadd.f32 v0, v1  }
0x112: {  	v1 =	vadd.f32 v6, v3;
	v3 =	vld [tilespmem:s16+$0x83C0]  }
0x113: {  	v6 =	vld [tilespmem:s16+$0x97C0];
	[tilespmem:s16+$0x1C3F0] =	vst v0  }
0x114: {  	v0 =	vadd.f32 v7, v5;
	v5 =	vld [tilespmem:s16+$0x83D0]  }
0x115: {  	v7 =	vld [tilespmem:s16+$0x97D0]  }
0x116: {  	v2 =	vadd.f32 v8, v2;
	v8 =	vld [tilespmem:s16+$0x83E0]  }
0x117: {  	v9 =	vld [tilespmem:s16+$0x97E0]  }
0x118: {  	v10 =	vld [tilespmem:s16+$0xAB80];
	v3 =	vadd.f32 v6, v3  }
0x119: {  	v6 =	vld [tilespmem:s16+$0xAB90]  }
0x11a: {  	v11 =	vld [tilespmem:s16+$0xABA0];
	v5 =	vadd.f32 v7, v5  }
0x11b: {  	v7 =	vld [tilespmem:s16+$0xABB0]  }
0x11c: {  	v12 =	vld [tilespmem:s16+$0xABC0];
	v8 =	vadd.f32 v9, v8  }
0x11d: {  	v4 =	vadd.f32 v10, v4;
	v9 =	vld [tilespmem:s16+$0xABD0]  }
0x11e: {  	v1 =	vadd.f32 v6, v1;
	v6 =	vld [tilespmem:s16+$0xABE0]  }
0x11f: {  	v10 =	vld [tilespmem:s16+$0xBF80];
	v0 =	vadd.f32 v11, v0  }
0x120: {  	v11 =	vld [tilespmem:s16+$0xBF90];
	v2 =	vadd.f32 v7, v2  }
0x121: {  	v7 =	vld [tilespmem:s16+$0xBFA0];
	v3 =	vadd.f32 v12, v3  }
0x122: {  	v12 =	vld [tilespmem:s16+$0xBFB0];
	v5 =	vadd.f32 v9, v5  }
0x123: {  	v9 =	vld [tilespmem:s16+$0xBFC0];
	v8 =	vadd.f32 v6, v8  }
0x124: {  	v10 =	vadd.f32 v10, v4;
	v4 =	vld [tilespmem:s16+$0xBFD0]  }
0x125: {  	v1 =	vadd.f32 v11, v1;
	v11 =	vld [tilespmem:s16+$0xBFE0]  }
0x126: {  	v13 =	vld [tilespmem:s16+$0xD380];
	v14 =	vadd.f32 v7, v0  }
0x127: {  	v15 =	vld [tilespmem:s16+$0xD390];
	v6 =	vadd.f32 v12, v2  }
0x128: {  	v12 =	vld [tilespmem:s16+$0xD3A0];
	v2 =	vadd.f32 v9, v3  }
.Ltmp1:
0x129: {  	v7 =	vld [tilespmem:s16+$0xD3B0];
	v3 =	vadd.f32 v4, v5;
	(pc) =	sbr.rel @p0 .LBB2_5-.Ltmp1, $4  }
0x12a: {  	v4 =	vld [tilespmem:s16+$0xD3C0];
	v0 =	vadd.f32 v11, v8  }
0x12b: {  	v10 =	vadd.f32 v13, v10;
	v5 =	vld [tilespmem:s16+$0xD3D0]  }
0x12c: {  	s17 =	sshra.s32 s18, $0x2;
	v9 =	vadd.f32 v15, v1;
	v8 =	vld [tilespmem:s16+$0xD3E0]  }
0x12d: {  	s18 =	sadd.s32 $0x200, s18;
	v1 =	vld [tilespmem:s17+$0x83F0];
	[tilespmem:s16+$0x1C380] =	vst v10;
	v10 =	vadd.f32 v12, v14  }
0x12e: {  	v11 =	vld [tilespmem:s17+$0x97F0];
	[tilespmem:s16+$0x1C390] =	vst v9;
	v6 =	vadd.f32 v7, v6  }
0x12f: {  	v9 =	vld [tilespmem:s17+$0x8380];
	[tilespmem:s16+$0x1C3A0] =	vst v10;
	v2 =	vadd.f32 v4, v2  }
0x130: {  	v7 =	vld [tilespmem:s17+$0xABF0];
	[tilespmem:s16+$0x1C3B0] =	vst v6;
	v3 =	vadd.f32 v5, v3  }
0x131: {  	v4 =	vld [tilespmem:s17+$0x9780];
	[tilespmem:s16+$0x1C3C0] =	vst v2;
	v0 =	vadd.f32 v8, v0  }
0x132: {  	v2 =	vld [tilespmem:s17+$0xBFF0];
	[tilespmem:s16+$0x1C3D0] =	vst v3  }
0x133: {  	v3 =	vld [tilespmem:s17+$0x8390];
	[tilespmem:s16+$0x1C3E0] =	vst v0  }
0x134: {  	v0 =	vadd.f32 v11, v1;
	v1 =	vld [tilespmem:s17+$0xD3F0]  }
0x135: {  	v5 =	vld [tilespmem:s17+$0x9790]  }
0x136: {  	v6 =	vld [tilespmem:s17+$0x83A0]  }
0x137: {  	v8 =	vld [tilespmem:s17+$0x97B0]  }
0x138: {  	v10 =	vld [tilespmem:s17+$0x97C0]  }
0x139: {  	v11 =	vld [tilespmem:s17+$0x97D0]  }
0x13a: {  	v12 =	vld [tilespmem:s17+$0x83E0]  }
0x13b: {  	v13 =	vld [tilespmem:s17+$0x97E0]  }
0x13c: {  	v14 =	vld [tilespmem:s17+$0xAB80]  }
0x13d: {  	v15 =	vld [tilespmem:s17+$0xAB90]  }
0x13e: {  	v16 =	vld [tilespmem:s17+$0xABA0]  }
0x13f: {  	v17 =	vld [tilespmem:s17+$0xABB0]  }
0x140: {  	v18 =	vld [tilespmem:s17+$0xABC0]  }
0x141: {  	v19 =	vld [tilespmem:s17+$0xABD0]  }
0x142: {  	v20 =	vld [tilespmem:s17+$0xABE0]  }
0x143: {  	v21 =	vld [tilespmem:s17+$0xBF80]  }
0x144: {  	v22 =	vld [tilespmem:s17+$0xBF90];
	v0 =	vadd.f32 v7, v0  }
0x145: {  	v23 =	vld [tilespmem:s17+$0xBFA0]  }
0x146: {  	v24 =	vld [tilespmem:s17+$0xBFB0];
	v0 =	vadd.f32 v2, v0  }
0x147: {  	v7 =	vld [tilespmem:s17+$0x97A0]  }
0x148: {  	v2 =	vld [tilespmem:s17+$0x83B0];
	v0 =	vadd.f32 v1, v0  }
0x149: {  	v1 =	vld [tilespmem:s17+$0x83C0]  }
0x14a: {  	v4 =	vadd.f32 v4, v9;
	[tilespmem:s17+$0x1C3F0] =	vst v0;
	v0 =	vld [tilespmem:s17+$0x83D0]  }
0x14b: {  	v47 =	vld [tilespmem:s17+$0xD3A0];
	v3 =	vadd.f32 v5, v3  }
0x14c: {  	v48 =	vld [tilespmem:s17+$0xD3B0];
	v9 =	vadd.f32 v13, v12;
	v4 =	vadd.f32 v14, v4  }
0x14d: {  	v5 =	vld [tilespmem:s17+$0xBFC0];
	v6 =	vadd.f32 v7, v6;
	v2 =	vadd.f32 v8, v2  }
0x14e: {  	v3 =	vadd.f32 v15, v3;
	v1 =	vadd.f32 v10, v1;
	v10 =	vld [tilespmem:s17+$0xD380]  }
0x14f: {  	v2 =	vadd.f32 v17, v2;
	v0 =	vadd.f32 v11, v0;
	v11 =	vld [tilespmem:s17+$0xD390]  }
0x150: {  	v49 =	vld [tilespmem:s17+$0xD3C0];
	v4 =	vadd.f32 v21, v4;
	v6 =	vadd.f32 v16, v6  }
0x151: {  	v7 =	vld [tilespmem:s17+$0xBFD0];
	v3 =	vadd.f32 v22, v3;
	v2 =	vadd.f32 v24, v2  }
0x152: {  	v8 =	vld [tilespmem:s17+$0xBFE0];
	v1 =	vadd.f32 v18, v1;
	v0 =	vadd.f32 v19, v0  }
0x153: {  	v2 =	vadd.f32 v48, v2;
	v4 =	vadd.f32 v10, v4;
	v10 =	vld [tilespmem:s17+$0xD3D0]  }
0x154: {  	v1 =	vadd.f32 v5, v1;
	v3 =	vadd.f32 v11, v3;
	v11 =	vld [tilespmem:s17+$0xD3E0]  }
0x155: {  	v9 =	vadd.f32 v20, v9;
	v6 =	vadd.f32 v23, v6;
	[tilespmem:s17+$0x1C3B0] =	vst v2  }
0x156: {  	v0 =	vadd.f32 v7, v0;
	v1 =	vadd.f32 v49, v1;
	[tilespmem:s17+$0x1C380] =	vst v4  }
0x157: {  	s15 =	sadd.s32 s6, s15;
	v4 =	vadd.f32 v47, v6;
	[tilespmem:s17+$0x1C390] =	vst v3;
	v3 =	vadd.f32 v8, v9  }
0x158: {  	s15 =	smin.u32 s15, $0x4C3;
	[tilespmem:s17+$0x1C3C0] =	vst v1;
	v0 =	vadd.f32 v10, v0  }
0x159: {  	s15 =	smul.u32 $0x280, s15;
	[tilespmem:s17+$0x1C3A0] =	vst v4;
	v1 =	vadd.f32 v11, v3  }
0x15a: {  	[tilespmem:s17+$0x1C3D0] =	vst v0  }
0x15b: {  	s19 =	simm.s32 $0x0;
	s15 =	sadd.s32 s4, s15;
	[tilespmem:s17+$0x1C3E0] =	vst v1  }
0x15c: {  	[hbm4b:s15+s19] =	stream.linear.scatter [tilespmem:s5], [sflag:$0x6], $0x1400, $0x38;
	[tilespmem:$0x1D780] =	vst v63  }
0x15d: {  	_ =	swait.ge [sflag:s7], $0x1400  }
0x15e: {  	[sflag:s7] =	ssyncset.done $0x0  }
0x15f: {  	[sflag:s7] =	ssyncadd.s32 $0xFFFFEC00  }
0x160: {  	_ =	swait.ge [sflag:s8], $0x1400  }
0x161: {  	[sflag:s8] =	ssyncset.done $0x0  }
0x162: {  	[sflag:s8] =	ssyncadd.s32 $0xFFFFEC00  }
0x163: {  	_ =	swait.ge [sflag:s8], $0x1400  }
0x164: {  	[sflag:s8] =	ssyncset.done $0x0  }
0x165: {  	[sflag:s8] =	ssyncadd.s32 $0xFFFFEC00  }
0x166: {  	_ =	swait.ge [sflag:s8], $0x1400  }
0x167: {  	[sflag:s8] =	ssyncset.done $0x0  }
0x168: {  	[sflag:s8] =	ssyncadd.s32 $0xFFFFEC00  }
0x169: {  	_ =	swait.ge [sflag:s8], $0x1400  }
0x16a: {  	[sflag:s8] =	ssyncset.done $0x0  }
0x16b: {  	[sflag:s8] =	ssyncadd.s32 $0xFFFFEC00  }
0x16c: {  	_ =	swait.ge [sflag:s8], $0x1400  }
0x16d: {  	[sflag:s8] =	ssyncset.done $0x0  }
0x16e: {  	s15 =	simm.s32 $0x0;
	[sflag:s8] =	ssyncadd.s32 $0xFFFFEC00  }
0x16f: {  	v0 =	vld [tilespmem:s15+$0xE7F0]  }
0x170: {  	v1 =	vld [tilespmem:s15+$0xFBF0]  }
0x171: {  	v2 =	vld [tilespmem:s15+$0xE780]  }
0x172: {  	v3 =	vld [tilespmem:s15+$0x10FF0]  }
0x173: {  	v4 =	vld [tilespmem:s15+$0xFB80]  }
0x174: {  	v5 =	vld [tilespmem:s15+$0x123F0]  }
0x175: {  	v6 =	vld [tilespmem:s15+$0xE790]  }
0x176: {  	v7 =	vld [tilespmem:s15+$0xFB90]  }
0x177: {  	v8 =	vld [tilespmem:s15+$0xFBA0]  }
0x178: {  	v9 =	vld [tilespmem:s15+$0xFBB0]  }
0x179: {  	v10 =	vld [tilespmem:s15+$0xFBC0]  }
0x17a: {  	v11 =	vld [tilespmem:s15+$0xFBD0]  }
0x17b: {  	v50 =	vld [tilespmem:s15+$0xE7E0]  }
0x17c: {  	v51 =	vld [tilespmem:s15+$0xFBE0]  }
0x17d: {  	v52 =	vld [tilespmem:s15+$0x10F80]  }
0x17e: {  	v53 =	vld [tilespmem:s15+$0x10F90]  }
0x17f: {  	v54 =	vld [tilespmem:s15+$0x10FA0]  }
0x180: {  	v55 =	vld [tilespmem:s15+$0x10FB0]  }
0x181: {  	v56 =	vld [tilespmem:s15+$0x10FC0]  }
0x182: {  	v57 =	vld [tilespmem:s15+$0x10FD0]  }
0x183: {  	v58 =	vld [tilespmem:s15+$0x10FE0]  }
0x184: {  	v59 =	vld [tilespmem:s15+$0x12380];
	v0 =	vadd.f32 v1, v0  }
0x185: {  	v1 =	vld [tilespmem:s15+$0x137F0]  }
0x186: {  	v60 =	vld [tilespmem:s15+$0x12390];
	v0 =	vadd.f32 v3, v0  }
0x187: {  	v61 =	vld [tilespmem:s15+$0x123A0]  }
0x188: {  	v62 =	vld [tilespmem:s15+$0x123B0];
	v0 =	vadd.f32 v5, v0  }
0x189: {  	v3 =	vld [tilespmem:s15+$0xE7A0]  }
0x18a: {  	v5 =	vld [tilespmem:s15+$0xE7B0];
	v0 =	vadd.f32 v1, v0  }
0x18b: {  	v2 =	vadd.f32 v4, v2;
	v1 =	vld [tilespmem:s15+$0xE7C0]  }
0x18c: {  	v4 =	vadd.f32 v7, v6;
	[tilespmem:s15+$0x1AFF0] =	vst v0;
	v0 =	vld [tilespmem:s15+$0xE7D0]  }
0x18d: {  	v25 =	vld [tilespmem:s15+$0x123C0];
	v6 =	vadd.f32 v51, v50;
	v2 =	vadd.f32 v52, v2  }
0x18e: {  	v63 =	vld [tilespmem:s15+$0x137A0];
	v4 =	vadd.f32 v53, v4;
	v3 =	vadd.f32 v8, v3  }
0x18f: {  	v13 =	vadd.f32 v58, v6;
	v14 =	vadd.f32 v59, v2;
	v8 =	vld [tilespmem:s15+$0x13780]  }
0x190: {  	v5 =	vadd.f32 v9, v5;
	v9 =	vld [tilespmem:s15+$0x123D0];
	v3 =	vadd.f32 v54, v3  }
0x191: {  	v1 =	vadd.f32 v10, v1;
	v0 =	vadd.f32 v11, v0;
	v11 =	vld [tilespmem:s15+$0x13790]  }
0x192: {  	v15 =	vadd.f32 v60, v4;
	v10 =	vld [tilespmem:s15+$0x123E0];
	v5 =	vadd.f32 v55, v5  }
0x193: {  	v7 =	vld [tilespmem:s15+$0x137B0];
	v16 =	vadd.f32 v61, v3;
	v1 =	vadd.f32 v56, v1  }
0x194: {  	v4 =	vld [tilespmem:s15+$0x137C0];
	v14 =	vadd.f32 v8, v14;
	v0 =	vadd.f32 v57, v0  }
0x195: {  	v6 =	vadd.f32 v62, v5;
	v5 =	vld [tilespmem:s15+$0x137D0];
	v2 =	vadd.f32 v25, v1  }
0x196: {  	s16 =	simm.s32 $0x80;
	v8 =	vld [tilespmem:s15+$0x137E0];
	v3 =	vadd.f32 v9, v0;
	v9 =	vadd.f32 v11, v15  }
0x197: {  	s17 =	simm.s32 $0x400;
	v1 =	vld [tilespmem:s16+$0xE7F0];
	[tilespmem:s15+$0x1AF80] =	vst v14;
	v0 =	vadd.f32 v10, v13;
	v10 =	vadd.f32 v63, v16  }
.LBB2_7:
0x198: {  	p0 =	sne.s32 s17, $0x4E00;
	v11 =	vld [tilespmem:s16+$0xFBF0];
	[tilespmem:s15+$0x1AF90] =	vst v9;
	v6 =	vadd.f32 v7, v6  }
0x199: {  	v7 =	vld [tilespmem:s16+$0xE780];
	[tilespmem:s15+$0x1AFA0] =	vst v10;
	v2 =	vadd.f32 v4, v2  }
0x19a: {  	v4 =	vld [tilespmem:s16+$0x10FF0];
	[tilespmem:s15+$0x1AFB0] =	vst v6;
	v3 =	vadd.f32 v5, v3  }
0x19b: {  	v5 =	vld [tilespmem:s16+$0xFB80];
	[tilespmem:s15+$0x1AFC0] =	vst v2;
	v0 =	vadd.f32 v8, v0  }
0x19c: {  	v2 =	vld [tilespmem:s16+$0x123F0];
	[tilespmem:s15+$0x1AFD0] =	vst v3  }
0x19d: {  	v3 =	vld [tilespmem:s16+$0xE790];
	v1 =	vadd.f32 v11, v1;
	[tilespmem:s15+$0x1AFE0] =	vst v0;
	s15 =	smov.u32 s16  }
0x19e: {  	v0 =	vld [tilespmem:s15+$0x137F0]  }
0x19f: {  	v6 =	vld [tilespmem:s15+$0xFB90];
	v1 =	vadd.f32 v4, v1  }
0x1a0: {  	v4 =	vadd.f32 v5, v7;
	v5 =	vld [tilespmem:s15+$0xE7A0]  }
0x1a1: {  	v7 =	vld [tilespmem:s15+$0xFBA0];
	v1 =	vadd.f32 v2, v1  }
0x1a2: {  	v2 =	vld [tilespmem:s15+$0xE7B0]  }
0x1a3: {  	v8 =	vld [tilespmem:s15+$0xFBB0];
	v0 =	vadd.f32 v0, v1  }
0x1a4: {  	v1 =	vadd.f32 v6, v3;
	v3 =	vld [tilespmem:s15+$0xE7C0]  }
0x1a5: {  	v6 =	vld [tilespmem:s15+$0xFBC0];
	[tilespmem:s15+$0x1AFF0] =	vst v0  }
0x1a6: {  	v0 =	vadd.f32 v7, v5;
	v5 =	vld [tilespmem:s15+$0xE7D0]  }
0x1a7: {  	v7 =	vld [tilespmem:s15+$0xFBD0]  }
0x1a8: {  	v2 =	vadd.f32 v8, v2;
	v8 =	vld [tilespmem:s15+$0xE7E0]  }
0x1a9: {  	v9 =	vld [tilespmem:s15+$0xFBE0]  }
0x1aa: {  	v10 =	vld [tilespmem:s15+$0x10F80];
	v3 =	vadd.f32 v6, v3  }
0x1ab: {  	v6 =	vld [tilespmem:s15+$0x10F90]  }
0x1ac: {  	v11 =	vld [tilespmem:s15+$0x10FA0];
	v5 =	vadd.f32 v7, v5  }
0x1ad: {  	v7 =	vld [tilespmem:s15+$0x10FB0]  }
0x1ae: {  	v12 =	vld [tilespmem:s15+$0x10FC0];
	v8 =	vadd.f32 v9, v8  }
0x1af: {  	v4 =	vadd.f32 v10, v4;
	v9 =	vld [tilespmem:s15+$0x10FD0]  }
0x1b0: {  	v1 =	vadd.f32 v6, v1;
	v6 =	vld [tilespmem:s15+$0x10FE0]  }
0x1b1: {  	v10 =	vld [tilespmem:s15+$0x12380];
	v0 =	vadd.f32 v11, v0  }
0x1b2: {  	v11 =	vld [tilespmem:s15+$0x12390];
	v2 =	vadd.f32 v7, v2  }
0x1b3: {  	v7 =	vld [tilespmem:s15+$0x123A0];
	v3 =	vadd.f32 v12, v3  }
0x1b4: {  	v12 =	vld [tilespmem:s15+$0x123B0];
	v5 =	vadd.f32 v9, v5  }
0x1b5: {  	v9 =	vld [tilespmem:s15+$0x123C0];
	v8 =	vadd.f32 v6, v8  }
0x1b6: {  	v10 =	vadd.f32 v10, v4;
	v4 =	vld [tilespmem:s15+$0x123D0]  }
0x1b7: {  	v1 =	vadd.f32 v11, v1;
	v11 =	vld [tilespmem:s15+$0x123E0]  }
0x1b8: {  	v13 =	vld [tilespmem:s15+$0x13780];
	v14 =	vadd.f32 v7, v0  }
0x1b9: {  	v15 =	vld [tilespmem:s15+$0x13790];
	v6 =	vadd.f32 v12, v2  }
0x1ba: {  	v12 =	vld [tilespmem:s15+$0x137A0];
	v2 =	vadd.f32 v9, v3  }
.Ltmp2:
0x1bb: {  	v7 =	vld [tilespmem:s15+$0x137B0];
	v3 =	vadd.f32 v4, v5;
	(pc) =	sbr.rel @p0 .LBB2_7-.Ltmp2, $4  }
0x1bc: {  	v4 =	vld [tilespmem:s15+$0x137C0];
	v0 =	vadd.f32 v11, v8  }
0x1bd: {  	v10 =	vadd.f32 v13, v10;
	v5 =	vld [tilespmem:s15+$0x137D0]  }
0x1be: {  	s16 =	sshra.s32 s17, $0x2;
	v9 =	vadd.f32 v15, v1;
	v8 =	vld [tilespmem:s15+$0x137E0]  }
0x1bf: {  	s17 =	sadd.s32 $0x200, s17;
	v1 =	vld [tilespmem:s16+$0xE7F0];
	[tilespmem:s15+$0x1AF80] =	vst v10;
	v10 =	vadd.f32 v12, v14  }
0x1c0: {  	v11 =	vld [tilespmem:s16+$0xFBF0];
	[tilespmem:s15+$0x1AF90] =	vst v9;
	v6 =	vadd.f32 v7, v6  }
0x1c1: {  	v9 =	vld [tilespmem:s16+$0xE780];
	[tilespmem:s15+$0x1AFA0] =	vst v10;
	v2 =	vadd.f32 v4, v2  }
0x1c2: {  	v7 =	vld [tilespmem:s16+$0x10FF0];
	[tilespmem:s15+$0x1AFB0] =	vst v6;
	v3 =	vadd.f32 v5, v3  }
0x1c3: {  	v4 =	vld [tilespmem:s16+$0xFB80];
	[tilespmem:s15+$0x1AFC0] =	vst v2;
	v0 =	vadd.f32 v8, v0  }
0x1c4: {  	v2 =	vld [tilespmem:s16+$0x123F0];
	[tilespmem:s15+$0x1AFD0] =	vst v3  }
0x1c5: {  	v3 =	vld [tilespmem:s16+$0xE790];
	[tilespmem:s15+$0x1AFE0] =	vst v0  }
0x1c6: {  	v0 =	vadd.f32 v11, v1;
	v1 =	vld [tilespmem:s16+$0x137F0]  }
0x1c7: {  	v5 =	vld [tilespmem:s16+$0xFB90]  }
0x1c8: {  	v6 =	vld [tilespmem:s16+$0xE7A0]  }
0x1c9: {  	v8 =	vld [tilespmem:s16+$0xFBB0]  }
0x1ca: {  	v10 =	vld [tilespmem:s16+$0xFBC0]  }
0x1cb: {  	v11 =	vld [tilespmem:s16+$0xFBD0]  }
0x1cc: {  	v12 =	vld [tilespmem:s16+$0xE7E0]  }
0x1cd: {  	v13 =	vld [tilespmem:s16+$0xFBE0]  }
0x1ce: {  	v14 =	vld [tilespmem:s16+$0x10F80]  }
0x1cf: {  	v15 =	vld [tilespmem:s16+$0x10F90]  }
0x1d0: {  	v16 =	vld [tilespmem:s16+$0x10FA0]  }
0x1d1: {  	v17 =	vld [tilespmem:s16+$0x10FB0]  }
0x1d2: {  	v18 =	vld [tilespmem:s16+$0x10FC0]  }
0x1d3: {  	v19 =	vld [tilespmem:s16+$0x10FD0]  }
0x1d4: {  	v20 =	vld [tilespmem:s16+$0x10FE0]  }
0x1d5: {  	v21 =	vld [tilespmem:s16+$0x12380]  }
0x1d6: {  	v22 =	vld [tilespmem:s16+$0x12390];
	v0 =	vadd.f32 v7, v0  }
0x1d7: {  	v23 =	vld [tilespmem:s16+$0x123A0]  }
0x1d8: {  	v24 =	vld [tilespmem:s16+$0x123B0];
	v0 =	vadd.f32 v2, v0  }
0x1d9: {  	v7 =	vld [tilespmem:s16+$0xFBA0]  }
0x1da: {  	v2 =	vld [tilespmem:s16+$0xE7B0];
	v0 =	vadd.f32 v1, v0  }
0x1db: {  	v1 =	vld [tilespmem:s16+$0xE7C0]  }
0x1dc: {  	v4 =	vadd.f32 v4, v9;
	[tilespmem:s16+$0x1AFF0] =	vst v0;
	v0 =	vld [tilespmem:s16+$0xE7D0]  }
0x1dd: {  	v47 =	vld [tilespmem:s16+$0x137A0];
	v3 =	vadd.f32 v5, v3  }
0x1de: {  	v48 =	vld [tilespmem:s16+$0x137B0];
	v9 =	vadd.f32 v13, v12;
	v4 =	vadd.f32 v14, v4  }
0x1df: {  	v5 =	vld [tilespmem:s16+$0x123C0];
	v6 =	vadd.f32 v7, v6;
	v2 =	vadd.f32 v8, v2  }
0x1e0: {  	v3 =	vadd.f32 v15, v3;
	v1 =	vadd.f32 v10, v1;
	v10 =	vld [tilespmem:s16+$0x13780]  }
0x1e1: {  	v2 =	vadd.f32 v17, v2;
	v0 =	vadd.f32 v11, v0;
	v11 =	vld [tilespmem:s16+$0x13790]  }
0x1e2: {  	v49 =	vld [tilespmem:s16+$0x137C0];
	v4 =	vadd.f32 v21, v4;
	v6 =	vadd.f32 v16, v6  }
0x1e3: {  	v7 =	vld [tilespmem:s16+$0x123D0];
	v3 =	vadd.f32 v22, v3;
	v2 =	vadd.f32 v24, v2  }
0x1e4: {  	v8 =	vld [tilespmem:s16+$0x123E0];
	v1 =	vadd.f32 v18, v1;
	v0 =	vadd.f32 v19, v0  }
0x1e5: {  	v2 =	vadd.f32 v48, v2;
	v4 =	vadd.f32 v10, v4;
	v10 =	vld [tilespmem:s16+$0x137D0]  }
0x1e6: {  	v1 =	vadd.f32 v5, v1;
	v3 =	vadd.f32 v11, v3;
	v11 =	vld [tilespmem:s16+$0x137E0]  }
0x1e7: {  	v9 =	vadd.f32 v20, v9;
	v6 =	vadd.f32 v23, v6;
	[tilespmem:s16+$0x1AFB0] =	vst v2  }
0x1e8: {  	v0 =	vadd.f32 v7, v0;
	v1 =	vadd.f32 v49, v1;
	[tilespmem:s16+$0x1AF80] =	vst v4  }
0x1e9: {  	s14 =	sadd.s32 s6, s14;
	v4 =	vadd.f32 v47, v6;
	[tilespmem:s16+$0x1AF90] =	vst v3;
	v3 =	vadd.f32 v8, v9  }
0x1ea: {  	s14 =	smin.u32 s14, $0x4C3;
	[tilespmem:s16+$0x1AFC0] =	vst v1;
	v0 =	vadd.f32 v10, v0  }
0x1eb: {  	s14 =	smul.u32 $0x280, s14;
	[tilespmem:s16+$0x1AFA0] =	vst v4;
	v1 =	vadd.f32 v11, v3  }
0x1ec: {  	[tilespmem:s16+$0x1AFD0] =	vst v0  }
0x1ed: {  	s19 =	simm.s32 $0x0;
	s14 =	sadd.s32 s4, s14;
	[tilespmem:s16+$0x1AFE0] =	vst v1  }
0x1ee: {  	[hbm4b:s14+s19] =	stream.linear.scatter [tilespmem:s1], [sflag:$0x5], $0x1400, $0x38;
	[tilespmem:$0x1D780] =	vst v63  }
0x1ef: {  	_ =	swait.ge [sflag:s10], $0x1400  }
0x1f0: {  	[sflag:s10] =	ssyncset.done $0x0  }
0x1f1: {  	[sflag:s10] =	ssyncadd.s32 $0xFFFFEC00  }
0x1f2: {  	_ =	swait.ge [sflag:s11], $0x1400  }
0x1f3: {  	[sflag:s11] =	ssyncset.done $0x0  }
0x1f4: {  	[sflag:s11] =	ssyncadd.s32 $0xFFFFEC00  }
0x1f5: {  	_ =	swait.ge [sflag:s11], $0x1400  }
0x1f6: {  	[sflag:s11] =	ssyncset.done $0x0  }
0x1f7: {  	[sflag:s11] =	ssyncadd.s32 $0xFFFFEC00  }
0x1f8: {  	_ =	swait.ge [sflag:s11], $0x1400  }
0x1f9: {  	[sflag:s11] =	ssyncset.done $0x0  }
0x1fa: {  	[sflag:s11] =	ssyncadd.s32 $0xFFFFEC00  }
0x1fb: {  	_ =	swait.ge [sflag:s11], $0x1400  }
0x1fc: {  	[sflag:s11] =	ssyncset.done $0x0  }
0x1fd: {  	[sflag:s11] =	ssyncadd.s32 $0xFFFFEC00  }
0x1fe: {  	_ =	swait.ge [sflag:s11], $0x1400  }
0x1ff: {  	[sflag:s11] =	ssyncset.done $0x0  }
0x200: {  	s14 =	simm.s32 $0x0;
	[sflag:s11] =	ssyncadd.s32 $0xFFFFEC00  }
0x201: {  	v0 =	vld [tilespmem:s14+$0x14BF0]  }
0x202: {  	v1 =	vld [tilespmem:s14+$0x15FF0]  }
0x203: {  	v2 =	vld [tilespmem:s14+$0x14B80]  }
0x204: {  	v3 =	vld [tilespmem:s14+$0x173F0]  }
0x205: {  	v4 =	vld [tilespmem:s14+$0x15F80]  }
0x206: {  	v5 =	vld [tilespmem:s14+$0x187F0]  }
0x207: {  	v6 =	vld [tilespmem:s14+$0x14B90]  }
0x208: {  	v7 =	vld [tilespmem:s14+$0x15F90]  }
0x209: {  	v8 =	vld [tilespmem:s14+$0x15FA0]  }
0x20a: {  	v9 =	vld [tilespmem:s14+$0x15FB0]  }
0x20b: {  	v10 =	vld [tilespmem:s14+$0x15FC0]  }
0x20c: {  	v11 =	vld [tilespmem:s14+$0x15FD0]  }
0x20d: {  	v50 =	vld [tilespmem:s14+$0x14BE0]  }
0x20e: {  	v51 =	vld [tilespmem:s14+$0x15FE0]  }
0x20f: {  	v52 =	vld [tilespmem:s14+$0x17380]  }
0x210: {  	v53 =	vld [tilespmem:s14+$0x17390]  }
0x211: {  	v54 =	vld [tilespmem:s14+$0x173A0]  }
0x212: {  	v55 =	vld [tilespmem:s14+$0x173B0]  }
0x213: {  	v56 =	vld [tilespmem:s14+$0x173C0]  }
0x214: {  	v57 =	vld [tilespmem:s14+$0x173D0]  }
0x215: {  	v58 =	vld [tilespmem:s14+$0x173E0]  }
0x216: {  	v59 =	vld [tilespmem:s14+$0x18780];
	v0 =	vadd.f32 v1, v0  }
0x217: {  	v1 =	vld [tilespmem:s14+$0x19BF0]  }
0x218: {  	v60 =	vld [tilespmem:s14+$0x18790];
	v0 =	vadd.f32 v3, v0  }
0x219: {  	v61 =	vld [tilespmem:s14+$0x187A0]  }
0x21a: {  	v62 =	vld [tilespmem:s14+$0x187B0];
	v0 =	vadd.f32 v5, v0  }
0x21b: {  	v3 =	vld [tilespmem:s14+$0x14BA0]  }
0x21c: {  	v5 =	vld [tilespmem:s14+$0x14BB0];
	v0 =	vadd.f32 v1, v0  }
0x21d: {  	v2 =	vadd.f32 v4, v2;
	v1 =	vld [tilespmem:s14+$0x14BC0]  }
0x21e: {  	v4 =	vadd.f32 v7, v6;
	[tilespmem:s14+$0x1C3F0] =	vst v0;
	v0 =	vld [tilespmem:s14+$0x14BD0]  }
0x21f: {  	v25 =	vld [tilespmem:s14+$0x187C0];
	v6 =	vadd.f32 v51, v50;
	v2 =	vadd.f32 v52, v2  }
0x220: {  	v63 =	vld [tilespmem:s14+$0x19BA0];
	v4 =	vadd.f32 v53, v4;
	v3 =	vadd.f32 v8, v3  }
0x221: {  	v13 =	vadd.f32 v58, v6;
	v14 =	vadd.f32 v59, v2;
	v8 =	vld [tilespmem:s14+$0x19B80]  }
0x222: {  	v5 =	vadd.f32 v9, v5;
	v9 =	vld [tilespmem:s14+$0x187D0];
	v3 =	vadd.f32 v54, v3  }
0x223: {  	v1 =	vadd.f32 v10, v1;
	v0 =	vadd.f32 v11, v0;
	v11 =	vld [tilespmem:s14+$0x19B90]  }
0x224: {  	v15 =	vadd.f32 v60, v4;
	v10 =	vld [tilespmem:s14+$0x187E0];
	v5 =	vadd.f32 v55, v5  }
0x225: {  	v7 =	vld [tilespmem:s14+$0x19BB0];
	v16 =	vadd.f32 v61, v3;
	v1 =	vadd.f32 v56, v1  }
0x226: {  	v4 =	vld [tilespmem:s14+$0x19BC0];
	v14 =	vadd.f32 v8, v14;
	v0 =	vadd.f32 v57, v0  }
0x227: {  	v6 =	vadd.f32 v62, v5;
	v5 =	vld [tilespmem:s14+$0x19BD0];
	v2 =	vadd.f32 v25, v1  }
0x228: {  	s15 =	simm.s32 $0x80;
	v8 =	vld [tilespmem:s14+$0x19BE0];
	v3 =	vadd.f32 v9, v0;
	v9 =	vadd.f32 v11, v15  }
0x229: {  	s16 =	simm.s32 $0x400;
	v1 =	vld [tilespmem:s15+$0x14BF0];
	[tilespmem:s14+$0x1C380] =	vst v14;
	v0 =	vadd.f32 v10, v13;
	v10 =	vadd.f32 v63, v16  }
.LBB2_9:
0x22a: {  	p0 =	sne.s32 s16, $0x4E00;
	v11 =	vld [tilespmem:s15+$0x15FF0];
	[tilespmem:s14+$0x1C390] =	vst v9;
	v6 =	vadd.f32 v7, v6  }
0x22b: {  	v7 =	vld [tilespmem:s15+$0x14B80];
	[tilespmem:s14+$0x1C3A0] =	vst v10;
	v2 =	vadd.f32 v4, v2  }
0x22c: {  	v4 =	vld [tilespmem:s15+$0x173F0];
	[tilespmem:s14+$0x1C3B0] =	vst v6;
	v3 =	vadd.f32 v5, v3  }
0x22d: {  	v5 =	vld [tilespmem:s15+$0x15F80];
	[tilespmem:s14+$0x1C3C0] =	vst v2;
	v0 =	vadd.f32 v8, v0  }
0x22e: {  	v2 =	vld [tilespmem:s15+$0x187F0];
	[tilespmem:s14+$0x1C3D0] =	vst v3  }
0x22f: {  	v3 =	vld [tilespmem:s15+$0x14B90];
	v1 =	vadd.f32 v11, v1;
	[tilespmem:s14+$0x1C3E0] =	vst v0;
	s14 =	smov.u32 s15  }
0x230: {  	v0 =	vld [tilespmem:s14+$0x19BF0]  }
0x231: {  	v6 =	vld [tilespmem:s14+$0x15F90];
	v1 =	vadd.f32 v4, v1  }
0x232: {  	v4 =	vadd.f32 v5, v7;
	v5 =	vld [tilespmem:s14+$0x14BA0]  }
0x233: {  	v7 =	vld [tilespmem:s14+$0x15FA0];
	v1 =	vadd.f32 v2, v1  }
0x234: {  	v2 =	vld [tilespmem:s14+$0x14BB0]  }
0x235: {  	v8 =	vld [tilespmem:s14+$0x15FB0];
	v0 =	vadd.f32 v0, v1  }
0x236: {  	v1 =	vadd.f32 v6, v3;
	v3 =	vld [tilespmem:s14+$0x14BC0]  }
0x237: {  	v6 =	vld [tilespmem:s14+$0x15FC0];
	[tilespmem:s14+$0x1C3F0] =	vst v0  }
0x238: {  	v0 =	vadd.f32 v7, v5;
	v5 =	vld [tilespmem:s14+$0x14BD0]  }
0x239: {  	v7 =	vld [tilespmem:s14+$0x15FD0]  }
0x23a: {  	v2 =	vadd.f32 v8, v2;
	v8 =	vld [tilespmem:s14+$0x14BE0]  }
0x23b: {  	v9 =	vld [tilespmem:s14+$0x15FE0]  }
0x23c: {  	v10 =	vld [tilespmem:s14+$0x17380];
	v3 =	vadd.f32 v6, v3  }
0x23d: {  	v6 =	vld [tilespmem:s14+$0x17390]  }
0x23e: {  	v11 =	vld [tilespmem:s14+$0x173A0];
	v5 =	vadd.f32 v7, v5  }
0x23f: {  	v7 =	vld [tilespmem:s14+$0x173B0]  }
0x240: {  	v12 =	vld [tilespmem:s14+$0x173C0];
	v8 =	vadd.f32 v9, v8  }
0x241: {  	v4 =	vadd.f32 v10, v4;
	v9 =	vld [tilespmem:s14+$0x173D0]  }
0x242: {  	v1 =	vadd.f32 v6, v1;
	v6 =	vld [tilespmem:s14+$0x173E0]  }
0x243: {  	v10 =	vld [tilespmem:s14+$0x18780];
	v0 =	vadd.f32 v11, v0  }
0x244: {  	v11 =	vld [tilespmem:s14+$0x18790];
	v2 =	vadd.f32 v7, v2  }
0x245: {  	v7 =	vld [tilespmem:s14+$0x187A0];
	v3 =	vadd.f32 v12, v3  }
0x246: {  	v12 =	vld [tilespmem:s14+$0x187B0];
	v5 =	vadd.f32 v9, v5  }
0x247: {  	v9 =	vld [tilespmem:s14+$0x187C0];
	v8 =	vadd.f32 v6, v8  }
0x248: {  	v10 =	vadd.f32 v10, v4;
	v4 =	vld [tilespmem:s14+$0x187D0]  }
0x249: {  	v1 =	vadd.f32 v11, v1;
	v11 =	vld [tilespmem:s14+$0x187E0]  }
0x24a: {  	v13 =	vld [tilespmem:s14+$0x19B80];
	v14 =	vadd.f32 v7, v0  }
0x24b: {  	v15 =	vld [tilespmem:s14+$0x19B90];
	v6 =	vadd.f32 v12, v2  }
0x24c: {  	v12 =	vld [tilespmem:s14+$0x19BA0];
	v2 =	vadd.f32 v9, v3  }
.Ltmp3:
0x24d: {  	v7 =	vld [tilespmem:s14+$0x19BB0];
	v3 =	vadd.f32 v4, v5;
	(pc) =	sbr.rel @p0 .LBB2_9-.Ltmp3, $4  }
0x24e: {  	v4 =	vld [tilespmem:s14+$0x19BC0];
	v0 =	vadd.f32 v11, v8  }
0x24f: {  	v10 =	vadd.f32 v13, v10;
	v5 =	vld [tilespmem:s14+$0x19BD0]  }
0x250: {  	s15 =	sshra.s32 s16, $0x2;
	v9 =	vadd.f32 v15, v1;
	v8 =	vld [tilespmem:s14+$0x19BE0]  }
0x251: {  	s16 =	sadd.s32 $0x200, s16;
	v1 =	vld [tilespmem:s15+$0x14BF0];
	[tilespmem:s14+$0x1C380] =	vst v10;
	v10 =	vadd.f32 v12, v14  }
0x252: {  	v11 =	vld [tilespmem:s15+$0x15FF0];
	[tilespmem:s14+$0x1C390] =	vst v9;
	v6 =	vadd.f32 v7, v6  }
0x253: {  	v9 =	vld [tilespmem:s15+$0x14B80];
	[tilespmem:s14+$0x1C3A0] =	vst v10;
	v2 =	vadd.f32 v4, v2  }
0x254: {  	v39 =	vld [tilespmem:s15+$0x173F0];
	[tilespmem:s14+$0x1C3B0] =	vst v6;
	v3 =	vadd.f32 v5, v3  }
0x255: {  	v40 =	vld [tilespmem:s15+$0x15F80];
	[tilespmem:s14+$0x1C3C0] =	vst v2;
	v0 =	vadd.f32 v8, v0  }
0x256: {  	v2 =	vld [tilespmem:s15+$0x187F0];
	[tilespmem:s14+$0x1C3D0] =	vst v3  }
0x257: {  	v3 =	vld [tilespmem:s15+$0x14B90];
	[tilespmem:s14+$0x1C3E0] =	vst v0  }
0x258: {  	v42 =	vld [tilespmem:s15+$0x19BF0]  }
0x259: {  	v43 =	vld [tilespmem:s15+$0x15F90]  }
0x25a: {  	v6 =	vld [tilespmem:s15+$0x14BA0]  }
0x25b: {  	v44 =	vld [tilespmem:s15+$0x15FA0]  }
0x25c: {  	v45 =	vld [tilespmem:s15+$0x14BB0]  }
0x25d: {  	v46 =	vld [tilespmem:s15+$0x15FB0]  }
0x25e: {  	v47 =	vld [tilespmem:s15+$0x14BC0]  }
0x25f: {  	v10 =	vld [tilespmem:s15+$0x15FC0]  }
0x260: {  	v48 =	vld [tilespmem:s15+$0x14BD0]  }
0x261: {  	v49 =	vld [tilespmem:s15+$0x15FD0]  }
0x262: {  	v12 =	vld [tilespmem:s15+$0x14BE0]  }
0x263: {  	v13 =	vld [tilespmem:s15+$0x15FE0]  }
0x264: {  	v14 =	vld [tilespmem:s15+$0x17380]  }
0x265: {  	v15 =	vld [tilespmem:s15+$0x17390]  }
0x266: {  	v16 =	vld [tilespmem:s15+$0x173A0]  }
0x267: {  	v17 =	vld [tilespmem:s15+$0x173B0]  }
0x268: {  	v18 =	vld [tilespmem:s15+$0x173C0]  }
0x269: {  	v41 =	vadd.f32 v11, v1;
	v19 =	vld [tilespmem:s15+$0x173D0]  }
0x26a: {  	v20 =	vld [tilespmem:s15+$0x173E0]  }
0x26b: {  	v21 =	vld [tilespmem:s15+$0x18780];
	v0 =	vadd.f32 v39, v41  }
0x26c: {  	v22 =	vld [tilespmem:s15+$0x18790]  }
0x26d: {  	v23 =	vld [tilespmem:s15+$0x187A0];
	v0 =	vadd.f32 v2, v0  }
0x26e: {  	v24 =	vld [tilespmem:s15+$0x187B0];
	v4 =	vadd.f32 v40, v9  }
0x26f: {  	v50 =	vld [tilespmem:s15+$0x187C0];
	v0 =	vadd.f32 v42, v0;
	v3 =	vadd.f32 v43, v3  }
0x270: {  	v51 =	vld [tilespmem:s15+$0x187D0];
	v6 =	vadd.f32 v44, v6;
	v2 =	vadd.f32 v46, v45  }
0x271: {  	v52 =	vld [tilespmem:s15+$0x187E0];
	v1 =	vadd.f32 v10, v47;
	v53 =	vadd.f32 v13, v12  }
0x272: {  	v54 =	vld [tilespmem:s15+$0x19B80];
	v4 =	vadd.f32 v14, v4;
	[tilespmem:s15+$0x1C3F0] =	vst v0;
	v0 =	vadd.f32 v49, v48  }
0x273: {  	v55 =	vld [tilespmem:s15+$0x19B90];
	v3 =	vadd.f32 v15, v3;
	v6 =	vadd.f32 v16, v6  }
0x274: {  	v56 =	vld [tilespmem:s15+$0x19BA0];
	v2 =	vadd.f32 v17, v2;
	v1 =	vadd.f32 v18, v1  }
0x275: {  	v57 =	vld [tilespmem:s15+$0x19BB0];
	v4 =	vadd.f32 v21, v4;
	v9 =	vadd.f32 v20, v53  }
0x276: {  	v58 =	vld [tilespmem:s15+$0x19BC0];
	v0 =	vadd.f32 v19, v0;
	v3 =	vadd.f32 v22, v3  }
0x277: {  	v60 =	vld [tilespmem:s15+$0x19BE0];
	v6 =	vadd.f32 v23, v6;
	v4 =	vadd.f32 v54, v4  }
0x278: {  	v59 =	vld [tilespmem:s15+$0x19BD0];
	v2 =	vadd.f32 v24, v2;
	v3 =	vadd.f32 v55, v3  }
0x279: {  	v1 =	vadd.f32 v50, v1;
	[tilespmem:s15+$0x1C380] =	vst v4;
	v61 =	vadd.f32 v56, v6  }
0x27a: {  	v62 =	vadd.f32 v52, v9;
	v2 =	vadd.f32 v57, v2;
	[tilespmem:s15+$0x1C390] =	vst v3  }
0x27b: {  	s13 =	sadd.s32 s6, s13;
	v0 =	vadd.f32 v51, v0;
	v1 =	vadd.f32 v58, v1;
	[tilespmem:s15+$0x1C3A0] =	vst v61  }
0x27c: {  	s13 =	smin.u32 s13, $0x4C3;
	v63 =	vadd.f32 v60, v62;
	[tilespmem:s15+$0x1C3B0] =	vst v2  }
0x27d: {  	s13 =	smul.u32 $0x280, s13;
	v0 =	vadd.f32 v59, v0;
	[tilespmem:s15+$0x1C3C0] =	vst v1  }
0x27e: {  	[tilespmem:s15+$0x1C3E0] =	vst v63  }
0x27f: {  	s12 =	sadd.s32 $0x1, s12;
	s13 =	sadd.s32 s4, s13;
	[tilespmem:s15+$0x1C3D0] =	vst v0  }
0x280: {  	[hbm4b:s13+s3] =	stream.linear.scatter [tilespmem:s5], [sflag:$0x6], $0x1400, $0x38;
	[tilespmem:$0x1D780] =	vst v63  }
0x281: {  	p0 =	sne.s32 s12, $0xA;
	_ =	swait.ge [sflag:s7], $0x1400  }
.Ltmp4:
0x282: {  	[sflag:s7] =	ssyncset.done $0x0;
	(pc) =	sbr.rel @p0 .LBB2_2-.Ltmp4, $4  }
0x283: {  	[sflag:s7] =	ssyncadd.s32 $0xFFFFEC00  }
0x284: {  	_ =	swait.ge [sflag:s10], $0x1400  }
0x285: {  	[sflag:s10] =	ssyncset.done $0x0  }
0x286: {  	[sflag:s10] =	ssyncadd.s32 $0xFFFFEC00  }
0x287: {  	s13 =	rddreg [dreg:$0x5]  }
0x288: {  	s12 =	rddreg [dreg:$0x4];
	s13 =	sadd.s32 $0x1, s13  }
0x289: {  	p0 =	sne.s32 s13, s12  }
.Ltmp5:
0x28a: {  	_ = 	snop;
	(pc) =	sbr.rel @p0 .LBB2_1-.Ltmp5, $1  }
0x28b: {  	_ =	sdelay $0x3  }
0x28c: {  	_ =	sfence.sel $0x180000  }
0x28d: {  	[bflag:$0x0] =	sbarrier.arrive $0xFFFF  }
0x28e: {  	_ =	strace $0x9000004A  }
0x28f: {  	s0 =	stileid.u32;
	[bflag:$0x2] =	sbarrier.arrive $0xFFFF  }
0x290: {  	p0 =	sne.s32 s0, $0x0;
	s0 =	rddreg [dreg:$0x2]  }
0x291: {  	s0 =	sadd.s32 @!p0 $0x100000, s0  }
0x292: {  	[sflag:s0] =	ssyncadd.tile.s32 @!p0 $0x1;
	_ =	shalt  }
.Lfunc_end2:
_tile_overlayer_lowered:
.L_overlay_start_2:
0x293: {  	(tag) =	ssettag $0x2  }
0x294: {  	s0 =	rddreg [dreg:$0x0];
	s2 =	stileid.u32  }
0x295: {  	s1 =	rddreg [dreg:$0x1];
	p0 =	sne.s32 s2, $0x0  }
0x296: {  	s3 =	rddreg [dreg:$0x2];
	[bflag:$0x3] =	sbarrier.arrive $0xFFFF;
	s2 =	simm.s32 @!p0 $0x1C07  }
0x297: {  	[timem:s3], [sflag:s2] =	dma.local @!p0 [hbm:s0], s1  }
0x298: {  	s0 =	simm.s32 @!p0 $0x7  }
0x299: {  	_ =	swait.ge @!p0 [sflag:s0], s1  }
0x29a: {  	s1 =	ssub.s32 @!p0 $0x0, s1;
	[sflag:s0] =	ssyncset.done @!p0 $0x0  }
0x29b: {  	[sflag:s0] =	ssyncadd.s32 @!p0 s1  }
0x29c: {  	[bflag:$0x3] =	sbarrier.arrive $0xFFFF  }
0x29d: {  	_ =	shalt  }

</sc_bundles>
